<compile_context>
chip_gen: v7x
topology: tpu7x:2x2x1
jax: 0.10.2.dev20260603
libtpu: 0.0.44.dev20260713+nightly
codegen_flags: <defaults>
</compile_context>

<pallas_src>
import jax
import jax.numpy as jnp
from jax import lax
from jax.experimental import pallas as pl
from jax.experimental.pallas import tpu as pltpu
from jax.experimental.pallas import tpu_sc as plsc

N = 10000
E = 320000
D = 128
DE = 16
QW = D + DE
TW = 2 * DE
INV_SQRT_C = 1.0 / (D ** 0.5)

NC, NS, LANES = 2, 16, 16
NW = NC * NS
B = 128
NB = 80
EPW = NB * B
EP = NW * EPW
NGROUP = B // LANES
FB = 80
NCHUNK = N // FB
CPS = -(-NCHUNK // NS)

RB = 1000



def _proj_body(x_ref, wn2m_ref, wq_ref, bq_ref, wk_ref, bk_ref, wv_ref, bv_ref,
               wskip_ref, bskip_ref, at_ref, qq_ref, k_ref, v_ref, xr_ref):
    x = x_ref[...]
    xm = jnp.dot(x, wn2m_ref[...], preferred_element_type=jnp.float32)
    q = jnp.dot(xm, wq_ref[...], preferred_element_type=jnp.float32) + bq_ref[...]
    qa = jnp.dot(q, at_ref[...], preferred_element_type=jnp.float32)
    k = jnp.dot(xm, wk_ref[...], preferred_element_type=jnp.float32) + bk_ref[...]
    qq = jnp.concatenate([q, qa, jnp.zeros((RB, DE), jnp.float32)], axis=1)
    qq_ref[...] = qq.astype(jnp.bfloat16)
    k_ref[...] = k.astype(jnp.bfloat16)
    v_ref[...] = jnp.dot(xm, wv_ref[...], preferred_element_type=jnp.float32) + bv_ref[...]
    xr_ref[...] = (jnp.dot(xm, wskip_ref[...], preferred_element_type=jnp.float32)
                   + bskip_ref[...])


def _project(x, W_n2m, W_q, b_q, W_k, b_k, W_v, b_v, W_skip, b_skip, At):
    full = lambda s: pl.BlockSpec(s, lambda i: (0, 0))
    row = lambda w: pl.BlockSpec((RB, w), lambda i: (i, 0))
    return pl.pallas_call(
        _proj_body,
        grid=(N // RB,),
        in_specs=[
            row(D),
            full((D, D)), full((D, D)), full((1, D)),
            full((D, D)), full((1, D)),
            full((D, D)), full((1, D)),
            full((D, D)), full((1, D)),
            full((D, DE)),
        ],
        out_specs=[row(QW + DE), row(D), row(D), row(D)],
        out_shape=[
            jax.ShapeDtypeStruct((N, QW + DE), jnp.bfloat16),
            jax.ShapeDtypeStruct((N, D), jnp.bfloat16),
            jax.ShapeDtypeStruct((N, D), jnp.float32),
            jax.ShapeDtypeStruct((N, D), jnp.float32),
        ],
    )(x, W_n2m, W_q, b_q.reshape(1, D), W_k, b_k.reshape(1, D),
      W_v, b_v.reshape(1, D), W_skip, b_skip.reshape(1, D), At)



def _zero_rows(buf, ncol):
    def _zrow(r, _):
        for j in range(ncol // LANES):
            buf[r, pl.ds(j * LANES, LANES)] = jnp.zeros((LANES,), jnp.float32)
        return 0
    lax.fori_loop(0, B, _zrow, 0)


def _acc_chunks(sid, fn):
    for t in range(CPS):
        ch = sid + t * NS

        @pl.when(ch < NCHUNK)
        def _():
            fn(pl.ds(ch * FB, FB))


def _copy_idx(dst_small, src_small):
    for j in range(B // LANES):
        dst_small[pl.ds(j * LANES, LANES)] = src_small[pl.ds(j * LANES, LANES)]



def _logit_body(qq_hbm, k_hbm, ea_hbm, src_hbm, dst_hbm,
                w_hbm, td_hbm,
                acctd,
                srcb, dstb, dsc, eab, qqb, kb, tdb, wbuf,
                gsem, g2sem, isem, wsem, tsem):
    cid = lax.axis_index("c")
    sid = lax.axis_index("s")
    wid = cid * NS + sid
    lanes = lax.iota(jnp.int32, LANES)

    _zero_rows(tdb[0], TW)
    _acc_chunks(sid, lambda rows: pltpu.sync_copy(tdb[0].at[pl.ds(0, FB)],
                                                  acctd.at[rows]))
    plsc.subcore_barrier()

    def _load_idx(i, p):
        pltpu.async_copy(src_hbm.at[wid, i], srcb[p], isem[p])
        pltpu.async_copy(dst_hbm.at[wid, i], dstb[p], isem[p])
        pltpu.async_copy(ea_hbm.at[wid, i], eab[p], isem[p])

    def _wait_idx(i, p):
        pltpu.make_async_copy(src_hbm.at[wid, i], srcb[p], isem[p]).wait()
        pltpu.make_async_copy(dst_hbm.at[wid, i], dstb[p], isem[p]).wait()
        pltpu.make_async_copy(ea_hbm.at[wid, i], eab[p], isem[p]).wait()

    H2 = B // 2

    def _issue_gather(p):
        pltpu.async_copy(qq_hbm.at[dstb[p].at[pl.ds(0, H2)]],
                         qqb[p].at[pl.ds(0, H2)], gsem[p])
        pltpu.async_copy(k_hbm.at[srcb[p].at[pl.ds(0, H2)]],
                         kb[p].at[pl.ds(0, H2)], gsem[p])
        pltpu.async_copy(qq_hbm.at[dstb[p].at[pl.ds(H2, H2)]],
                         qqb[p].at[pl.ds(H2, H2)], g2sem[p])
        pltpu.async_copy(k_hbm.at[srcb[p].at[pl.ds(H2, H2)]],
                         kb[p].at[pl.ds(H2, H2)], g2sem[p])

    def _wait_gather(p):
        pltpu.make_async_copy(qq_hbm.at[dstb[p].at[pl.ds(0, H2)]],
                              qqb[p].at[pl.ds(0, H2)], gsem[p]).wait()
        pltpu.make_async_copy(k_hbm.at[srcb[p].at[pl.ds(0, H2)]],
                              kb[p].at[pl.ds(0, H2)], gsem[p]).wait()
        pltpu.make_async_copy(qq_hbm.at[dstb[p].at[pl.ds(H2, H2)]],
                              qqb[p].at[pl.ds(H2, H2)], g2sem[p]).wait()
        pltpu.make_async_copy(k_hbm.at[srcb[p].at[pl.ds(H2, H2)]],
                              kb[p].at[pl.ds(H2, H2)], g2sem[p]).wait()

    def _compute(i, p):
        base_e = (wid * NB + i) * B

        def _group(g, _):
            rows = g * LANES + lanes
            a0 = jnp.zeros((LANES,), jnp.float32)
            a1 = jnp.zeros((LANES,), jnp.float32)

            def _unpk(w32):
                lo = plsc.bitcast(w32 << 16, jnp.float32)
                hi = plsc.bitcast(w32 & jnp.int32(-65536), jnp.float32)
                return lo, hi

            def _col4(cc, carry):
                x0, x1 = carry
                c = cc * 4
                for dj in range(4):
                    qp = plsc.load_gather(
                        qqb[p], [rows, jnp.full((LANES,), c + dj, jnp.int32)])
                    kp = plsc.load_gather(
                        kb[p], [rows, jnp.full((LANES,), c + dj, jnp.int32)])
                    ql, qh = _unpk(qp)
                    kl, kh = _unpk(kp)
                    x0 = x0 + ql * kl
                    x1 = x1 + qh * kh
                return (x0, x1)
            a0, a1 = lax.fori_loop(0, D // 8, _col4, (a0, a1))

            for dj in range(DE // 2):
                qap = plsc.load_gather(
                    qqb[p], [rows, jnp.full((LANES,), D // 2 + dj, jnp.int32)])
                ql, qh = _unpk(qap)
                el = plsc.load_gather(
                    eab[p], [rows, jnp.full((LANES,), 2 * dj, jnp.int32)])
                eh = plsc.load_gather(
                    eab[p], [rows, jnp.full((LANES,), 2 * dj + 1, jnp.int32)])
                a0 = a0 + ql * el
                a1 = a1 + qh * eh

            w16 = jnp.exp((a0 + a1) * INV_SQRT_C)
            ge = base_e + g * LANES + lanes
            w16 = jnp.where(ge < E, w16, 0.0)
            wbuf[p][pl.ds(g * LANES, LANES)] = w16

            def _scale_td(l, _):
                e = g * LANES + l
                ws = plsc.load_gather(wbuf[p], [jnp.full((LANES,), e, jnp.int32)])
                tdb[p][e, pl.ds(0, DE)] = eab[p][e, :] * ws
                tdb[p][e, pl.ds(DE, DE)] = ws
                return 0
            lax.fori_loop(0, LANES, _scale_td, 0)
            return 0
        lax.fori_loop(0, NGROUP, _group, 0)

    _load_idx(0, 0)
    _wait_idx(0, 0)
    _issue_gather(0)
    _load_idx(1, 1)

    def _batch2(ib2, _):
        for h in (0, 1):
            i = 2 * ib2 + h
            p = h
            q = 1 - h
            inext = jnp.minimum(i + 1, NB - 1)
            iprev = jnp.maximum(i - 2, 0)

            _wait_idx(inext, q)
            _issue_gather(q)
            _wait_gather(p)

            @pl.when(i >= 2)
            def _():
                pltpu.make_async_copy(wbuf[p], w_hbm.at[wid, iprev], wsem[p]).wait()
                pltpu.make_async_copy(tdb[p], acctd.at[dsc[p]], tsem[p]).wait()

            _compute(i, p)
            _copy_idx(dsc[p], dstb[p])
            pltpu.async_copy(wbuf[p], w_hbm.at[wid, i], wsem[p])
            pltpu.async_copy(tdb[p], acctd.at[dsc[p]], tsem[p], add=True)
            _load_idx(jnp.minimum(i + 2, NB - 1), p)
        return 0
    lax.fori_loop(0, NB // 2, _batch2, 0)

    _wait_idx(NB - 1, 1)
    _wait_gather(0)
    for p in (0, 1):
        i = NB - 2 + p
        pltpu.make_async_copy(wbuf[p], w_hbm.at[wid, i], wsem[p]).wait()
        pltpu.make_async_copy(tdb[p], acctd.at[dsc[p]], tsem[p]).wait()

    plsc.subcore_barrier()
    _acc_chunks(sid, lambda rows: pltpu.sync_copy(acctd.at[rows],
                                                  td_hbm.at[cid, rows]))


def _logit_pass(qq, k, ea4, src3, dst3):
    mesh = plsc.VectorSubcoreMesh(core_axis_name="c", subcore_axis_name="s")
    kern = pl.kernel(
        _logit_body,
        out_type=[
            jax.ShapeDtypeStruct((NW, NB, B), jnp.float32),
            jax.ShapeDtypeStruct((NC, N, TW), jnp.float32),
        ],
        mesh=mesh,
        compiler_params=pltpu.CompilerParams(use_tc_tiling_on_sc=False,
                                             needs_layout_passes=False),
        scratch_types=[
            pltpu.VMEM_SHARED((N, TW), jnp.float32),
            [pltpu.VMEM((B,), jnp.int32)] * 2,
            [pltpu.VMEM((B,), jnp.int32)] * 2,
            [pltpu.VMEM((B,), jnp.int32)] * 2,
            [pltpu.VMEM((B, DE), jnp.float32)] * 2,
            [pltpu.VMEM((B, (QW + DE) // 2), jnp.int32)] * 2,
            [pltpu.VMEM((B, D // 2), jnp.int32)] * 2,
            [pltpu.VMEM((B, TW), jnp.float32)] * 2,
            [pltpu.VMEM((B,), jnp.float32)] * 2,
            [pltpu.SemaphoreType.DMA] * 2,
            [pltpu.SemaphoreType.DMA] * 2,
            [pltpu.SemaphoreType.DMA] * 2,
            [pltpu.SemaphoreType.DMA] * 2,
            [pltpu.SemaphoreType.DMA] * 2,
        ],
    )
    return kern(qq, k, ea4, src3, dst3)



def _aggv_body(v_hbm, w_hbm, src_hbm, dst_hbm,
               u_hbm,
               accu,
               srcb, dstb, dsc, wb, vb,
               gsem, isem, usem):
    cid = lax.axis_index("c")
    sid = lax.axis_index("s")
    wid = cid * NS + sid

    _zero_rows(vb[0], D)
    _acc_chunks(sid, lambda rows: pltpu.sync_copy(vb[0].at[pl.ds(0, FB)],
                                                  accu.at[rows]))
    plsc.subcore_barrier()

    def _load_idx(i, p):
        pltpu.async_copy(src_hbm.at[wid, i], srcb[p], isem[p])
        pltpu.async_copy(dst_hbm.at[wid, i], dstb[p], isem[p])
        pltpu.async_copy(w_hbm.at[wid, i], wb[p], isem[p])

    def _wait_idx(i, p):
        pltpu.make_async_copy(src_hbm.at[wid, i], srcb[p], isem[p]).wait()
        pltpu.make_async_copy(dst_hbm.at[wid, i], dstb[p], isem[p]).wait()
        pltpu.make_async_copy(w_hbm.at[wid, i], wb[p], isem[p]).wait()

    def _compute(p):
        def _scale(e2, _):
            for dl in range(2):
                e = 2 * e2 + dl
                ws = plsc.load_gather(wb[p], [jnp.full((LANES,), e, jnp.int32)])
                for j in range(D // LANES):
                    vb[p][e, pl.ds(j * LANES, LANES)] = (
                        vb[p][e, pl.ds(j * LANES, LANES)] * ws)
            return 0
        lax.fori_loop(0, B // 2, _scale, 0)

    _load_idx(0, 0)
    _wait_idx(0, 0)
    pltpu.async_copy(v_hbm.at[srcb[0]], vb[0], gsem[0])
    _load_idx(1, 1)

    def _batch2(ib2, _):
        for h in (0, 1):
            i = 2 * ib2 + h
            p = h
            q = 1 - h
            inext = jnp.minimum(i + 1, NB - 1)

            _wait_idx(inext, q)

            @pl.when(i >= 1)
            def _():
                pltpu.make_async_copy(vb[q], accu.at[dsc[q]], usem[q]).wait()
            pltpu.async_copy(v_hbm.at[srcb[q]], vb[q], gsem[q])

            pltpu.make_async_copy(v_hbm.at[srcb[p]], vb[p], gsem[p]).wait()
            _compute(p)
            _copy_idx(dsc[p], dstb[p])
            pltpu.async_copy(vb[p], accu.at[dsc[p]], usem[p], add=True)
            _load_idx(jnp.minimum(i + 2, NB - 1), p)
        return 0
    lax.fori_loop(0, NB // 2, _batch2, 0)

    _wait_idx(NB - 1, 1)
    pltpu.make_async_copy(v_hbm.at[srcb[0]], vb[0], gsem[0]).wait()
    pltpu.make_async_copy(vb[1], accu.at[dsc[1]], usem[1]).wait()

    plsc.subcore_barrier()
    _acc_chunks(sid, lambda rows: pltpu.sync_copy(accu.at[rows],
                                                  u_hbm.at[cid, rows]))


def _agg_pass(v, w3, src3, dst3):
    mesh = plsc.VectorSubcoreMesh(core_axis_name="c", subcore_axis_name="s")
    kern = pl.kernel(
        _aggv_body,
        out_type=jax.ShapeDtypeStruct((NC, N, D), jnp.float32),
        mesh=mesh,
        compiler_params=pltpu.CompilerParams(use_tc_tiling_on_sc=False,
                                             needs_layout_passes=False),
        scratch_types=[
            pltpu.VMEM_SHARED((N, D), jnp.float32),
            [pltpu.VMEM((B,), jnp.int32)] * 2,
            [pltpu.VMEM((B,), jnp.int32)] * 2,
            [pltpu.VMEM((B,), jnp.int32)] * 2,
            [pltpu.VMEM((B,), jnp.float32)] * 2,
            [pltpu.VMEM((B, D), jnp.float32)] * 2,
            [pltpu.SemaphoreType.DMA] * 2,
            [pltpu.SemaphoreType.DMA] * 2,
            [pltpu.SemaphoreType.DMA] * 2,
        ],
    )
    return kern(v, w3, src3, dst3)



def _comb_body(u_ref, td_ref, xr_ref, a_ref, wbp_ref, wm2n_ref, out_ref):
    u = u_ref[0] + u_ref[1]
    td = td_ref[0] + td_ref[1]
    t = td[:, :DE]
    den = td[:, DE:DE + 1]
    attn = (u + jnp.dot(t, a_ref[...], preferred_element_type=jnp.float32)) / (den + 1e-16)
    xr = xr_ref[...]
    gl = (jnp.dot(attn, wbp_ref[:, 0:1], preferred_element_type=jnp.float32)
          + jnp.dot(xr, wbp_ref[:, 1:2], preferred_element_type=jnp.float32))
    g = 1.0 / (1.0 + jnp.exp(-gl))
    o = g * xr + (1.0 - g) * attn
    out_ref[...] = jnp.dot(o, wm2n_ref[...], preferred_element_type=jnp.float32)


def _combine(u_acc, td_acc, xr, A, wbp, W_m2n):
    return pl.pallas_call(
        _comb_body,
        grid=(N // RB,),
        in_specs=[
            pl.BlockSpec((NC, RB, D), lambda i: (0, i, 0)),
            pl.BlockSpec((NC, RB, TW), lambda i: (0, i, 0)),
            pl.BlockSpec((RB, D), lambda i: (i, 0)),
            pl.BlockSpec((DE, D), lambda i: (0, 0)),
            pl.BlockSpec((D, 2), lambda i: (0, 0)),
            pl.BlockSpec((D, D), lambda i: (0, 0)),
        ],
        out_specs=pl.BlockSpec((RB, D), lambda i: (i, 0)),
        out_shape=jax.ShapeDtypeStruct((N, D), jnp.float32),
    )(u_acc, td_acc, xr, A, wbp, W_m2n)



def kernel(x, edge_attr, edge_index, W_ee, W_n2m, W_q, b_q, W_k, b_k, W_v, b_v,
           W_e, W_skip, b_skip, W_beta, W_m2n):
    A = W_ee @ W_e
    wb1, wb2, wb3 = W_beta[:D, :], W_beta[D:2 * D, :], W_beta[2 * D:, :]
    wbp = jnp.concatenate([wb1 + wb3, wb2 - wb3], axis=1)

    pad = EP - E
    src3 = jnp.concatenate([edge_index[0], jnp.zeros((pad,), jnp.int32)]
                           ).reshape(NW, NB, B)
    dst3 = jnp.concatenate([edge_index[1], jnp.zeros((pad,), jnp.int32)]
                           ).reshape(NW, NB, B)
    ea4 = jnp.concatenate([edge_attr, jnp.zeros((pad, DE), jnp.float32)]
                          ).reshape(NW, NB, B, DE)

    qqh, kh, v, xr = _project(x, W_n2m, W_q, b_q, W_k, b_k, W_v, b_v,
                              W_skip, b_skip, A.T)
    qqi = lax.bitcast_convert_type(qqh.reshape(N, (QW + DE) // 2, 2), jnp.int32)
    ki = lax.bitcast_convert_type(kh.reshape(N, D // 2, 2), jnp.int32)
    w3, td_acc = _logit_pass(qqi, ki, ea4, src3, dst3)
    u_acc = _agg_pass(v, w3, src3, dst3)
    return _combine(u_acc, td_acc, xr, A, wbp, W_m2n)

# --- scband reference (transcript-rebuilt; emitter-appended) ---
"""Pipeline reference for scband-gcblock-7799660610109 (READ-ONLY COPY).

The authoritative reference and input builder live on the scoring server;
editing this copy changes nothing except your own understanding.
"""

import jax, jax.numpy as jnp
import numpy as np

N = 10000
E = 320000
D_NODE = 128
D_MSG = 128
D_EDGE = 16
H = 1
C = D_MSG // H


def setup_inputs(seed: int = 0) -> dict:
    key = jax.random.key(seed)
    ks = jax.random.split(key, 16)
    s = 0.05
    inp = {}
    inp['x'] = jax.random.normal(ks[0], (N, D_NODE), dtype=jnp.float32)
    inp['edge_attr'] = jax.random.normal(ks[1], (E, D_EDGE), dtype=jnp.float32)
    inp['edge_index'] = jax.random.randint(ks[2], (2, E), 0, N, dtype=jnp.int32)
    # learned params
    inp['W_ee'] = jax.random.normal(ks[3], (D_EDGE, D_EDGE), dtype=jnp.float32) * s   # embed_edge (no bias)
    inp['W_n2m'] = jax.random.normal(ks[4], (D_NODE, D_MSG), dtype=jnp.float32) * s  # node_to_message (no bias)
    inp['W_q'] = jax.random.normal(ks[5], (D_MSG, H * C), dtype=jnp.float32) * s
    inp['b_q'] = jnp.zeros((H * C,), dtype=jnp.float32)
    inp['W_k'] = jax.random.normal(ks[6], (D_MSG, H * C), dtype=jnp.float32) * s
    inp['b_k'] = jnp.zeros((H * C,), dtype=jnp.float32)
    inp['W_v'] = jax.random.normal(ks[7], (D_MSG, H * C), dtype=jnp.float32) * s
    inp['b_v'] = jnp.zeros((H * C,), dtype=jnp.float32)
    inp['W_e'] = jax.random.normal(ks[8], (D_EDGE, H * C), dtype=jnp.float32) * s    # lin_edge (no bias)
    inp['W_skip'] = jax.random.normal(ks[9], (D_MSG, H * C), dtype=jnp.float32) * s  # lin_skip
    inp['b_skip'] = jnp.zeros((H * C,), dtype=jnp.float32)
    inp['W_beta'] = jax.random.normal(ks[10], (3 * H * C, 1), dtype=jnp.float32) * s # lin_beta (no bias)
    inp['W_m2n'] = jax.random.normal(ks[11], (D_MSG, D_NODE), dtype=jnp.float32) * s # message_to_node (no bias)
    return inp


def reference(x, edge_attr, edge_index, W_ee, W_n2m, W_q, b_q, W_k, b_k, W_v, b_v, W_e, W_skip, b_skip, W_beta, W_m2n):
    # v is None (equivariant=False), so only message_to_node(x) is returned.
    src = edge_index[0]  # message source j
    dst = edge_index[1]  # message target i (softmax group)

    ee = edge_attr @ W_ee                    # embed_edge_attrs
    xm = x @ W_n2m                           # node_to_message

    q = (xm @ W_q + b_q).reshape(N, H, C)
    k = (xm @ W_k + b_k).reshape(N, H, C)
    v = (xm @ W_v + b_v).reshape(N, H, C)
    eemb = (ee @ W_e).reshape(E, H, C)       # lin_edge

    k_j = k[src] + eemb                      # gather + edge bias
    q_i = q[dst]
    alpha = jnp.sum(q_i * k_j, axis=-1) / jnp.sqrt(jnp.float32(C))  # [E, H]

    # softmax over incoming edges of each dst node (PyG softmax)
    a_max = jax.ops.segment_max(alpha, dst, num_segments=N)          # [N, H]
    a_max = jnp.where(jnp.isfinite(a_max), a_max, 0.0)
    a_exp = jnp.exp(alpha - a_max[dst])
    a_den = jax.ops.segment_sum(a_exp, dst, num_segments=N)
    alpha = a_exp / (a_den[dst] + 1e-16)                             # [E, H]

    msg = (v[src] + eemb) * alpha[:, :, None]                        # [E, H, C]
    out = jax.ops.segment_sum(msg, dst, num_segments=N).reshape(N, H * C)

    # beta-gated skip connection (beta=True, root_weight=True)
    x_r = xm @ W_skip + b_skip
    g = jax.nn.sigmoid(jnp.concatenate([out, x_r, out - x_r], axis=-1) @ W_beta)  # [N, 1]
    out = g * x_r + (1.0 - g) * out

    return out @ W_m2n                       # message_to_node

if __name__ == "__main__":
    import jax
    _d = setup_inputs()
    print(jax.jit(kernel)(*tuple(_d.values())))

</pallas_src>

<mosaic_0001>
#map = affine_map<(d0, d1) -> (0, 0)>
#map1 = affine_map<(d0, d1) -> (0, 0, 0)>
module attributes {stable_mosaic.version = 14 : i64} {
  func.func @_aggv_body(%arg0: i32, %arg1: i32, %arg2: memref<10000x128xf32, #tpu.memory_space<hbm>>, %arg3: memref<32x80x128xf32, #tpu.memory_space<hbm>>, %arg4: memref<32x80x128xi32, #tpu.memory_space<hbm>>, %arg5: memref<32x80x128xi32, #tpu.memory_space<hbm>>, %arg6: memref<2x10000x128xf32, #tpu.memory_space<hbm>>, %arg7: memref<10000x128xf32, #tpu.memory_space<vmem_shared>>, %arg8: memref<128xi32, #tpu.memory_space<vmem>>, %arg9: memref<128xi32, #tpu.memory_space<vmem>>, %arg10: memref<128xi32, #tpu.memory_space<vmem>>, %arg11: memref<128xi32, #tpu.memory_space<vmem>>, %arg12: memref<128xi32, #tpu.memory_space<vmem>>, %arg13: memref<128xi32, #tpu.memory_space<vmem>>, %arg14: memref<128xf32, #tpu.memory_space<vmem>>, %arg15: memref<128xf32, #tpu.memory_space<vmem>>, %arg16: memref<128x128xf32, #tpu.memory_space<vmem>>, %arg17: memref<128x128xf32, #tpu.memory_space<vmem>>, %arg18: memref<!tpu.dma_semaphore, #tpu.memory_space<semaphore_mem>>, %arg19: memref<!tpu.dma_semaphore, #tpu.memory_space<semaphore_mem>>, %arg20: memref<!tpu.dma_semaphore, #tpu.memory_space<semaphore_mem>>, %arg21: memref<!tpu.dma_semaphore, #tpu.memory_space<semaphore_mem>>, %arg22: memref<!tpu.dma_semaphore, #tpu.memory_space<semaphore_mem>>, %arg23: memref<!tpu.dma_semaphore, #tpu.memory_space<semaphore_mem>>) attributes {dimension_semantics = [#tpu.dimension_semantics<core_parallel>, #tpu.dimension_semantics<subcore_parallel>], iteration_bounds = array<i64: 2, 16>, scalar_prefetch = 0 : i64, scratch_operands = 17 : i64, tpu.core_type = #tpu.core_type<sc_vector_subcore>, window_params = [{transform_indices = #map}, {transform_indices = #map1}, {transform_indices = #map1}, {transform_indices = #map1}, {transform_indices = #map1}]} {
    %mul3A = arith.constant 16 : i32
    %mul3A_0 = arith.muli %arg0, %mul3A : i32
    %add3A = arith.addi %mul3A_0, %arg1 : i32
    %scan3A = arith.constant 0 : i32
    %scan3A_1 = arith.constant 0 : i32
    %scan3A_2 = arith.constant 128 : i32
    %scan3A_3 = arith.addi %scan3A_1, %scan3A_2 : i32
    %scan3A_4 = arith.constant 1 : i32
    %scan3A_5 = scf.for %scan3A_215 = %scan3A_1 to %scan3A_3 step %scan3A_4 iter_args(%scan3A_216 = %scan3A) -> (i32)  : i32 {
      %broadcast_in_dim3A = arith.constant 0.000000e+00 : f32
      %broadcast_in_dim3A_217 = vector.broadcast %broadcast_in_dim3A : f32 to vector<16xf32>
      %swap3A = arith.index_cast %scan3A_215 : i32 to index
      %swap3A_218 = arith.constant 0 : index
      %swap3A_219 = tpu.vector_load %arg16[%swap3A, %swap3A_218] {strides = array<i32>} : memref<128x128xf32, #tpu.memory_space<vmem>>, vector<16xf32>,
      tpu.vector_store %arg16[%swap3A, %swap3A_218], %broadcast_in_dim3A_217 {strides = array<i32>} : memref<128x128xf32, #tpu.memory_space<vmem>>, vector<16xf32>,
      %broadcast_in_dim3A_220 = arith.constant 0.000000e+00 : f32
      %broadcast_in_dim3A_221 = vector.broadcast %broadcast_in_dim3A_220 : f32 to vector<16xf32>
      %swap3A_222 = arith.index_cast %scan3A_215 : i32 to index
      %swap3A_223 = arith.constant 16 : index
      %swap3A_224 = tpu.vector_load %arg16[%swap3A_222, %swap3A_223] {strides = array<i32>} : memref<128x128xf32, #tpu.memory_space<vmem>>, vector<16xf32>,
      tpu.vector_store %arg16[%swap3A_222, %swap3A_223], %broadcast_in_dim3A_221 {strides = array<i32>} : memref<128x128xf32, #tpu.memory_space<vmem>>, vector<16xf32>,
      %broadcast_in_dim3A_225 = arith.constant 0.000000e+00 : f32
      %broadcast_in_dim3A_226 = vector.broadcast %broadcast_in_dim3A_225 : f32 to vector<16xf32>
      %swap3A_227 = arith.index_cast %scan3A_215 : i32 to index
      %swap3A_228 = arith.constant 32 : index
      %swap3A_229 = tpu.vector_load %arg16[%swap3A_227, %swap3A_228] {strides = array<i32>} : memref<128x128xf32, #tpu.memory_space<vmem>>, vector<16xf32>,
      tpu.vector_store %arg16[%swap3A_227, %swap3A_228], %broadcast_in_dim3A_226 {strides = array<i32>} : memref<128x128xf32, #tpu.memory_space<vmem>>, vector<16xf32>,
      %broadcast_in_dim3A_230 = arith.constant 0.000000e+00 : f32
      %broadcast_in_dim3A_231 = vector.broadcast %broadcast_in_dim3A_230 : f32 to vector<16xf32>
      %swap3A_232 = arith.index_cast %scan3A_215 : i32 to index
      %swap3A_233 = arith.constant 48 : index
      %swap3A_234 = tpu.vector_load %arg16[%swap3A_232, %swap3A_233] {strides = array<i32>} : memref<128x128xf32, #tpu.memory_space<vmem>>, vector<16xf32>,
      tpu.vector_store %arg16[%swap3A_232, %swap3A_233], %broadcast_in_dim3A_231 {strides = array<i32>} : memref<128x128xf32, #tpu.memory_space<vmem>>, vector<16xf32>,
      %broadcast_in_dim3A_235 = arith.constant 0.000000e+00 : f32
      %broadcast_in_dim3A_236 = vector.broadcast %broadcast_in_dim3A_235 : f32 to vector<16xf32>
      %swap3A_237 = arith.index_cast %scan3A_215 : i32 to index
      %swap3A_238 = arith.constant 64 : index
      %swap3A_239 = tpu.vector_load %arg16[%swap3A_237, %swap3A_238] {strides = array<i32>} : memref<128x128xf32, #tpu.memory_space<vmem>>, vector<16xf32>,
      tpu.vector_store %arg16[%swap3A_237, %swap3A_238], %broadcast_in_dim3A_236 {strides = array<i32>} : memref<128x128xf32, #tpu.memory_space<vmem>>, vector<16xf32>,
      %broadcast_in_dim3A_240 = arith.constant 0.000000e+00 : f32
      %broadcast_in_dim3A_241 = vector.broadcast %broadcast_in_dim3A_240 : f32 to vector<16xf32>
      %swap3A_242 = arith.index_cast %scan3A_215 : i32 to index
      %swap3A_243 = arith.constant 80 : index
      %swap3A_244 = tpu.vector_load %arg16[%swap3A_242, %swap3A_243] {strides = array<i32>} : memref<128x128xf32, #tpu.memory_space<vmem>>, vector<16xf32>,
      tpu.vector_store %arg16[%swap3A_242, %swap3A_243], %broadcast_in_dim3A_241 {strides = array<i32>} : memref<128x128xf32, #tpu.memory_space<vmem>>, vector<16xf32>,
      %broadcast_in_dim3A_245 = arith.constant 0.000000e+00 : f32
      %broadcast_in_dim3A_246 = vector.broadcast %broadcast_in_dim3A_245 : f32 to vector<16xf32>
      %swap3A_247 = arith.index_cast %scan3A_215 : i32 to index
      %swap3A_248 = arith.constant 96 : index
      %swap3A_249 = tpu.vector_load %arg16[%swap3A_247, %swap3A_248] {strides = array<i32>} : memref<128x128xf32, #tpu.memory_space<vmem>>, vector<16xf32>,
      tpu.vector_store %arg16[%swap3A_247, %swap3A_248], %broadcast_in_dim3A_246 {strides = array<i32>} : memref<128x128xf32, #tpu.memory_space<vmem>>, vector<16xf32>,
      %broadcast_in_dim3A_250 = arith.constant 0.000000e+00 : f32
      %broadcast_in_dim3A_251 = vector.broadcast %broadcast_in_dim3A_250 : f32 to vector<16xf32>
      %swap3A_252 = arith.index_cast %scan3A_215 : i32 to index
      %swap3A_253 = arith.constant 112 : index
      %swap3A_254 = tpu.vector_load %arg16[%swap3A_252, %swap3A_253] {strides = array<i32>} : memref<128x128xf32, #tpu.memory_space<vmem>>, vector<16xf32>,
      tpu.vector_store %arg16[%swap3A_252, %swap3A_253], %broadcast_in_dim3A_251 {strides = array<i32>} : memref<128x128xf32, #tpu.memory_space<vmem>>, vector<16xf32>,
      %scan3A_255 = arith.constant 0 : i32
      scf.yield %scan3A_255 : i32
    }
    %scan3A_6 = arith.constant 128 : i32
    %add3A_7 = arith.constant 0 : i32
    %add3A_8 = arith.addi %arg1, %add3A_7 : i32
    %lt3A = arith.constant 125 : i32
    %lt3A_9 = arith.cmpi slt, %add3A_8, %lt3A : i32
    %convert_element_type3A = arith.extui %lt3A_9 : i1 to i32
    %cond3A = arith.constant 0 : i32
    %cond3A_10 = arith.cmpi ne, %convert_element_type3A, %cond3A : i32
    scf.if %cond3A_10 {
      %mul3A_215 = arith.constant 80 : i32
      %mul3A_216 = arith.muli %add3A_8, %mul3A_215 : i32
      "tpu.region"() ({
        %run_scoped3A = tpu.sem_alloc : memref<!tpu.dma_semaphore, #tpu.memory_space<semaphore_mem>>
        %dma_start3A_217 = arith.constant 0 : i32
        %dma_start3A_218 = arith.constant 0 : i32
        %dma_start3A_219 = tpu.memref_slice %arg16[%dma_start3A_217, %dma_start3A_218] : memref<128x128xf32, #tpu.memory_space<vmem>> -> memref<80x128xf32, #tpu.memory_space<vmem>>
        %dma_start3A_220 = arith.constant 0 : i32
        %dma_start3A_221 = tpu.memref_slice %arg7[%mul3A_216, %dma_start3A_220] : memref<10000x128xf32, #tpu.memory_space<vmem_shared>> -> memref<80x128xf32, #tpu.memory_space<vmem_shared>>
        %dma_start3A_222 = arith.constant 0 : i32
        %dma_start3A_223 = tpu.memref_slice %arg7[%mul3A_216, %dma_start3A_222] : memref<10000x128xf32, #tpu.memory_space<vmem_shared>> -> memref<80x128xf32, #tpu.memory_space<vmem_shared>>
        %dma_start3A_224 = arith.constant 0 : i32
        %dma_start3A_225 = arith.constant 0 : i32
        %dma_start3A_226 = tpu.memref_slice %arg16[%dma_start3A_224, %dma_start3A_225] : memref<128x128xf32, #tpu.memory_space<vmem>> -> memref<80x128xf32, #tpu.memory_space<vmem>>
        tpu.enqueue_dma source(%dma_start3A_226 : memref<80x128xf32, #tpu.memory_space<vmem>>) target(%dma_start3A_223 : memref<80x128xf32, #tpu.memory_space<vmem_shared>>) target_semaphore(%run_scoped3A : memref<!tpu.dma_semaphore, #tpu.memory_space<semaphore_mem>>)
        %dma_wait3A_227 = arith.constant 0 : i32
        %dma_wait3A_228 = arith.constant 0 : i32
        %dma_wait3A_229 = tpu.memref_slice %arg16[%dma_wait3A_227, %dma_wait3A_228] : memref<128x128xf32, #tpu.memory_space<vmem>> -> memref<80x128xf32, #tpu.memory_space<vmem>>
        %dma_wait3A_230 = arith.constant 0 : i32
        %dma_wait3A_231 = tpu.memref_slice %arg7[%mul3A_216, %dma_wait3A_230] : memref<10000x128xf32, #tpu.memory_space<vmem_shared>> -> memref<80x128xf32, #tpu.memory_space<vmem_shared>>
        %dma_wait3A_232 = arith.constant 0 : i32
        %dma_wait3A_233 = tpu.memref_slice %arg7[%mul3A_216, %dma_wait3A_232] : memref<10000x128xf32, #tpu.memory_space<vmem_shared>> -> memref<80x128xf32, #tpu.memory_space<vmem_shared>>
        %dma_wait3A_234 = arith.constant 0 : i32
        %dma_wait3A_235 = arith.constant 0 : i32
        %dma_wait3A_236 = tpu.memref_slice %arg16[%dma_wait3A_234, %dma_wait3A_235] : memref<128x128xf32, #tpu.memory_space<vmem>> -> memref<80x128xf32, #tpu.memory_space<vmem>>
        tpu.wait_dma2 semaphore(%run_scoped3A : memref<!tpu.dma_semaphore, #tpu.memory_space<semaphore_mem>>) src(%dma_wait3A_236 : memref<80x128xf32, #tpu.memory_space<vmem>>) dst(%dma_wait3A_233 : memref<80x128xf32, #tpu.memory_space<vmem_shared>>)
        tpu.yield
      }) : () -> ()
    } else {
    }
    %add3A_11 = arith.constant 16 : i32
    %add3A_12 = arith.addi %arg1, %add3A_11 : i32
    %lt3A_13 = arith.constant 125 : i32
    %lt3A_14 = arith.cmpi slt, %add3A_12, %lt3A_13 : i32
    %convert_element_type3A_15 = arith.extui %lt3A_14 : i1 to i32
    %cond3A_16 = arith.constant 0 : i32
    %cond3A_17 = arith.cmpi ne, %convert_element_type3A_15, %cond3A_16 : i32
    scf.if %cond3A_17 {
      %mul3A_215 = arith.constant 80 : i32
      %mul3A_216 = arith.muli %add3A_12, %mul3A_215 : i32
      "tpu.region"() ({
        %run_scoped3A = tpu.sem_alloc : memref<!tpu.dma_semaphore, #tpu.memory_space<semaphore_mem>>
        %dma_start3A_217 = arith.constant 0 : i32
        %dma_start3A_218 = arith.constant 0 : i32
        %dma_start3A_219 = tpu.memref_slice %arg16[%dma_start3A_217, %dma_start3A_218] : memref<128x128xf32, #tpu.memory_space<vmem>> -> memref<80x128xf32, #tpu.memory_space<vmem>>
        %dma_start3A_220 = arith.constant 0 : i32
        %dma_start3A_221 = tpu.memref_slice %arg7[%mul3A_216, %dma_start3A_220] : memref<10000x128xf32, #tpu.memory_space<vmem_shared>> -> memref<80x128xf32, #tpu.memory_space<vmem_shared>>
        %dma_start3A_222 = arith.constant 0 : i32
        %dma_start3A_223 = tpu.memref_slice %arg7[%mul3A_216, %dma_start3A_222] : memref<10000x128xf32, #tpu.memory_space<vmem_shared>> -> memref<80x128xf32, #tpu.memory_space<vmem_shared>>
        %dma_start3A_224 = arith.constant 0 : i32
        %dma_start3A_225 = arith.constant 0 : i32
        %dma_start3A_226 = tpu.memref_slice %arg16[%dma_start3A_224, %dma_start3A_225] : memref<128x128xf32, #tpu.memory_space<vmem>> -> memref<80x128xf32, #tpu.memory_space<vmem>>
        tpu.enqueue_dma source(%dma_start3A_226 : memref<80x128xf32, #tpu.memory_space<vmem>>) target(%dma_start3A_223 : memref<80x128xf32, #tpu.memory_space<vmem_shared>>) target_semaphore(%run_scoped3A : memref<!tpu.dma_semaphore, #tpu.memory_space<semaphore_mem>>)
        %dma_wait3A_227 = arith.constant 0 : i32
        %dma_wait3A_228 = arith.constant 0 : i32
        %dma_wait3A_229 = tpu.memref_slice %arg16[%dma_wait3A_227, %dma_wait3A_228] : memref<128x128xf32, #tpu.memory_space<vmem>> -> memref<80x128xf32, #tpu.memory_space<vmem>>
        %dma_wait3A_230 = arith.constant 0 : i32
        %dma_wait3A_231 = tpu.memref_slice %arg7[%mul3A_216, %dma_wait3A_230] : memref<10000x128xf32, #tpu.memory_space<vmem_shared>> -> memref<80x128xf32, #tpu.memory_space<vmem_shared>>
        %dma_wait3A_232 = arith.constant 0 : i32
        %dma_wait3A_233 = tpu.memref_slice %arg7[%mul3A_216, %dma_wait3A_232] : memref<10000x128xf32, #tpu.memory_space<vmem_shared>> -> memref<80x128xf32, #tpu.memory_space<vmem_shared>>
        %dma_wait3A_234 = arith.constant 0 : i32
        %dma_wait3A_235 = arith.constant 0 : i32
        %dma_wait3A_236 = tpu.memref_slice %arg16[%dma_wait3A_234, %dma_wait3A_235] : memref<128x128xf32, #tpu.memory_space<vmem>> -> memref<80x128xf32, #tpu.memory_space<vmem>>
        tpu.wait_dma2 semaphore(%run_scoped3A : memref<!tpu.dma_semaphore, #tpu.memory_space<semaphore_mem>>) src(%dma_wait3A_236 : memref<80x128xf32, #tpu.memory_space<vmem>>) dst(%dma_wait3A_233 : memref<80x128xf32, #tpu.memory_space<vmem_shared>>)
        tpu.yield
      }) : () -> ()
    } else {
    }
    %add3A_18 = arith.constant 32 : i32
    %add3A_19 = arith.addi %arg1, %add3A_18 : i32
    %lt3A_20 = arith.constant 125 : i32
    %lt3A_21 = arith.cmpi slt, %add3A_19, %lt3A_20 : i32
    %convert_element_type3A_22 = arith.extui %lt3A_21 : i1 to i32
    %cond3A_23 = arith.constant 0 : i32
    %cond3A_24 = arith.cmpi ne, %convert_element_type3A_22, %cond3A_23 : i32
    scf.if %cond3A_24 {
      %mul3A_215 = arith.constant 80 : i32
      %mul3A_216 = arith.muli %add3A_19, %mul3A_215 : i32
      "tpu.region"() ({
        %run_scoped3A = tpu.sem_alloc : memref<!tpu.dma_semaphore, #tpu.memory_space<semaphore_mem>>
        %dma_start3A_217 = arith.constant 0 : i32
        %dma_start3A_218 = arith.constant 0 : i32
        %dma_start3A_219 = tpu.memref_slice %arg16[%dma_start3A_217, %dma_start3A_218] : memref<128x128xf32, #tpu.memory_space<vmem>> -> memref<80x128xf32, #tpu.memory_space<vmem>>
        %dma_start3A_220 = arith.constant 0 : i32
        %dma_start3A_221 = tpu.memref_slice %arg7[%mul3A_216, %dma_start3A_220] : memref<10000x128xf32, #tpu.memory_space<vmem_shared>> -> memref<80x128xf32, #tpu.memory_space<vmem_shared>>
        %dma_start3A_222 = arith.constant 0 : i32
        %dma_start3A_223 = tpu.memref_slice %arg7[%mul3A_216, %dma_start3A_222] : memref<10000x128xf32, #tpu.memory_space<vmem_shared>> -> memref<80x128xf32, #tpu.memory_space<vmem_shared>>
        %dma_start3A_224 = arith.constant 0 : i32
        %dma_start3A_225 = arith.constant 0 : i32
        %dma_start3A_226 = tpu.memref_slice %arg16[%dma_start3A_224, %dma_start3A_225] : memref<128x128xf32, #tpu.memory_space<vmem>> -> memref<80x128xf32, #tpu.memory_space<vmem>>
        tpu.enqueue_dma source(%dma_start3A_226 : memref<80x128xf32, #tpu.memory_space<vmem>>) target(%dma_start3A_223 : memref<80x128xf32, #tpu.memory_space<vmem_shared>>) target_semaphore(%run_scoped3A : memref<!tpu.dma_semaphore, #tpu.memory_space<semaphore_mem>>)
        %dma_wait3A_227 = arith.constant 0 : i32
        %dma_wait3A_228 = arith.constant 0 : i32
        %dma_wait3A_229 = tpu.memref_slice %arg16[%dma_wait3A_227, %dma_wait3A_228] : memref<128x128xf32, #tpu.memory_space<vmem>> -> memref<80x128xf32, #tpu.memory_space<vmem>>
        %dma_wait3A_230 = arith.constant 0 : i32
        %dma_wait3A_231 = tpu.memref_slice %arg7[%mul3A_216, %dma_wait3A_230] : memref<10000x128xf32, #tpu.memory_space<vmem_shared>> -> memref<80x128xf32, #tpu.memory_space<vmem_shared>>
        %dma_wait3A_232 = arith.constant 0 : i32
        %dma_wait3A_233 = tpu.memref_slice %arg7[%mul3A_216, %dma_wait3A_232] : memref<10000x128xf32, #tpu.memory_space<vmem_shared>> -> memref<80x128xf32, #tpu.memory_space<vmem_shared>>
        %dma_wait3A_234 = arith.constant 0 : i32
        %dma_wait3A_235 = arith.constant 0 : i32
        %dma_wait3A_236 = tpu.memref_slice %arg16[%dma_wait3A_234, %dma_wait3A_235] : memref<128x128xf32, #tpu.memory_space<vmem>> -> memref<80x128xf32, #tpu.memory_space<vmem>>
        tpu.wait_dma2 semaphore(%run_scoped3A : memref<!tpu.dma_semaphore, #tpu.memory_space<semaphore_mem>>) src(%dma_wait3A_236 : memref<80x128xf32, #tpu.memory_space<vmem>>) dst(%dma_wait3A_233 : memref<80x128xf32, #tpu.memory_space<vmem_shared>>)
        tpu.yield
      }) : () -> ()
    } else {
    }
    %add3A_25 = arith.constant 48 : i32
    %add3A_26 = arith.addi %arg1, %add3A_25 : i32
    %lt3A_27 = arith.constant 125 : i32
    %lt3A_28 = arith.cmpi slt, %add3A_26, %lt3A_27 : i32
    %convert_element_type3A_29 = arith.extui %lt3A_28 : i1 to i32
    %cond3A_30 = arith.constant 0 : i32
    %cond3A_31 = arith.cmpi ne, %convert_element_type3A_29, %cond3A_30 : i32
    scf.if %cond3A_31 {
      %mul3A_215 = arith.constant 80 : i32
      %mul3A_216 = arith.muli %add3A_26, %mul3A_215 : i32
      "tpu.region"() ({
        %run_scoped3A = tpu.sem_alloc : memref<!tpu.dma_semaphore, #tpu.memory_space<semaphore_mem>>
        %dma_start3A_217 = arith.constant 0 : i32
        %dma_start3A_218 = arith.constant 0 : i32
        %dma_start3A_219 = tpu.memref_slice %arg16[%dma_start3A_217, %dma_start3A_218] : memref<128x128xf32, #tpu.memory_space<vmem>> -> memref<80x128xf32, #tpu.memory_space<vmem>>
        %dma_start3A_220 = arith.constant 0 : i32
        %dma_start3A_221 = tpu.memref_slice %arg7[%mul3A_216, %dma_start3A_220] : memref<10000x128xf32, #tpu.memory_space<vmem_shared>> -> memref<80x128xf32, #tpu.memory_space<vmem_shared>>
        %dma_start3A_222 = arith.constant 0 : i32
        %dma_start3A_223 = tpu.memref_slice %arg7[%mul3A_216, %dma_start3A_222] : memref<10000x128xf32, #tpu.memory_space<vmem_shared>> -> memref<80x128xf32, #tpu.memory_space<vmem_shared>>
        %dma_start3A_224 = arith.constant 0 : i32
        %dma_start3A_225 = arith.constant 0 : i32
        %dma_start3A_226 = tpu.memref_slice %arg16[%dma_start3A_224, %dma_start3A_225] : memref<128x128xf32, #tpu.memory_space<vmem>> -> memref<80x128xf32, #tpu.memory_space<vmem>>
        tpu.enqueue_dma source(%dma_start3A_226 : memref<80x128xf32, #tpu.memory_space<vmem>>) target(%dma_start3A_223 : memref<80x128xf32, #tpu.memory_space<vmem_shared>>) target_semaphore(%run_scoped3A : memref<!tpu.dma_semaphore, #tpu.memory_space<semaphore_mem>>)
        %dma_wait3A_227 = arith.constant 0 : i32
        %dma_wait3A_228 = arith.constant 0 : i32
        %dma_wait3A_229 = tpu.memref_slice %arg16[%dma_wait3A_227, %dma_wait3A_228] : memref<128x128xf32, #tpu.memory_space<vmem>> -> memref<80x128xf32, #tpu.memory_space<vmem>>
        %dma_wait3A_230 = arith.constant 0 : i32
        %dma_wait3A_231 = tpu.memref_slice %arg7[%mul3A_216, %dma_wait3A_230] : memref<10000x128xf32, #tpu.memory_space<vmem_shared>> -> memref<80x128xf32, #tpu.memory_space<vmem_shared>>
        %dma_wait3A_232 = arith.constant 0 : i32
        %dma_wait3A_233 = tpu.memref_slice %arg7[%mul3A_216, %dma_wait3A_232] : memref<10000x128xf32, #tpu.memory_space<vmem_shared>> -> memref<80x128xf32, #tpu.memory_space<vmem_shared>>
        %dma_wait3A_234 = arith.constant 0 : i32
        %dma_wait3A_235 = arith.constant 0 : i32
        %dma_wait3A_236 = tpu.memref_slice %arg16[%dma_wait3A_234, %dma_wait3A_235] : memref<128x128xf32, #tpu.memory_space<vmem>> -> memref<80x128xf32, #tpu.memory_space<vmem>>
        tpu.wait_dma2 semaphore(%run_scoped3A : memref<!tpu.dma_semaphore, #tpu.memory_space<semaphore_mem>>) src(%dma_wait3A_236 : memref<80x128xf32, #tpu.memory_space<vmem>>) dst(%dma_wait3A_233 : memref<80x128xf32, #tpu.memory_space<vmem_shared>>)
        tpu.yield
      }) : () -> ()
    } else {
    }
    %add3A_32 = arith.constant 64 : i32
    %add3A_33 = arith.addi %arg1, %add3A_32 : i32
    %lt3A_34 = arith.constant 125 : i32
    %lt3A_35 = arith.cmpi slt, %add3A_33, %lt3A_34 : i32
    %convert_element_type3A_36 = arith.extui %lt3A_35 : i1 to i32
    %cond3A_37 = arith.constant 0 : i32
    %cond3A_38 = arith.cmpi ne, %convert_element_type3A_36, %cond3A_37 : i32
    scf.if %cond3A_38 {
      %mul3A_215 = arith.constant 80 : i32
      %mul3A_216 = arith.muli %add3A_33, %mul3A_215 : i32
      "tpu.region"() ({
        %run_scoped3A = tpu.sem_alloc : memref<!tpu.dma_semaphore, #tpu.memory_space<semaphore_mem>>
        %dma_start3A_217 = arith.constant 0 : i32
        %dma_start3A_218 = arith.constant 0 : i32
        %dma_start3A_219 = tpu.memref_slice %arg16[%dma_start3A_217, %dma_start3A_218] : memref<128x128xf32, #tpu.memory_space<vmem>> -> memref<80x128xf32, #tpu.memory_space<vmem>>
        %dma_start3A_220 = arith.constant 0 : i32
        %dma_start3A_221 = tpu.memref_slice %arg7[%mul3A_216, %dma_start3A_220] : memref<10000x128xf32, #tpu.memory_space<vmem_shared>> -> memref<80x128xf32, #tpu.memory_space<vmem_shared>>
        %dma_start3A_222 = arith.constant 0 : i32
        %dma_start3A_223 = tpu.memref_slice %arg7[%mul3A_216, %dma_start3A_222] : memref<10000x128xf32, #tpu.memory_space<vmem_shared>> -> memref<80x128xf32, #tpu.memory_space<vmem_shared>>
        %dma_start3A_224 = arith.constant 0 : i32
        %dma_start3A_225 = arith.constant 0 : i32
        %dma_start3A_226 = tpu.memref_slice %arg16[%dma_start3A_224, %dma_start3A_225] : memref<128x128xf32, #tpu.memory_space<vmem>> -> memref<80x128xf32, #tpu.memory_space<vmem>>
        tpu.enqueue_dma source(%dma_start3A_226 : memref<80x128xf32, #tpu.memory_space<vmem>>) target(%dma_start3A_223 : memref<80x128xf32, #tpu.memory_space<vmem_shared>>) target_semaphore(%run_scoped3A : memref<!tpu.dma_semaphore, #tpu.memory_space<semaphore_mem>>)
        %dma_wait3A_227 = arith.constant 0 : i32
        %dma_wait3A_228 = arith.constant 0 : i32
        %dma_wait3A_229 = tpu.memref_slice %arg16[%dma_wait3A_227, %dma_wait3A_228] : memref<128x128xf32, #tpu.memory_space<vmem>> -> memref<80x128xf32, #tpu.memory_space<vmem>>
        %dma_wait3A_230 = arith.constant 0 : i32
        %dma_wait3A_231 = tpu.memref_slice %arg7[%mul3A_216, %dma_wait3A_230] : memref<10000x128xf32, #tpu.memory_space<vmem_shared>> -> memref<80x128xf32, #tpu.memory_space<vmem_shared>>
        %dma_wait3A_232 = arith.constant 0 : i32
        %dma_wait3A_233 = tpu.memref_slice %arg7[%mul3A_216, %dma_wait3A_232] : memref<10000x128xf32, #tpu.memory_space<vmem_shared>> -> memref<80x128xf32, #tpu.memory_space<vmem_shared>>
        %dma_wait3A_234 = arith.constant 0 : i32
        %dma_wait3A_235 = arith.constant 0 : i32
        %dma_wait3A_236 = tpu.memref_slice %arg16[%dma_wait3A_234, %dma_wait3A_235] : memref<128x128xf32, #tpu.memory_space<vmem>> -> memref<80x128xf32, #tpu.memory_space<vmem>>
        tpu.wait_dma2 semaphore(%run_scoped3A : memref<!tpu.dma_semaphore, #tpu.memory_space<semaphore_mem>>) src(%dma_wait3A_236 : memref<80x128xf32, #tpu.memory_space<vmem>>) dst(%dma_wait3A_233 : memref<80x128xf32, #tpu.memory_space<vmem_shared>>)
        tpu.yield
      }) : () -> ()
    } else {
    }
    %add3A_39 = arith.constant 80 : i32
    %add3A_40 = arith.addi %arg1, %add3A_39 : i32
    %lt3A_41 = arith.constant 125 : i32
    %lt3A_42 = arith.cmpi slt, %add3A_40, %lt3A_41 : i32
    %convert_element_type3A_43 = arith.extui %lt3A_42 : i1 to i32
    %cond3A_44 = arith.constant 0 : i32
    %cond3A_45 = arith.cmpi ne, %convert_element_type3A_43, %cond3A_44 : i32
    scf.if %cond3A_45 {
      %mul3A_215 = arith.constant 80 : i32
      %mul3A_216 = arith.muli %add3A_40, %mul3A_215 : i32
      "tpu.region"() ({
        %run_scoped3A = tpu.sem_alloc : memref<!tpu.dma_semaphore, #tpu.memory_space<semaphore_mem>>
        %dma_start3A_217 = arith.constant 0 : i32
        %dma_start3A_218 = arith.constant 0 : i32
        %dma_start3A_219 = tpu.memref_slice %arg16[%dma_start3A_217, %dma_start3A_218] : memref<128x128xf32, #tpu.memory_space<vmem>> -> memref<80x128xf32, #tpu.memory_space<vmem>>
        %dma_start3A_220 = arith.constant 0 : i32
        %dma_start3A_221 = tpu.memref_slice %arg7[%mul3A_216, %dma_start3A_220] : memref<10000x128xf32, #tpu.memory_space<vmem_shared>> -> memref<80x128xf32, #tpu.memory_space<vmem_shared>>
        %dma_start3A_222 = arith.constant 0 : i32
        %dma_start3A_223 = tpu.memref_slice %arg7[%mul3A_216, %dma_start3A_222] : memref<10000x128xf32, #tpu.memory_space<vmem_shared>> -> memref<80x128xf32, #tpu.memory_space<vmem_shared>>
        %dma_start3A_224 = arith.constant 0 : i32
        %dma_start3A_225 = arith.constant 0 : i32
        %dma_start3A_226 = tpu.memref_slice %arg16[%dma_start3A_224, %dma_start3A_225] : memref<128x128xf32, #tpu.memory_space<vmem>> -> memref<80x128xf32, #tpu.memory_space<vmem>>
        tpu.enqueue_dma source(%dma_start3A_226 : memref<80x128xf32, #tpu.memory_space<vmem>>) target(%dma_start3A_223 : memref<80x128xf32, #tpu.memory_space<vmem_shared>>) target_semaphore(%run_scoped3A : memref<!tpu.dma_semaphore, #tpu.memory_space<semaphore_mem>>)
        %dma_wait3A_227 = arith.constant 0 : i32
        %dma_wait3A_228 = arith.constant 0 : i32
        %dma_wait3A_229 = tpu.memref_slice %arg16[%dma_wait3A_227, %dma_wait3A_228] : memref<128x128xf32, #tpu.memory_space<vmem>> -> memref<80x128xf32, #tpu.memory_space<vmem>>
        %dma_wait3A_230 = arith.constant 0 : i32
        %dma_wait3A_231 = tpu.memref_slice %arg7[%mul3A_216, %dma_wait3A_230] : memref<10000x128xf32, #tpu.memory_space<vmem_shared>> -> memref<80x128xf32, #tpu.memory_space<vmem_shared>>
        %dma_wait3A_232 = arith.constant 0 : i32
        %dma_wait3A_233 = tpu.memref_slice %arg7[%mul3A_216, %dma_wait3A_232] : memref<10000x128xf32, #tpu.memory_space<vmem_shared>> -> memref<80x128xf32, #tpu.memory_space<vmem_shared>>
        %dma_wait3A_234 = arith.constant 0 : i32
        %dma_wait3A_235 = arith.constant 0 : i32
        %dma_wait3A_236 = tpu.memref_slice %arg16[%dma_wait3A_234, %dma_wait3A_235] : memref<128x128xf32, #tpu.memory_space<vmem>> -> memref<80x128xf32, #tpu.memory_space<vmem>>
        tpu.wait_dma2 semaphore(%run_scoped3A : memref<!tpu.dma_semaphore, #tpu.memory_space<semaphore_mem>>) src(%dma_wait3A_236 : memref<80x128xf32, #tpu.memory_space<vmem>>) dst(%dma_wait3A_233 : memref<80x128xf32, #tpu.memory_space<vmem_shared>>)
        tpu.yield
      }) : () -> ()
    } else {
    }
    %add3A_46 = arith.constant 96 : i32
    %add3A_47 = arith.addi %arg1, %add3A_46 : i32
    %lt3A_48 = arith.constant 125 : i32
    %lt3A_49 = arith.cmpi slt, %add3A_47, %lt3A_48 : i32
    %convert_element_type3A_50 = arith.extui %lt3A_49 : i1 to i32
    %cond3A_51 = arith.constant 0 : i32
    %cond3A_52 = arith.cmpi ne, %convert_element_type3A_50, %cond3A_51 : i32
    scf.if %cond3A_52 {
      %mul3A_215 = arith.constant 80 : i32
      %mul3A_216 = arith.muli %add3A_47, %mul3A_215 : i32
      "tpu.region"() ({
        %run_scoped3A = tpu.sem_alloc : memref<!tpu.dma_semaphore, #tpu.memory_space<semaphore_mem>>
        %dma_start3A_217 = arith.constant 0 : i32
        %dma_start3A_218 = arith.constant 0 : i32
        %dma_start3A_219 = tpu.memref_slice %arg16[%dma_start3A_217, %dma_start3A_218] : memref<128x128xf32, #tpu.memory_space<vmem>> -> memref<80x128xf32, #tpu.memory_space<vmem>>
        %dma_start3A_220 = arith.constant 0 : i32
        %dma_start3A_221 = tpu.memref_slice %arg7[%mul3A_216, %dma_start3A_220] : memref<10000x128xf32, #tpu.memory_space<vmem_shared>> -> memref<80x128xf32, #tpu.memory_space<vmem_shared>>
        %dma_start3A_222 = arith.constant 0 : i32
        %dma_start3A_223 = tpu.memref_slice %arg7[%mul3A_216, %dma_start3A_222] : memref<10000x128xf32, #tpu.memory_space<vmem_shared>> -> memref<80x128xf32, #tpu.memory_space<vmem_shared>>
        %dma_start3A_224 = arith.constant 0 : i32
        %dma_start3A_225 = arith.constant 0 : i32
        %dma_start3A_226 = tpu.memref_slice %arg16[%dma_start3A_224, %dma_start3A_225] : memref<128x128xf32, #tpu.memory_space<vmem>> -> memref<80x128xf32, #tpu.memory_space<vmem>>
        tpu.enqueue_dma source(%dma_start3A_226 : memref<80x128xf32, #tpu.memory_space<vmem>>) target(%dma_start3A_223 : memref<80x128xf32, #tpu.memory_space<vmem_shared>>) target_semaphore(%run_scoped3A : memref<!tpu.dma_semaphore, #tpu.memory_space<semaphore_mem>>)
        %dma_wait3A_227 = arith.constant 0 : i32
        %dma_wait3A_228 = arith.constant 0 : i32
        %dma_wait3A_229 = tpu.memref_slice %arg16[%dma_wait3A_227, %dma_wait3A_228] : memref<128x128xf32, #tpu.memory_space<vmem>> -> memref<80x128xf32, #tpu.memory_space<vmem>>
        %dma_wait3A_230 = arith.constant 0 : i32
        %dma_wait3A_231 = tpu.memref_slice %arg7[%mul3A_216, %dma_wait3A_230] : memref<10000x128xf32, #tpu.memory_space<vmem_shared>> -> memref<80x128xf32, #tpu.memory_space<vmem_shared>>
        %dma_wait3A_232 = arith.constant 0 : i32
        %dma_wait3A_233 = tpu.memref_slice %arg7[%mul3A_216, %dma_wait3A_232] : memref<10000x128xf32, #tpu.memory_space<vmem_shared>> -> memref<80x128xf32, #tpu.memory_space<vmem_shared>>
        %dma_wait3A_234 = arith.constant 0 : i32
        %dma_wait3A_235 = arith.constant 0 : i32
        %dma_wait3A_236 = tpu.memref_slice %arg16[%dma_wait3A_234, %dma_wait3A_235] : memref<128x128xf32, #tpu.memory_space<vmem>> -> memref<80x128xf32, #tpu.memory_space<vmem>>
        tpu.wait_dma2 semaphore(%run_scoped3A : memref<!tpu.dma_semaphore, #tpu.memory_space<semaphore_mem>>) src(%dma_wait3A_236 : memref<80x128xf32, #tpu.memory_space<vmem>>) dst(%dma_wait3A_233 : memref<80x128xf32, #tpu.memory_space<vmem_shared>>)
        tpu.yield
      }) : () -> ()
    } else {
    }
    %add3A_53 = arith.constant 112 : i32
    %add3A_54 = arith.addi %arg1, %add3A_53 : i32
    %lt3A_55 = arith.constant 125 : i32
    %lt3A_56 = arith.cmpi slt, %add3A_54, %lt3A_55 : i32
    %convert_element_type3A_57 = arith.extui %lt3A_56 : i1 to i32
    %cond3A_58 = arith.constant 0 : i32
    %cond3A_59 = arith.cmpi ne, %convert_element_type3A_57, %cond3A_58 : i32
    scf.if %cond3A_59 {
      %mul3A_215 = arith.constant 80 : i32
      %mul3A_216 = arith.muli %add3A_54, %mul3A_215 : i32
      "tpu.region"() ({
        %run_scoped3A = tpu.sem_alloc : memref<!tpu.dma_semaphore, #tpu.memory_space<semaphore_mem>>
        %dma_start3A_217 = arith.constant 0 : i32
        %dma_start3A_218 = arith.constant 0 : i32
        %dma_start3A_219 = tpu.memref_slice %arg16[%dma_start3A_217, %dma_start3A_218] : memref<128x128xf32, #tpu.memory_space<vmem>> -> memref<80x128xf32, #tpu.memory_space<vmem>>
        %dma_start3A_220 = arith.constant 0 : i32
        %dma_start3A_221 = tpu.memref_slice %arg7[%mul3A_216, %dma_start3A_220] : memref<10000x128xf32, #tpu.memory_space<vmem_shared>> -> memref<80x128xf32, #tpu.memory_space<vmem_shared>>
        %dma_start3A_222 = arith.constant 0 : i32
        %dma_start3A_223 = tpu.memref_slice %arg7[%mul3A_216, %dma_start3A_222] : memref<10000x128xf32, #tpu.memory_space<vmem_shared>> -> memref<80x128xf32, #tpu.memory_space<vmem_shared>>
        %dma_start3A_224 = arith.constant 0 : i32
        %dma_start3A_225 = arith.constant 0 : i32
        %dma_start3A_226 = tpu.memref_slice %arg16[%dma_start3A_224, %dma_start3A_225] : memref<128x128xf32, #tpu.memory_space<vmem>> -> memref<80x128xf32, #tpu.memory_space<vmem>>
        tpu.enqueue_dma source(%dma_start3A_226 : memref<80x128xf32, #tpu.memory_space<vmem>>) target(%dma_start3A_223 : memref<80x128xf32, #tpu.memory_space<vmem_shared>>) target_semaphore(%run_scoped3A : memref<!tpu.dma_semaphore, #tpu.memory_space<semaphore_mem>>)
        %dma_wait3A_227 = arith.constant 0 : i32
        %dma_wait3A_228 = arith.constant 0 : i32
        %dma_wait3A_229 = tpu.memref_slice %arg16[%dma_wait3A_227, %dma_wait3A_228] : memref<128x128xf32, #tpu.memory_space<vmem>> -> memref<80x128xf32, #tpu.memory_space<vmem>>
        %dma_wait3A_230 = arith.constant 0 : i32
        %dma_wait3A_231 = tpu.memref_slice %arg7[%mul3A_216, %dma_wait3A_230] : memref<10000x128xf32, #tpu.memory_space<vmem_shared>> -> memref<80x128xf32, #tpu.memory_space<vmem_shared>>
        %dma_wait3A_232 = arith.constant 0 : i32
        %dma_wait3A_233 = tpu.memref_slice %arg7[%mul3A_216, %dma_wait3A_232] : memref<10000x128xf32, #tpu.memory_space<vmem_shared>> -> memref<80x128xf32, #tpu.memory_space<vmem_shared>>
        %dma_wait3A_234 = arith.constant 0 : i32
        %dma_wait3A_235 = arith.constant 0 : i32
        %dma_wait3A_236 = tpu.memref_slice %arg16[%dma_wait3A_234, %dma_wait3A_235] : memref<128x128xf32, #tpu.memory_space<vmem>> -> memref<80x128xf32, #tpu.memory_space<vmem>>
        tpu.wait_dma2 semaphore(%run_scoped3A : memref<!tpu.dma_semaphore, #tpu.memory_space<semaphore_mem>>) src(%dma_wait3A_236 : memref<80x128xf32, #tpu.memory_space<vmem>>) dst(%dma_wait3A_233 : memref<80x128xf32, #tpu.memory_space<vmem_shared>>)
        tpu.yield
      }) : () -> ()
    } else {
    }
    %barrier3A = arith.constant 0 : index
    tpu.barrier barrier_id(%barrier3A)
    %dma_start3A = arith.constant 0 : i32
    %dma_start3A_60 = arith.constant 0 : i32
    %dma_start3A_61 = tpu.memref_slice %arg4[%add3A, %dma_start3A, %dma_start3A_60] : memref<32x80x128xi32, #tpu.memory_space<hbm>> -> memref<1x1x128xi32, #tpu.memory_space<hbm>>
    %dma_start3A_62 = tpu.memref_squeeze %dma_start3A_61 : memref<1x1x128xi32, #tpu.memory_space<hbm>> -> memref<128xi32, #tpu.memory_space<hbm>>
    %dma_start3A_63 = arith.constant 0 : i32
    %dma_start3A_64 = tpu.memref_slice %arg4[%add3A, %dma_start3A, %dma_start3A_63] : memref<32x80x128xi32, #tpu.memory_space<hbm>> -> memref<1x1x128xi32, #tpu.memory_space<hbm>>
    %dma_start3A_65 = tpu.memref_squeeze %dma_start3A_64 : memref<1x1x128xi32, #tpu.memory_space<hbm>> -> memref<128xi32, #tpu.memory_space<hbm>>
    tpu.enqueue_dma source(%dma_start3A_65 : memref<128xi32, #tpu.memory_space<hbm>>) target(%arg8 : memref<128xi32, #tpu.memory_space<vmem>>) target_semaphore(%arg20 : memref<!tpu.dma_semaphore, #tpu.memory_space<semaphore_mem>>)
    %dma_start3A_66 = arith.constant 0 : i32
    %dma_start3A_67 = arith.constant 0 : i32
    %dma_start3A_68 = tpu.memref_slice %arg5[%add3A, %dma_start3A_66, %dma_start3A_67] : memref<32x80x128xi32, #tpu.memory_space<hbm>> -> memref<1x1x128xi32, #tpu.memory_space<hbm>>
    %dma_start3A_69 = tpu.memref_squeeze %dma_start3A_68 : memref<1x1x128xi32, #tpu.memory_space<hbm>> -> memref<128xi32, #tpu.memory_space<hbm>>
    %dma_start3A_70 = arith.constant 0 : i32
    %dma_start3A_71 = tpu.memref_slice %arg5[%add3A, %dma_start3A_66, %dma_start3A_70] : memref<32x80x128xi32, #tpu.memory_space<hbm>> -> memref<1x1x128xi32, #tpu.memory_space<hbm>>
    %dma_start3A_72 = tpu.memref_squeeze %dma_start3A_71 : memref<1x1x128xi32, #tpu.memory_space<hbm>> -> memref<128xi32, #tpu.memory_space<hbm>>
    tpu.enqueue_dma source(%dma_start3A_72 : memref<128xi32, #tpu.memory_space<hbm>>) target(%arg10 : memref<128xi32, #tpu.memory_space<vmem>>) target_semaphore(%arg20 : memref<!tpu.dma_semaphore, #tpu.memory_space<semaphore_mem>>)
    %dma_start3A_73 = arith.constant 0 : i32
    %dma_start3A_74 = arith.constant 0 : i32
    %dma_start3A_75 = tpu.memref_slice %arg3[%add3A, %dma_start3A_73, %dma_start3A_74] : memref<32x80x128xf32, #tpu.memory_space<hbm>> -> memref<1x1x128xf32, #tpu.memory_space<hbm>>
    %dma_start3A_76 = tpu.memref_squeeze %dma_start3A_75 : memref<1x1x128xf32, #tpu.memory_space<hbm>> -> memref<128xf32, #tpu.memory_space<hbm>>
    %dma_start3A_77 = arith.constant 0 : i32
    %dma_start3A_78 = tpu.memref_slice %arg3[%add3A, %dma_start3A_73, %dma_start3A_77] : memref<32x80x128xf32, #tpu.memory_space<hbm>> -> memref<1x1x128xf32, #tpu.memory_space<hbm>>
    %dma_start3A_79 = tpu.memref_squeeze %dma_start3A_78 : memref<1x1x128xf32, #tpu.memory_space<hbm>> -> memref<128xf32, #tpu.memory_space<hbm>>
    tpu.enqueue_dma source(%dma_start3A_79 : memref<128xf32, #tpu.memory_space<hbm>>) target(%arg14 : memref<128xf32, #tpu.memory_space<vmem>>) target_semaphore(%arg20 : memref<!tpu.dma_semaphore, #tpu.memory_space<semaphore_mem>>)
    %dma_wait3A = arith.constant 0 : i32
    %dma_wait3A_80 = arith.constant 0 : i32
    %dma_wait3A_81 = tpu.memref_slice %arg4[%add3A, %dma_wait3A, %dma_wait3A_80] : memref<32x80x128xi32, #tpu.memory_space<hbm>> -> memref<1x1x128xi32, #tpu.memory_space<hbm>>
    %dma_wait3A_82 = tpu.memref_squeeze %dma_wait3A_81 : memref<1x1x128xi32, #tpu.memory_space<hbm>> -> memref<128xi32, #tpu.memory_space<hbm>>
    %dma_wait3A_83 = arith.constant 0 : i32
    %dma_wait3A_84 = tpu.memref_slice %arg4[%add3A, %dma_wait3A, %dma_wait3A_83] : memref<32x80x128xi32, #tpu.memory_space<hbm>> -> memref<1x1x128xi32, #tpu.memory_space<hbm>>
    %dma_wait3A_85 = tpu.memref_squeeze %dma_wait3A_84 : memref<1x1x128xi32, #tpu.memory_space<hbm>> -> memref<128xi32, #tpu.memory_space<hbm>>
    tpu.wait_dma2 semaphore(%arg20 : memref<!tpu.dma_semaphore, #tpu.memory_space<semaphore_mem>>) src(%dma_wait3A_85 : memref<128xi32, #tpu.memory_space<hbm>>) dst(%arg8 : memref<128xi32, #tpu.memory_space<vmem>>)
    %dma_wait3A_86 = arith.constant 0 : i32
    %dma_wait3A_87 = arith.constant 0 : i32
    %dma_wait3A_88 = tpu.memref_slice %arg5[%add3A, %dma_wait3A_86, %dma_wait3A_87] : memref<32x80x128xi32, #tpu.memory_space<hbm>> -> memref<1x1x128xi32, #tpu.memory_space<hbm>>
    %dma_wait3A_89 = tpu.memref_squeeze %dma_wait3A_88 : memref<1x1x128xi32, #tpu.memory_space<hbm>> -> memref<128xi32, #tpu.memory_space<hbm>>
    %dma_wait3A_90 = arith.constant 0 : i32
    %dma_wait3A_91 = tpu.memref_slice %arg5[%add3A, %dma_wait3A_86, %dma_wait3A_90] : memref<32x80x128xi32, #tpu.memory_space<hbm>> -> memref<1x1x128xi32, #tpu.memory_space<hbm>>
    %dma_wait3A_92 = tpu.memref_squeeze %dma_wait3A_91 : memref<1x1x128xi32, #tpu.memory_space<hbm>> -> memref<128xi32, #tpu.memory_space<hbm>>
    tpu.wait_dma2 semaphore(%arg20 : memref<!tpu.dma_semaphore, #tpu.memory_space<semaphore_mem>>) src(%dma_wait3A_92 : memref<128xi32, #tpu.memory_space<hbm>>) dst(%arg10 : memref<128xi32, #tpu.memory_space<vmem>>)
    %dma_wait3A_93 = arith.constant 0 : i32
    %dma_wait3A_94 = arith.constant 0 : i32
    %dma_wait3A_95 = tpu.memref_slice %arg3[%add3A, %dma_wait3A_93, %dma_wait3A_94] : memref<32x80x128xf32, #tpu.memory_space<hbm>> -> memref<1x1x128xf32, #tpu.memory_space<hbm>>
    %dma_wait3A_96 = tpu.memref_squeeze %dma_wait3A_95 : memref<1x1x128xf32, #tpu.memory_space<hbm>> -> memref<128xf32, #tpu.memory_space<hbm>>
    %dma_wait3A_97 = arith.constant 0 : i32
    %dma_wait3A_98 = tpu.memref_slice %arg3[%add3A, %dma_wait3A_93, %dma_wait3A_97] : memref<32x80x128xf32, #tpu.memory_space<hbm>> -> memref<1x1x128xf32, #tpu.memory_space<hbm>>
    %dma_wait3A_99 = tpu.memref_squeeze %dma_wait3A_98 : memref<1x1x128xf32, #tpu.memory_space<hbm>> -> memref<128xf32, #tpu.memory_space<hbm>>
    tpu.wait_dma2 semaphore(%arg20 : memref<!tpu.dma_semaphore, #tpu.memory_space<semaphore_mem>>) src(%dma_wait3A_99 : memref<128xf32, #tpu.memory_space<hbm>>) dst(%arg14 : memref<128xf32, #tpu.memory_space<vmem>>)
    %dma_start3A_100 = arith.constant 0 : i32
    %dma_start3A_101 = arith.constant 0 : i32
    %dma_start3A_102 = tpu.memref_slice %arg2[%dma_start3A_100, %dma_start3A_101] : memref<10000x128xf32, #tpu.memory_space<hbm>> -> memref<10000x128xf32, #tpu.memory_space<hbm>>
    tpu.enqueue_indirect_dma source(%dma_start3A_102 : memref<10000x128xf32, #tpu.memory_space<hbm>>) target(%arg16 : memref<128x128xf32, #tpu.memory_space<vmem>>) offsets(%arg8 : memref<128xi32, #tpu.memory_space<vmem>>) semaphore(%arg18 : memref<!tpu.dma_semaphore, #tpu.memory_space<semaphore_mem>>)
    %dma_start3A_103 = arith.constant 1 : i32
    %dma_start3A_104 = arith.constant 0 : i32
    %dma_start3A_105 = tpu.memref_slice %arg4[%add3A, %dma_start3A_103, %dma_start3A_104] : memref<32x80x128xi32, #tpu.memory_space<hbm>> -> memref<1x1x128xi32, #tpu.memory_space<hbm>>
    %dma_start3A_106 = tpu.memref_squeeze %dma_start3A_105 : memref<1x1x128xi32, #tpu.memory_space<hbm>> -> memref<128xi32, #tpu.memory_space<hbm>>
    %dma_start3A_107 = arith.constant 0 : i32
    %dma_start3A_108 = tpu.memref_slice %arg4[%add3A, %dma_start3A_103, %dma_start3A_107] : memref<32x80x128xi32, #tpu.memory_space<hbm>> -> memref<1x1x128xi32, #tpu.memory_space<hbm>>
    %dma_start3A_109 = tpu.memref_squeeze %dma_start3A_108 : memref<1x1x128xi32, #tpu.memory_space<hbm>> -> memref<128xi32, #tpu.memory_space<hbm>>
    tpu.enqueue_dma source(%dma_start3A_109 : memref<128xi32, #tpu.memory_space<hbm>>) target(%arg9 : memref<128xi32, #tpu.memory_space<vmem>>) target_semaphore(%arg21 : memref<!tpu.dma_semaphore, #tpu.memory_space<semaphore_mem>>)
    %dma_start3A_110 = arith.constant 1 : i32
    %dma_start3A_111 = arith.constant 0 : i32
    %dma_start3A_112 = tpu.memref_slice %arg5[%add3A, %dma_start3A_110, %dma_start3A_111] : memref<32x80x128xi32, #tpu.memory_space<hbm>> -> memref<1x1x128xi32, #tpu.memory_space<hbm>>
    %dma_start3A_113 = tpu.memref_squeeze %dma_start3A_112 : memref<1x1x128xi32, #tpu.memory_space<hbm>> -> memref<128xi32, #tpu.memory_space<hbm>>
    %dma_start3A_114 = arith.constant 0 : i32
    %dma_start3A_115 = tpu.memref_slice %arg5[%add3A, %dma_start3A_110, %dma_start3A_114] : memref<32x80x128xi32, #tpu.memory_space<hbm>> -> memref<1x1x128xi32, #tpu.memory_space<hbm>>
    %dma_start3A_116 = tpu.memref_squeeze %dma_start3A_115 : memref<1x1x128xi32, #tpu.memory_space<hbm>> -> memref<128xi32, #tpu.memory_space<hbm>>
    tpu.enqueue_dma source(%dma_start3A_116 : memref<128xi32, #tpu.memory_space<hbm>>) target(%arg11 : memref<128xi32, #tpu.memory_space<vmem>>) target_semaphore(%arg21 : memref<!tpu.dma_semaphore, #tpu.memory_space<semaphore_mem>>)
    %dma_start3A_117 = arith.constant 1 : i32
    %dma_start3A_118 = arith.constant 0 : i32
    %dma_start3A_119 = tpu.memref_slice %arg3[%add3A, %dma_start3A_117, %dma_start3A_118] : memref<32x80x128xf32, #tpu.memory_space<hbm>> -> memref<1x1x128xf32, #tpu.memory_space<hbm>>
    %dma_start3A_120 = tpu.memref_squeeze %dma_start3A_119 : memref<1x1x128xf32, #tpu.memory_space<hbm>> -> memref<128xf32, #tpu.memory_space<hbm>>
    %dma_start3A_121 = arith.constant 0 : i32
    %dma_start3A_122 = tpu.memref_slice %arg3[%add3A, %dma_start3A_117, %dma_start3A_121] : memref<32x80x128xf32, #tpu.memory_space<hbm>> -> memref<1x1x128xf32, #tpu.memory_space<hbm>>
    %dma_start3A_123 = tpu.memref_squeeze %dma_start3A_122 : memref<1x1x128xf32, #tpu.memory_space<hbm>> -> memref<128xf32, #tpu.memory_space<hbm>>
    tpu.enqueue_dma source(%dma_start3A_123 : memref<128xf32, #tpu.memory_space<hbm>>) target(%arg15 : memref<128xf32, #tpu.memory_space<vmem>>) target_semaphore(%arg21 : memref<!tpu.dma_semaphore, #tpu.memory_space<semaphore_mem>>)
    %scan3A_124 = arith.constant 0 : i32
    %scan3A_125 = arith.constant 0 : i32
    %scan3A_126 = arith.constant 40 : i32
    %scan3A_127 = arith.addi %scan3A_125, %scan3A_126 : i32
    %scan3A_128 = arith.constant 1 : i32
    %scan3A_129 = scf.for %scan3A_215 = %scan3A_125 to %scan3A_127 step %scan3A_128 iter_args(%scan3A_216 = %scan3A_124) -> (i32)  : i32 {
      %mul3A_217 = arith.constant 2 : i32
      %mul3A_218 = arith.muli %mul3A_217, %scan3A_215 : i32
      %add3A_219 = arith.constant 0 : i32
      %add3A_220 = arith.addi %mul3A_218, %add3A_219 : i32
      %add3A_221 = arith.constant 1 : i32
      %add3A_222 = arith.addi %add3A_220, %add3A_221 : i32
      %min3A = arith.constant 79 : i32
      %min3A_223 = arith.minsi %add3A_222, %min3A : i32
      %dma_wait3A_224 = arith.constant 0 : i32
      %dma_wait3A_225 = tpu.memref_slice %arg4[%add3A, %min3A_223, %dma_wait3A_224] : memref<32x80x128xi32, #tpu.memory_space<hbm>> -> memref<1x1x128xi32, #tpu.memory_space<hbm>>
      %dma_wait3A_226 = tpu.memref_squeeze %dma_wait3A_225 : memref<1x1x128xi32, #tpu.memory_space<hbm>> -> memref<128xi32, #tpu.memory_space<hbm>>
      %dma_wait3A_227 = arith.constant 0 : i32
      %dma_wait3A_228 = tpu.memref_slice %arg4[%add3A, %min3A_223, %dma_wait3A_227] : memref<32x80x128xi32, #tpu.memory_space<hbm>> -> memref<1x1x128xi32, #tpu.memory_space<hbm>>
      %dma_wait3A_229 = tpu.memref_squeeze %dma_wait3A_228 : memref<1x1x128xi32, #tpu.memory_space<hbm>> -> memref<128xi32, #tpu.memory_space<hbm>>
      tpu.wait_dma2 semaphore(%arg21 : memref<!tpu.dma_semaphore, #tpu.memory_space<semaphore_mem>>) src(%dma_wait3A_229 : memref<128xi32, #tpu.memory_space<hbm>>) dst(%arg9 : memref<128xi32, #tpu.memory_space<vmem>>)
      %dma_wait3A_230 = arith.constant 0 : i32
      %dma_wait3A_231 = tpu.memref_slice %arg5[%add3A, %min3A_223, %dma_wait3A_230] : memref<32x80x128xi32, #tpu.memory_space<hbm>> -> memref<1x1x128xi32, #tpu.memory_space<hbm>>
      %dma_wait3A_232 = tpu.memref_squeeze %dma_wait3A_231 : memref<1x1x128xi32, #tpu.memory_space<hbm>> -> memref<128xi32, #tpu.memory_space<hbm>>
      %dma_wait3A_233 = arith.constant 0 : i32
      %dma_wait3A_234 = tpu.memref_slice %arg5[%add3A, %min3A_223, %dma_wait3A_233] : memref<32x80x128xi32, #tpu.memory_space<hbm>> -> memref<1x1x128xi32, #tpu.memory_space<hbm>>
      %dma_wait3A_235 = tpu.memref_squeeze %dma_wait3A_234 : memref<1x1x128xi32, #tpu.memory_space<hbm>> -> memref<128xi32, #tpu.memory_space<hbm>>
      tpu.wait_dma2 semaphore(%arg21 : memref<!tpu.dma_semaphore, #tpu.memory_space<semaphore_mem>>) src(%dma_wait3A_235 : memref<128xi32, #tpu.memory_space<hbm>>) dst(%arg11 : memref<128xi32, #tpu.memory_space<vmem>>)
      %dma_wait3A_236 = arith.constant 0 : i32
      %dma_wait3A_237 = tpu.memref_slice %arg3[%add3A, %min3A_223, %dma_wait3A_236] : memref<32x80x128xf32, #tpu.memory_space<hbm>> -> memref<1x1x128xf32, #tpu.memory_space<hbm>>
      %dma_wait3A_238 = tpu.memref_squeeze %dma_wait3A_237 : memref<1x1x128xf32, #tpu.memory_space<hbm>> -> memref<128xf32, #tpu.memory_space<hbm>>
      %dma_wait3A_239 = arith.constant 0 : i32
      %dma_wait3A_240 = tpu.memref_slice %arg3[%add3A, %min3A_223, %dma_wait3A_239] : memref<32x80x128xf32, #tpu.memory_space<hbm>> -> memref<1x1x128xf32, #tpu.memory_space<hbm>>
      %dma_wait3A_241 = tpu.memref_squeeze %dma_wait3A_240 : memref<1x1x128xf32, #tpu.memory_space<hbm>> -> memref<128xf32, #tpu.memory_space<hbm>>
      tpu.wait_dma2 semaphore(%arg21 : memref<!tpu.dma_semaphore, #tpu.memory_space<semaphore_mem>>) src(%dma_wait3A_241 : memref<128xf32, #tpu.memory_space<hbm>>) dst(%arg15 : memref<128xf32, #tpu.memory_space<vmem>>)
      %ge3A = arith.constant 1 : i32
      %ge3A_242 = arith.cmpi sge, %add3A_220, %ge3A : i32
      %convert_element_type3A_243 = arith.extui %ge3A_242 : i1 to i32
      %cond3A_244 = arith.constant 0 : i32
      %cond3A_245 = arith.cmpi ne, %convert_element_type3A_243, %cond3A_244 : i32
      scf.if %cond3A_245 {
        %dma_wait3A_416 = arith.constant 0 : i32
        %dma_wait3A_417 = arith.constant 0 : i32
        %dma_wait3A_418 = tpu.memref_slice %arg7[%dma_wait3A_416, %dma_wait3A_417] : memref<10000x128xf32, #tpu.memory_space<vmem_shared>> -> memref<10000x128xf32, #tpu.memory_space<vmem_shared>>
        tpu.wait_indirect_dma semaphore(%arg23 : memref<!tpu.dma_semaphore, #tpu.memory_space<semaphore_mem>>) src(%arg17 : memref<128x128xf32, #tpu.memory_space<vmem>>) dst(%dma_wait3A_418 : memref<10000x128xf32, #tpu.memory_space<vmem_shared>>)
      } else {
      }
      %dma_start3A_246 = arith.constant 0 : i32
      %dma_start3A_247 = arith.constant 0 : i32
      %dma_start3A_248 = tpu.memref_slice %arg2[%dma_start3A_246, %dma_start3A_247] : memref<10000x128xf32, #tpu.memory_space<hbm>> -> memref<10000x128xf32, #tpu.memory_space<hbm>>
      tpu.enqueue_indirect_dma source(%dma_start3A_248 : memref<10000x128xf32, #tpu.memory_space<hbm>>) target(%arg17 : memref<128x128xf32, #tpu.memory_space<vmem>>) offsets(%arg9 : memref<128xi32, #tpu.memory_space<vmem>>) semaphore(%arg19 : memref<!tpu.dma_semaphore, #tpu.memory_space<semaphore_mem>>)
      %dma_wait3A_249 = arith.constant 0 : i32
      %dma_wait3A_250 = arith.constant 0 : i32
      %dma_wait3A_251 = tpu.memref_slice %arg2[%dma_wait3A_249, %dma_wait3A_250] : memref<10000x128xf32, #tpu.memory_space<hbm>> -> memref<10000x128xf32, #tpu.memory_space<hbm>>
      tpu.wait_indirect_dma semaphore(%arg18 : memref<!tpu.dma_semaphore, #tpu.memory_space<semaphore_mem>>) src(%dma_wait3A_251 : memref<10000x128xf32, #tpu.memory_space<hbm>>) dst(%arg16 : memref<128x128xf32, #tpu.memory_space<vmem>>)
      %scan3A_252 = arith.constant 0 : i32
      %scan3A_253 = arith.constant 0 : i32
      %scan3A_254 = arith.constant 64 : i32
      %scan3A_255 = arith.addi %scan3A_253, %scan3A_254 : i32
      %scan3A_256 = arith.constant 1 : i32
      %scan3A_257 = scf.for %scan3A_416 = %scan3A_253 to %scan3A_255 step %scan3A_256 iter_args(%scan3A_417 = %scan3A_252) -> (i32)  : i32 {
        %mul3A_418 = arith.constant 2 : i32
        %mul3A_419 = arith.muli %mul3A_418, %scan3A_416 : i32
        %add3A_420 = arith.constant 0 : i32
        %add3A_421 = arith.addi %mul3A_419, %add3A_420 : i32
        %broadcast_in_dim3A = vector.broadcast %add3A_421 : i32 to vector<16xi32>
        %gather3A = tpu.vector_load_idx %arg14[%broadcast_in_dim3A] : memref<128xf32, #tpu.memory_space<vmem>>[vector<16xi32>], vector<16xf32>,
        %get3A_422 = arith.index_cast %add3A_421 : i32 to index
        %get3A_423 = arith.constant 0 : index
        %get3A_424 = tpu.vector_load %arg16[%get3A_422, %get3A_423] {strides = array<i32>} : memref<128x128xf32, #tpu.memory_space<vmem>>, vector<16xf32>,
        %mul3A_425 = arith.mulf %get3A_424, %gather3A : vector<16xf32>
        %swap3A_426 = arith.index_cast %add3A_421 : i32 to index
        %swap3A_427 = arith.constant 0 : index
        %swap3A_428 = tpu.vector_load %arg16[%swap3A_426, %swap3A_427] {strides = array<i32>} : memref<128x128xf32, #tpu.memory_space<vmem>>, vector<16xf32>,
        tpu.vector_store %arg16[%swap3A_426, %swap3A_427], %mul3A_425 {strides = array<i32>} : memref<128x128xf32, #tpu.memory_space<vmem>>, vector<16xf32>,
        %get3A_429 = arith.index_cast %add3A_421 : i32 to index
        %get3A_430 = arith.constant 16 : index
        %get3A_431 = tpu.vector_load %arg16[%get3A_429, %get3A_430] {strides = array<i32>} : memref<128x128xf32, #tpu.memory_space<vmem>>, vector<16xf32>,
        %mul3A_432 = arith.mulf %get3A_431, %gather3A : vector<16xf32>
        %swap3A_433 = arith.index_cast %add3A_421 : i32 to index
        %swap3A_434 = arith.constant 16 : index
        %swap3A_435 = tpu.vector_load %arg16[%swap3A_433, %swap3A_434] {strides = array<i32>} : memref<128x128xf32, #tpu.memory_space<vmem>>, vector<16xf32>,
        tpu.vector_store %arg16[%swap3A_433, %swap3A_434], %mul3A_432 {strides = array<i32>} : memref<128x128xf32, #tpu.memory_space<vmem>>, vector<16xf32>,
        %get3A_436 = arith.index_cast %add3A_421 : i32 to index
        %get3A_437 = arith.constant 32 : index
        %get3A_438 = tpu.vector_load %arg16[%get3A_436, %get3A_437] {strides = array<i32>} : memref<128x128xf32, #tpu.memory_space<vmem>>, vector<16xf32>,
        %mul3A_439 = arith.mulf %get3A_438, %gather3A : vector<16xf32>
        %swap3A_440 = arith.index_cast %add3A_421 : i32 to index
        %swap3A_441 = arith.constant 32 : index
        %swap3A_442 = tpu.vector_load %arg16[%swap3A_440, %swap3A_441] {strides = array<i32>} : memref<128x128xf32, #tpu.memory_space<vmem>>, vector<16xf32>,
        tpu.vector_store %arg16[%swap3A_440, %swap3A_441], %mul3A_439 {strides = array<i32>} : memref<128x128xf32, #tpu.memory_space<vmem>>, vector<16xf32>,
        %get3A_443 = arith.index_cast %add3A_421 : i32 to index
        %get3A_444 = arith.constant 48 : index
        %get3A_445 = tpu.vector_load %arg16[%get3A_443, %get3A_444] {strides = array<i32>} : memref<128x128xf32, #tpu.memory_space<vmem>>, vector<16xf32>,
        %mul3A_446 = arith.mulf %get3A_445, %gather3A : vector<16xf32>
        %swap3A_447 = arith.index_cast %add3A_421 : i32 to index
        %swap3A_448 = arith.constant 48 : index
        %swap3A_449 = tpu.vector_load %arg16[%swap3A_447, %swap3A_448] {strides = array<i32>} : memref<128x128xf32, #tpu.memory_space<vmem>>, vector<16xf32>,
        tpu.vector_store %arg16[%swap3A_447, %swap3A_448], %mul3A_446 {strides = array<i32>} : memref<128x128xf32, #tpu.memory_space<vmem>>, vector<16xf32>,
        %get3A_450 = arith.index_cast %add3A_421 : i32 to index
        %get3A_451 = arith.constant 64 : index
        %get3A_452 = tpu.vector_load %arg16[%get3A_450, %get3A_451] {strides = array<i32>} : memref<128x128xf32, #tpu.memory_space<vmem>>, vector<16xf32>,
        %mul3A_453 = arith.mulf %get3A_452, %gather3A : vector<16xf32>
        %swap3A_454 = arith.index_cast %add3A_421 : i32 to index
        %swap3A_455 = arith.constant 64 : index
        %swap3A_456 = tpu.vector_load %arg16[%swap3A_454, %swap3A_455] {strides = array<i32>} : memref<128x128xf32, #tpu.memory_space<vmem>>, vector<16xf32>,
        tpu.vector_store %arg16[%swap3A_454, %swap3A_455], %mul3A_453 {strides = array<i32>} : memref<128x128xf32, #tpu.memory_space<vmem>>, vector<16xf32>,
        %get3A_457 = arith.index_cast %add3A_421 : i32 to index
        %get3A_458 = arith.constant 80 : index
        %get3A_459 = tpu.vector_load %arg16[%get3A_457, %get3A_458] {strides = array<i32>} : memref<128x128xf32, #tpu.memory_space<vmem>>, vector<16xf32>,
        %mul3A_460 = arith.mulf %get3A_459, %gather3A : vector<16xf32>
        %swap3A_461 = arith.index_cast %add3A_421 : i32 to index
        %swap3A_462 = arith.constant 80 : index
        %swap3A_463 = tpu.vector_load %arg16[%swap3A_461, %swap3A_462] {strides = array<i32>} : memref<128x128xf32, #tpu.memory_space<vmem>>, vector<16xf32>,
        tpu.vector_store %arg16[%swap3A_461, %swap3A_462], %mul3A_460 {strides = array<i32>} : memref<128x128xf32, #tpu.memory_space<vmem>>, vector<16xf32>,
        %get3A_464 = arith.index_cast %add3A_421 : i32 to index
        %get3A_465 = arith.constant 96 : index
        %get3A_466 = tpu.vector_load %arg16[%get3A_464, %get3A_465] {strides = array<i32>} : memref<128x128xf32, #tpu.memory_space<vmem>>, vector<16xf32>,
        %mul3A_467 = arith.mulf %get3A_466, %gather3A : vector<16xf32>
        %swap3A_468 = arith.index_cast %add3A_421 : i32 to index
        %swap3A_469 = arith.constant 96 : index
        %swap3A_470 = tpu.vector_load %arg16[%swap3A_468, %swap3A_469] {strides = array<i32>} : memref<128x128xf32, #tpu.memory_space<vmem>>, vector<16xf32>,
        tpu.vector_store %arg16[%swap3A_468, %swap3A_469], %mul3A_467 {strides = array<i32>} : memref<128x128xf32, #tpu.memory_space<vmem>>, vector<16xf32>,
        %get3A_471 = arith.index_cast %add3A_421 : i32 to index
        %get3A_472 = arith.constant 112 : index
        %get3A_473 = tpu.vector_load %arg16[%get3A_471, %get3A_472] {strides = array<i32>} : memref<128x128xf32, #tpu.memory_space<vmem>>, vector<16xf32>,
        %mul3A_474 = arith.mulf %get3A_473, %gather3A : vector<16xf32>
        %swap3A_475 = arith.index_cast %add3A_421 : i32 to index
        %swap3A_476 = arith.constant 112 : index
        %swap3A_477 = tpu.vector_load %arg16[%swap3A_475, %swap3A_476] {strides = array<i32>} : memref<128x128xf32, #tpu.memory_space<vmem>>, vector<16xf32>,
        tpu.vector_store %arg16[%swap3A_475, %swap3A_476], %mul3A_474 {strides = array<i32>} : memref<128x128xf32, #tpu.memory_space<vmem>>, vector<16xf32>,
        %mul3A_478 = arith.constant 2 : i32
        %mul3A_479 = arith.muli %mul3A_478, %scan3A_416 : i32
        %add3A_480 = arith.constant 1 : i32
        %add3A_481 = arith.addi %mul3A_479, %add3A_480 : i32
        %broadcast_in_dim3A_482 = vector.broadcast %add3A_481 : i32 to vector<16xi32>
        %gather3A_483 = tpu.vector_load_idx %arg14[%broadcast_in_dim3A_482] : memref<128xf32, #tpu.memory_space<vmem>>[vector<16xi32>], vector<16xf32>,
        %get3A_484 = arith.index_cast %add3A_481 : i32 to index
        %get3A_485 = arith.constant 0 : index
        %get3A_486 = tpu.vector_load %arg16[%get3A_484, %get3A_485] {strides = array<i32>} : memref<128x128xf32, #tpu.memory_space<vmem>>, vector<16xf32>,
        %mul3A_487 = arith.mulf %get3A_486, %gather3A_483 : vector<16xf32>
        %swap3A_488 = arith.index_cast %add3A_481 : i32 to index
        %swap3A_489 = arith.constant 0 : index
        %swap3A_490 = tpu.vector_load %arg16[%swap3A_488, %swap3A_489] {strides = array<i32>} : memref<128x128xf32, #tpu.memory_space<vmem>>, vector<16xf32>,
        tpu.vector_store %arg16[%swap3A_488, %swap3A_489], %mul3A_487 {strides = array<i32>} : memref<128x128xf32, #tpu.memory_space<vmem>>, vector<16xf32>,
        %get3A_491 = arith.index_cast %add3A_481 : i32 to index
        %get3A_492 = arith.constant 16 : index
        %get3A_493 = tpu.vector_load %arg16[%get3A_491, %get3A_492] {strides = array<i32>} : memref<128x128xf32, #tpu.memory_space<vmem>>, vector<16xf32>,
        %mul3A_494 = arith.mulf %get3A_493, %gather3A_483 : vector<16xf32>
        %swap3A_495 = arith.index_cast %add3A_481 : i32 to index
        %swap3A_496 = arith.constant 16 : index
        %swap3A_497 = tpu.vector_load %arg16[%swap3A_495, %swap3A_496] {strides = array<i32>} : memref<128x128xf32, #tpu.memory_space<vmem>>, vector<16xf32>,
        tpu.vector_store %arg16[%swap3A_495, %swap3A_496], %mul3A_494 {strides = array<i32>} : memref<128x128xf32, #tpu.memory_space<vmem>>, vector<16xf32>,
        %get3A_498 = arith.index_cast %add3A_481 : i32 to index
        %get3A_499 = arith.constant 32 : index
        %get3A_500 = tpu.vector_load %arg16[%get3A_498, %get3A_499] {strides = array<i32>} : memref<128x128xf32, #tpu.memory_space<vmem>>, vector<16xf32>,
        %mul3A_501 = arith.mulf %get3A_500, %gather3A_483 : vector<16xf32>
        %swap3A_502 = arith.index_cast %add3A_481 : i32 to index
        %swap3A_503 = arith.constant 32 : index
        %swap3A_504 = tpu.vector_load %arg16[%swap3A_502, %swap3A_503] {strides = array<i32>} : memref<128x128xf32, #tpu.memory_space<vmem>>, vector<16xf32>,
        tpu.vector_store %arg16[%swap3A_502, %swap3A_503], %mul3A_501 {strides = array<i32>} : memref<128x128xf32, #tpu.memory_space<vmem>>, vector<16xf32>,
        %get3A_505 = arith.index_cast %add3A_481 : i32 to index
        %get3A_506 = arith.constant 48 : index
        %get3A_507 = tpu.vector_load %arg16[%get3A_505, %get3A_506] {strides = array<i32>} : memref<128x128xf32, #tpu.memory_space<vmem>>, vector<16xf32>,
        %mul3A_508 = arith.mulf %get3A_507, %gather3A_483 : vector<16xf32>
        %swap3A_509 = arith.index_cast %add3A_481 : i32 to index
        %swap3A_510 = arith.constant 48 : index
        %swap3A_511 = tpu.vector_load %arg16[%swap3A_509, %swap3A_510] {strides = array<i32>} : memref<128x128xf32, #tpu.memory_space<vmem>>, vector<16xf32>,
        tpu.vector_store %arg16[%swap3A_509, %swap3A_510], %mul3A_508 {strides = array<i32>} : memref<128x128xf32, #tpu.memory_space<vmem>>, vector<16xf32>,
        %get3A_512 = arith.index_cast %add3A_481 : i32 to index
        %get3A_513 = arith.constant 64 : index
        %get3A_514 = tpu.vector_load %arg16[%get3A_512, %get3A_513] {strides = array<i32>} : memref<128x128xf32, #tpu.memory_space<vmem>>, vector<16xf32>,
        %mul3A_515 = arith.mulf %get3A_514, %gather3A_483 : vector<16xf32>
        %swap3A_516 = arith.index_cast %add3A_481 : i32 to index
        %swap3A_517 = arith.constant 64 : index
        %swap3A_518 = tpu.vector_load %arg16[%swap3A_516, %swap3A_517] {strides = array<i32>} : memref<128x128xf32, #tpu.memory_space<vmem>>, vector<16xf32>,
        tpu.vector_store %arg16[%swap3A_516, %swap3A_517], %mul3A_515 {strides = array<i32>} : memref<128x128xf32, #tpu.memory_space<vmem>>, vector<16xf32>,
        %get3A_519 = arith.index_cast %add3A_481 : i32 to index
        %get3A_520 = arith.constant 80 : index
        %get3A_521 = tpu.vector_load %arg16[%get3A_519, %get3A_520] {strides = array<i32>} : memref<128x128xf32, #tpu.memory_space<vmem>>, vector<16xf32>,
        %mul3A_522 = arith.mulf %get3A_521, %gather3A_483 : vector<16xf32>
        %swap3A_523 = arith.index_cast %add3A_481 : i32 to index
        %swap3A_524 = arith.constant 80 : index
        %swap3A_525 = tpu.vector_load %arg16[%swap3A_523, %swap3A_524] {strides = array<i32>} : memref<128x128xf32, #tpu.memory_space<vmem>>, vector<16xf32>,
        tpu.vector_store %arg16[%swap3A_523, %swap3A_524], %mul3A_522 {strides = array<i32>} : memref<128x128xf32, #tpu.memory_space<vmem>>, vector<16xf32>,
        %get3A_526 = arith.index_cast %add3A_481 : i32 to index
        %get3A_527 = arith.constant 96 : index
        %get3A_528 = tpu.vector_load %arg16[%get3A_526, %get3A_527] {strides = array<i32>} : memref<128x128xf32, #tpu.memory_space<vmem>>, vector<16xf32>,
        %mul3A_529 = arith.mulf %get3A_528, %gather3A_483 : vector<16xf32>
        %swap3A_530 = arith.index_cast %add3A_481 : i32 to index
        %swap3A_531 = arith.constant 96 : index
        %swap3A_532 = tpu.vector_load %arg16[%swap3A_530, %swap3A_531] {strides = array<i32>} : memref<128x128xf32, #tpu.memory_space<vmem>>, vector<16xf32>,
        tpu.vector_store %arg16[%swap3A_530, %swap3A_531], %mul3A_529 {strides = array<i32>} : memref<128x128xf32, #tpu.memory_space<vmem>>, vector<16xf32>,
        %get3A_533 = arith.index_cast %add3A_481 : i32 to index
        %get3A_534 = arith.constant 112 : index
        %get3A_535 = tpu.vector_load %arg16[%get3A_533, %get3A_534] {strides = array<i32>} : memref<128x128xf32, #tpu.memory_space<vmem>>, vector<16xf32>,
        %mul3A_536 = arith.mulf %get3A_535, %gather3A_483 : vector<16xf32>
        %swap3A_537 = arith.index_cast %add3A_481 : i32 to index
        %swap3A_538 = arith.constant 112 : index
        %swap3A_539 = tpu.vector_load %arg16[%swap3A_537, %swap3A_538] {strides = array<i32>} : memref<128x128xf32, #tpu.memory_space<vmem>>, vector<16xf32>,
        tpu.vector_store %arg16[%swap3A_537, %swap3A_538], %mul3A_536 {strides = array<i32>} : memref<128x128xf32, #tpu.memory_space<vmem>>, vector<16xf32>,
        %scan3A_540 = arith.constant 0 : i32
        scf.yield %scan3A_540 : i32
      }
      %scan3A_258 = arith.constant 64 : i32
      %get3A = arith.constant 0 : index
      %get3A_259 = tpu.vector_load %arg10[%get3A] {strides = array<i32>} : memref<128xi32, #tpu.memory_space<vmem>>, vector<16xi32>,
      %swap3A = arith.constant 0 : index
      %swap3A_260 = tpu.vector_load %arg12[%swap3A] {strides = array<i32>} : memref<128xi32, #tpu.memory_space<vmem>>, vector<16xi32>,
      tpu.vector_store %arg12[%swap3A], %get3A_259 {strides = array<i32>} : memref<128xi32, #tpu.memory_space<vmem>>, vector<16xi32>,
      %get3A_261 = arith.constant 16 : index
      %get3A_262 = tpu.vector_load %arg10[%get3A_261] {strides = array<i32>} : memref<128xi32, #tpu.memory_space<vmem>>, vector<16xi32>,
      %swap3A_263 = arith.constant 16 : index
      %swap3A_264 = tpu.vector_load %arg12[%swap3A_263] {strides = array<i32>} : memref<128xi32, #tpu.memory_space<vmem>>, vector<16xi32>,
      tpu.vector_store %arg12[%swap3A_263], %get3A_262 {strides = array<i32>} : memref<128xi32, #tpu.memory_space<vmem>>, vector<16xi32>,
      %get3A_265 = arith.constant 32 : index
      %get3A_266 = tpu.vector_load %arg10[%get3A_265] {strides = array<i32>} : memref<128xi32, #tpu.memory_space<vmem>>, vector<16xi32>,
      %swap3A_267 = arith.constant 32 : index
      %swap3A_268 = tpu.vector_load %arg12[%swap3A_267] {strides = array<i32>} : memref<128xi32, #tpu.memory_space<vmem>>, vector<16xi32>,
      tpu.vector_store %arg12[%swap3A_267], %get3A_266 {strides = array<i32>} : memref<128xi32, #tpu.memory_space<vmem>>, vector<16xi32>,
      %get3A_269 = arith.constant 48 : index
      %get3A_270 = tpu.vector_load %arg10[%get3A_269] {strides = array<i32>} : memref<128xi32, #tpu.memory_space<vmem>>, vector<16xi32>,
      %swap3A_271 = arith.constant 48 : index
      %swap3A_272 = tpu.vector_load %arg12[%swap3A_271] {strides = array<i32>} : memref<128xi32, #tpu.memory_space<vmem>>, vector<16xi32>,
      tpu.vector_store %arg12[%swap3A_271], %get3A_270 {strides = array<i32>} : memref<128xi32, #tpu.memory_space<vmem>>, vector<16xi32>,
      %get3A_273 = arith.constant 64 : index
      %get3A_274 = tpu.vector_load %arg10[%get3A_273] {strides = array<i32>} : memref<128xi32, #tpu.memory_space<vmem>>, vector<16xi32>,
      %swap3A_275 = arith.constant 64 : index
      %swap3A_276 = tpu.vector_load %arg12[%swap3A_275] {strides = array<i32>} : memref<128xi32, #tpu.memory_space<vmem>>, vector<16xi32>,
      tpu.vector_store %arg12[%swap3A_275], %get3A_274 {strides = array<i32>} : memref<128xi32, #tpu.memory_space<vmem>>, vector<16xi32>,
      %get3A_277 = arith.constant 80 : index
      %get3A_278 = tpu.vector_load %arg10[%get3A_277] {strides = array<i32>} : memref<128xi32, #tpu.memory_space<vmem>>, vector<16xi32>,
      %swap3A_279 = arith.constant 80 : index
      %swap3A_280 = tpu.vector_load %arg12[%swap3A_279] {strides = array<i32>} : memref<128xi32, #tpu.memory_space<vmem>>, vector<16xi32>,
      tpu.vector_store %arg12[%swap3A_279], %get3A_278 {strides = array<i32>} : memref<128xi32, #tpu.memory_space<vmem>>, vector<16xi32>,
      %get3A_281 = arith.constant 96 : index
      %get3A_282 = tpu.vector_load %arg10[%get3A_281] {strides = array<i32>} : memref<128xi32, #tpu.memory_space<vmem>>, vector<16xi32>,
      %swap3A_283 = arith.constant 96 : index
      %swap3A_284 = tpu.vector_load %arg12[%swap3A_283] {strides = array<i32>} : memref<128xi32, #tpu.memory_space<vmem>>, vector<16xi32>,
      tpu.vector_store %arg12[%swap3A_283], %get3A_282 {strides = array<i32>} : memref<128xi32, #tpu.memory_space<vmem>>, vector<16xi32>,
      %get3A_285 = arith.constant 112 : index
      %get3A_286 = tpu.vector_load %arg10[%get3A_285] {strides = array<i32>} : memref<128xi32, #tpu.memory_space<vmem>>, vector<16xi32>,
      %swap3A_287 = arith.constant 112 : index
      %swap3A_288 = tpu.vector_load %arg12[%swap3A_287] {strides = array<i32>} : memref<128xi32, #tpu.memory_space<vmem>>, vector<16xi32>,
      tpu.vector_store %arg12[%swap3A_287], %get3A_286 {strides = array<i32>} : memref<128xi32, #tpu.memory_space<vmem>>, vector<16xi32>,
      %dma_start3A_289 = arith.constant 0 : i32
      %dma_start3A_290 = arith.constant 0 : i32
      %dma_start3A_291 = tpu.memref_slice %arg7[%dma_start3A_289, %dma_start3A_290] : memref<10000x128xf32, #tpu.memory_space<vmem_shared>> -> memref<10000x128xf32, #tpu.memory_space<vmem_shared>>
      tpu.enqueue_indirect_dma source(%arg16 : memref<128x128xf32, #tpu.memory_space<vmem>>) target(%dma_start3A_291 : memref<10000x128xf32, #tpu.memory_space<vmem_shared>>) offsets(%arg12 : memref<128xi32, #tpu.memory_space<vmem>>) semaphore(%arg22 : memref<!tpu.dma_semaphore, #tpu.memory_space<semaphore_mem>>) {add = true}
      %add3A_292 = arith.constant 2 : i32
      %add3A_293 = arith.addi %add3A_220, %add3A_292 : i32
      %min3A_294 = arith.constant 79 : i32
      %min3A_295 = arith.minsi %add3A_293, %min3A_294 : i32
      %dma_start3A_296 = arith.constant 0 : i32
      %dma_start3A_297 = tpu.memref_slice %arg4[%add3A, %min3A_295, %dma_start3A_296] : memref<32x80x128xi32, #tpu.memory_space<hbm>> -> memref<1x1x128xi32, #tpu.memory_space<hbm>>
      %dma_start3A_298 = tpu.memref_squeeze %dma_start3A_297 : memref<1x1x128xi32, #tpu.memory_space<hbm>> -> memref<128xi32, #tpu.memory_space<hbm>>
      %dma_start3A_299 = arith.constant 0 : i32
      %dma_start3A_300 = tpu.memref_slice %arg4[%add3A, %min3A_295, %dma_start3A_299] : memref<32x80x128xi32, #tpu.memory_space<hbm>> -> memref<1x1x128xi32, #tpu.memory_space<hbm>>
      %dma_start3A_301 = tpu.memref_squeeze %dma_start3A_300 : memref<1x1x128xi32, #tpu.memory_space<hbm>> -> memref<128xi32, #tpu.memory_space<hbm>>
      tpu.enqueue_dma source(%dma_start3A_301 : memref<128xi32, #tpu.memory_space<hbm>>) target(%arg8 : memref<128xi32, #tpu.memory_space<vmem>>) target_semaphore(%arg20 : memref<!tpu.dma_semaphore, #tpu.memory_space<semaphore_mem>>)
      %dma_start3A_302 = arith.constant 0 : i32
      %dma_start3A_303 = tpu.memref_slice %arg5[%add3A, %min3A_295, %dma_start3A_302] : memref<32x80x128xi32, #tpu.memory_space<hbm>> -> memref<1x1x128xi32, #tpu.memory_space<hbm>>
      %dma_start3A_304 = tpu.memref_squeeze %dma_start3A_303 : memref<1x1x128xi32, #tpu.memory_space<hbm>> -> memref<128xi32, #tpu.memory_space<hbm>>
      %dma_start3A_305 = arith.constant 0 : i32
      %dma_start3A_306 = tpu.memref_slice %arg5[%add3A, %min3A_295, %dma_start3A_305] : memref<32x80x128xi32, #tpu.memory_space<hbm>> -> memref<1x1x128xi32, #tpu.memory_space<hbm>>
      %dma_start3A_307 = tpu.memref_squeeze %dma_start3A_306 : memref<1x1x128xi32, #tpu.memory_space<hbm>> -> memref<128xi32, #tpu.memory_space<hbm>>
      tpu.enqueue_dma source(%dma_start3A_307 : memref<128xi32, #tpu.memory_space<hbm>>) target(%arg10 : memref<128xi32, #tpu.memory_space<vmem>>) target_semaphore(%arg20 : memref<!tpu.dma_semaphore, #tpu.memory_space<semaphore_mem>>)
      %dma_start3A_308 = arith.constant 0 : i32
      %dma_start3A_309 = tpu.memref_slice %arg3[%add3A, %min3A_295, %dma_start3A_308] : memref<32x80x128xf32, #tpu.memory_space<hbm>> -> memref<1x1x128xf32, #tpu.memory_space<hbm>>
      %dma_start3A_310 = tpu.memref_squeeze %dma_start3A_309 : memref<1x1x128xf32, #tpu.memory_space<hbm>> -> memref<128xf32, #tpu.memory_space<hbm>>
      %dma_start3A_311 = arith.constant 0 : i32
      %dma_start3A_312 = tpu.memref_slice %arg3[%add3A, %min3A_295, %dma_start3A_311] : memref<32x80x128xf32, #tpu.memory_space<hbm>> -> memref<1x1x128xf32, #tpu.memory_space<hbm>>
      %dma_start3A_313 = tpu.memref_squeeze %dma_start3A_312 : memref<1x1x128xf32, #tpu.memory_space<hbm>> -> memref<128xf32, #tpu.memory_space<hbm>>
      tpu.enqueue_dma source(%dma_start3A_313 : memref<128xf32, #tpu.memory_space<hbm>>) target(%arg14 : memref<128xf32, #tpu.memory_space<vmem>>) target_semaphore(%arg20 : memref<!tpu.dma_semaphore, #tpu.memory_space<semaphore_mem>>)
      %mul3A_314 = arith.constant 2 : i32
      %mul3A_315 = arith.muli %mul3A_314, %scan3A_215 : i32
      %add3A_316 = arith.constant 1 : i32
      %add3A_317 = arith.addi %mul3A_315, %add3A_316 : i32
      %add3A_318 = arith.constant 1 : i32
      %add3A_319 = arith.addi %add3A_317, %add3A_318 : i32
      %min3A_320 = arith.constant 79 : i32
      %min3A_321 = arith.minsi %add3A_319, %min3A_320 : i32
      %dma_wait3A_322 = arith.constant 0 : i32
      %dma_wait3A_323 = tpu.memref_slice %arg4[%add3A, %min3A_321, %dma_wait3A_322] : memref<32x80x128xi32, #tpu.memory_space<hbm>> -> memref<1x1x128xi32, #tpu.memory_space<hbm>>
      %dma_wait3A_324 = tpu.memref_squeeze %dma_wait3A_323 : memref<1x1x128xi32, #tpu.memory_space<hbm>> -> memref<128xi32, #tpu.memory_space<hbm>>
      %dma_wait3A_325 = arith.constant 0 : i32
      %dma_wait3A_326 = tpu.memref_slice %arg4[%add3A, %min3A_321, %dma_wait3A_325] : memref<32x80x128xi32, #tpu.memory_space<hbm>> -> memref<1x1x128xi32, #tpu.memory_space<hbm>>
      %dma_wait3A_327 = tpu.memref_squeeze %dma_wait3A_326 : memref<1x1x128xi32, #tpu.memory_space<hbm>> -> memref<128xi32, #tpu.memory_space<hbm>>
      tpu.wait_dma2 semaphore(%arg20 : memref<!tpu.dma_semaphore, #tpu.memory_space<semaphore_mem>>) src(%dma_wait3A_327 : memref<128xi32, #tpu.memory_space<hbm>>) dst(%arg8 : memref<128xi32, #tpu.memory_space<vmem>>)
      %dma_wait3A_328 = arith.constant 0 : i32
      %dma_wait3A_329 = tpu.memref_slice %arg5[%add3A, %min3A_321, %dma_wait3A_328] : memref<32x80x128xi32, #tpu.memory_space<hbm>> -> memref<1x1x128xi32, #tpu.memory_space<hbm>>
      %dma_wait3A_330 = tpu.memref_squeeze %dma_wait3A_329 : memref<1x1x128xi32, #tpu.memory_space<hbm>> -> memref<128xi32, #tpu.memory_space<hbm>>
      %dma_wait3A_331 = arith.constant 0 : i32
      %dma_wait3A_332 = tpu.memref_slice %arg5[%add3A, %min3A_321, %dma_wait3A_331] : memref<32x80x128xi32, #tpu.memory_space<hbm>> -> memref<1x1x128xi32, #tpu.memory_space<hbm>>
      %dma_wait3A_333 = tpu.memref_squeeze %dma_wait3A_332 : memref<1x1x128xi32, #tpu.memory_space<hbm>> -> memref<128xi32, #tpu.memory_space<hbm>>
      tpu.wait_dma2 semaphore(%arg20 : memref<!tpu.dma_semaphore, #tpu.memory_space<semaphore_mem>>) src(%dma_wait3A_333 : memref<128xi32, #tpu.memory_space<hbm>>) dst(%arg10 : memref<128xi32, #tpu.memory_space<vmem>>)
      %dma_wait3A_334 = arith.constant 0 : i32
      %dma_wait3A_335 = tpu.memref_slice %arg3[%add3A, %min3A_321, %dma_wait3A_334] : memref<32x80x128xf32, #tpu.memory_space<hbm>> -> memref<1x1x128xf32, #tpu.memory_space<hbm>>
      %dma_wait3A_336 = tpu.memref_squeeze %dma_wait3A_335 : memref<1x1x128xf32, #tpu.memory_space<hbm>> -> memref<128xf32, #tpu.memory_space<hbm>>
      %dma_wait3A_337 = arith.constant 0 : i32
      %dma_wait3A_338 = tpu.memref_slice %arg3[%add3A, %min3A_321, %dma_wait3A_337] : memref<32x80x128xf32, #tpu.memory_space<hbm>> -> memref<1x1x128xf32, #tpu.memory_space<hbm>>
      %dma_wait3A_339 = tpu.memref_squeeze %dma_wait3A_338 : memref<1x1x128xf32, #tpu.memory_space<hbm>> -> memref<128xf32, #tpu.memory_space<hbm>>
      tpu.wait_dma2 semaphore(%arg20 : memref<!tpu.dma_semaphore, #tpu.memory_space<semaphore_mem>>) src(%dma_wait3A_339 : memref<128xf32, #tpu.memory_space<hbm>>) dst(%arg14 : memref<128xf32, #tpu.memory_space<vmem>>)
      %ge3A_340 = arith.constant 1 : i32
      %ge3A_341 = arith.cmpi sge, %add3A_317, %ge3A_340 : i32
      %convert_element_type3A_342 = arith.extui %ge3A_341 : i1 to i32
      %cond3A_343 = arith.constant 0 : i32
      %cond3A_344 = arith.cmpi ne, %convert_element_type3A_342, %cond3A_343 : i32
      scf.if %cond3A_344 {
        %dma_wait3A_416 = arith.constant 0 : i32
        %dma_wait3A_417 = arith.constant 0 : i32
        %dma_wait3A_418 = tpu.memref_slice %arg7[%dma_wait3A_416, %dma_wait3A_417] : memref<10000x128xf32, #tpu.memory_space<vmem_shared>> -> memref<10000x128xf32, #tpu.memory_space<vmem_shared>>
        tpu.wait_indirect_dma semaphore(%arg22 : memref<!tpu.dma_semaphore, #tpu.memory_space<semaphore_mem>>) src(%arg16 : memref<128x128xf32, #tpu.memory_space<vmem>>) dst(%dma_wait3A_418 : memref<10000x128xf32, #tpu.memory_space<vmem_shared>>)
      } else {
      }
      %dma_start3A_345 = arith.constant 0 : i32
      %dma_start3A_346 = arith.constant 0 : i32
      %dma_start3A_347 = tpu.memref_slice %arg2[%dma_start3A_345, %dma_start3A_346] : memref<10000x128xf32, #tpu.memory_space<hbm>> -> memref<10000x128xf32, #tpu.memory_space<hbm>>
      tpu.enqueue_indirect_dma source(%dma_start3A_347 : memref<10000x128xf32, #tpu.memory_space<hbm>>) target(%arg16 : memref<128x128xf32, #tpu.memory_space<vmem>>) offsets(%arg8 : memref<128xi32, #tpu.memory_space<vmem>>) semaphore(%arg18 : memref<!tpu.dma_semaphore, #tpu.memory_space<semaphore_mem>>)
      %dma_wait3A_348 = arith.constant 0 : i32
      %dma_wait3A_349 = arith.constant 0 : i32
      %dma_wait3A_350 = tpu.memref_slice %arg2[%dma_wait3A_348, %dma_wait3A_349] : memref<10000x128xf32, #tpu.memory_space<hbm>> -> memref<10000x128xf32, #tpu.memory_space<hbm>>
      tpu.wait_indirect_dma semaphore(%arg19 : memref<!tpu.dma_semaphore, #tpu.memory_space<semaphore_mem>>) src(%dma_wait3A_350 : memref<10000x128xf32, #tpu.memory_space<hbm>>) dst(%arg17 : memref<128x128xf32, #tpu.memory_space<vmem>>)
      %scan3A_351 = arith.constant 0 : i32
      %scan3A_352 = arith.constant 0 : i32
      %scan3A_353 = arith.constant 64 : i32
      %scan3A_354 = arith.addi %scan3A_352, %scan3A_353 : i32
      %scan3A_355 = arith.constant 1 : i32
      %scan3A_356 = scf.for %scan3A_416 = %scan3A_352 to %scan3A_354 step %scan3A_355 iter_args(%scan3A_417 = %scan3A_351) -> (i32)  : i32 {
        %mul3A_418 = arith.constant 2 : i32
        %mul3A_419 = arith.muli %mul3A_418, %scan3A_416 : i32
        %add3A_420 = arith.constant 0 : i32
        %add3A_421 = arith.addi %mul3A_419, %add3A_420 : i32
        %broadcast_in_dim3A = vector.broadcast %add3A_421 : i32 to vector<16xi32>
        %gather3A = tpu.vector_load_idx %arg15[%broadcast_in_dim3A] : memref<128xf32, #tpu.memory_space<vmem>>[vector<16xi32>], vector<16xf32>,
        %get3A_422 = arith.index_cast %add3A_421 : i32 to index
        %get3A_423 = arith.constant 0 : index
        %get3A_424 = tpu.vector_load %arg17[%get3A_422, %get3A_423] {strides = array<i32>} : memref<128x128xf32, #tpu.memory_space<vmem>>, vector<16xf32>,
        %mul3A_425 = arith.mulf %get3A_424, %gather3A : vector<16xf32>
        %swap3A_426 = arith.index_cast %add3A_421 : i32 to index
        %swap3A_427 = arith.constant 0 : index
        %swap3A_428 = tpu.vector_load %arg17[%swap3A_426, %swap3A_427] {strides = array<i32>} : memref<128x128xf32, #tpu.memory_space<vmem>>, vector<16xf32>,
        tpu.vector_store %arg17[%swap3A_426, %swap3A_427], %mul3A_425 {strides = array<i32>} : memref<128x128xf32, #tpu.memory_space<vmem>>, vector<16xf32>,
        %get3A_429 = arith.index_cast %add3A_421 : i32 to index
        %get3A_430 = arith.constant 16 : index
        %get3A_431 = tpu.vector_load %arg17[%get3A_429, %get3A_430] {strides = array<i32>} : memref<128x128xf32, #tpu.memory_space<vmem>>, vector<16xf32>,
        %mul3A_432 = arith.mulf %get3A_431, %gather3A : vector<16xf32>
        %swap3A_433 = arith.index_cast %add3A_421 : i32 to index
        %swap3A_434 = arith.constant 16 : index
        %swap3A_435 = tpu.vector_load %arg17[%swap3A_433, %swap3A_434] {strides = array<i32>} : memref<128x128xf32, #tpu.memory_space<vmem>>, vector<16xf32>,
        tpu.vector_store %arg17[%swap3A_433, %swap3A_434], %mul3A_432 {strides = array<i32>} : memref<128x128xf32, #tpu.memory_space<vmem>>, vector<16xf32>,
        %get3A_436 = arith.index_cast %add3A_421 : i32 to index
        %get3A_437 = arith.constant 32 : index
        %get3A_438 = tpu.vector_load %arg17[%get3A_436, %get3A_437] {strides = array<i32>} : memref<128x128xf32, #tpu.memory_space<vmem>>, vector<16xf32>,
        %mul3A_439 = arith.mulf %get3A_438, %gather3A : vector<16xf32>
        %swap3A_440 = arith.index_cast %add3A_421 : i32 to index
        %swap3A_441 = arith.constant 32 : index
        %swap3A_442 = tpu.vector_load %arg17[%swap3A_440, %swap3A_441] {strides = array<i32>} : memref<128x128xf32, #tpu.memory_space<vmem>>, vector<16xf32>,
        tpu.vector_store %arg17[%swap3A_440, %swap3A_441], %mul3A_439 {strides = array<i32>} : memref<128x128xf32, #tpu.memory_space<vmem>>, vector<16xf32>,
        %get3A_443 = arith.index_cast %add3A_421 : i32 to index
        %get3A_444 = arith.constant 48 : index
        %get3A_445 = tpu.vector_load %arg17[%get3A_443, %get3A_444] {strides = array<i32>} : memref<128x128xf32, #tpu.memory_space<vmem>>, vector<16xf32>,
        %mul3A_446 = arith.mulf %get3A_445, %gather3A : vector<16xf32>
        %swap3A_447 = arith.index_cast %add3A_421 : i32 to index
        %swap3A_448 = arith.constant 48 : index
        %swap3A_449 = tpu.vector_load %arg17[%swap3A_447, %swap3A_448] {strides = array<i32>} : memref<128x128xf32, #tpu.memory_space<vmem>>, vector<16xf32>,
        tpu.vector_store %arg17[%swap3A_447, %swap3A_448], %mul3A_446 {strides = array<i32>} : memref<128x128xf32, #tpu.memory_space<vmem>>, vector<16xf32>,
        %get3A_450 = arith.index_cast %add3A_421 : i32 to index
        %get3A_451 = arith.constant 64 : index
        %get3A_452 = tpu.vector_load %arg17[%get3A_450, %get3A_451] {strides = array<i32>} : memref<128x128xf32, #tpu.memory_space<vmem>>, vector<16xf32>,
        %mul3A_453 = arith.mulf %get3A_452, %gather3A : vector<16xf32>
        %swap3A_454 = arith.index_cast %add3A_421 : i32 to index
        %swap3A_455 = arith.constant 64 : index
        %swap3A_456 = tpu.vector_load %arg17[%swap3A_454, %swap3A_455] {strides = array<i32>} : memref<128x128xf32, #tpu.memory_space<vmem>>, vector<16xf32>,
        tpu.vector_store %arg17[%swap3A_454, %swap3A_455], %mul3A_453 {strides = array<i32>} : memref<128x128xf32, #tpu.memory_space<vmem>>, vector<16xf32>,
        %get3A_457 = arith.index_cast %add3A_421 : i32 to index
        %get3A_458 = arith.constant 80 : index
        %get3A_459 = tpu.vector_load %arg17[%get3A_457, %get3A_458] {strides = array<i32>} : memref<128x128xf32, #tpu.memory_space<vmem>>, vector<16xf32>,
        %mul3A_460 = arith.mulf %get3A_459, %gather3A : vector<16xf32>
        %swap3A_461 = arith.index_cast %add3A_421 : i32 to index
        %swap3A_462 = arith.constant 80 : index
        %swap3A_463 = tpu.vector_load %arg17[%swap3A_461, %swap3A_462] {strides = array<i32>} : memref<128x128xf32, #tpu.memory_space<vmem>>, vector<16xf32>,
        tpu.vector_store %arg17[%swap3A_461, %swap3A_462], %mul3A_460 {strides = array<i32>} : memref<128x128xf32, #tpu.memory_space<vmem>>, vector<16xf32>,
        %get3A_464 = arith.index_cast %add3A_421 : i32 to index
        %get3A_465 = arith.constant 96 : index
        %get3A_466 = tpu.vector_load %arg17[%get3A_464, %get3A_465] {strides = array<i32>} : memref<128x128xf32, #tpu.memory_space<vmem>>, vector<16xf32>,
        %mul3A_467 = arith.mulf %get3A_466, %gather3A : vector<16xf32>
        %swap3A_468 = arith.index_cast %add3A_421 : i32 to index
        %swap3A_469 = arith.constant 96 : index
        %swap3A_470 = tpu.vector_load %arg17[%swap3A_468, %swap3A_469] {strides = array<i32>} : memref<128x128xf32, #tpu.memory_space<vmem>>, vector<16xf32>,
        tpu.vector_store %arg17[%swap3A_468, %swap3A_469], %mul3A_467 {strides = array<i32>} : memref<128x128xf32, #tpu.memory_space<vmem>>, vector<16xf32>,
        %get3A_471 = arith.index_cast %add3A_421 : i32 to index
        %get3A_472 = arith.constant 112 : index
        %get3A_473 = tpu.vector_load %arg17[%get3A_471, %get3A_472] {strides = array<i32>} : memref<128x128xf32, #tpu.memory_space<vmem>>, vector<16xf32>,
        %mul3A_474 = arith.mulf %get3A_473, %gather3A : vector<16xf32>
        %swap3A_475 = arith.index_cast %add3A_421 : i32 to index
        %swap3A_476 = arith.constant 112 : index
        %swap3A_477 = tpu.vector_load %arg17[%swap3A_475, %swap3A_476] {strides = array<i32>} : memref<128x128xf32, #tpu.memory_space<vmem>>, vector<16xf32>,
        tpu.vector_store %arg17[%swap3A_475, %swap3A_476], %mul3A_474 {strides = array<i32>} : memref<128x128xf32, #tpu.memory_space<vmem>>, vector<16xf32>,
        %mul3A_478 = arith.constant 2 : i32
        %mul3A_479 = arith.muli %mul3A_478, %scan3A_416 : i32
        %add3A_480 = arith.constant 1 : i32
        %add3A_481 = arith.addi %mul3A_479, %add3A_480 : i32
        %broadcast_in_dim3A_482 = vector.broadcast %add3A_481 : i32 to vector<16xi32>
        %gather3A_483 = tpu.vector_load_idx %arg15[%broadcast_in_dim3A_482] : memref<128xf32, #tpu.memory_space<vmem>>[vector<16xi32>], vector<16xf32>,
        %get3A_484 = arith.index_cast %add3A_481 : i32 to index
        %get3A_485 = arith.constant 0 : index
        %get3A_486 = tpu.vector_load %arg17[%get3A_484, %get3A_485] {strides = array<i32>} : memref<128x128xf32, #tpu.memory_space<vmem>>, vector<16xf32>,
        %mul3A_487 = arith.mulf %get3A_486, %gather3A_483 : vector<16xf32>
        %swap3A_488 = arith.index_cast %add3A_481 : i32 to index
        %swap3A_489 = arith.constant 0 : index
        %swap3A_490 = tpu.vector_load %arg17[%swap3A_488, %swap3A_489] {strides = array<i32>} : memref<128x128xf32, #tpu.memory_space<vmem>>, vector<16xf32>,
        tpu.vector_store %arg17[%swap3A_488, %swap3A_489], %mul3A_487 {strides = array<i32>} : memref<128x128xf32, #tpu.memory_space<vmem>>, vector<16xf32>,
        %get3A_491 = arith.index_cast %add3A_481 : i32 to index
        %get3A_492 = arith.constant 16 : index
        %get3A_493 = tpu.vector_load %arg17[%get3A_491, %get3A_492] {strides = array<i32>} : memref<128x128xf32, #tpu.memory_space<vmem>>, vector<16xf32>,
        %mul3A_494 = arith.mulf %get3A_493, %gather3A_483 : vector<16xf32>
        %swap3A_495 = arith.index_cast %add3A_481 : i32 to index
        %swap3A_496 = arith.constant 16 : index
        %swap3A_497 = tpu.vector_load %arg17[%swap3A_495, %swap3A_496] {strides = array<i32>} : memref<128x128xf32, #tpu.memory_space<vmem>>, vector<16xf32>,
        tpu.vector_store %arg17[%swap3A_495, %swap3A_496], %mul3A_494 {strides = array<i32>} : memref<128x128xf32, #tpu.memory_space<vmem>>, vector<16xf32>,
        %get3A_498 = arith.index_cast %add3A_481 : i32 to index
        %get3A_499 = arith.constant 32 : index
        %get3A_500 = tpu.vector_load %arg17[%get3A_498, %get3A_499] {strides = array<i32>} : memref<128x128xf32, #tpu.memory_space<vmem>>, vector<16xf32>,
        %mul3A_501 = arith.mulf %get3A_500, %gather3A_483 : vector<16xf32>
        %swap3A_502 = arith.index_cast %add3A_481 : i32 to index
        %swap3A_503 = arith.constant 32 : index
        %swap3A_504 = tpu.vector_load %arg17[%swap3A_502, %swap3A_503] {strides = array<i32>} : memref<128x128xf32, #tpu.memory_space<vmem>>, vector<16xf32>,
        tpu.vector_store %arg17[%swap3A_502, %swap3A_503], %mul3A_501 {strides = array<i32>} : memref<128x128xf32, #tpu.memory_space<vmem>>, vector<16xf32>,
        %get3A_505 = arith.index_cast %add3A_481 : i32 to index
        %get3A_506 = arith.constant 48 : index
        %get3A_507 = tpu.vector_load %arg17[%get3A_505, %get3A_506] {strides = array<i32>} : memref<128x128xf32, #tpu.memory_space<vmem>>, vector<16xf32>,
        %mul3A_508 = arith.mulf %get3A_507, %gather3A_483 : vector<16xf32>
        %swap3A_509 = arith.index_cast %add3A_481 : i32 to index
        %swap3A_510 = arith.constant 48 : index
        %swap3A_511 = tpu.vector_load %arg17[%swap3A_509, %swap3A_510] {strides = array<i32>} : memref<128x128xf32, #tpu.memory_space<vmem>>, vector<16xf32>,
        tpu.vector_store %arg17[%swap3A_509, %swap3A_510], %mul3A_508 {strides = array<i32>} : memref<128x128xf32, #tpu.memory_space<vmem>>, vector<16xf32>,
        %get3A_512 = arith.index_cast %add3A_481 : i32 to index
        %get3A_513 = arith.constant 64 : index
        %get3A_514 = tpu.vector_load %arg17[%get3A_512, %get3A_513] {strides = array<i32>} : memref<128x128xf32, #tpu.memory_space<vmem>>, vector<16xf32>,
        %mul3A_515 = arith.mulf %get3A_514, %gather3A_483 : vector<16xf32>
        %swap3A_516 = arith.index_cast %add3A_481 : i32 to index
        %swap3A_517 = arith.constant 64 : index
        %swap3A_518 = tpu.vector_load %arg17[%swap3A_516, %swap3A_517] {strides = array<i32>} : memref<128x128xf32, #tpu.memory_space<vmem>>, vector<16xf32>,
        tpu.vector_store %arg17[%swap3A_516, %swap3A_517], %mul3A_515 {strides = array<i32>} : memref<128x128xf32, #tpu.memory_space<vmem>>, vector<16xf32>,
        %get3A_519 = arith.index_cast %add3A_481 : i32 to index
        %get3A_520 = arith.constant 80 : index
        %get3A_521 = tpu.vector_load %arg17[%get3A_519, %get3A_520] {strides = array<i32>} : memref<128x128xf32, #tpu.memory_space<vmem>>, vector<16xf32>,
        %mul3A_522 = arith.mulf %get3A_521, %gather3A_483 : vector<16xf32>
        %swap3A_523 = arith.index_cast %add3A_481 : i32 to index
        %swap3A_524 = arith.constant 80 : index
        %swap3A_525 = tpu.vector_load %arg17[%swap3A_523, %swap3A_524] {strides = array<i32>} : memref<128x128xf32, #tpu.memory_space<vmem>>, vector<16xf32>,
        tpu.vector_store %arg17[%swap3A_523, %swap3A_524], %mul3A_522 {strides = array<i32>} : memref<128x128xf32, #tpu.memory_space<vmem>>, vector<16xf32>,
        %get3A_526 = arith.index_cast %add3A_481 : i32 to index
        %get3A_527 = arith.constant 96 : index
        %get3A_528 = tpu.vector_load %arg17[%get3A_526, %get3A_527] {strides = array<i32>} : memref<128x128xf32, #tpu.memory_space<vmem>>, vector<16xf32>,
        %mul3A_529 = arith.mulf %get3A_528, %gather3A_483 : vector<16xf32>
        %swap3A_530 = arith.index_cast %add3A_481 : i32 to index
        %swap3A_531 = arith.constant 96 : index
        %swap3A_532 = tpu.vector_load %arg17[%swap3A_530, %swap3A_531] {strides = array<i32>} : memref<128x128xf32, #tpu.memory_space<vmem>>, vector<16xf32>,
        tpu.vector_store %arg17[%swap3A_530, %swap3A_531], %mul3A_529 {strides = array<i32>} : memref<128x128xf32, #tpu.memory_space<vmem>>, vector<16xf32>,
        %get3A_533 = arith.index_cast %add3A_481 : i32 to index
        %get3A_534 = arith.constant 112 : index
        %get3A_535 = tpu.vector_load %arg17[%get3A_533, %get3A_534] {strides = array<i32>} : memref<128x128xf32, #tpu.memory_space<vmem>>, vector<16xf32>,
        %mul3A_536 = arith.mulf %get3A_535, %gather3A_483 : vector<16xf32>
        %swap3A_537 = arith.index_cast %add3A_481 : i32 to index
        %swap3A_538 = arith.constant 112 : index
        %swap3A_539 = tpu.vector_load %arg17[%swap3A_537, %swap3A_538] {strides = array<i32>} : memref<128x128xf32, #tpu.memory_space<vmem>>, vector<16xf32>,
        tpu.vector_store %arg17[%swap3A_537, %swap3A_538], %mul3A_536 {strides = array<i32>} : memref<128x128xf32, #tpu.memory_space<vmem>>, vector<16xf32>,
        %scan3A_540 = arith.constant 0 : i32
        scf.yield %scan3A_540 : i32
      }
      %scan3A_357 = arith.constant 64 : i32
      %get3A_358 = arith.constant 0 : index
      %get3A_359 = tpu.vector_load %arg11[%get3A_358] {strides = array<i32>} : memref<128xi32, #tpu.memory_space<vmem>>, vector<16xi32>,
      %swap3A_360 = arith.constant 0 : index
      %swap3A_361 = tpu.vector_load %arg13[%swap3A_360] {strides = array<i32>} : memref<128xi32, #tpu.memory_space<vmem>>, vector<16xi32>,
      tpu.vector_store %arg13[%swap3A_360], %get3A_359 {strides = array<i32>} : memref<128xi32, #tpu.memory_space<vmem>>, vector<16xi32>,
      %get3A_362 = arith.constant 16 : index
      %get3A_363 = tpu.vector_load %arg11[%get3A_362] {strides = array<i32>} : memref<128xi32, #tpu.memory_space<vmem>>, vector<16xi32>,
      %swap3A_364 = arith.constant 16 : index
      %swap3A_365 = tpu.vector_load %arg13[%swap3A_364] {strides = array<i32>} : memref<128xi32, #tpu.memory_space<vmem>>, vector<16xi32>,
      tpu.vector_store %arg13[%swap3A_364], %get3A_363 {strides = array<i32>} : memref<128xi32, #tpu.memory_space<vmem>>, vector<16xi32>,
      %get3A_366 = arith.constant 32 : index
      %get3A_367 = tpu.vector_load %arg11[%get3A_366] {strides = array<i32>} : memref<128xi32, #tpu.memory_space<vmem>>, vector<16xi32>,
      %swap3A_368 = arith.constant 32 : index
      %swap3A_369 = tpu.vector_load %arg13[%swap3A_368] {strides = array<i32>} : memref<128xi32, #tpu.memory_space<vmem>>, vector<16xi32>,
      tpu.vector_store %arg13[%swap3A_368], %get3A_367 {strides = array<i32>} : memref<128xi32, #tpu.memory_space<vmem>>, vector<16xi32>,
      %get3A_370 = arith.constant 48 : index
      %get3A_371 = tpu.vector_load %arg11[%get3A_370] {strides = array<i32>} : memref<128xi32, #tpu.memory_space<vmem>>, vector<16xi32>,
      %swap3A_372 = arith.constant 48 : index
      %swap3A_373 = tpu.vector_load %arg13[%swap3A_372] {strides = array<i32>} : memref<128xi32, #tpu.memory_space<vmem>>, vector<16xi32>,
      tpu.vector_store %arg13[%swap3A_372], %get3A_371 {strides = array<i32>} : memref<128xi32, #tpu.memory_space<vmem>>, vector<16xi32>,
      %get3A_374 = arith.constant 64 : index
      %get3A_375 = tpu.vector_load %arg11[%get3A_374] {strides = array<i32>} : memref<128xi32, #tpu.memory_space<vmem>>, vector<16xi32>,
      %swap3A_376 = arith.constant 64 : index
      %swap3A_377 = tpu.vector_load %arg13[%swap3A_376] {strides = array<i32>} : memref<128xi32, #tpu.memory_space<vmem>>, vector<16xi32>,
      tpu.vector_store %arg13[%swap3A_376], %get3A_375 {strides = array<i32>} : memref<128xi32, #tpu.memory_space<vmem>>, vector<16xi32>,
      %get3A_378 = arith.constant 80 : index
      %get3A_379 = tpu.vector_load %arg11[%get3A_378] {strides = array<i32>} : memref<128xi32, #tpu.memory_space<vmem>>, vector<16xi32>,
      %swap3A_380 = arith.constant 80 : index
      %swap3A_381 = tpu.vector_load %arg13[%swap3A_380] {strides = array<i32>} : memref<128xi32, #tpu.memory_space<vmem>>, vector<16xi32>,
      tpu.vector_store %arg13[%swap3A_380], %get3A_379 {strides = array<i32>} : memref<128xi32, #tpu.memory_space<vmem>>, vector<16xi32>,
      %get3A_382 = arith.constant 96 : index
      %get3A_383 = tpu.vector_load %arg11[%get3A_382] {strides = array<i32>} : memref<128xi32, #tpu.memory_space<vmem>>, vector<16xi32>,
      %swap3A_384 = arith.constant 96 : index
      %swap3A_385 = tpu.vector_load %arg13[%swap3A_384] {strides = array<i32>} : memref<128xi32, #tpu.memory_space<vmem>>, vector<16xi32>,
      tpu.vector_store %arg13[%swap3A_384], %get3A_383 {strides = array<i32>} : memref<128xi32, #tpu.memory_space<vmem>>, vector<16xi32>,
      %get3A_386 = arith.constant 112 : index
      %get3A_387 = tpu.vector_load %arg11[%get3A_386] {strides = array<i32>} : memref<128xi32, #tpu.memory_space<vmem>>, vector<16xi32>,
      %swap3A_388 = arith.constant 112 : index
      %swap3A_389 = tpu.vector_load %arg13[%swap3A_388] {strides = array<i32>} : memref<128xi32, #tpu.memory_space<vmem>>, vector<16xi32>,
      tpu.vector_store %arg13[%swap3A_388], %get3A_387 {strides = array<i32>} : memref<128xi32, #tpu.memory_space<vmem>>, vector<16xi32>,
      %dma_start3A_390 = arith.constant 0 : i32
      %dma_start3A_391 = arith.constant 0 : i32
      %dma_start3A_392 = tpu.memref_slice %arg7[%dma_start3A_390, %dma_start3A_391] : memref<10000x128xf32, #tpu.memory_space<vmem_shared>> -> memref<10000x128xf32, #tpu.memory_space<vmem_shared>>
      tpu.enqueue_indirect_dma source(%arg17 : memref<128x128xf32, #tpu.memory_space<vmem>>) target(%dma_start3A_392 : memref<10000x128xf32, #tpu.memory_space<vmem_shared>>) offsets(%arg13 : memref<128xi32, #tpu.memory_space<vmem>>) semaphore(%arg23 : memref<!tpu.dma_semaphore, #tpu.memory_space<semaphore_mem>>) {add = true}
      %add3A_393 = arith.constant 2 : i32
      %add3A_394 = arith.addi %add3A_317, %add3A_393 : i32
      %min3A_395 = arith.constant 79 : i32
      %min3A_396 = arith.minsi %add3A_394, %min3A_395 : i32
      %dma_start3A_397 = arith.constant 0 : i32
      %dma_start3A_398 = tpu.memref_slice %arg4[%add3A, %min3A_396, %dma_start3A_397] : memref<32x80x128xi32, #tpu.memory_space<hbm>> -> memref<1x1x128xi32, #tpu.memory_space<hbm>>
      %dma_start3A_399 = tpu.memref_squeeze %dma_start3A_398 : memref<1x1x128xi32, #tpu.memory_space<hbm>> -> memref<128xi32, #tpu.memory_space<hbm>>
      %dma_start3A_400 = arith.constant 0 : i32
      %dma_start3A_401 = tpu.memref_slice %arg4[%add3A, %min3A_396, %dma_start3A_400] : memref<32x80x128xi32, #tpu.memory_space<hbm>> -> memref<1x1x128xi32, #tpu.memory_space<hbm>>
      %dma_start3A_402 = tpu.memref_squeeze %dma_start3A_401 : memref<1x1x128xi32, #tpu.memory_space<hbm>> -> memref<128xi32, #tpu.memory_space<hbm>>
      tpu.enqueue_dma source(%dma_start3A_402 : memref<128xi32, #tpu.memory_space<hbm>>) target(%arg9 : memref<128xi32, #tpu.memory_space<vmem>>) target_semaphore(%arg21 : memref<!tpu.dma_semaphore, #tpu.memory_space<semaphore_mem>>)
      %dma_start3A_403 = arith.constant 0 : i32
      %dma_start3A_404 = tpu.memref_slice %arg5[%add3A, %min3A_396, %dma_start3A_403] : memref<32x80x128xi32, #tpu.memory_space<hbm>> -> memref<1x1x128xi32, #tpu.memory_space<hbm>>
      %dma_start3A_405 = tpu.memref_squeeze %dma_start3A_404 : memref<1x1x128xi32, #tpu.memory_space<hbm>> -> memref<128xi32, #tpu.memory_space<hbm>>
      %dma_start3A_406 = arith.constant 0 : i32
      %dma_start3A_407 = tpu.memref_slice %arg5[%add3A, %min3A_396, %dma_start3A_406] : memref<32x80x128xi32, #tpu.memory_space<hbm>> -> memref<1x1x128xi32, #tpu.memory_space<hbm>>
      %dma_start3A_408 = tpu.memref_squeeze %dma_start3A_407 : memref<1x1x128xi32, #tpu.memory_space<hbm>> -> memref<128xi32, #tpu.memory_space<hbm>>
      tpu.enqueue_dma source(%dma_start3A_408 : memref<128xi32, #tpu.memory_space<hbm>>) target(%arg11 : memref<128xi32, #tpu.memory_space<vmem>>) target_semaphore(%arg21 : memref<!tpu.dma_semaphore, #tpu.memory_space<semaphore_mem>>)
      %dma_start3A_409 = arith.constant 0 : i32
      %dma_start3A_410 = tpu.memref_slice %arg3[%add3A, %min3A_396, %dma_start3A_409] : memref<32x80x128xf32, #tpu.memory_space<hbm>> -> memref<1x1x128xf32, #tpu.memory_space<hbm>>
      %dma_start3A_411 = tpu.memref_squeeze %dma_start3A_410 : memref<1x1x128xf32, #tpu.memory_space<hbm>> -> memref<128xf32, #tpu.memory_space<hbm>>
      %dma_start3A_412 = arith.constant 0 : i32
      %dma_start3A_413 = tpu.memref_slice %arg3[%add3A, %min3A_396, %dma_start3A_412] : memref<32x80x128xf32, #tpu.memory_space<hbm>> -> memref<1x1x128xf32, #tpu.memory_space<hbm>>
      %dma_start3A_414 = tpu.memref_squeeze %dma_start3A_413 : memref<1x1x128xf32, #tpu.memory_space<hbm>> -> memref<128xf32, #tpu.memory_space<hbm>>
      tpu.enqueue_dma source(%dma_start3A_414 : memref<128xf32, #tpu.memory_space<hbm>>) target(%arg15 : memref<128xf32, #tpu.memory_space<vmem>>) target_semaphore(%arg21 : memref<!tpu.dma_semaphore, #tpu.memory_space<semaphore_mem>>)
      %scan3A_415 = arith.constant 0 : i32
      scf.yield %scan3A_415 : i32
    }
    %scan3A_130 = arith.constant 40 : i32
    %dma_wait3A_131 = arith.constant 79 : i32
    %dma_wait3A_132 = arith.constant 0 : i32
    %dma_wait3A_133 = tpu.memref_slice %arg4[%add3A, %dma_wait3A_131, %dma_wait3A_132] : memref<32x80x128xi32, #tpu.memory_space<hbm>> -> memref<1x1x128xi32, #tpu.memory_space<hbm>>
    %dma_wait3A_134 = tpu.memref_squeeze %dma_wait3A_133 : memref<1x1x128xi32, #tpu.memory_space<hbm>> -> memref<128xi32, #tpu.memory_space<hbm>>
    %dma_wait3A_135 = arith.constant 0 : i32
    %dma_wait3A_136 = tpu.memref_slice %arg4[%add3A, %dma_wait3A_131, %dma_wait3A_135] : memref<32x80x128xi32, #tpu.memory_space<hbm>> -> memref<1x1x128xi32, #tpu.memory_space<hbm>>
    %dma_wait3A_137 = tpu.memref_squeeze %dma_wait3A_136 : memref<1x1x128xi32, #tpu.memory_space<hbm>> -> memref<128xi32, #tpu.memory_space<hbm>>
    tpu.wait_dma2 semaphore(%arg21 : memref<!tpu.dma_semaphore, #tpu.memory_space<semaphore_mem>>) src(%dma_wait3A_137 : memref<128xi32, #tpu.memory_space<hbm>>) dst(%arg9 : memref<128xi32, #tpu.memory_space<vmem>>)
    %dma_wait3A_138 = arith.constant 79 : i32
    %dma_wait3A_139 = arith.constant 0 : i32
    %dma_wait3A_140 = tpu.memref_slice %arg5[%add3A, %dma_wait3A_138, %dma_wait3A_139] : memref<32x80x128xi32, #tpu.memory_space<hbm>> -> memref<1x1x128xi32, #tpu.memory_space<hbm>>
    %dma_wait3A_141 = tpu.memref_squeeze %dma_wait3A_140 : memref<1x1x128xi32, #tpu.memory_space<hbm>> -> memref<128xi32, #tpu.memory_space<hbm>>
    %dma_wait3A_142 = arith.constant 0 : i32
    %dma_wait3A_143 = tpu.memref_slice %arg5[%add3A, %dma_wait3A_138, %dma_wait3A_142] : memref<32x80x128xi32, #tpu.memory_space<hbm>> -> memref<1x1x128xi32, #tpu.memory_space<hbm>>
    %dma_wait3A_144 = tpu.memref_squeeze %dma_wait3A_143 : memref<1x1x128xi32, #tpu.memory_space<hbm>> -> memref<128xi32, #tpu.memory_space<hbm>>
    tpu.wait_dma2 semaphore(%arg21 : memref<!tpu.dma_semaphore, #tpu.memory_space<semaphore_mem>>) src(%dma_wait3A_144 : memref<128xi32, #tpu.memory_space<hbm>>) dst(%arg11 : memref<128xi32, #tpu.memory_space<vmem>>)
    %dma_wait3A_145 = arith.constant 79 : i32
    %dma_wait3A_146 = arith.constant 0 : i32
    %dma_wait3A_147 = tpu.memref_slice %arg3[%add3A, %dma_wait3A_145, %dma_wait3A_146] : memref<32x80x128xf32, #tpu.memory_space<hbm>> -> memref<1x1x128xf32, #tpu.memory_space<hbm>>
    %dma_wait3A_148 = tpu.memref_squeeze %dma_wait3A_147 : memref<1x1x128xf32, #tpu.memory_space<hbm>> -> memref<128xf32, #tpu.memory_space<hbm>>
    %dma_wait3A_149 = arith.constant 0 : i32
    %dma_wait3A_150 = tpu.memref_slice %arg3[%add3A, %dma_wait3A_145, %dma_wait3A_149] : memref<32x80x128xf32, #tpu.memory_space<hbm>> -> memref<1x1x128xf32, #tpu.memory_space<hbm>>
    %dma_wait3A_151 = tpu.memref_squeeze %dma_wait3A_150 : memref<1x1x128xf32, #tpu.memory_space<hbm>> -> memref<128xf32, #tpu.memory_space<hbm>>
    tpu.wait_dma2 semaphore(%arg21 : memref<!tpu.dma_semaphore, #tpu.memory_space<semaphore_mem>>) src(%dma_wait3A_151 : memref<128xf32, #tpu.memory_space<hbm>>) dst(%arg15 : memref<128xf32, #tpu.memory_space<vmem>>)
    %dma_wait3A_152 = arith.constant 0 : i32
    %dma_wait3A_153 = arith.constant 0 : i32
    %dma_wait3A_154 = tpu.memref_slice %arg2[%dma_wait3A_152, %dma_wait3A_153] : memref<10000x128xf32, #tpu.memory_space<hbm>> -> memref<10000x128xf32, #tpu.memory_space<hbm>>
    tpu.wait_indirect_dma semaphore(%arg18 : memref<!tpu.dma_semaphore, #tpu.memory_space<semaphore_mem>>) src(%dma_wait3A_154 : memref<10000x128xf32, #tpu.memory_space<hbm>>) dst(%arg16 : memref<128x128xf32, #tpu.memory_space<vmem>>)
    %dma_wait3A_155 = arith.constant 0 : i32
    %dma_wait3A_156 = arith.constant 0 : i32
    %dma_wait3A_157 = tpu.memref_slice %arg7[%dma_wait3A_155, %dma_wait3A_156] : memref<10000x128xf32, #tpu.memory_space<vmem_shared>> -> memref<10000x128xf32, #tpu.memory_space<vmem_shared>>
    tpu.wait_indirect_dma semaphore(%arg23 : memref<!tpu.dma_semaphore, #tpu.memory_space<semaphore_mem>>) src(%arg17 : memref<128x128xf32, #tpu.memory_space<vmem>>) dst(%dma_wait3A_157 : memref<10000x128xf32, #tpu.memory_space<vmem_shared>>)
    %barrier3A_158 = arith.constant 0 : index
    tpu.barrier barrier_id(%barrier3A_158)
    %add3A_159 = arith.constant 0 : i32
    %add3A_160 = arith.addi %arg1, %add3A_159 : i32
    %lt3A_161 = arith.constant 125 : i32
    %lt3A_162 = arith.cmpi slt, %add3A_160, %lt3A_161 : i32
    %convert_element_type3A_163 = arith.extui %lt3A_162 : i1 to i32
    %cond3A_164 = arith.constant 0 : i32
    %cond3A_165 = arith.cmpi ne, %convert_element_type3A_163, %cond3A_164 : i32
    scf.if %cond3A_165 {
      %mul3A_215 = arith.constant 80 : i32
      %mul3A_216 = arith.muli %add3A_160, %mul3A_215 : i32
      "tpu.region"() ({
        %run_scoped3A = tpu.sem_alloc : memref<!tpu.dma_semaphore, #tpu.memory_space<semaphore_mem>>
        %dma_start3A_217 = arith.constant 0 : i32
        %dma_start3A_218 = tpu.memref_slice %arg6[%arg0, %mul3A_216, %dma_start3A_217] : memref<2x10000x128xf32, #tpu.memory_space<hbm>> -> memref<1x80x128xf32, #tpu.memory_space<hbm>>
        %dma_start3A_219 = tpu.memref_squeeze %dma_start3A_218 : memref<1x80x128xf32, #tpu.memory_space<hbm>> -> memref<80x128xf32, #tpu.memory_space<hbm>>
        %dma_start3A_220 = arith.constant 0 : i32
        %dma_start3A_221 = tpu.memref_slice %arg7[%mul3A_216, %dma_start3A_220] : memref<10000x128xf32, #tpu.memory_space<vmem_shared>> -> memref<80x128xf32, #tpu.memory_space<vmem_shared>>
        tpu.enqueue_dma source(%dma_start3A_221 : memref<80x128xf32, #tpu.memory_space<vmem_shared>>) target(%dma_start3A_219 : memref<80x128xf32, #tpu.memory_space<hbm>>) target_semaphore(%run_scoped3A : memref<!tpu.dma_semaphore, #tpu.memory_space<semaphore_mem>>)
        %dma_wait3A_222 = arith.constant 0 : i32
        %dma_wait3A_223 = tpu.memref_slice %arg6[%arg0, %mul3A_216, %dma_wait3A_222] : memref<2x10000x128xf32, #tpu.memory_space<hbm>> -> memref<1x80x128xf32, #tpu.memory_space<hbm>>
        %dma_wait3A_224 = tpu.memref_squeeze %dma_wait3A_223 : memref<1x80x128xf32, #tpu.memory_space<hbm>> -> memref<80x128xf32, #tpu.memory_space<hbm>>
        %dma_wait3A_225 = arith.constant 0 : i32
        %dma_wait3A_226 = tpu.memref_slice %arg7[%mul3A_216, %dma_wait3A_225] : memref<10000x128xf32, #tpu.memory_space<vmem_shared>> -> memref<80x128xf32, #tpu.memory_space<vmem_shared>>
        tpu.wait_dma2 semaphore(%run_scoped3A : memref<!tpu.dma_semaphore, #tpu.memory_space<semaphore_mem>>) src(%dma_wait3A_226 : memref<80x128xf32, #tpu.memory_space<vmem_shared>>) dst(%dma_wait3A_224 : memref<80x128xf32, #tpu.memory_space<hbm>>)
        tpu.yield
      }) : () -> ()
    } else {
    }
    %add3A_166 = arith.constant 16 : i32
    %add3A_167 = arith.addi %arg1, %add3A_166 : i32
    %lt3A_168 = arith.constant 125 : i32
    %lt3A_169 = arith.cmpi slt, %add3A_167, %lt3A_168 : i32
    %convert_element_type3A_170 = arith.extui %lt3A_169 : i1 to i32
    %cond3A_171 = arith.constant 0 : i32
    %cond3A_172 = arith.cmpi ne, %convert_element_type3A_170, %cond3A_171 : i32
    scf.if %cond3A_172 {
      %mul3A_215 = arith.constant 80 : i32
      %mul3A_216 = arith.muli %add3A_167, %mul3A_215 : i32
      "tpu.region"() ({
        %run_scoped3A = tpu.sem_alloc : memref<!tpu.dma_semaphore, #tpu.memory_space<semaphore_mem>>
        %dma_start3A_217 = arith.constant 0 : i32
        %dma_start3A_218 = tpu.memref_slice %arg6[%arg0, %mul3A_216, %dma_start3A_217] : memref<2x10000x128xf32, #tpu.memory_space<hbm>> -> memref<1x80x128xf32, #tpu.memory_space<hbm>>
        %dma_start3A_219 = tpu.memref_squeeze %dma_start3A_218 : memref<1x80x128xf32, #tpu.memory_space<hbm>> -> memref<80x128xf32, #tpu.memory_space<hbm>>
        %dma_start3A_220 = arith.constant 0 : i32
        %dma_start3A_221 = tpu.memref_slice %arg7[%mul3A_216, %dma_start3A_220] : memref<10000x128xf32, #tpu.memory_space<vmem_shared>> -> memref<80x128xf32, #tpu.memory_space<vmem_shared>>
        tpu.enqueue_dma source(%dma_start3A_221 : memref<80x128xf32, #tpu.memory_space<vmem_shared>>) target(%dma_start3A_219 : memref<80x128xf32, #tpu.memory_space<hbm>>) target_semaphore(%run_scoped3A : memref<!tpu.dma_semaphore, #tpu.memory_space<semaphore_mem>>)
        %dma_wait3A_222 = arith.constant 0 : i32
        %dma_wait3A_223 = tpu.memref_slice %arg6[%arg0, %mul3A_216, %dma_wait3A_222] : memref<2x10000x128xf32, #tpu.memory_space<hbm>> -> memref<1x80x128xf32, #tpu.memory_space<hbm>>
        %dma_wait3A_224 = tpu.memref_squeeze %dma_wait3A_223 : memref<1x80x128xf32, #tpu.memory_space<hbm>> -> memref<80x128xf32, #tpu.memory_space<hbm>>
        %dma_wait3A_225 = arith.constant 0 : i32
        %dma_wait3A_226 = tpu.memref_slice %arg7[%mul3A_216, %dma_wait3A_225] : memref<10000x128xf32, #tpu.memory_space<vmem_shared>> -> memref<80x128xf32, #tpu.memory_space<vmem_shared>>
        tpu.wait_dma2 semaphore(%run_scoped3A : memref<!tpu.dma_semaphore, #tpu.memory_space<semaphore_mem>>) src(%dma_wait3A_226 : memref<80x128xf32, #tpu.memory_space<vmem_shared>>) dst(%dma_wait3A_224 : memref<80x128xf32, #tpu.memory_space<hbm>>)
        tpu.yield
      }) : () -> ()
    } else {
    }
    %add3A_173 = arith.constant 32 : i32
    %add3A_174 = arith.addi %arg1, %add3A_173 : i32
    %lt3A_175 = arith.constant 125 : i32
    %lt3A_176 = arith.cmpi slt, %add3A_174, %lt3A_175 : i32
    %convert_element_type3A_177 = arith.extui %lt3A_176 : i1 to i32
    %cond3A_178 = arith.constant 0 : i32
    %cond3A_179 = arith.cmpi ne, %convert_element_type3A_177, %cond3A_178 : i32
    scf.if %cond3A_179 {
      %mul3A_215 = arith.constant 80 : i32
      %mul3A_216 = arith.muli %add3A_174, %mul3A_215 : i32
      "tpu.region"() ({
        %run_scoped3A = tpu.sem_alloc : memref<!tpu.dma_semaphore, #tpu.memory_space<semaphore_mem>>
        %dma_start3A_217 = arith.constant 0 : i32
        %dma_start3A_218 = tpu.memref_slice %arg6[%arg0, %mul3A_216, %dma_start3A_217] : memref<2x10000x128xf32, #tpu.memory_space<hbm>> -> memref<1x80x128xf32, #tpu.memory_space<hbm>>
        %dma_start3A_219 = tpu.memref_squeeze %dma_start3A_218 : memref<1x80x128xf32, #tpu.memory_space<hbm>> -> memref<80x128xf32, #tpu.memory_space<hbm>>
        %dma_start3A_220 = arith.constant 0 : i32
        %dma_start3A_221 = tpu.memref_slice %arg7[%mul3A_216, %dma_start3A_220] : memref<10000x128xf32, #tpu.memory_space<vmem_shared>> -> memref<80x128xf32, #tpu.memory_space<vmem_shared>>
        tpu.enqueue_dma source(%dma_start3A_221 : memref<80x128xf32, #tpu.memory_space<vmem_shared>>) target(%dma_start3A_219 : memref<80x128xf32, #tpu.memory_space<hbm>>) target_semaphore(%run_scoped3A : memref<!tpu.dma_semaphore, #tpu.memory_space<semaphore_mem>>)
        %dma_wait3A_222 = arith.constant 0 : i32
        %dma_wait3A_223 = tpu.memref_slice %arg6[%arg0, %mul3A_216, %dma_wait3A_222] : memref<2x10000x128xf32, #tpu.memory_space<hbm>> -> memref<1x80x128xf32, #tpu.memory_space<hbm>>
        %dma_wait3A_224 = tpu.memref_squeeze %dma_wait3A_223 : memref<1x80x128xf32, #tpu.memory_space<hbm>> -> memref<80x128xf32, #tpu.memory_space<hbm>>
        %dma_wait3A_225 = arith.constant 0 : i32
        %dma_wait3A_226 = tpu.memref_slice %arg7[%mul3A_216, %dma_wait3A_225] : memref<10000x128xf32, #tpu.memory_space<vmem_shared>> -> memref<80x128xf32, #tpu.memory_space<vmem_shared>>
        tpu.wait_dma2 semaphore(%run_scoped3A : memref<!tpu.dma_semaphore, #tpu.memory_space<semaphore_mem>>) src(%dma_wait3A_226 : memref<80x128xf32, #tpu.memory_space<vmem_shared>>) dst(%dma_wait3A_224 : memref<80x128xf32, #tpu.memory_space<hbm>>)
        tpu.yield
      }) : () -> ()
    } else {
    }
    %add3A_180 = arith.constant 48 : i32
    %add3A_181 = arith.addi %arg1, %add3A_180 : i32
    %lt3A_182 = arith.constant 125 : i32
    %lt3A_183 = arith.cmpi slt, %add3A_181, %lt3A_182 : i32
    %convert_element_type3A_184 = arith.extui %lt3A_183 : i1 to i32
    %cond3A_185 = arith.constant 0 : i32
    %cond3A_186 = arith.cmpi ne, %convert_element_type3A_184, %cond3A_185 : i32
    scf.if %cond3A_186 {
      %mul3A_215 = arith.constant 80 : i32
      %mul3A_216 = arith.muli %add3A_181, %mul3A_215 : i32
      "tpu.region"() ({
        %run_scoped3A = tpu.sem_alloc : memref<!tpu.dma_semaphore, #tpu.memory_space<semaphore_mem>>
        %dma_start3A_217 = arith.constant 0 : i32
        %dma_start3A_218 = tpu.memref_slice %arg6[%arg0, %mul3A_216, %dma_start3A_217] : memref<2x10000x128xf32, #tpu.memory_space<hbm>> -> memref<1x80x128xf32, #tpu.memory_space<hbm>>
        %dma_start3A_219 = tpu.memref_squeeze %dma_start3A_218 : memref<1x80x128xf32, #tpu.memory_space<hbm>> -> memref<80x128xf32, #tpu.memory_space<hbm>>
        %dma_start3A_220 = arith.constant 0 : i32
        %dma_start3A_221 = tpu.memref_slice %arg7[%mul3A_216, %dma_start3A_220] : memref<10000x128xf32, #tpu.memory_space<vmem_shared>> -> memref<80x128xf32, #tpu.memory_space<vmem_shared>>
        tpu.enqueue_dma source(%dma_start3A_221 : memref<80x128xf32, #tpu.memory_space<vmem_shared>>) target(%dma_start3A_219 : memref<80x128xf32, #tpu.memory_space<hbm>>) target_semaphore(%run_scoped3A : memref<!tpu.dma_semaphore, #tpu.memory_space<semaphore_mem>>)
        %dma_wait3A_222 = arith.constant 0 : i32
        %dma_wait3A_223 = tpu.memref_slice %arg6[%arg0, %mul3A_216, %dma_wait3A_222] : memref<2x10000x128xf32, #tpu.memory_space<hbm>> -> memref<1x80x128xf32, #tpu.memory_space<hbm>>
        %dma_wait3A_224 = tpu.memref_squeeze %dma_wait3A_223 : memref<1x80x128xf32, #tpu.memory_space<hbm>> -> memref<80x128xf32, #tpu.memory_space<hbm>>
        %dma_wait3A_225 = arith.constant 0 : i32
        %dma_wait3A_226 = tpu.memref_slice %arg7[%mul3A_216, %dma_wait3A_225] : memref<10000x128xf32, #tpu.memory_space<vmem_shared>> -> memref<80x128xf32, #tpu.memory_space<vmem_shared>>
        tpu.wait_dma2 semaphore(%run_scoped3A : memref<!tpu.dma_semaphore, #tpu.memory_space<semaphore_mem>>) src(%dma_wait3A_226 : memref<80x128xf32, #tpu.memory_space<vmem_shared>>) dst(%dma_wait3A_224 : memref<80x128xf32, #tpu.memory_space<hbm>>)
        tpu.yield
      }) : () -> ()
    } else {
    }
    %add3A_187 = arith.constant 64 : i32
    %add3A_188 = arith.addi %arg1, %add3A_187 : i32
    %lt3A_189 = arith.constant 125 : i32
    %lt3A_190 = arith.cmpi slt, %add3A_188, %lt3A_189 : i32
    %convert_element_type3A_191 = arith.extui %lt3A_190 : i1 to i32
    %cond3A_192 = arith.constant 0 : i32
    %cond3A_193 = arith.cmpi ne, %convert_element_type3A_191, %cond3A_192 : i32
    scf.if %cond3A_193 {
      %mul3A_215 = arith.constant 80 : i32
      %mul3A_216 = arith.muli %add3A_188, %mul3A_215 : i32
      "tpu.region"() ({
        %run_scoped3A = tpu.sem_alloc : memref<!tpu.dma_semaphore, #tpu.memory_space<semaphore_mem>>
        %dma_start3A_217 = arith.constant 0 : i32
        %dma_start3A_218 = tpu.memref_slice %arg6[%arg0, %mul3A_216, %dma_start3A_217] : memref<2x10000x128xf32, #tpu.memory_space<hbm>> -> memref<1x80x128xf32, #tpu.memory_space<hbm>>
        %dma_start3A_219 = tpu.memref_squeeze %dma_start3A_218 : memref<1x80x128xf32, #tpu.memory_space<hbm>> -> memref<80x128xf32, #tpu.memory_space<hbm>>
        %dma_start3A_220 = arith.constant 0 : i32
        %dma_start3A_221 = tpu.memref_slice %arg7[%mul3A_216, %dma_start3A_220] : memref<10000x128xf32, #tpu.memory_space<vmem_shared>> -> memref<80x128xf32, #tpu.memory_space<vmem_shared>>
        tpu.enqueue_dma source(%dma_start3A_221 : memref<80x128xf32, #tpu.memory_space<vmem_shared>>) target(%dma_start3A_219 : memref<80x128xf32, #tpu.memory_space<hbm>>) target_semaphore(%run_scoped3A : memref<!tpu.dma_semaphore, #tpu.memory_space<semaphore_mem>>)
        %dma_wait3A_222 = arith.constant 0 : i32
        %dma_wait3A_223 = tpu.memref_slice %arg6[%arg0, %mul3A_216, %dma_wait3A_222] : memref<2x10000x128xf32, #tpu.memory_space<hbm>> -> memref<1x80x128xf32, #tpu.memory_space<hbm>>
        %dma_wait3A_224 = tpu.memref_squeeze %dma_wait3A_223 : memref<1x80x128xf32, #tpu.memory_space<hbm>> -> memref<80x128xf32, #tpu.memory_space<hbm>>
        %dma_wait3A_225 = arith.constant 0 : i32
        %dma_wait3A_226 = tpu.memref_slice %arg7[%mul3A_216, %dma_wait3A_225] : memref<10000x128xf32, #tpu.memory_space<vmem_shared>> -> memref<80x128xf32, #tpu.memory_space<vmem_shared>>
        tpu.wait_dma2 semaphore(%run_scoped3A : memref<!tpu.dma_semaphore, #tpu.memory_space<semaphore_mem>>) src(%dma_wait3A_226 : memref<80x128xf32, #tpu.memory_space<vmem_shared>>) dst(%dma_wait3A_224 : memref<80x128xf32, #tpu.memory_space<hbm>>)
        tpu.yield
      }) : () -> ()
    } else {
    }
    %add3A_194 = arith.constant 80 : i32
    %add3A_195 = arith.addi %arg1, %add3A_194 : i32
    %lt3A_196 = arith.constant 125 : i32
    %lt3A_197 = arith.cmpi slt, %add3A_195, %lt3A_196 : i32
    %convert_element_type3A_198 = arith.extui %lt3A_197 : i1 to i32
    %cond3A_199 = arith.constant 0 : i32
    %cond3A_200 = arith.cmpi ne, %convert_element_type3A_198, %cond3A_199 : i32
    scf.if %cond3A_200 {
      %mul3A_215 = arith.constant 80 : i32
      %mul3A_216 = arith.muli %add3A_195, %mul3A_215 : i32
      "tpu.region"() ({
        %run_scoped3A = tpu.sem_alloc : memref<!tpu.dma_semaphore, #tpu.memory_space<semaphore_mem>>
        %dma_start3A_217 = arith.constant 0 : i32
        %dma_start3A_218 = tpu.memref_slice %arg6[%arg0, %mul3A_216, %dma_start3A_217] : memref<2x10000x128xf32, #tpu.memory_space<hbm>> -> memref<1x80x128xf32, #tpu.memory_space<hbm>>
        %dma_start3A_219 = tpu.memref_squeeze %dma_start3A_218 : memref<1x80x128xf32, #tpu.memory_space<hbm>> -> memref<80x128xf32, #tpu.memory_space<hbm>>
        %dma_start3A_220 = arith.constant 0 : i32
        %dma_start3A_221 = tpu.memref_slice %arg7[%mul3A_216, %dma_start3A_220] : memref<10000x128xf32, #tpu.memory_space<vmem_shared>> -> memref<80x128xf32, #tpu.memory_space<vmem_shared>>
        tpu.enqueue_dma source(%dma_start3A_221 : memref<80x128xf32, #tpu.memory_space<vmem_shared>>) target(%dma_start3A_219 : memref<80x128xf32, #tpu.memory_space<hbm>>) target_semaphore(%run_scoped3A : memref<!tpu.dma_semaphore, #tpu.memory_space<semaphore_mem>>)
        %dma_wait3A_222 = arith.constant 0 : i32
        %dma_wait3A_223 = tpu.memref_slice %arg6[%arg0, %mul3A_216, %dma_wait3A_222] : memref<2x10000x128xf32, #tpu.memory_space<hbm>> -> memref<1x80x128xf32, #tpu.memory_space<hbm>>
        %dma_wait3A_224 = tpu.memref_squeeze %dma_wait3A_223 : memref<1x80x128xf32, #tpu.memory_space<hbm>> -> memref<80x128xf32, #tpu.memory_space<hbm>>
        %dma_wait3A_225 = arith.constant 0 : i32
        %dma_wait3A_226 = tpu.memref_slice %arg7[%mul3A_216, %dma_wait3A_225] : memref<10000x128xf32, #tpu.memory_space<vmem_shared>> -> memref<80x128xf32, #tpu.memory_space<vmem_shared>>
        tpu.wait_dma2 semaphore(%run_scoped3A : memref<!tpu.dma_semaphore, #tpu.memory_space<semaphore_mem>>) src(%dma_wait3A_226 : memref<80x128xf32, #tpu.memory_space<vmem_shared>>) dst(%dma_wait3A_224 : memref<80x128xf32, #tpu.memory_space<hbm>>)
        tpu.yield
      }) : () -> ()
    } else {
    }
    %add3A_201 = arith.constant 96 : i32
    %add3A_202 = arith.addi %arg1, %add3A_201 : i32
    %lt3A_203 = arith.constant 125 : i32
    %lt3A_204 = arith.cmpi slt, %add3A_202, %lt3A_203 : i32
    %convert_element_type3A_205 = arith.extui %lt3A_204 : i1 to i32
    %cond3A_206 = arith.constant 0 : i32
    %cond3A_207 = arith.cmpi ne, %convert_element_type3A_205, %cond3A_206 : i32
    scf.if %cond3A_207 {
      %mul3A_215 = arith.constant 80 : i32
      %mul3A_216 = arith.muli %add3A_202, %mul3A_215 : i32
      "tpu.region"() ({
        %run_scoped3A = tpu.sem_alloc : memref<!tpu.dma_semaphore, #tpu.memory_space<semaphore_mem>>
        %dma_start3A_217 = arith.constant 0 : i32
        %dma_start3A_218 = tpu.memref_slice %arg6[%arg0, %mul3A_216, %dma_start3A_217] : memref<2x10000x128xf32, #tpu.memory_space<hbm>> -> memref<1x80x128xf32, #tpu.memory_space<hbm>>
        %dma_start3A_219 = tpu.memref_squeeze %dma_start3A_218 : memref<1x80x128xf32, #tpu.memory_space<hbm>> -> memref<80x128xf32, #tpu.memory_space<hbm>>
        %dma_start3A_220 = arith.constant 0 : i32
        %dma_start3A_221 = tpu.memref_slice %arg7[%mul3A_216, %dma_start3A_220] : memref<10000x128xf32, #tpu.memory_space<vmem_shared>> -> memref<80x128xf32, #tpu.memory_space<vmem_shared>>
        tpu.enqueue_dma source(%dma_start3A_221 : memref<80x128xf32, #tpu.memory_space<vmem_shared>>) target(%dma_start3A_219 : memref<80x128xf32, #tpu.memory_space<hbm>>) target_semaphore(%run_scoped3A : memref<!tpu.dma_semaphore, #tpu.memory_space<semaphore_mem>>)
        %dma_wait3A_222 = arith.constant 0 : i32
        %dma_wait3A_223 = tpu.memref_slice %arg6[%arg0, %mul3A_216, %dma_wait3A_222] : memref<2x10000x128xf32, #tpu.memory_space<hbm>> -> memref<1x80x128xf32, #tpu.memory_space<hbm>>
        %dma_wait3A_224 = tpu.memref_squeeze %dma_wait3A_223 : memref<1x80x128xf32, #tpu.memory_space<hbm>> -> memref<80x128xf32, #tpu.memory_space<hbm>>
        %dma_wait3A_225 = arith.constant 0 : i32
        %dma_wait3A_226 = tpu.memref_slice %arg7[%mul3A_216, %dma_wait3A_225] : memref<10000x128xf32, #tpu.memory_space<vmem_shared>> -> memref<80x128xf32, #tpu.memory_space<vmem_shared>>
        tpu.wait_dma2 semaphore(%run_scoped3A : memref<!tpu.dma_semaphore, #tpu.memory_space<semaphore_mem>>) src(%dma_wait3A_226 : memref<80x128xf32, #tpu.memory_space<vmem_shared>>) dst(%dma_wait3A_224 : memref<80x128xf32, #tpu.memory_space<hbm>>)
        tpu.yield
      }) : () -> ()
    } else {
    }
    %add3A_208 = arith.constant 112 : i32
    %add3A_209 = arith.addi %arg1, %add3A_208 : i32
    %lt3A_210 = arith.constant 125 : i32
    %lt3A_211 = arith.cmpi slt, %add3A_209, %lt3A_210 : i32
    %convert_element_type3A_212 = arith.extui %lt3A_211 : i1 to i32
    %cond3A_213 = arith.constant 0 : i32
    %cond3A_214 = arith.cmpi ne, %convert_element_type3A_212, %cond3A_213 : i32
    scf.if %cond3A_214 {
      %mul3A_215 = arith.constant 80 : i32
      %mul3A_216 = arith.muli %add3A_209, %mul3A_215 : i32
      "tpu.region"() ({
        %run_scoped3A = tpu.sem_alloc : memref<!tpu.dma_semaphore, #tpu.memory_space<semaphore_mem>>
        %dma_start3A_217 = arith.constant 0 : i32
        %dma_start3A_218 = tpu.memref_slice %arg6[%arg0, %mul3A_216, %dma_start3A_217] : memref<2x10000x128xf32, #tpu.memory_space<hbm>> -> memref<1x80x128xf32, #tpu.memory_space<hbm>>
        %dma_start3A_219 = tpu.memref_squeeze %dma_start3A_218 : memref<1x80x128xf32, #tpu.memory_space<hbm>> -> memref<80x128xf32, #tpu.memory_space<hbm>>
        %dma_start3A_220 = arith.constant 0 : i32
        %dma_start3A_221 = tpu.memref_slice %arg7[%mul3A_216, %dma_start3A_220] : memref<10000x128xf32, #tpu.memory_space<vmem_shared>> -> memref<80x128xf32, #tpu.memory_space<vmem_shared>>
        tpu.enqueue_dma source(%dma_start3A_221 : memref<80x128xf32, #tpu.memory_space<vmem_shared>>) target(%dma_start3A_219 : memref<80x128xf32, #tpu.memory_space<hbm>>) target_semaphore(%run_scoped3A : memref<!tpu.dma_semaphore, #tpu.memory_space<semaphore_mem>>)
        %dma_wait3A_222 = arith.constant 0 : i32
        %dma_wait3A_223 = tpu.memref_slice %arg6[%arg0, %mul3A_216, %dma_wait3A_222] : memref<2x10000x128xf32, #tpu.memory_space<hbm>> -> memref<1x80x128xf32, #tpu.memory_space<hbm>>
        %dma_wait3A_224 = tpu.memref_squeeze %dma_wait3A_223 : memref<1x80x128xf32, #tpu.memory_space<hbm>> -> memref<80x128xf32, #tpu.memory_space<hbm>>
        %dma_wait3A_225 = arith.constant 0 : i32
        %dma_wait3A_226 = tpu.memref_slice %arg7[%mul3A_216, %dma_wait3A_225] : memref<10000x128xf32, #tpu.memory_space<vmem_shared>> -> memref<80x128xf32, #tpu.memory_space<vmem_shared>>
        tpu.wait_dma2 semaphore(%run_scoped3A : memref<!tpu.dma_semaphore, #tpu.memory_space<semaphore_mem>>) src(%dma_wait3A_226 : memref<80x128xf32, #tpu.memory_space<vmem_shared>>) dst(%dma_wait3A_224 : memref<80x128xf32, #tpu.memory_space<hbm>>)
        tpu.yield
      }) : () -> ()
    } else {
    }
    return
  }
}

#map = affine_map<(d0, d1) -> (0, 0)>
#map1 = affine_map<(d0, d1) -> (0, 0, 0, 0)>
#map2 = affine_map<(d0, d1) -> (0, 0, 0)>
module attributes {stable_mosaic.version = 14 : i64} {
  func.func @_logit_body(%arg0: i32, %arg1: i32, %arg2: memref<10000x80xi32, #tpu.memory_space<hbm>>, %arg3: memref<10000x64xi32, #tpu.memory_space<hbm>>, %arg4: memref<32x80x128x16xf32, #tpu.memory_space<hbm>>, %arg5: memref<32x80x128xi32, #tpu.memory_space<hbm>>, %arg6: memref<32x80x128xi32, #tpu.memory_space<hbm>>, %arg7: memref<32x80x128xf32, #tpu.memory_space<hbm>>, %arg8: memref<2x10000x32xf32, #tpu.memory_space<hbm>>, %arg9: memref<10000x32xf32, #tpu.memory_space<vmem_shared>>, %arg10: memref<128xi32, #tpu.memory_space<vmem>>, %arg11: memref<128xi32, #tpu.memory_space<vmem>>, %arg12: memref<128xi32, #tpu.memory_space<vmem>>, %arg13: memref<128xi32, #tpu.memory_space<vmem>>, %arg14: memref<128xi32, #tpu.memory_space<vmem>>, %arg15: memref<128xi32, #tpu.memory_space<vmem>>, %arg16: memref<128x16xf32, #tpu.memory_space<vmem>>, %arg17: memref<128x16xf32, #tpu.memory_space<vmem>>, %arg18: memref<128x80xi32, #tpu.memory_space<vmem>>, %arg19: memref<128x80xi32, #tpu.memory_space<vmem>>, %arg20: memref<128x64xi32, #tpu.memory_space<vmem>>, %arg21: memref<128x64xi32, #tpu.memory_space<vmem>>, %arg22: memref<128x32xf32, #tpu.memory_space<vmem>>, %arg23: memref<128x32xf32, #tpu.memory_space<vmem>>, %arg24: memref<128xf32, #tpu.memory_space<vmem>>, %arg25: memref<128xf32, #tpu.memory_space<vmem>>, %arg26: memref<!tpu.dma_semaphore, #tpu.memory_space<semaphore_mem>>, %arg27: memref<!tpu.dma_semaphore, #tpu.memory_space<semaphore_mem>>, %arg28: memref<!tpu.dma_semaphore, #tpu.memory_space<semaphore_mem>>, %arg29: memref<!tpu.dma_semaphore, #tpu.memory_space<semaphore_mem>>, %arg30: memref<!tpu.dma_semaphore, #tpu.memory_space<semaphore_mem>>, %arg31: memref<!tpu.dma_semaphore, #tpu.memory_space<semaphore_mem>>, %arg32: memref<!tpu.dma_semaphore, #tpu.memory_space<semaphore_mem>>, %arg33: memref<!tpu.dma_semaphore, #tpu.memory_space<semaphore_mem>>, %arg34: memref<!tpu.dma_semaphore, #tpu.memory_space<semaphore_mem>>, %arg35: memref<!tpu.dma_semaphore, #tpu.memory_space<semaphore_mem>>) attributes {dimension_semantics = [#tpu.dimension_semantics<core_parallel>, #tpu.dimension_semantics<subcore_parallel>], iteration_bounds = array<i64: 2, 16>, scalar_prefetch = 0 : i64, scratch_operands = 27 : i64, tpu.core_type = #tpu.core_type<sc_vector_subcore>, window_params = [{transform_indices = #map}, {transform_indices = #map}, {transform_indices = #map1}, {transform_indices = #map2}, {transform_indices = #map2}, {transform_indices = #map2}, {transform_indices = #map2}]} {
    %mul3A = arith.constant 16 : i32
    %mul3A_0 = arith.muli %arg0, %mul3A : i32
    %add3A = arith.addi %mul3A_0, %arg1 : i32
    %iota3A = tpu.iota {dimensions = array<i32: 0>} : vector<16xi32>
    %scan3A = arith.constant 0 : i32
    %scan3A_1 = arith.constant 0 : i32
    %scan3A_2 = arith.constant 128 : i32
    %scan3A_3 = arith.addi %scan3A_1, %scan3A_2 : i32
    %scan3A_4 = arith.constant 1 : i32
    %scan3A_5 = scf.for %scan3A_298 = %scan3A_1 to %scan3A_3 step %scan3A_4 iter_args(%scan3A_299 = %scan3A) -> (i32)  : i32 {
      %broadcast_in_dim3A = arith.constant 0.000000e+00 : f32
      %broadcast_in_dim3A_300 = vector.broadcast %broadcast_in_dim3A : f32 to vector<16xf32>
      %swap3A = arith.index_cast %scan3A_298 : i32 to index
      %swap3A_301 = arith.constant 0 : index
      %swap3A_302 = tpu.vector_load %arg22[%swap3A, %swap3A_301] {strides = array<i32>} : memref<128x32xf32, #tpu.memory_space<vmem>>, vector<16xf32>,
      tpu.vector_store %arg22[%swap3A, %swap3A_301], %broadcast_in_dim3A_300 {strides = array<i32>} : memref<128x32xf32, #tpu.memory_space<vmem>>, vector<16xf32>,
      %broadcast_in_dim3A_303 = arith.constant 0.000000e+00 : f32
      %broadcast_in_dim3A_304 = vector.broadcast %broadcast_in_dim3A_303 : f32 to vector<16xf32>
      %swap3A_305 = arith.index_cast %scan3A_298 : i32 to index
      %swap3A_306 = arith.constant 16 : index
      %swap3A_307 = tpu.vector_load %arg22[%swap3A_305, %swap3A_306] {strides = array<i32>} : memref<128x32xf32, #tpu.memory_space<vmem>>, vector<16xf32>,
      tpu.vector_store %arg22[%swap3A_305, %swap3A_306], %broadcast_in_dim3A_304 {strides = array<i32>} : memref<128x32xf32, #tpu.memory_space<vmem>>, vector<16xf32>,
      %scan3A_308 = arith.constant 0 : i32
      scf.yield %scan3A_308 : i32
    }
    %scan3A_6 = arith.constant 128 : i32
    %add3A_7 = arith.constant 0 : i32
    %add3A_8 = arith.addi %arg1, %add3A_7 : i32
    %lt3A = arith.constant 125 : i32
    %lt3A_9 = arith.cmpi slt, %add3A_8, %lt3A : i32
    %convert_element_type3A = arith.extui %lt3A_9 : i1 to i32
    %cond3A = arith.constant 0 : i32
    %cond3A_10 = arith.cmpi ne, %convert_element_type3A, %cond3A : i32
    scf.if %cond3A_10 {
      %mul3A_298 = arith.constant 80 : i32
      %mul3A_299 = arith.muli %add3A_8, %mul3A_298 : i32
      "tpu.region"() ({
        %run_scoped3A = tpu.sem_alloc : memref<!tpu.dma_semaphore, #tpu.memory_space<semaphore_mem>>
        %dma_start3A_300 = arith.constant 0 : i32
        %dma_start3A_301 = arith.constant 0 : i32
        %dma_start3A_302 = tpu.memref_slice %arg22[%dma_start3A_300, %dma_start3A_301] : memref<128x32xf32, #tpu.memory_space<vmem>> -> memref<80x32xf32, #tpu.memory_space<vmem>>
        %dma_start3A_303 = arith.constant 0 : i32
        %dma_start3A_304 = tpu.memref_slice %arg9[%mul3A_299, %dma_start3A_303] : memref<10000x32xf32, #tpu.memory_space<vmem_shared>> -> memref<80x32xf32, #tpu.memory_space<vmem_shared>>
        %dma_start3A_305 = arith.constant 0 : i32
        %dma_start3A_306 = tpu.memref_slice %arg9[%mul3A_299, %dma_start3A_305] : memref<10000x32xf32, #tpu.memory_space<vmem_shared>> -> memref<80x32xf32, #tpu.memory_space<vmem_shared>>
        %dma_start3A_307 = arith.constant 0 : i32
        %dma_start3A_308 = arith.constant 0 : i32
        %dma_start3A_309 = tpu.memref_slice %arg22[%dma_start3A_307, %dma_start3A_308] : memref<128x32xf32, #tpu.memory_space<vmem>> -> memref<80x32xf32, #tpu.memory_space<vmem>>
        tpu.enqueue_dma source(%dma_start3A_309 : memref<80x32xf32, #tpu.memory_space<vmem>>) target(%dma_start3A_306 : memref<80x32xf32, #tpu.memory_space<vmem_shared>>) target_semaphore(%run_scoped3A : memref<!tpu.dma_semaphore, #tpu.memory_space<semaphore_mem>>)
        %dma_wait3A_310 = arith.constant 0 : i32
        %dma_wait3A_311 = arith.constant 0 : i32
        %dma_wait3A_312 = tpu.memref_slice %arg22[%dma_wait3A_310, %dma_wait3A_311] : memref<128x32xf32, #tpu.memory_space<vmem>> -> memref<80x32xf32, #tpu.memory_space<vmem>>
        %dma_wait3A_313 = arith.constant 0 : i32
        %dma_wait3A_314 = tpu.memref_slice %arg9[%mul3A_299, %dma_wait3A_313] : memref<10000x32xf32, #tpu.memory_space<vmem_shared>> -> memref<80x32xf32, #tpu.memory_space<vmem_shared>>
        %dma_wait3A_315 = arith.constant 0 : i32
        %dma_wait3A_316 = tpu.memref_slice %arg9[%mul3A_299, %dma_wait3A_315] : memref<10000x32xf32, #tpu.memory_space<vmem_shared>> -> memref<80x32xf32, #tpu.memory_space<vmem_shared>>
        %dma_wait3A_317 = arith.constant 0 : i32
        %dma_wait3A_318 = arith.constant 0 : i32
        %dma_wait3A_319 = tpu.memref_slice %arg22[%dma_wait3A_317, %dma_wait3A_318] : memref<128x32xf32, #tpu.memory_space<vmem>> -> memref<80x32xf32, #tpu.memory_space<vmem>>
        tpu.wait_dma2 semaphore(%run_scoped3A : memref<!tpu.dma_semaphore, #tpu.memory_space<semaphore_mem>>) src(%dma_wait3A_319 : memref<80x32xf32, #tpu.memory_space<vmem>>) dst(%dma_wait3A_316 : memref<80x32xf32, #tpu.memory_space<vmem_shared>>)
        tpu.yield
      }) : () -> ()
    } else {
    }
    %add3A_11 = arith.constant 16 : i32
    %add3A_12 = arith.addi %arg1, %add3A_11 : i32
    %lt3A_13 = arith.constant 125 : i32
    %lt3A_14 = arith.cmpi slt, %add3A_12, %lt3A_13 : i32
    %convert_element_type3A_15 = arith.extui %lt3A_14 : i1 to i32
    %cond3A_16 = arith.constant 0 : i32
    %cond3A_17 = arith.cmpi ne, %convert_element_type3A_15, %cond3A_16 : i32
    scf.if %cond3A_17 {
      %mul3A_298 = arith.constant 80 : i32
      %mul3A_299 = arith.muli %add3A_12, %mul3A_298 : i32
      "tpu.region"() ({
        %run_scoped3A = tpu.sem_alloc : memref<!tpu.dma_semaphore, #tpu.memory_space<semaphore_mem>>
        %dma_start3A_300 = arith.constant 0 : i32
        %dma_start3A_301 = arith.constant 0 : i32
        %dma_start3A_302 = tpu.memref_slice %arg22[%dma_start3A_300, %dma_start3A_301] : memref<128x32xf32, #tpu.memory_space<vmem>> -> memref<80x32xf32, #tpu.memory_space<vmem>>
        %dma_start3A_303 = arith.constant 0 : i32
        %dma_start3A_304 = tpu.memref_slice %arg9[%mul3A_299, %dma_start3A_303] : memref<10000x32xf32, #tpu.memory_space<vmem_shared>> -> memref<80x32xf32, #tpu.memory_space<vmem_shared>>
        %dma_start3A_305 = arith.constant 0 : i32
        %dma_start3A_306 = tpu.memref_slice %arg9[%mul3A_299, %dma_start3A_305] : memref<10000x32xf32, #tpu.memory_space<vmem_shared>> -> memref<80x32xf32, #tpu.memory_space<vmem_shared>>
        %dma_start3A_307 = arith.constant 0 : i32
        %dma_start3A_308 = arith.constant 0 : i32
        %dma_start3A_309 = tpu.memref_slice %arg22[%dma_start3A_307, %dma_start3A_308] : memref<128x32xf32, #tpu.memory_space<vmem>> -> memref<80x32xf32, #tpu.memory_space<vmem>>
        tpu.enqueue_dma source(%dma_start3A_309 : memref<80x32xf32, #tpu.memory_space<vmem>>) target(%dma_start3A_306 : memref<80x32xf32, #tpu.memory_space<vmem_shared>>) target_semaphore(%run_scoped3A : memref<!tpu.dma_semaphore, #tpu.memory_space<semaphore_mem>>)
        %dma_wait3A_310 = arith.constant 0 : i32
        %dma_wait3A_311 = arith.constant 0 : i32
        %dma_wait3A_312 = tpu.memref_slice %arg22[%dma_wait3A_310, %dma_wait3A_311] : memref<128x32xf32, #tpu.memory_space<vmem>> -> memref<80x32xf32, #tpu.memory_space<vmem>>
        %dma_wait3A_313 = arith.constant 0 : i32
        %dma_wait3A_314 = tpu.memref_slice %arg9[%mul3A_299, %dma_wait3A_313] : memref<10000x32xf32, #tpu.memory_space<vmem_shared>> -> memref<80x32xf32, #tpu.memory_space<vmem_shared>>
        %dma_wait3A_315 = arith.constant 0 : i32
        %dma_wait3A_316 = tpu.memref_slice %arg9[%mul3A_299, %dma_wait3A_315] : memref<10000x32xf32, #tpu.memory_space<vmem_shared>> -> memref<80x32xf32, #tpu.memory_space<vmem_shared>>
        %dma_wait3A_317 = arith.constant 0 : i32
        %dma_wait3A_318 = arith.constant 0 : i32
        %dma_wait3A_319 = tpu.memref_slice %arg22[%dma_wait3A_317, %dma_wait3A_318] : memref<128x32xf32, #tpu.memory_space<vmem>> -> memref<80x32xf32, #tpu.memory_space<vmem>>
        tpu.wait_dma2 semaphore(%run_scoped3A : memref<!tpu.dma_semaphore, #tpu.memory_space<semaphore_mem>>) src(%dma_wait3A_319 : memref<80x32xf32, #tpu.memory_space<vmem>>) dst(%dma_wait3A_316 : memref<80x32xf32, #tpu.memory_space<vmem_shared>>)
        tpu.yield
      }) : () -> ()
    } else {
    }
    %add3A_18 = arith.constant 32 : i32
    %add3A_19 = arith.addi %arg1, %add3A_18 : i32
    %lt3A_20 = arith.constant 125 : i32
    %lt3A_21 = arith.cmpi slt, %add3A_19, %lt3A_20 : i32
    %convert_element_type3A_22 = arith.extui %lt3A_21 : i1 to i32
    %cond3A_23 = arith.constant 0 : i32
    %cond3A_24 = arith.cmpi ne, %convert_element_type3A_22, %cond3A_23 : i32
    scf.if %cond3A_24 {
      %mul3A_298 = arith.constant 80 : i32
      %mul3A_299 = arith.muli %add3A_19, %mul3A_298 : i32
      "tpu.region"() ({
        %run_scoped3A = tpu.sem_alloc : memref<!tpu.dma_semaphore, #tpu.memory_space<semaphore_mem>>
        %dma_start3A_300 = arith.constant 0 : i32
        %dma_start3A_301 = arith.constant 0 : i32
        %dma_start3A_302 = tpu.memref_slice %arg22[%dma_start3A_300, %dma_start3A_301] : memref<128x32xf32, #tpu.memory_space<vmem>> -> memref<80x32xf32, #tpu.memory_space<vmem>>
        %dma_start3A_303 = arith.constant 0 : i32
        %dma_start3A_304 = tpu.memref_slice %arg9[%mul3A_299, %dma_start3A_303] : memref<10000x32xf32, #tpu.memory_space<vmem_shared>> -> memref<80x32xf32, #tpu.memory_space<vmem_shared>>
        %dma_start3A_305 = arith.constant 0 : i32
        %dma_start3A_306 = tpu.memref_slice %arg9[%mul3A_299, %dma_start3A_305] : memref<10000x32xf32, #tpu.memory_space<vmem_shared>> -> memref<80x32xf32, #tpu.memory_space<vmem_shared>>
        %dma_start3A_307 = arith.constant 0 : i32
        %dma_start3A_308 = arith.constant 0 : i32
        %dma_start3A_309 = tpu.memref_slice %arg22[%dma_start3A_307, %dma_start3A_308] : memref<128x32xf32, #tpu.memory_space<vmem>> -> memref<80x32xf32, #tpu.memory_space<vmem>>
        tpu.enqueue_dma source(%dma_start3A_309 : memref<80x32xf32, #tpu.memory_space<vmem>>) target(%dma_start3A_306 : memref<80x32xf32, #tpu.memory_space<vmem_shared>>) target_semaphore(%run_scoped3A : memref<!tpu.dma_semaphore, #tpu.memory_space<semaphore_mem>>)
        %dma_wait3A_310 = arith.constant 0 : i32
        %dma_wait3A_311 = arith.constant 0 : i32
        %dma_wait3A_312 = tpu.memref_slice %arg22[%dma_wait3A_310, %dma_wait3A_311] : memref<128x32xf32, #tpu.memory_space<vmem>> -> memref<80x32xf32, #tpu.memory_space<vmem>>
        %dma_wait3A_313 = arith.constant 0 : i32
        %dma_wait3A_314 = tpu.memref_slice %arg9[%mul3A_299, %dma_wait3A_313] : memref<10000x32xf32, #tpu.memory_space<vmem_shared>> -> memref<80x32xf32, #tpu.memory_space<vmem_shared>>
        %dma_wait3A_315 = arith.constant 0 : i32
        %dma_wait3A_316 = tpu.memref_slice %arg9[%mul3A_299, %dma_wait3A_315] : memref<10000x32xf32, #tpu.memory_space<vmem_shared>> -> memref<80x32xf32, #tpu.memory_space<vmem_shared>>
        %dma_wait3A_317 = arith.constant 0 : i32
        %dma_wait3A_318 = arith.constant 0 : i32
        %dma_wait3A_319 = tpu.memref_slice %arg22[%dma_wait3A_317, %dma_wait3A_318] : memref<128x32xf32, #tpu.memory_space<vmem>> -> memref<80x32xf32, #tpu.memory_space<vmem>>
        tpu.wait_dma2 semaphore(%run_scoped3A : memref<!tpu.dma_semaphore, #tpu.memory_space<semaphore_mem>>) src(%dma_wait3A_319 : memref<80x32xf32, #tpu.memory_space<vmem>>) dst(%dma_wait3A_316 : memref<80x32xf32, #tpu.memory_space<vmem_shared>>)
        tpu.yield
      }) : () -> ()
    } else {
    }
    %add3A_25 = arith.constant 48 : i32
    %add3A_26 = arith.addi %arg1, %add3A_25 : i32
    %lt3A_27 = arith.constant 125 : i32
    %lt3A_28 = arith.cmpi slt, %add3A_26, %lt3A_27 : i32
    %convert_element_type3A_29 = arith.extui %lt3A_28 : i1 to i32
    %cond3A_30 = arith.constant 0 : i32
    %cond3A_31 = arith.cmpi ne, %convert_element_type3A_29, %cond3A_30 : i32
    scf.if %cond3A_31 {
      %mul3A_298 = arith.constant 80 : i32
      %mul3A_299 = arith.muli %add3A_26, %mul3A_298 : i32
      "tpu.region"() ({
        %run_scoped3A = tpu.sem_alloc : memref<!tpu.dma_semaphore, #tpu.memory_space<semaphore_mem>>
        %dma_start3A_300 = arith.constant 0 : i32
        %dma_start3A_301 = arith.constant 0 : i32
        %dma_start3A_302 = tpu.memref_slice %arg22[%dma_start3A_300, %dma_start3A_301] : memref<128x32xf32, #tpu.memory_space<vmem>> -> memref<80x32xf32, #tpu.memory_space<vmem>>
        %dma_start3A_303 = arith.constant 0 : i32
        %dma_start3A_304 = tpu.memref_slice %arg9[%mul3A_299, %dma_start3A_303] : memref<10000x32xf32, #tpu.memory_space<vmem_shared>> -> memref<80x32xf32, #tpu.memory_space<vmem_shared>>
        %dma_start3A_305 = arith.constant 0 : i32
        %dma_start3A_306 = tpu.memref_slice %arg9[%mul3A_299, %dma_start3A_305] : memref<10000x32xf32, #tpu.memory_space<vmem_shared>> -> memref<80x32xf32, #tpu.memory_space<vmem_shared>>
        %dma_start3A_307 = arith.constant 0 : i32
        %dma_start3A_308 = arith.constant 0 : i32
        %dma_start3A_309 = tpu.memref_slice %arg22[%dma_start3A_307, %dma_start3A_308] : memref<128x32xf32, #tpu.memory_space<vmem>> -> memref<80x32xf32, #tpu.memory_space<vmem>>
        tpu.enqueue_dma source(%dma_start3A_309 : memref<80x32xf32, #tpu.memory_space<vmem>>) target(%dma_start3A_306 : memref<80x32xf32, #tpu.memory_space<vmem_shared>>) target_semaphore(%run_scoped3A : memref<!tpu.dma_semaphore, #tpu.memory_space<semaphore_mem>>)
        %dma_wait3A_310 = arith.constant 0 : i32
        %dma_wait3A_311 = arith.constant 0 : i32
        %dma_wait3A_312 = tpu.memref_slice %arg22[%dma_wait3A_310, %dma_wait3A_311] : memref<128x32xf32, #tpu.memory_space<vmem>> -> memref<80x32xf32, #tpu.memory_space<vmem>>
        %dma_wait3A_313 = arith.constant 0 : i32
        %dma_wait3A_314 = tpu.memref_slice %arg9[%mul3A_299, %dma_wait3A_313] : memref<10000x32xf32, #tpu.memory_space<vmem_shared>> -> memref<80x32xf32, #tpu.memory_space<vmem_shared>>
        %dma_wait3A_315 = arith.constant 0 : i32
        %dma_wait3A_316 = tpu.memref_slice %arg9[%mul3A_299, %dma_wait3A_315] : memref<10000x32xf32, #tpu.memory_space<vmem_shared>> -> memref<80x32xf32, #tpu.memory_space<vmem_shared>>
        %dma_wait3A_317 = arith.constant 0 : i32
        %dma_wait3A_318 = arith.constant 0 : i32
        %dma_wait3A_319 = tpu.memref_slice %arg22[%dma_wait3A_317, %dma_wait3A_318] : memref<128x32xf32, #tpu.memory_space<vmem>> -> memref<80x32xf32, #tpu.memory_space<vmem>>
        tpu.wait_dma2 semaphore(%run_scoped3A : memref<!tpu.dma_semaphore, #tpu.memory_space<semaphore_mem>>) src(%dma_wait3A_319 : memref<80x32xf32, #tpu.memory_space<vmem>>) dst(%dma_wait3A_316 : memref<80x32xf32, #tpu.memory_space<vmem_shared>>)
        tpu.yield
      }) : () -> ()
    } else {
    }
    %add3A_32 = arith.constant 64 : i32
    %add3A_33 = arith.addi %arg1, %add3A_32 : i32
    %lt3A_34 = arith.constant 125 : i32
    %lt3A_35 = arith.cmpi slt, %add3A_33, %lt3A_34 : i32
    %convert_element_type3A_36 = arith.extui %lt3A_35 : i1 to i32
    %cond3A_37 = arith.constant 0 : i32
    %cond3A_38 = arith.cmpi ne, %convert_element_type3A_36, %cond3A_37 : i32
    scf.if %cond3A_38 {
      %mul3A_298 = arith.constant 80 : i32
      %mul3A_299 = arith.muli %add3A_33, %mul3A_298 : i32
      "tpu.region"() ({
        %run_scoped3A = tpu.sem_alloc : memref<!tpu.dma_semaphore, #tpu.memory_space<semaphore_mem>>
        %dma_start3A_300 = arith.constant 0 : i32
        %dma_start3A_301 = arith.constant 0 : i32
        %dma_start3A_302 = tpu.memref_slice %arg22[%dma_start3A_300, %dma_start3A_301] : memref<128x32xf32, #tpu.memory_space<vmem>> -> memref<80x32xf32, #tpu.memory_space<vmem>>
        %dma_start3A_303 = arith.constant 0 : i32
        %dma_start3A_304 = tpu.memref_slice %arg9[%mul3A_299, %dma_start3A_303] : memref<10000x32xf32, #tpu.memory_space<vmem_shared>> -> memref<80x32xf32, #tpu.memory_space<vmem_shared>>
        %dma_start3A_305 = arith.constant 0 : i32
        %dma_start3A_306 = tpu.memref_slice %arg9[%mul3A_299, %dma_start3A_305] : memref<10000x32xf32, #tpu.memory_space<vmem_shared>> -> memref<80x32xf32, #tpu.memory_space<vmem_shared>>
        %dma_start3A_307 = arith.constant 0 : i32
        %dma_start3A_308 = arith.constant 0 : i32
        %dma_start3A_309 = tpu.memref_slice %arg22[%dma_start3A_307, %dma_start3A_308] : memref<128x32xf32, #tpu.memory_space<vmem>> -> memref<80x32xf32, #tpu.memory_space<vmem>>
        tpu.enqueue_dma source(%dma_start3A_309 : memref<80x32xf32, #tpu.memory_space<vmem>>) target(%dma_start3A_306 : memref<80x32xf32, #tpu.memory_space<vmem_shared>>) target_semaphore(%run_scoped3A : memref<!tpu.dma_semaphore, #tpu.memory_space<semaphore_mem>>)
        %dma_wait3A_310 = arith.constant 0 : i32
        %dma_wait3A_311 = arith.constant 0 : i32
        %dma_wait3A_312 = tpu.memref_slice %arg22[%dma_wait3A_310, %dma_wait3A_311] : memref<128x32xf32, #tpu.memory_space<vmem>> -> memref<80x32xf32, #tpu.memory_space<vmem>>
        %dma_wait3A_313 = arith.constant 0 : i32
        %dma_wait3A_314 = tpu.memref_slice %arg9[%mul3A_299, %dma_wait3A_313] : memref<10000x32xf32, #tpu.memory_space<vmem_shared>> -> memref<80x32xf32, #tpu.memory_space<vmem_shared>>
        %dma_wait3A_315 = arith.constant 0 : i32
        %dma_wait3A_316 = tpu.memref_slice %arg9[%mul3A_299, %dma_wait3A_315] : memref<10000x32xf32, #tpu.memory_space<vmem_shared>> -> memref<80x32xf32, #tpu.memory_space<vmem_shared>>
        %dma_wait3A_317 = arith.constant 0 : i32
        %dma_wait3A_318 = arith.constant 0 : i32
        %dma_wait3A_319 = tpu.memref_slice %arg22[%dma_wait3A_317, %dma_wait3A_318] : memref<128x32xf32, #tpu.memory_space<vmem>> -> memref<80x32xf32, #tpu.memory_space<vmem>>
        tpu.wait_dma2 semaphore(%run_scoped3A : memref<!tpu.dma_semaphore, #tpu.memory_space<semaphore_mem>>) src(%dma_wait3A_319 : memref<80x32xf32, #tpu.memory_space<vmem>>) dst(%dma_wait3A_316 : memref<80x32xf32, #tpu.memory_space<vmem_shared>>)
        tpu.yield
      }) : () -> ()
    } else {
    }
    %add3A_39 = arith.constant 80 : i32
    %add3A_40 = arith.addi %arg1, %add3A_39 : i32
    %lt3A_41 = arith.constant 125 : i32
    %lt3A_42 = arith.cmpi slt, %add3A_40, %lt3A_41 : i32
    %convert_element_type3A_43 = arith.extui %lt3A_42 : i1 to i32
    %cond3A_44 = arith.constant 0 : i32
    %cond3A_45 = arith.cmpi ne, %convert_element_type3A_43, %cond3A_44 : i32
    scf.if %cond3A_45 {
      %mul3A_298 = arith.constant 80 : i32
      %mul3A_299 = arith.muli %add3A_40, %mul3A_298 : i32
      "tpu.region"() ({
        %run_scoped3A = tpu.sem_alloc : memref<!tpu.dma_semaphore, #tpu.memory_space<semaphore_mem>>
        %dma_start3A_300 = arith.constant 0 : i32
        %dma_start3A_301 = arith.constant 0 : i32
        %dma_start3A_302 = tpu.memref_slice %arg22[%dma_start3A_300, %dma_start3A_301] : memref<128x32xf32, #tpu.memory_space<vmem>> -> memref<80x32xf32, #tpu.memory_space<vmem>>
        %dma_start3A_303 = arith.constant 0 : i32
        %dma_start3A_304 = tpu.memref_slice %arg9[%mul3A_299, %dma_start3A_303] : memref<10000x32xf32, #tpu.memory_space<vmem_shared>> -> memref<80x32xf32, #tpu.memory_space<vmem_shared>>
        %dma_start3A_305 = arith.constant 0 : i32
        %dma_start3A_306 = tpu.memref_slice %arg9[%mul3A_299, %dma_start3A_305] : memref<10000x32xf32, #tpu.memory_space<vmem_shared>> -> memref<80x32xf32, #tpu.memory_space<vmem_shared>>
        %dma_start3A_307 = arith.constant 0 : i32
        %dma_start3A_308 = arith.constant 0 : i32
        %dma_start3A_309 = tpu.memref_slice %arg22[%dma_start3A_307, %dma_start3A_308] : memref<128x32xf32, #tpu.memory_space<vmem>> -> memref<80x32xf32, #tpu.memory_space<vmem>>
        tpu.enqueue_dma source(%dma_start3A_309 : memref<80x32xf32, #tpu.memory_space<vmem>>) target(%dma_start3A_306 : memref<80x32xf32, #tpu.memory_space<vmem_shared>>) target_semaphore(%run_scoped3A : memref<!tpu.dma_semaphore, #tpu.memory_space<semaphore_mem>>)
        %dma_wait3A_310 = arith.constant 0 : i32
        %dma_wait3A_311 = arith.constant 0 : i32
        %dma_wait3A_312 = tpu.memref_slice %arg22[%dma_wait3A_310, %dma_wait3A_311] : memref<128x32xf32, #tpu.memory_space<vmem>> -> memref<80x32xf32, #tpu.memory_space<vmem>>
        %dma_wait3A_313 = arith.constant 0 : i32
        %dma_wait3A_314 = tpu.memref_slice %arg9[%mul3A_299, %dma_wait3A_313] : memref<10000x32xf32, #tpu.memory_space<vmem_shared>> -> memref<80x32xf32, #tpu.memory_space<vmem_shared>>
        %dma_wait3A_315 = arith.constant 0 : i32
        %dma_wait3A_316 = tpu.memref_slice %arg9[%mul3A_299, %dma_wait3A_315] : memref<10000x32xf32, #tpu.memory_space<vmem_shared>> -> memref<80x32xf32, #tpu.memory_space<vmem_shared>>
        %dma_wait3A_317 = arith.constant 0 : i32
        %dma_wait3A_318 = arith.constant 0 : i32
        %dma_wait3A_319 = tpu.memref_slice %arg22[%dma_wait3A_317, %dma_wait3A_318] : memref<128x32xf32, #tpu.memory_space<vmem>> -> memref<80x32xf32, #tpu.memory_space<vmem>>
        tpu.wait_dma2 semaphore(%run_scoped3A : memref<!tpu.dma_semaphore, #tpu.memory_space<semaphore_mem>>) src(%dma_wait3A_319 : memref<80x32xf32, #tpu.memory_space<vmem>>) dst(%dma_wait3A_316 : memref<80x32xf32, #tpu.memory_space<vmem_shared>>)
        tpu.yield
      }) : () -> ()
    } else {
    }
    %add3A_46 = arith.constant 96 : i32
    %add3A_47 = arith.addi %arg1, %add3A_46 : i32
    %lt3A_48 = arith.constant 125 : i32
    %lt3A_49 = arith.cmpi slt, %add3A_47, %lt3A_48 : i32
    %convert_element_type3A_50 = arith.extui %lt3A_49 : i1 to i32
    %cond3A_51 = arith.constant 0 : i32
    %cond3A_52 = arith.cmpi ne, %convert_element_type3A_50, %cond3A_51 : i32
    scf.if %cond3A_52 {
      %mul3A_298 = arith.constant 80 : i32
      %mul3A_299 = arith.muli %add3A_47, %mul3A_298 : i32
      "tpu.region"() ({
        %run_scoped3A = tpu.sem_alloc : memref<!tpu.dma_semaphore, #tpu.memory_space<semaphore_mem>>
        %dma_start3A_300 = arith.constant 0 : i32
        %dma_start3A_301 = arith.constant 0 : i32
        %dma_start3A_302 = tpu.memref_slice %arg22[%dma_start3A_300, %dma_start3A_301] : memref<128x32xf32, #tpu.memory_space<vmem>> -> memref<80x32xf32, #tpu.memory_space<vmem>>
        %dma_start3A_303 = arith.constant 0 : i32
        %dma_start3A_304 = tpu.memref_slice %arg9[%mul3A_299, %dma_start3A_303] : memref<10000x32xf32, #tpu.memory_space<vmem_shared>> -> memref<80x32xf32, #tpu.memory_space<vmem_shared>>
        %dma_start3A_305 = arith.constant 0 : i32
        %dma_start3A_306 = tpu.memref_slice %arg9[%mul3A_299, %dma_start3A_305] : memref<10000x32xf32, #tpu.memory_space<vmem_shared>> -> memref<80x32xf32, #tpu.memory_space<vmem_shared>>
        %dma_start3A_307 = arith.constant 0 : i32
        %dma_start3A_308 = arith.constant 0 : i32
        %dma_start3A_309 = tpu.memref_slice %arg22[%dma_start3A_307, %dma_start3A_308] : memref<128x32xf32, #tpu.memory_space<vmem>> -> memref<80x32xf32, #tpu.memory_space<vmem>>
        tpu.enqueue_dma source(%dma_start3A_309 : memref<80x32xf32, #tpu.memory_space<vmem>>) target(%dma_start3A_306 : memref<80x32xf32, #tpu.memory_space<vmem_shared>>) target_semaphore(%run_scoped3A : memref<!tpu.dma_semaphore, #tpu.memory_space<semaphore_mem>>)
        %dma_wait3A_310 = arith.constant 0 : i32
        %dma_wait3A_311 = arith.constant 0 : i32
        %dma_wait3A_312 = tpu.memref_slice %arg22[%dma_wait3A_310, %dma_wait3A_311] : memref<128x32xf32, #tpu.memory_space<vmem>> -> memref<80x32xf32, #tpu.memory_space<vmem>>
        %dma_wait3A_313 = arith.constant 0 : i32
        %dma_wait3A_314 = tpu.memref_slice %arg9[%mul3A_299, %dma_wait3A_313] : memref<10000x32xf32, #tpu.memory_space<vmem_shared>> -> memref<80x32xf32, #tpu.memory_space<vmem_shared>>
        %dma_wait3A_315 = arith.constant 0 : i32
        %dma_wait3A_316 = tpu.memref_slice %arg9[%mul3A_299, %dma_wait3A_315] : memref<10000x32xf32, #tpu.memory_space<vmem_shared>> -> memref<80x32xf32, #tpu.memory_space<vmem_shared>>
        %dma_wait3A_317 = arith.constant 0 : i32
        %dma_wait3A_318 = arith.constant 0 : i32
        %dma_wait3A_319 = tpu.memref_slice %arg22[%dma_wait3A_317, %dma_wait3A_318] : memref<128x32xf32, #tpu.memory_space<vmem>> -> memref<80x32xf32, #tpu.memory_space<vmem>>
        tpu.wait_dma2 semaphore(%run_scoped3A : memref<!tpu.dma_semaphore, #tpu.memory_space<semaphore_mem>>) src(%dma_wait3A_319 : memref<80x32xf32, #tpu.memory_space<vmem>>) dst(%dma_wait3A_316 : memref<80x32xf32, #tpu.memory_space<vmem_shared>>)
        tpu.yield
      }) : () -> ()
    } else {
    }
    %add3A_53 = arith.constant 112 : i32
    %add3A_54 = arith.addi %arg1, %add3A_53 : i32
    %lt3A_55 = arith.constant 125 : i32
    %lt3A_56 = arith.cmpi slt, %add3A_54, %lt3A_55 : i32
    %convert_element_type3A_57 = arith.extui %lt3A_56 : i1 to i32
    %cond3A_58 = arith.constant 0 : i32
    %cond3A_59 = arith.cmpi ne, %convert_element_type3A_57, %cond3A_58 : i32
    scf.if %cond3A_59 {
      %mul3A_298 = arith.constant 80 : i32
      %mul3A_299 = arith.muli %add3A_54, %mul3A_298 : i32
      "tpu.region"() ({
        %run_scoped3A = tpu.sem_alloc : memref<!tpu.dma_semaphore, #tpu.memory_space<semaphore_mem>>
        %dma_start3A_300 = arith.constant 0 : i32
        %dma_start3A_301 = arith.constant 0 : i32
        %dma_start3A_302 = tpu.memref_slice %arg22[%dma_start3A_300, %dma_start3A_301] : memref<128x32xf32, #tpu.memory_space<vmem>> -> memref<80x32xf32, #tpu.memory_space<vmem>>
        %dma_start3A_303 = arith.constant 0 : i32
        %dma_start3A_304 = tpu.memref_slice %arg9[%mul3A_299, %dma_start3A_303] : memref<10000x32xf32, #tpu.memory_space<vmem_shared>> -> memref<80x32xf32, #tpu.memory_space<vmem_shared>>
        %dma_start3A_305 = arith.constant 0 : i32
        %dma_start3A_306 = tpu.memref_slice %arg9[%mul3A_299, %dma_start3A_305] : memref<10000x32xf32, #tpu.memory_space<vmem_shared>> -> memref<80x32xf32, #tpu.memory_space<vmem_shared>>
        %dma_start3A_307 = arith.constant 0 : i32
        %dma_start3A_308 = arith.constant 0 : i32
        %dma_start3A_309 = tpu.memref_slice %arg22[%dma_start3A_307, %dma_start3A_308] : memref<128x32xf32, #tpu.memory_space<vmem>> -> memref<80x32xf32, #tpu.memory_space<vmem>>
        tpu.enqueue_dma source(%dma_start3A_309 : memref<80x32xf32, #tpu.memory_space<vmem>>) target(%dma_start3A_306 : memref<80x32xf32, #tpu.memory_space<vmem_shared>>) target_semaphore(%run_scoped3A : memref<!tpu.dma_semaphore, #tpu.memory_space<semaphore_mem>>)
        %dma_wait3A_310 = arith.constant 0 : i32
        %dma_wait3A_311 = arith.constant 0 : i32
        %dma_wait3A_312 = tpu.memref_slice %arg22[%dma_wait3A_310, %dma_wait3A_311] : memref<128x32xf32, #tpu.memory_space<vmem>> -> memref<80x32xf32, #tpu.memory_space<vmem>>
        %dma_wait3A_313 = arith.constant 0 : i32
        %dma_wait3A_314 = tpu.memref_slice %arg9[%mul3A_299, %dma_wait3A_313] : memref<10000x32xf32, #tpu.memory_space<vmem_shared>> -> memref<80x32xf32, #tpu.memory_space<vmem_shared>>
        %dma_wait3A_315 = arith.constant 0 : i32
        %dma_wait3A_316 = tpu.memref_slice %arg9[%mul3A_299, %dma_wait3A_315] : memref<10000x32xf32, #tpu.memory_space<vmem_shared>> -> memref<80x32xf32, #tpu.memory_space<vmem_shared>>
        %dma_wait3A_317 = arith.constant 0 : i32
        %dma_wait3A_318 = arith.constant 0 : i32
        %dma_wait3A_319 = tpu.memref_slice %arg22[%dma_wait3A_317, %dma_wait3A_318] : memref<128x32xf32, #tpu.memory_space<vmem>> -> memref<80x32xf32, #tpu.memory_space<vmem>>
        tpu.wait_dma2 semaphore(%run_scoped3A : memref<!tpu.dma_semaphore, #tpu.memory_space<semaphore_mem>>) src(%dma_wait3A_319 : memref<80x32xf32, #tpu.memory_space<vmem>>) dst(%dma_wait3A_316 : memref<80x32xf32, #tpu.memory_space<vmem_shared>>)
        tpu.yield
      }) : () -> ()
    } else {
    }
    %barrier3A = arith.constant 0 : index
    tpu.barrier barrier_id(%barrier3A)
    %dma_start3A = arith.constant 0 : i32
    %dma_start3A_60 = arith.constant 0 : i32
    %dma_start3A_61 = tpu.memref_slice %arg5[%add3A, %dma_start3A, %dma_start3A_60] : memref<32x80x128xi32, #tpu.memory_space<hbm>> -> memref<1x1x128xi32, #tpu.memory_space<hbm>>
    %dma_start3A_62 = tpu.memref_squeeze %dma_start3A_61 : memref<1x1x128xi32, #tpu.memory_space<hbm>> -> memref<128xi32, #tpu.memory_space<hbm>>
    %dma_start3A_63 = arith.constant 0 : i32
    %dma_start3A_64 = tpu.memref_slice %arg5[%add3A, %dma_start3A, %dma_start3A_63] : memref<32x80x128xi32, #tpu.memory_space<hbm>> -> memref<1x1x128xi32, #tpu.memory_space<hbm>>
    %dma_start3A_65 = tpu.memref_squeeze %dma_start3A_64 : memref<1x1x128xi32, #tpu.memory_space<hbm>> -> memref<128xi32, #tpu.memory_space<hbm>>
    tpu.enqueue_dma source(%dma_start3A_65 : memref<128xi32, #tpu.memory_space<hbm>>) target(%arg10 : memref<128xi32, #tpu.memory_space<vmem>>) target_semaphore(%arg30 : memref<!tpu.dma_semaphore, #tpu.memory_space<semaphore_mem>>)
    %dma_start3A_66 = arith.constant 0 : i32
    %dma_start3A_67 = arith.constant 0 : i32
    %dma_start3A_68 = tpu.memref_slice %arg6[%add3A, %dma_start3A_66, %dma_start3A_67] : memref<32x80x128xi32, #tpu.memory_space<hbm>> -> memref<1x1x128xi32, #tpu.memory_space<hbm>>
    %dma_start3A_69 = tpu.memref_squeeze %dma_start3A_68 : memref<1x1x128xi32, #tpu.memory_space<hbm>> -> memref<128xi32, #tpu.memory_space<hbm>>
    %dma_start3A_70 = arith.constant 0 : i32
    %dma_start3A_71 = tpu.memref_slice %arg6[%add3A, %dma_start3A_66, %dma_start3A_70] : memref<32x80x128xi32, #tpu.memory_space<hbm>> -> memref<1x1x128xi32, #tpu.memory_space<hbm>>
    %dma_start3A_72 = tpu.memref_squeeze %dma_start3A_71 : memref<1x1x128xi32, #tpu.memory_space<hbm>> -> memref<128xi32, #tpu.memory_space<hbm>>
    tpu.enqueue_dma source(%dma_start3A_72 : memref<128xi32, #tpu.memory_space<hbm>>) target(%arg12 : memref<128xi32, #tpu.memory_space<vmem>>) target_semaphore(%arg30 : memref<!tpu.dma_semaphore, #tpu.memory_space<semaphore_mem>>)
    %dma_start3A_73 = arith.constant 0 : i32
    %dma_start3A_74 = arith.constant 0 : i32
    %dma_start3A_75 = arith.constant 0 : i32
    %dma_start3A_76 = tpu.memref_slice %arg4[%add3A, %dma_start3A_73, %dma_start3A_74, %dma_start3A_75] : memref<32x80x128x16xf32, #tpu.memory_space<hbm>> -> memref<1x1x128x16xf32, #tpu.memory_space<hbm>>
    %dma_start3A_77 = tpu.memref_squeeze %dma_start3A_76 : memref<1x1x128x16xf32, #tpu.memory_space<hbm>> -> memref<128x16xf32, #tpu.memory_space<hbm>>
    %dma_start3A_78 = arith.constant 0 : i32
    %dma_start3A_79 = arith.constant 0 : i32
    %dma_start3A_80 = tpu.memref_slice %arg4[%add3A, %dma_start3A_73, %dma_start3A_78, %dma_start3A_79] : memref<32x80x128x16xf32, #tpu.memory_space<hbm>> -> memref<1x1x128x16xf32, #tpu.memory_space<hbm>>
    %dma_start3A_81 = tpu.memref_squeeze %dma_start3A_80 : memref<1x1x128x16xf32, #tpu.memory_space<hbm>> -> memref<128x16xf32, #tpu.memory_space<hbm>>
    tpu.enqueue_dma source(%dma_start3A_81 : memref<128x16xf32, #tpu.memory_space<hbm>>) target(%arg16 : memref<128x16xf32, #tpu.memory_space<vmem>>) target_semaphore(%arg30 : memref<!tpu.dma_semaphore, #tpu.memory_space<semaphore_mem>>)
    %dma_wait3A = arith.constant 0 : i32
    %dma_wait3A_82 = arith.constant 0 : i32
    %dma_wait3A_83 = tpu.memref_slice %arg5[%add3A, %dma_wait3A, %dma_wait3A_82] : memref<32x80x128xi32, #tpu.memory_space<hbm>> -> memref<1x1x128xi32, #tpu.memory_space<hbm>>
    %dma_wait3A_84 = tpu.memref_squeeze %dma_wait3A_83 : memref<1x1x128xi32, #tpu.memory_space<hbm>> -> memref<128xi32, #tpu.memory_space<hbm>>
    %dma_wait3A_85 = arith.constant 0 : i32
    %dma_wait3A_86 = tpu.memref_slice %arg5[%add3A, %dma_wait3A, %dma_wait3A_85] : memref<32x80x128xi32, #tpu.memory_space<hbm>> -> memref<1x1x128xi32, #tpu.memory_space<hbm>>
    %dma_wait3A_87 = tpu.memref_squeeze %dma_wait3A_86 : memref<1x1x128xi32, #tpu.memory_space<hbm>> -> memref<128xi32, #tpu.memory_space<hbm>>
    tpu.wait_dma2 semaphore(%arg30 : memref<!tpu.dma_semaphore, #tpu.memory_space<semaphore_mem>>) src(%dma_wait3A_87 : memref<128xi32, #tpu.memory_space<hbm>>) dst(%arg10 : memref<128xi32, #tpu.memory_space<vmem>>)
    %dma_wait3A_88 = arith.constant 0 : i32
    %dma_wait3A_89 = arith.constant 0 : i32
    %dma_wait3A_90 = tpu.memref_slice %arg6[%add3A, %dma_wait3A_88, %dma_wait3A_89] : memref<32x80x128xi32, #tpu.memory_space<hbm>> -> memref<1x1x128xi32, #tpu.memory_space<hbm>>
    %dma_wait3A_91 = tpu.memref_squeeze %dma_wait3A_90 : memref<1x1x128xi32, #tpu.memory_space<hbm>> -> memref<128xi32, #tpu.memory_space<hbm>>
    %dma_wait3A_92 = arith.constant 0 : i32
    %dma_wait3A_93 = tpu.memref_slice %arg6[%add3A, %dma_wait3A_88, %dma_wait3A_92] : memref<32x80x128xi32, #tpu.memory_space<hbm>> -> memref<1x1x128xi32, #tpu.memory_space<hbm>>
    %dma_wait3A_94 = tpu.memref_squeeze %dma_wait3A_93 : memref<1x1x128xi32, #tpu.memory_space<hbm>> -> memref<128xi32, #tpu.memory_space<hbm>>
    tpu.wait_dma2 semaphore(%arg30 : memref<!tpu.dma_semaphore, #tpu.memory_space<semaphore_mem>>) src(%dma_wait3A_94 : memref<128xi32, #tpu.memory_space<hbm>>) dst(%arg12 : memref<128xi32, #tpu.memory_space<vmem>>)
    %dma_wait3A_95 = arith.constant 0 : i32
    %dma_wait3A_96 = arith.constant 0 : i32
    %dma_wait3A_97 = arith.constant 0 : i32
    %dma_wait3A_98 = tpu.memref_slice %arg4[%add3A, %dma_wait3A_95, %dma_wait3A_96, %dma_wait3A_97] : memref<32x80x128x16xf32, #tpu.memory_space<hbm>> -> memref<1x1x128x16xf32, #tpu.memory_space<hbm>>
    %dma_wait3A_99 = tpu.memref_squeeze %dma_wait3A_98 : memref<1x1x128x16xf32, #tpu.memory_space<hbm>> -> memref<128x16xf32, #tpu.memory_space<hbm>>
    %dma_wait3A_100 = arith.constant 0 : i32
    %dma_wait3A_101 = arith.constant 0 : i32
    %dma_wait3A_102 = tpu.memref_slice %arg4[%add3A, %dma_wait3A_95, %dma_wait3A_100, %dma_wait3A_101] : memref<32x80x128x16xf32, #tpu.memory_space<hbm>> -> memref<1x1x128x16xf32, #tpu.memory_space<hbm>>
    %dma_wait3A_103 = tpu.memref_squeeze %dma_wait3A_102 : memref<1x1x128x16xf32, #tpu.memory_space<hbm>> -> memref<128x16xf32, #tpu.memory_space<hbm>>
    tpu.wait_dma2 semaphore(%arg30 : memref<!tpu.dma_semaphore, #tpu.memory_space<semaphore_mem>>) src(%dma_wait3A_103 : memref<128x16xf32, #tpu.memory_space<hbm>>) dst(%arg16 : memref<128x16xf32, #tpu.memory_space<vmem>>)
    %dma_start3A_104 = arith.constant 0 : i32
    %dma_start3A_105 = arith.constant 0 : i32
    %dma_start3A_106 = tpu.memref_slice %arg18[%dma_start3A_104, %dma_start3A_105] : memref<128x80xi32, #tpu.memory_space<vmem>> -> memref<64x80xi32, #tpu.memory_space<vmem>>
    %dma_start3A_107 = arith.constant 0 : i32
    %dma_start3A_108 = tpu.memref_slice %arg12[%dma_start3A_107] : memref<128xi32, #tpu.memory_space<vmem>> -> memref<64xi32, #tpu.memory_space<vmem>>
    %dma_start3A_109 = arith.constant 0 : i32
    %dma_start3A_110 = arith.constant 0 : i32
    %dma_start3A_111 = tpu.memref_slice %arg2[%dma_start3A_109, %dma_start3A_110] : memref<10000x80xi32, #tpu.memory_space<hbm>> -> memref<10000x80xi32, #tpu.memory_space<hbm>>
    tpu.enqueue_indirect_dma source(%dma_start3A_111 : memref<10000x80xi32, #tpu.memory_space<hbm>>) target(%dma_start3A_106 : memref<64x80xi32, #tpu.memory_space<vmem>>) offsets(%dma_start3A_108 : memref<64xi32, #tpu.memory_space<vmem>>) semaphore(%arg26 : memref<!tpu.dma_semaphore, #tpu.memory_space<semaphore_mem>>)
    %dma_start3A_112 = arith.constant 0 : i32
    %dma_start3A_113 = arith.constant 0 : i32
    %dma_start3A_114 = tpu.memref_slice %arg20[%dma_start3A_112, %dma_start3A_113] : memref<128x64xi32, #tpu.memory_space<vmem>> -> memref<64x64xi32, #tpu.memory_space<vmem>>
    %dma_start3A_115 = arith.constant 0 : i32
    %dma_start3A_116 = tpu.memref_slice %arg10[%dma_start3A_115] : memref<128xi32, #tpu.memory_space<vmem>> -> memref<64xi32, #tpu.memory_space<vmem>>
    %dma_start3A_117 = arith.constant 0 : i32
    %dma_start3A_118 = arith.constant 0 : i32
    %dma_start3A_119 = tpu.memref_slice %arg3[%dma_start3A_117, %dma_start3A_118] : memref<10000x64xi32, #tpu.memory_space<hbm>> -> memref<10000x64xi32, #tpu.memory_space<hbm>>
    tpu.enqueue_indirect_dma source(%dma_start3A_119 : memref<10000x64xi32, #tpu.memory_space<hbm>>) target(%dma_start3A_114 : memref<64x64xi32, #tpu.memory_space<vmem>>) offsets(%dma_start3A_116 : memref<64xi32, #tpu.memory_space<vmem>>) semaphore(%arg26 : memref<!tpu.dma_semaphore, #tpu.memory_space<semaphore_mem>>)
    %dma_start3A_120 = arith.constant 64 : i32
    %dma_start3A_121 = arith.constant 0 : i32
    %dma_start3A_122 = tpu.memref_slice %arg18[%dma_start3A_120, %dma_start3A_121] : memref<128x80xi32, #tpu.memory_space<vmem>> -> memref<64x80xi32, #tpu.memory_space<vmem>>
    %dma_start3A_123 = arith.constant 64 : i32
    %dma_start3A_124 = tpu.memref_slice %arg12[%dma_start3A_123] : memref<128xi32, #tpu.memory_space<vmem>> -> memref<64xi32, #tpu.memory_space<vmem>>
    %dma_start3A_125 = arith.constant 0 : i32
    %dma_start3A_126 = arith.constant 0 : i32
    %dma_start3A_127 = tpu.memref_slice %arg2[%dma_start3A_125, %dma_start3A_126] : memref<10000x80xi32, #tpu.memory_space<hbm>> -> memref<10000x80xi32, #tpu.memory_space<hbm>>
    tpu.enqueue_indirect_dma source(%dma_start3A_127 : memref<10000x80xi32, #tpu.memory_space<hbm>>) target(%dma_start3A_122 : memref<64x80xi32, #tpu.memory_space<vmem>>) offsets(%dma_start3A_124 : memref<64xi32, #tpu.memory_space<vmem>>) semaphore(%arg28 : memref<!tpu.dma_semaphore, #tpu.memory_space<semaphore_mem>>)
    %dma_start3A_128 = arith.constant 64 : i32
    %dma_start3A_129 = arith.constant 0 : i32
    %dma_start3A_130 = tpu.memref_slice %arg20[%dma_start3A_128, %dma_start3A_129] : memref<128x64xi32, #tpu.memory_space<vmem>> -> memref<64x64xi32, #tpu.memory_space<vmem>>
    %dma_start3A_131 = arith.constant 64 : i32
    %dma_start3A_132 = tpu.memref_slice %arg10[%dma_start3A_131] : memref<128xi32, #tpu.memory_space<vmem>> -> memref<64xi32, #tpu.memory_space<vmem>>
    %dma_start3A_133 = arith.constant 0 : i32
    %dma_start3A_134 = arith.constant 0 : i32
    %dma_start3A_135 = tpu.memref_slice %arg3[%dma_start3A_133, %dma_start3A_134] : memref<10000x64xi32, #tpu.memory_space<hbm>> -> memref<10000x64xi32, #tpu.memory_space<hbm>>
    tpu.enqueue_indirect_dma source(%dma_start3A_135 : memref<10000x64xi32, #tpu.memory_space<hbm>>) target(%dma_start3A_130 : memref<64x64xi32, #tpu.memory_space<vmem>>) offsets(%dma_start3A_132 : memref<64xi32, #tpu.memory_space<vmem>>) semaphore(%arg28 : memref<!tpu.dma_semaphore, #tpu.memory_space<semaphore_mem>>)
    %dma_start3A_136 = arith.constant 1 : i32
    %dma_start3A_137 = arith.constant 0 : i32
    %dma_start3A_138 = tpu.memref_slice %arg5[%add3A, %dma_start3A_136, %dma_start3A_137] : memref<32x80x128xi32, #tpu.memory_space<hbm>> -> memref<1x1x128xi32, #tpu.memory_space<hbm>>
    %dma_start3A_139 = tpu.memref_squeeze %dma_start3A_138 : memref<1x1x128xi32, #tpu.memory_space<hbm>> -> memref<128xi32, #tpu.memory_space<hbm>>
    %dma_start3A_140 = arith.constant 0 : i32
    %dma_start3A_141 = tpu.memref_slice %arg5[%add3A, %dma_start3A_136, %dma_start3A_140] : memref<32x80x128xi32, #tpu.memory_space<hbm>> -> memref<1x1x128xi32, #tpu.memory_space<hbm>>
    %dma_start3A_142 = tpu.memref_squeeze %dma_start3A_141 : memref<1x1x128xi32, #tpu.memory_space<hbm>> -> memref<128xi32, #tpu.memory_space<hbm>>
    tpu.enqueue_dma source(%dma_start3A_142 : memref<128xi32, #tpu.memory_space<hbm>>) target(%arg11 : memref<128xi32, #tpu.memory_space<vmem>>) target_semaphore(%arg31 : memref<!tpu.dma_semaphore, #tpu.memory_space<semaphore_mem>>)
    %dma_start3A_143 = arith.constant 1 : i32
    %dma_start3A_144 = arith.constant 0 : i32
    %dma_start3A_145 = tpu.memref_slice %arg6[%add3A, %dma_start3A_143, %dma_start3A_144] : memref<32x80x128xi32, #tpu.memory_space<hbm>> -> memref<1x1x128xi32, #tpu.memory_space<hbm>>
    %dma_start3A_146 = tpu.memref_squeeze %dma_start3A_145 : memref<1x1x128xi32, #tpu.memory_space<hbm>> -> memref<128xi32, #tpu.memory_space<hbm>>
    %dma_start3A_147 = arith.constant 0 : i32
    %dma_start3A_148 = tpu.memref_slice %arg6[%add3A, %dma_start3A_143, %dma_start3A_147] : memref<32x80x128xi32, #tpu.memory_space<hbm>> -> memref<1x1x128xi32, #tpu.memory_space<hbm>>
    %dma_start3A_149 = tpu.memref_squeeze %dma_start3A_148 : memref<1x1x128xi32, #tpu.memory_space<hbm>> -> memref<128xi32, #tpu.memory_space<hbm>>
    tpu.enqueue_dma source(%dma_start3A_149 : memref<128xi32, #tpu.memory_space<hbm>>) target(%arg13 : memref<128xi32, #tpu.memory_space<vmem>>) target_semaphore(%arg31 : memref<!tpu.dma_semaphore, #tpu.memory_space<semaphore_mem>>)
    %dma_start3A_150 = arith.constant 1 : i32
    %dma_start3A_151 = arith.constant 0 : i32
    %dma_start3A_152 = arith.constant 0 : i32
    %dma_start3A_153 = tpu.memref_slice %arg4[%add3A, %dma_start3A_150, %dma_start3A_151, %dma_start3A_152] : memref<32x80x128x16xf32, #tpu.memory_space<hbm>> -> memref<1x1x128x16xf32, #tpu.memory_space<hbm>>
    %dma_start3A_154 = tpu.memref_squeeze %dma_start3A_153 : memref<1x1x128x16xf32, #tpu.memory_space<hbm>> -> memref<128x16xf32, #tpu.memory_space<hbm>>
    %dma_start3A_155 = arith.constant 0 : i32
    %dma_start3A_156 = arith.constant 0 : i32
    %dma_start3A_157 = tpu.memref_slice %arg4[%add3A, %dma_start3A_150, %dma_start3A_155, %dma_start3A_156] : memref<32x80x128x16xf32, #tpu.memory_space<hbm>> -> memref<1x1x128x16xf32, #tpu.memory_space<hbm>>
    %dma_start3A_158 = tpu.memref_squeeze %dma_start3A_157 : memref<1x1x128x16xf32, #tpu.memory_space<hbm>> -> memref<128x16xf32, #tpu.memory_space<hbm>>
    tpu.enqueue_dma source(%dma_start3A_158 : memref<128x16xf32, #tpu.memory_space<hbm>>) target(%arg17 : memref<128x16xf32, #tpu.memory_space<vmem>>) target_semaphore(%arg31 : memref<!tpu.dma_semaphore, #tpu.memory_space<semaphore_mem>>)
    %scan3A_159 = arith.constant 0 : i32
    %scan3A_160 = arith.constant 0 : i32
    %scan3A_161 = arith.constant 40 : i32
    %scan3A_162 = arith.addi %scan3A_160, %scan3A_161 : i32
    %scan3A_163 = arith.constant 1 : i32
    %scan3A_164 = scf.for %scan3A_298 = %scan3A_160 to %scan3A_162 step %scan3A_163 iter_args(%scan3A_299 = %scan3A_159) -> (i32)  : i32 {
      %mul3A_300 = arith.constant 2 : i32
      %mul3A_301 = arith.muli %mul3A_300, %scan3A_298 : i32
      %add3A_302 = arith.constant 0 : i32
      %add3A_303 = arith.addi %mul3A_301, %add3A_302 : i32
      %add3A_304 = arith.constant 1 : i32
      %add3A_305 = arith.addi %add3A_303, %add3A_304 : i32
      %min3A = arith.constant 79 : i32
      %min3A_306 = arith.minsi %add3A_305, %min3A : i32
      %sub3A = arith.constant 2 : i32
      %sub3A_307 = arith.subi %add3A_303, %sub3A : i32
      %max3A = arith.constant 0 : i32
      %max3A_308 = arith.maxsi %sub3A_307, %max3A : i32
      %dma_wait3A_309 = arith.constant 0 : i32
      %dma_wait3A_310 = tpu.memref_slice %arg5[%add3A, %min3A_306, %dma_wait3A_309] : memref<32x80x128xi32, #tpu.memory_space<hbm>> -> memref<1x1x128xi32, #tpu.memory_space<hbm>>
      %dma_wait3A_311 = tpu.memref_squeeze %dma_wait3A_310 : memref<1x1x128xi32, #tpu.memory_space<hbm>> -> memref<128xi32, #tpu.memory_space<hbm>>
      %dma_wait3A_312 = arith.constant 0 : i32
      %dma_wait3A_313 = tpu.memref_slice %arg5[%add3A, %min3A_306, %dma_wait3A_312] : memref<32x80x128xi32, #tpu.memory_space<hbm>> -> memref<1x1x128xi32, #tpu.memory_space<hbm>>
      %dma_wait3A_314 = tpu.memref_squeeze %dma_wait3A_313 : memref<1x1x128xi32, #tpu.memory_space<hbm>> -> memref<128xi32, #tpu.memory_space<hbm>>
      tpu.wait_dma2 semaphore(%arg31 : memref<!tpu.dma_semaphore, #tpu.memory_space<semaphore_mem>>) src(%dma_wait3A_314 : memref<128xi32, #tpu.memory_space<hbm>>) dst(%arg11 : memref<128xi32, #tpu.memory_space<vmem>>)
      %dma_wait3A_315 = arith.constant 0 : i32
      %dma_wait3A_316 = tpu.memref_slice %arg6[%add3A, %min3A_306, %dma_wait3A_315] : memref<32x80x128xi32, #tpu.memory_space<hbm>> -> memref<1x1x128xi32, #tpu.memory_space<hbm>>
      %dma_wait3A_317 = tpu.memref_squeeze %dma_wait3A_316 : memref<1x1x128xi32, #tpu.memory_space<hbm>> -> memref<128xi32, #tpu.memory_space<hbm>>
      %dma_wait3A_318 = arith.constant 0 : i32
      %dma_wait3A_319 = tpu.memref_slice %arg6[%add3A, %min3A_306, %dma_wait3A_318] : memref<32x80x128xi32, #tpu.memory_space<hbm>> -> memref<1x1x128xi32, #tpu.memory_space<hbm>>
      %dma_wait3A_320 = tpu.memref_squeeze %dma_wait3A_319 : memref<1x1x128xi32, #tpu.memory_space<hbm>> -> memref<128xi32, #tpu.memory_space<hbm>>
      tpu.wait_dma2 semaphore(%arg31 : memref<!tpu.dma_semaphore, #tpu.memory_space<semaphore_mem>>) src(%dma_wait3A_320 : memref<128xi32, #tpu.memory_space<hbm>>) dst(%arg13 : memref<128xi32, #tpu.memory_space<vmem>>)
      %dma_wait3A_321 = arith.constant 0 : i32
      %dma_wait3A_322 = arith.constant 0 : i32
      %dma_wait3A_323 = tpu.memref_slice %arg4[%add3A, %min3A_306, %dma_wait3A_321, %dma_wait3A_322] : memref<32x80x128x16xf32, #tpu.memory_space<hbm>> -> memref<1x1x128x16xf32, #tpu.memory_space<hbm>>
      %dma_wait3A_324 = tpu.memref_squeeze %dma_wait3A_323 : memref<1x1x128x16xf32, #tpu.memory_space<hbm>> -> memref<128x16xf32, #tpu.memory_space<hbm>>
      %dma_wait3A_325 = arith.constant 0 : i32
      %dma_wait3A_326 = arith.constant 0 : i32
      %dma_wait3A_327 = tpu.memref_slice %arg4[%add3A, %min3A_306, %dma_wait3A_325, %dma_wait3A_326] : memref<32x80x128x16xf32, #tpu.memory_space<hbm>> -> memref<1x1x128x16xf32, #tpu.memory_space<hbm>>
      %dma_wait3A_328 = tpu.memref_squeeze %dma_wait3A_327 : memref<1x1x128x16xf32, #tpu.memory_space<hbm>> -> memref<128x16xf32, #tpu.memory_space<hbm>>
      tpu.wait_dma2 semaphore(%arg31 : memref<!tpu.dma_semaphore, #tpu.memory_space<semaphore_mem>>) src(%dma_wait3A_328 : memref<128x16xf32, #tpu.memory_space<hbm>>) dst(%arg17 : memref<128x16xf32, #tpu.memory_space<vmem>>)
      %dma_start3A_329 = arith.constant 0 : i32
      %dma_start3A_330 = arith.constant 0 : i32
      %dma_start3A_331 = tpu.memref_slice %arg19[%dma_start3A_329, %dma_start3A_330] : memref<128x80xi32, #tpu.memory_space<vmem>> -> memref<64x80xi32, #tpu.memory_space<vmem>>
      %dma_start3A_332 = arith.constant 0 : i32
      %dma_start3A_333 = tpu.memref_slice %arg13[%dma_start3A_332] : memref<128xi32, #tpu.memory_space<vmem>> -> memref<64xi32, #tpu.memory_space<vmem>>
      %dma_start3A_334 = arith.constant 0 : i32
      %dma_start3A_335 = arith.constant 0 : i32
      %dma_start3A_336 = tpu.memref_slice %arg2[%dma_start3A_334, %dma_start3A_335] : memref<10000x80xi32, #tpu.memory_space<hbm>> -> memref<10000x80xi32, #tpu.memory_space<hbm>>
      tpu.enqueue_indirect_dma source(%dma_start3A_336 : memref<10000x80xi32, #tpu.memory_space<hbm>>) target(%dma_start3A_331 : memref<64x80xi32, #tpu.memory_space<vmem>>) offsets(%dma_start3A_333 : memref<64xi32, #tpu.memory_space<vmem>>) semaphore(%arg27 : memref<!tpu.dma_semaphore, #tpu.memory_space<semaphore_mem>>)
      %dma_start3A_337 = arith.constant 0 : i32
      %dma_start3A_338 = arith.constant 0 : i32
      %dma_start3A_339 = tpu.memref_slice %arg21[%dma_start3A_337, %dma_start3A_338] : memref<128x64xi32, #tpu.memory_space<vmem>> -> memref<64x64xi32, #tpu.memory_space<vmem>>
      %dma_start3A_340 = arith.constant 0 : i32
      %dma_start3A_341 = tpu.memref_slice %arg11[%dma_start3A_340] : memref<128xi32, #tpu.memory_space<vmem>> -> memref<64xi32, #tpu.memory_space<vmem>>
      %dma_start3A_342 = arith.constant 0 : i32
      %dma_start3A_343 = arith.constant 0 : i32
      %dma_start3A_344 = tpu.memref_slice %arg3[%dma_start3A_342, %dma_start3A_343] : memref<10000x64xi32, #tpu.memory_space<hbm>> -> memref<10000x64xi32, #tpu.memory_space<hbm>>
      tpu.enqueue_indirect_dma source(%dma_start3A_344 : memref<10000x64xi32, #tpu.memory_space<hbm>>) target(%dma_start3A_339 : memref<64x64xi32, #tpu.memory_space<vmem>>) offsets(%dma_start3A_341 : memref<64xi32, #tpu.memory_space<vmem>>) semaphore(%arg27 : memref<!tpu.dma_semaphore, #tpu.memory_space<semaphore_mem>>)
      %dma_start3A_345 = arith.constant 64 : i32
      %dma_start3A_346 = arith.constant 0 : i32
      %dma_start3A_347 = tpu.memref_slice %arg19[%dma_start3A_345, %dma_start3A_346] : memref<128x80xi32, #tpu.memory_space<vmem>> -> memref<64x80xi32, #tpu.memory_space<vmem>>
      %dma_start3A_348 = arith.constant 64 : i32
      %dma_start3A_349 = tpu.memref_slice %arg13[%dma_start3A_348] : memref<128xi32, #tpu.memory_space<vmem>> -> memref<64xi32, #tpu.memory_space<vmem>>
      %dma_start3A_350 = arith.constant 0 : i32
      %dma_start3A_351 = arith.constant 0 : i32
      %dma_start3A_352 = tpu.memref_slice %arg2[%dma_start3A_350, %dma_start3A_351] : memref<10000x80xi32, #tpu.memory_space<hbm>> -> memref<10000x80xi32, #tpu.memory_space<hbm>>
      tpu.enqueue_indirect_dma source(%dma_start3A_352 : memref<10000x80xi32, #tpu.memory_space<hbm>>) target(%dma_start3A_347 : memref<64x80xi32, #tpu.memory_space<vmem>>) offsets(%dma_start3A_349 : memref<64xi32, #tpu.memory_space<vmem>>) semaphore(%arg29 : memref<!tpu.dma_semaphore, #tpu.memory_space<semaphore_mem>>)
      %dma_start3A_353 = arith.constant 64 : i32
      %dma_start3A_354 = arith.constant 0 : i32
      %dma_start3A_355 = tpu.memref_slice %arg21[%dma_start3A_353, %dma_start3A_354] : memref<128x64xi32, #tpu.memory_space<vmem>> -> memref<64x64xi32, #tpu.memory_space<vmem>>
      %dma_start3A_356 = arith.constant 64 : i32
      %dma_start3A_357 = tpu.memref_slice %arg11[%dma_start3A_356] : memref<128xi32, #tpu.memory_space<vmem>> -> memref<64xi32, #tpu.memory_space<vmem>>
      %dma_start3A_358 = arith.constant 0 : i32
      %dma_start3A_359 = arith.constant 0 : i32
      %dma_start3A_360 = tpu.memref_slice %arg3[%dma_start3A_358, %dma_start3A_359] : memref<10000x64xi32, #tpu.memory_space<hbm>> -> memref<10000x64xi32, #tpu.memory_space<hbm>>
      tpu.enqueue_indirect_dma source(%dma_start3A_360 : memref<10000x64xi32, #tpu.memory_space<hbm>>) target(%dma_start3A_355 : memref<64x64xi32, #tpu.memory_space<vmem>>) offsets(%dma_start3A_357 : memref<64xi32, #tpu.memory_space<vmem>>) semaphore(%arg29 : memref<!tpu.dma_semaphore, #tpu.memory_space<semaphore_mem>>)
      %dma_wait3A_361 = arith.constant 0 : i32
      %dma_wait3A_362 = arith.constant 0 : i32
      %dma_wait3A_363 = tpu.memref_slice %arg18[%dma_wait3A_361, %dma_wait3A_362] : memref<128x80xi32, #tpu.memory_space<vmem>> -> memref<64x80xi32, #tpu.memory_space<vmem>>
      %dma_wait3A_364 = arith.constant 0 : i32
      %dma_wait3A_365 = tpu.memref_slice %arg12[%dma_wait3A_364] : memref<128xi32, #tpu.memory_space<vmem>> -> memref<64xi32, #tpu.memory_space<vmem>>
      %dma_wait3A_366 = arith.constant 0 : i32
      %dma_wait3A_367 = arith.constant 0 : i32
      %dma_wait3A_368 = tpu.memref_slice %arg2[%dma_wait3A_366, %dma_wait3A_367] : memref<10000x80xi32, #tpu.memory_space<hbm>> -> memref<10000x80xi32, #tpu.memory_space<hbm>>
      tpu.wait_indirect_dma semaphore(%arg26 : memref<!tpu.dma_semaphore, #tpu.memory_space<semaphore_mem>>) src(%dma_wait3A_368 : memref<10000x80xi32, #tpu.memory_space<hbm>>) dst(%dma_wait3A_363 : memref<64x80xi32, #tpu.memory_space<vmem>>)
      %dma_wait3A_369 = arith.constant 0 : i32
      %dma_wait3A_370 = arith.constant 0 : i32
      %dma_wait3A_371 = tpu.memref_slice %arg20[%dma_wait3A_369, %dma_wait3A_370] : memref<128x64xi32, #tpu.memory_space<vmem>> -> memref<64x64xi32, #tpu.memory_space<vmem>>
      %dma_wait3A_372 = arith.constant 0 : i32
      %dma_wait3A_373 = tpu.memref_slice %arg10[%dma_wait3A_372] : memref<128xi32, #tpu.memory_space<vmem>> -> memref<64xi32, #tpu.memory_space<vmem>>
      %dma_wait3A_374 = arith.constant 0 : i32
      %dma_wait3A_375 = arith.constant 0 : i32
      %dma_wait3A_376 = tpu.memref_slice %arg3[%dma_wait3A_374, %dma_wait3A_375] : memref<10000x64xi32, #tpu.memory_space<hbm>> -> memref<10000x64xi32, #tpu.memory_space<hbm>>
      tpu.wait_indirect_dma semaphore(%arg26 : memref<!tpu.dma_semaphore, #tpu.memory_space<semaphore_mem>>) src(%dma_wait3A_376 : memref<10000x64xi32, #tpu.memory_space<hbm>>) dst(%dma_wait3A_371 : memref<64x64xi32, #tpu.memory_space<vmem>>)
      %dma_wait3A_377 = arith.constant 64 : i32
      %dma_wait3A_378 = arith.constant 0 : i32
      %dma_wait3A_379 = tpu.memref_slice %arg18[%dma_wait3A_377, %dma_wait3A_378] : memref<128x80xi32, #tpu.memory_space<vmem>> -> memref<64x80xi32, #tpu.memory_space<vmem>>
      %dma_wait3A_380 = arith.constant 64 : i32
      %dma_wait3A_381 = tpu.memref_slice %arg12[%dma_wait3A_380] : memref<128xi32, #tpu.memory_space<vmem>> -> memref<64xi32, #tpu.memory_space<vmem>>
      %dma_wait3A_382 = arith.constant 0 : i32
      %dma_wait3A_383 = arith.constant 0 : i32
      %dma_wait3A_384 = tpu.memref_slice %arg2[%dma_wait3A_382, %dma_wait3A_383] : memref<10000x80xi32, #tpu.memory_space<hbm>> -> memref<10000x80xi32, #tpu.memory_space<hbm>>
      tpu.wait_indirect_dma semaphore(%arg28 : memref<!tpu.dma_semaphore, #tpu.memory_space<semaphore_mem>>) src(%dma_wait3A_384 : memref<10000x80xi32, #tpu.memory_space<hbm>>) dst(%dma_wait3A_379 : memref<64x80xi32, #tpu.memory_space<vmem>>)
      %dma_wait3A_385 = arith.constant 64 : i32
      %dma_wait3A_386 = arith.constant 0 : i32
      %dma_wait3A_387 = tpu.memref_slice %arg20[%dma_wait3A_385, %dma_wait3A_386] : memref<128x64xi32, #tpu.memory_space<vmem>> -> memref<64x64xi32, #tpu.memory_space<vmem>>
      %dma_wait3A_388 = arith.constant 64 : i32
      %dma_wait3A_389 = tpu.memref_slice %arg10[%dma_wait3A_388] : memref<128xi32, #tpu.memory_space<vmem>> -> memref<64xi32, #tpu.memory_space<vmem>>
      %dma_wait3A_390 = arith.constant 0 : i32
      %dma_wait3A_391 = arith.constant 0 : i32
      %dma_wait3A_392 = tpu.memref_slice %arg3[%dma_wait3A_390, %dma_wait3A_391] : memref<10000x64xi32, #tpu.memory_space<hbm>> -> memref<10000x64xi32, #tpu.memory_space<hbm>>
      tpu.wait_indirect_dma semaphore(%arg28 : memref<!tpu.dma_semaphore, #tpu.memory_space<semaphore_mem>>) src(%dma_wait3A_392 : memref<10000x64xi32, #tpu.memory_space<hbm>>) dst(%dma_wait3A_387 : memref<64x64xi32, #tpu.memory_space<vmem>>)
      %ge3A = arith.constant 2 : i32
      %ge3A_393 = arith.cmpi sge, %add3A_303, %ge3A : i32
      %convert_element_type3A_394 = arith.extui %ge3A_393 : i1 to i32
      %cond3A_395 = arith.constant 0 : i32
      %cond3A_396 = arith.cmpi ne, %convert_element_type3A_394, %cond3A_395 : i32
      scf.if %cond3A_396 {
        %dma_wait3A_651 = arith.constant 0 : i32
        %dma_wait3A_652 = tpu.memref_slice %arg7[%add3A, %max3A_308, %dma_wait3A_651] : memref<32x80x128xf32, #tpu.memory_space<hbm>> -> memref<1x1x128xf32, #tpu.memory_space<hbm>>
        %dma_wait3A_653 = tpu.memref_squeeze %dma_wait3A_652 : memref<1x1x128xf32, #tpu.memory_space<hbm>> -> memref<128xf32, #tpu.memory_space<hbm>>
        %dma_wait3A_654 = arith.constant 0 : i32
        %dma_wait3A_655 = tpu.memref_slice %arg7[%add3A, %max3A_308, %dma_wait3A_654] : memref<32x80x128xf32, #tpu.memory_space<hbm>> -> memref<1x1x128xf32, #tpu.memory_space<hbm>>
        %dma_wait3A_656 = tpu.memref_squeeze %dma_wait3A_655 : memref<1x1x128xf32, #tpu.memory_space<hbm>> -> memref<128xf32, #tpu.memory_space<hbm>>
        tpu.wait_dma2 semaphore(%arg32 : memref<!tpu.dma_semaphore, #tpu.memory_space<semaphore_mem>>) src(%arg24 : memref<128xf32, #tpu.memory_space<vmem>>) dst(%dma_wait3A_656 : memref<128xf32, #tpu.memory_space<hbm>>)
        %dma_wait3A_657 = arith.constant 0 : i32
        %dma_wait3A_658 = arith.constant 0 : i32
        %dma_wait3A_659 = tpu.memref_slice %arg9[%dma_wait3A_657, %dma_wait3A_658] : memref<10000x32xf32, #tpu.memory_space<vmem_shared>> -> memref<10000x32xf32, #tpu.memory_space<vmem_shared>>
        tpu.wait_indirect_dma semaphore(%arg34 : memref<!tpu.dma_semaphore, #tpu.memory_space<semaphore_mem>>) src(%arg22 : memref<128x32xf32, #tpu.memory_space<vmem>>) dst(%dma_wait3A_659 : memref<10000x32xf32, #tpu.memory_space<vmem_shared>>)
      } else {
      }
      %mul3A_397 = arith.constant 80 : i32
      %mul3A_398 = arith.muli %add3A, %mul3A_397 : i32
      %add3A_399 = arith.addi %mul3A_398, %add3A_303 : i32
      %mul3A_400 = arith.constant 128 : i32
      %mul3A_401 = arith.muli %add3A_399, %mul3A_400 : i32
      %scan3A_402 = arith.constant 0 : i32
      %scan3A_403 = arith.constant 0 : i32
      %scan3A_404 = arith.constant 8 : i32
      %scan3A_405 = arith.addi %scan3A_403, %scan3A_404 : i32
      %scan3A_406 = arith.constant 1 : i32
      %scan3A_407 = scf.for %scan3A_651 = %scan3A_403 to %scan3A_405 step %scan3A_406 iter_args(%scan3A_652 = %scan3A_402) -> (i32)  : i32 {
        %mul3A_653 = arith.constant 16 : i32
        %mul3A_654 = arith.muli %scan3A_651, %mul3A_653 : i32
        %add3A_655 = vector.broadcast %mul3A_654 : i32 to vector<16xi32>
        %add3A_656 = arith.addi %add3A_655, %iota3A : vector<16xi32>
        %broadcast_in_dim3A = arith.constant 0.000000e+00 : f32
        %broadcast_in_dim3A_657 = vector.broadcast %broadcast_in_dim3A : f32 to vector<16xf32>
        %broadcast_in_dim3A_658 = arith.constant 0.000000e+00 : f32
        %broadcast_in_dim3A_659 = vector.broadcast %broadcast_in_dim3A_658 : f32 to vector<16xf32>
        %scan3A_660 = arith.constant 0 : i32
        %scan3A_661 = arith.constant 16 : i32
        %scan3A_662 = arith.addi %scan3A_660, %scan3A_661 : i32
        %scan3A_663 = arith.constant 1 : i32
        %scan3A_664:2 = scf.for %scan3A_855 = %scan3A_660 to %scan3A_662 step %scan3A_663 iter_args(%scan3A_856 = %broadcast_in_dim3A_657, %scan3A_857 = %broadcast_in_dim3A_659) -> (vector<16xf32>, vector<16xf32>)  : i32 {
          %mul3A_858 = arith.constant 4 : i32
          %mul3A_859 = arith.muli %scan3A_855, %mul3A_858 : i32
          %add3A_860 = arith.constant 0 : i32
          %add3A_861 = arith.addi %mul3A_859, %add3A_860 : i32
          %broadcast_in_dim3A_862 = vector.broadcast %add3A_861 : i32 to vector<16xi32>
          %gather3A_863 = tpu.vector_load_idx %arg18[%add3A_656, %broadcast_in_dim3A_862] : memref<128x80xi32, #tpu.memory_space<vmem>>[vector<16xi32>, vector<16xi32>], vector<16xi32>,
          %add3A_864 = arith.constant 0 : i32
          %add3A_865 = arith.addi %mul3A_859, %add3A_864 : i32
          %broadcast_in_dim3A_866 = vector.broadcast %add3A_865 : i32 to vector<16xi32>
          %gather3A_867 = tpu.vector_load_idx %arg20[%add3A_656, %broadcast_in_dim3A_866] : memref<128x64xi32, #tpu.memory_space<vmem>>[vector<16xi32>, vector<16xi32>], vector<16xi32>,
          %shift_left3A_868 = arith.constant 16 : i32
          %shift_left3A_869 = vector.broadcast %shift_left3A_868 : i32 to vector<16xi32>
          %shift_left3A_870 = arith.shli %gather3A_863, %shift_left3A_869 : vector<16xi32>
          %bitcast3A_871 = vector.bitcast %shift_left3A_870 : vector<16xi32> to vector<16xf32>
          %and3A_872 = arith.constant -65536 : i32
          %and3A_873 = vector.broadcast %and3A_872 : i32 to vector<16xi32>
          %and3A_874 = arith.andi %gather3A_863, %and3A_873 : vector<16xi32>
          %bitcast3A_875 = vector.bitcast %and3A_874 : vector<16xi32> to vector<16xf32>
          %shift_left3A_876 = arith.constant 16 : i32
          %shift_left3A_877 = vector.broadcast %shift_left3A_876 : i32 to vector<16xi32>
          %shift_left3A_878 = arith.shli %gather3A_867, %shift_left3A_877 : vector<16xi32>
          %bitcast3A_879 = vector.bitcast %shift_left3A_878 : vector<16xi32> to vector<16xf32>
          %and3A_880 = arith.constant -65536 : i32
          %and3A_881 = vector.broadcast %and3A_880 : i32 to vector<16xi32>
          %and3A_882 = arith.andi %gather3A_867, %and3A_881 : vector<16xi32>
          %bitcast3A_883 = vector.bitcast %and3A_882 : vector<16xi32> to vector<16xf32>
          %mul3A_884 = arith.mulf %bitcast3A_871, %bitcast3A_879 : vector<16xf32>
          %add3A_885 = arith.addf %scan3A_856, %mul3A_884 : vector<16xf32>
          %mul3A_886 = arith.mulf %bitcast3A_875, %bitcast3A_883 : vector<16xf32>
          %add3A_887 = arith.addf %scan3A_857, %mul3A_886 : vector<16xf32>
          %add3A_888 = arith.constant 1 : i32
          %add3A_889 = arith.addi %mul3A_859, %add3A_888 : i32
          %broadcast_in_dim3A_890 = vector.broadcast %add3A_889 : i32 to vector<16xi32>
          %gather3A_891 = tpu.vector_load_idx %arg18[%add3A_656, %broadcast_in_dim3A_890] : memref<128x80xi32, #tpu.memory_space<vmem>>[vector<16xi32>, vector<16xi32>], vector<16xi32>,
          %add3A_892 = arith.constant 1 : i32
          %add3A_893 = arith.addi %mul3A_859, %add3A_892 : i32
          %broadcast_in_dim3A_894 = vector.broadcast %add3A_893 : i32 to vector<16xi32>
          %gather3A_895 = tpu.vector_load_idx %arg20[%add3A_656, %broadcast_in_dim3A_894] : memref<128x64xi32, #tpu.memory_space<vmem>>[vector<16xi32>, vector<16xi32>], vector<16xi32>,
          %shift_left3A_896 = arith.constant 16 : i32
          %shift_left3A_897 = vector.broadcast %shift_left3A_896 : i32 to vector<16xi32>
          %shift_left3A_898 = arith.shli %gather3A_891, %shift_left3A_897 : vector<16xi32>
          %bitcast3A_899 = vector.bitcast %shift_left3A_898 : vector<16xi32> to vector<16xf32>
          %and3A_900 = arith.constant -65536 : i32
          %and3A_901 = vector.broadcast %and3A_900 : i32 to vector<16xi32>
          %and3A_902 = arith.andi %gather3A_891, %and3A_901 : vector<16xi32>
          %bitcast3A_903 = vector.bitcast %and3A_902 : vector<16xi32> to vector<16xf32>
          %shift_left3A_904 = arith.constant 16 : i32
          %shift_left3A_905 = vector.broadcast %shift_left3A_904 : i32 to vector<16xi32>
          %shift_left3A_906 = arith.shli %gather3A_895, %shift_left3A_905 : vector<16xi32>
          %bitcast3A_907 = vector.bitcast %shift_left3A_906 : vector<16xi32> to vector<16xf32>
          %and3A_908 = arith.constant -65536 : i32
          %and3A_909 = vector.broadcast %and3A_908 : i32 to vector<16xi32>
          %and3A_910 = arith.andi %gather3A_895, %and3A_909 : vector<16xi32>
          %bitcast3A_911 = vector.bitcast %and3A_910 : vector<16xi32> to vector<16xf32>
          %mul3A_912 = arith.mulf %bitcast3A_899, %bitcast3A_907 : vector<16xf32>
          %add3A_913 = arith.addf %add3A_885, %mul3A_912 : vector<16xf32>
          %mul3A_914 = arith.mulf %bitcast3A_903, %bitcast3A_911 : vector<16xf32>
          %add3A_915 = arith.addf %add3A_887, %mul3A_914 : vector<16xf32>
          %add3A_916 = arith.constant 2 : i32
          %add3A_917 = arith.addi %mul3A_859, %add3A_916 : i32
          %broadcast_in_dim3A_918 = vector.broadcast %add3A_917 : i32 to vector<16xi32>
          %gather3A_919 = tpu.vector_load_idx %arg18[%add3A_656, %broadcast_in_dim3A_918] : memref<128x80xi32, #tpu.memory_space<vmem>>[vector<16xi32>, vector<16xi32>], vector<16xi32>,
          %add3A_920 = arith.constant 2 : i32
          %add3A_921 = arith.addi %mul3A_859, %add3A_920 : i32
          %broadcast_in_dim3A_922 = vector.broadcast %add3A_921 : i32 to vector<16xi32>
          %gather3A_923 = tpu.vector_load_idx %arg20[%add3A_656, %broadcast_in_dim3A_922] : memref<128x64xi32, #tpu.memory_space<vmem>>[vector<16xi32>, vector<16xi32>], vector<16xi32>,
          %shift_left3A_924 = arith.constant 16 : i32
          %shift_left3A_925 = vector.broadcast %shift_left3A_924 : i32 to vector<16xi32>
          %shift_left3A_926 = arith.shli %gather3A_919, %shift_left3A_925 : vector<16xi32>
          %bitcast3A_927 = vector.bitcast %shift_left3A_926 : vector<16xi32> to vector<16xf32>
          %and3A_928 = arith.constant -65536 : i32
          %and3A_929 = vector.broadcast %and3A_928 : i32 to vector<16xi32>
          %and3A_930 = arith.andi %gather3A_919, %and3A_929 : vector<16xi32>
          %bitcast3A_931 = vector.bitcast %and3A_930 : vector<16xi32> to vector<16xf32>
          %shift_left3A_932 = arith.constant 16 : i32
          %shift_left3A_933 = vector.broadcast %shift_left3A_932 : i32 to vector<16xi32>
          %shift_left3A_934 = arith.shli %gather3A_923, %shift_left3A_933 : vector<16xi32>
          %bitcast3A_935 = vector.bitcast %shift_left3A_934 : vector<16xi32> to vector<16xf32>
          %and3A_936 = arith.constant -65536 : i32
          %and3A_937 = vector.broadcast %and3A_936 : i32 to vector<16xi32>
          %and3A_938 = arith.andi %gather3A_923, %and3A_937 : vector<16xi32>
          %bitcast3A_939 = vector.bitcast %and3A_938 : vector<16xi32> to vector<16xf32>
          %mul3A_940 = arith.mulf %bitcast3A_927, %bitcast3A_935 : vector<16xf32>
          %add3A_941 = arith.addf %add3A_913, %mul3A_940 : vector<16xf32>
          %mul3A_942 = arith.mulf %bitcast3A_931, %bitcast3A_939 : vector<16xf32>
          %add3A_943 = arith.addf %add3A_915, %mul3A_942 : vector<16xf32>
          %add3A_944 = arith.constant 3 : i32
          %add3A_945 = arith.addi %mul3A_859, %add3A_944 : i32
          %broadcast_in_dim3A_946 = vector.broadcast %add3A_945 : i32 to vector<16xi32>
          %gather3A_947 = tpu.vector_load_idx %arg18[%add3A_656, %broadcast_in_dim3A_946] : memref<128x80xi32, #tpu.memory_space<vmem>>[vector<16xi32>, vector<16xi32>], vector<16xi32>,
          %add3A_948 = arith.constant 3 : i32
          %add3A_949 = arith.addi %mul3A_859, %add3A_948 : i32
          %broadcast_in_dim3A_950 = vector.broadcast %add3A_949 : i32 to vector<16xi32>
          %gather3A_951 = tpu.vector_load_idx %arg20[%add3A_656, %broadcast_in_dim3A_950] : memref<128x64xi32, #tpu.memory_space<vmem>>[vector<16xi32>, vector<16xi32>], vector<16xi32>,
          %shift_left3A_952 = arith.constant 16 : i32
          %shift_left3A_953 = vector.broadcast %shift_left3A_952 : i32 to vector<16xi32>
          %shift_left3A_954 = arith.shli %gather3A_947, %shift_left3A_953 : vector<16xi32>
          %bitcast3A_955 = vector.bitcast %shift_left3A_954 : vector<16xi32> to vector<16xf32>
          %and3A_956 = arith.constant -65536 : i32
          %and3A_957 = vector.broadcast %and3A_956 : i32 to vector<16xi32>
          %and3A_958 = arith.andi %gather3A_947, %and3A_957 : vector<16xi32>
          %bitcast3A_959 = vector.bitcast %and3A_958 : vector<16xi32> to vector<16xf32>
          %shift_left3A_960 = arith.constant 16 : i32
          %shift_left3A_961 = vector.broadcast %shift_left3A_960 : i32 to vector<16xi32>
          %shift_left3A_962 = arith.shli %gather3A_951, %shift_left3A_961 : vector<16xi32>
          %bitcast3A_963 = vector.bitcast %shift_left3A_962 : vector<16xi32> to vector<16xf32>
          %and3A_964 = arith.constant -65536 : i32
          %and3A_965 = vector.broadcast %and3A_964 : i32 to vector<16xi32>
          %and3A_966 = arith.andi %gather3A_951, %and3A_965 : vector<16xi32>
          %bitcast3A_967 = vector.bitcast %and3A_966 : vector<16xi32> to vector<16xf32>
          %mul3A_968 = arith.mulf %bitcast3A_955, %bitcast3A_963 : vector<16xf32>
          %add3A_969 = arith.addf %add3A_941, %mul3A_968 : vector<16xf32>
          %mul3A_970 = arith.mulf %bitcast3A_959, %bitcast3A_967 : vector<16xf32>
          %add3A_971 = arith.addf %add3A_943, %mul3A_970 : vector<16xf32>
          scf.yield %add3A_969, %add3A_971 : vector<16xf32>, vector<16xf32>
        }
        %scan3A_665 = arith.constant 16 : i32
        %broadcast_in_dim3A_666 = arith.constant 64 : i32
        %broadcast_in_dim3A_667 = vector.broadcast %broadcast_in_dim3A_666 : i32 to vector<16xi32>
        %gather3A = tpu.vector_load_idx %arg18[%add3A_656, %broadcast_in_dim3A_667] : memref<128x80xi32, #tpu.memory_space<vmem>>[vector<16xi32>, vector<16xi32>], vector<16xi32>,
        %shift_left3A = arith.constant 16 : i32
        %shift_left3A_668 = vector.broadcast %shift_left3A : i32 to vector<16xi32>
        %shift_left3A_669 = arith.shli %gather3A, %shift_left3A_668 : vector<16xi32>
        %bitcast3A = vector.bitcast %shift_left3A_669 : vector<16xi32> to vector<16xf32>
        %and3A = arith.constant -65536 : i32
        %and3A_670 = vector.broadcast %and3A : i32 to vector<16xi32>
        %and3A_671 = arith.andi %gather3A, %and3A_670 : vector<16xi32>
        %bitcast3A_672 = vector.bitcast %and3A_671 : vector<16xi32> to vector<16xf32>
        %broadcast_in_dim3A_673 = arith.constant 0 : i32
        %broadcast_in_dim3A_674 = vector.broadcast %broadcast_in_dim3A_673 : i32 to vector<16xi32>
        %gather3A_675 = tpu.vector_load_idx %arg16[%add3A_656, %broadcast_in_dim3A_674] : memref<128x16xf32, #tpu.memory_space<vmem>>[vector<16xi32>, vector<16xi32>], vector<16xf32>,
        %broadcast_in_dim3A_676 = arith.constant 1 : i32
        %broadcast_in_dim3A_677 = vector.broadcast %broadcast_in_dim3A_676 : i32 to vector<16xi32>
        %gather3A_678 = tpu.vector_load_idx %arg16[%add3A_656, %broadcast_in_dim3A_677] : memref<128x16xf32, #tpu.memory_space<vmem>>[vector<16xi32>, vector<16xi32>], vector<16xf32>,
        %mul3A_679 = arith.mulf %bitcast3A, %gather3A_675 : vector<16xf32>
        %add3A_680 = arith.addf %scan3A_664#0, %mul3A_679 : vector<16xf32>
        %mul3A_681 = arith.mulf %bitcast3A_672, %gather3A_678 : vector<16xf32>
        %add3A_682 = arith.addf %scan3A_664#1, %mul3A_681 : vector<16xf32>
        %broadcast_in_dim3A_683 = arith.constant 65 : i32
        %broadcast_in_dim3A_684 = vector.broadcast %broadcast_in_dim3A_683 : i32 to vector<16xi32>
        %gather3A_685 = tpu.vector_load_idx %arg18[%add3A_656, %broadcast_in_dim3A_684] : memref<128x80xi32, #tpu.memory_space<vmem>>[vector<16xi32>, vector<16xi32>], vector<16xi32>,
        %shift_left3A_686 = arith.constant 16 : i32
        %shift_left3A_687 = vector.broadcast %shift_left3A_686 : i32 to vector<16xi32>
        %shift_left3A_688 = arith.shli %gather3A_685, %shift_left3A_687 : vector<16xi32>
        %bitcast3A_689 = vector.bitcast %shift_left3A_688 : vector<16xi32> to vector<16xf32>
        %and3A_690 = arith.constant -65536 : i32
        %and3A_691 = vector.broadcast %and3A_690 : i32 to vector<16xi32>
        %and3A_692 = arith.andi %gather3A_685, %and3A_691 : vector<16xi32>
        %bitcast3A_693 = vector.bitcast %and3A_692 : vector<16xi32> to vector<16xf32>
        %broadcast_in_dim3A_694 = arith.constant 2 : i32
        %broadcast_in_dim3A_695 = vector.broadcast %broadcast_in_dim3A_694 : i32 to vector<16xi32>
        %gather3A_696 = tpu.vector_load_idx %arg16[%add3A_656, %broadcast_in_dim3A_695] : memref<128x16xf32, #tpu.memory_space<vmem>>[vector<16xi32>, vector<16xi32>], vector<16xf32>,
        %broadcast_in_dim3A_697 = arith.constant 3 : i32
        %broadcast_in_dim3A_698 = vector.broadcast %broadcast_in_dim3A_697 : i32 to vector<16xi32>
        %gather3A_699 = tpu.vector_load_idx %arg16[%add3A_656, %broadcast_in_dim3A_698] : memref<128x16xf32, #tpu.memory_space<vmem>>[vector<16xi32>, vector<16xi32>], vector<16xf32>,
        %mul3A_700 = arith.mulf %bitcast3A_689, %gather3A_696 : vector<16xf32>
        %add3A_701 = arith.addf %add3A_680, %mul3A_700 : vector<16xf32>
        %mul3A_702 = arith.mulf %bitcast3A_693, %gather3A_699 : vector<16xf32>
        %add3A_703 = arith.addf %add3A_682, %mul3A_702 : vector<16xf32>
        %broadcast_in_dim3A_704 = arith.constant 66 : i32
        %broadcast_in_dim3A_705 = vector.broadcast %broadcast_in_dim3A_704 : i32 to vector<16xi32>
        %gather3A_706 = tpu.vector_load_idx %arg18[%add3A_656, %broadcast_in_dim3A_705] : memref<128x80xi32, #tpu.memory_space<vmem>>[vector<16xi32>, vector<16xi32>], vector<16xi32>,
        %shift_left3A_707 = arith.constant 16 : i32
        %shift_left3A_708 = vector.broadcast %shift_left3A_707 : i32 to vector<16xi32>
        %shift_left3A_709 = arith.shli %gather3A_706, %shift_left3A_708 : vector<16xi32>
        %bitcast3A_710 = vector.bitcast %shift_left3A_709 : vector<16xi32> to vector<16xf32>
        %and3A_711 = arith.constant -65536 : i32
        %and3A_712 = vector.broadcast %and3A_711 : i32 to vector<16xi32>
        %and3A_713 = arith.andi %gather3A_706, %and3A_712 : vector<16xi32>
        %bitcast3A_714 = vector.bitcast %and3A_713 : vector<16xi32> to vector<16xf32>
        %broadcast_in_dim3A_715 = arith.constant 4 : i32
        %broadcast_in_dim3A_716 = vector.broadcast %broadcast_in_dim3A_715 : i32 to vector<16xi32>
        %gather3A_717 = tpu.vector_load_idx %arg16[%add3A_656, %broadcast_in_dim3A_716] : memref<128x16xf32, #tpu.memory_space<vmem>>[vector<16xi32>, vector<16xi32>], vector<16xf32>,
        %broadcast_in_dim3A_718 = arith.constant 5 : i32
        %broadcast_in_dim3A_719 = vector.broadcast %broadcast_in_dim3A_718 : i32 to vector<16xi32>
        %gather3A_720 = tpu.vector_load_idx %arg16[%add3A_656, %broadcast_in_dim3A_719] : memref<128x16xf32, #tpu.memory_space<vmem>>[vector<16xi32>, vector<16xi32>], vector<16xf32>,
        %mul3A_721 = arith.mulf %bitcast3A_710, %gather3A_717 : vector<16xf32>
        %add3A_722 = arith.addf %add3A_701, %mul3A_721 : vector<16xf32>
        %mul3A_723 = arith.mulf %bitcast3A_714, %gather3A_720 : vector<16xf32>
        %add3A_724 = arith.addf %add3A_703, %mul3A_723 : vector<16xf32>
        %broadcast_in_dim3A_725 = arith.constant 67 : i32
        %broadcast_in_dim3A_726 = vector.broadcast %broadcast_in_dim3A_725 : i32 to vector<16xi32>
        %gather3A_727 = tpu.vector_load_idx %arg18[%add3A_656, %broadcast_in_dim3A_726] : memref<128x80xi32, #tpu.memory_space<vmem>>[vector<16xi32>, vector<16xi32>], vector<16xi32>,
        %shift_left3A_728 = arith.constant 16 : i32
        %shift_left3A_729 = vector.broadcast %shift_left3A_728 : i32 to vector<16xi32>
        %shift_left3A_730 = arith.shli %gather3A_727, %shift_left3A_729 : vector<16xi32>
        %bitcast3A_731 = vector.bitcast %shift_left3A_730 : vector<16xi32> to vector<16xf32>
        %and3A_732 = arith.constant -65536 : i32
        %and3A_733 = vector.broadcast %and3A_732 : i32 to vector<16xi32>
        %and3A_734 = arith.andi %gather3A_727, %and3A_733 : vector<16xi32>
        %bitcast3A_735 = vector.bitcast %and3A_734 : vector<16xi32> to vector<16xf32>
        %broadcast_in_dim3A_736 = arith.constant 6 : i32
        %broadcast_in_dim3A_737 = vector.broadcast %broadcast_in_dim3A_736 : i32 to vector<16xi32>
        %gather3A_738 = tpu.vector_load_idx %arg16[%add3A_656, %broadcast_in_dim3A_737] : memref<128x16xf32, #tpu.memory_space<vmem>>[vector<16xi32>, vector<16xi32>], vector<16xf32>,
        %broadcast_in_dim3A_739 = arith.constant 7 : i32
        %broadcast_in_dim3A_740 = vector.broadcast %broadcast_in_dim3A_739 : i32 to vector<16xi32>
        %gather3A_741 = tpu.vector_load_idx %arg16[%add3A_656, %broadcast_in_dim3A_740] : memref<128x16xf32, #tpu.memory_space<vmem>>[vector<16xi32>, vector<16xi32>], vector<16xf32>,
        %mul3A_742 = arith.mulf %bitcast3A_731, %gather3A_738 : vector<16xf32>
        %add3A_743 = arith.addf %add3A_722, %mul3A_742 : vector<16xf32>
        %mul3A_744 = arith.mulf %bitcast3A_735, %gather3A_741 : vector<16xf32>
        %add3A_745 = arith.addf %add3A_724, %mul3A_744 : vector<16xf32>
        %broadcast_in_dim3A_746 = arith.constant 68 : i32
        %broadcast_in_dim3A_747 = vector.broadcast %broadcast_in_dim3A_746 : i32 to vector<16xi32>
        %gather3A_748 = tpu.vector_load_idx %arg18[%add3A_656, %broadcast_in_dim3A_747] : memref<128x80xi32, #tpu.memory_space<vmem>>[vector<16xi32>, vector<16xi32>], vector<16xi32>,
        %shift_left3A_749 = arith.constant 16 : i32
        %shift_left3A_750 = vector.broadcast %shift_left3A_749 : i32 to vector<16xi32>
        %shift_left3A_751 = arith.shli %gather3A_748, %shift_left3A_750 : vector<16xi32>
        %bitcast3A_752 = vector.bitcast %shift_left3A_751 : vector<16xi32> to vector<16xf32>
        %and3A_753 = arith.constant -65536 : i32
        %and3A_754 = vector.broadcast %and3A_753 : i32 to vector<16xi32>
        %and3A_755 = arith.andi %gather3A_748, %and3A_754 : vector<16xi32>
        %bitcast3A_756 = vector.bitcast %and3A_755 : vector<16xi32> to vector<16xf32>
        %broadcast_in_dim3A_757 = arith.constant 8 : i32
        %broadcast_in_dim3A_758 = vector.broadcast %broadcast_in_dim3A_757 : i32 to vector<16xi32>
        %gather3A_759 = tpu.vector_load_idx %arg16[%add3A_656, %broadcast_in_dim3A_758] : memref<128x16xf32, #tpu.memory_space<vmem>>[vector<16xi32>, vector<16xi32>], vector<16xf32>,
        %broadcast_in_dim3A_760 = arith.constant 9 : i32
        %broadcast_in_dim3A_761 = vector.broadcast %broadcast_in_dim3A_760 : i32 to vector<16xi32>
        %gather3A_762 = tpu.vector_load_idx %arg16[%add3A_656, %broadcast_in_dim3A_761] : memref<128x16xf32, #tpu.memory_space<vmem>>[vector<16xi32>, vector<16xi32>], vector<16xf32>,
        %mul3A_763 = arith.mulf %bitcast3A_752, %gather3A_759 : vector<16xf32>
        %add3A_764 = arith.addf %add3A_743, %mul3A_763 : vector<16xf32>
        %mul3A_765 = arith.mulf %bitcast3A_756, %gather3A_762 : vector<16xf32>
        %add3A_766 = arith.addf %add3A_745, %mul3A_765 : vector<16xf32>
        %broadcast_in_dim3A_767 = arith.constant 69 : i32
        %broadcast_in_dim3A_768 = vector.broadcast %broadcast_in_dim3A_767 : i32 to vector<16xi32>
        %gather3A_769 = tpu.vector_load_idx %arg18[%add3A_656, %broadcast_in_dim3A_768] : memref<128x80xi32, #tpu.memory_space<vmem>>[vector<16xi32>, vector<16xi32>], vector<16xi32>,
        %shift_left3A_770 = arith.constant 16 : i32
        %shift_left3A_771 = vector.broadcast %shift_left3A_770 : i32 to vector<16xi32>
        %shift_left3A_772 = arith.shli %gather3A_769, %shift_left3A_771 : vector<16xi32>
        %bitcast3A_773 = vector.bitcast %shift_left3A_772 : vector<16xi32> to vector<16xf32>
        %and3A_774 = arith.constant -65536 : i32
        %and3A_775 = vector.broadcast %and3A_774 : i32 to vector<16xi32>
        %and3A_776 = arith.andi %gather3A_769, %and3A_775 : vector<16xi32>
        %bitcast3A_777 = vector.bitcast %and3A_776 : vector<16xi32> to vector<16xf32>
        %broadcast_in_dim3A_778 = arith.constant 10 : i32
        %broadcast_in_dim3A_779 = vector.broadcast %broadcast_in_dim3A_778 : i32 to vector<16xi32>
        %gather3A_780 = tpu.vector_load_idx %arg16[%add3A_656, %broadcast_in_dim3A_779] : memref<128x16xf32, #tpu.memory_space<vmem>>[vector<16xi32>, vector<16xi32>], vector<16xf32>,
        %broadcast_in_dim3A_781 = arith.constant 11 : i32
        %broadcast_in_dim3A_782 = vector.broadcast %broadcast_in_dim3A_781 : i32 to vector<16xi32>
        %gather3A_783 = tpu.vector_load_idx %arg16[%add3A_656, %broadcast_in_dim3A_782] : memref<128x16xf32, #tpu.memory_space<vmem>>[vector<16xi32>, vector<16xi32>], vector<16xf32>,
        %mul3A_784 = arith.mulf %bitcast3A_773, %gather3A_780 : vector<16xf32>
        %add3A_785 = arith.addf %add3A_764, %mul3A_784 : vector<16xf32>
        %mul3A_786 = arith.mulf %bitcast3A_777, %gather3A_783 : vector<16xf32>
        %add3A_787 = arith.addf %add3A_766, %mul3A_786 : vector<16xf32>
        %broadcast_in_dim3A_788 = arith.constant 70 : i32
        %broadcast_in_dim3A_789 = vector.broadcast %broadcast_in_dim3A_788 : i32 to vector<16xi32>
        %gather3A_790 = tpu.vector_load_idx %arg18[%add3A_656, %broadcast_in_dim3A_789] : memref<128x80xi32, #tpu.memory_space<vmem>>[vector<16xi32>, vector<16xi32>], vector<16xi32>,
        %shift_left3A_791 = arith.constant 16 : i32
        %shift_left3A_792 = vector.broadcast %shift_left3A_791 : i32 to vector<16xi32>
        %shift_left3A_793 = arith.shli %gather3A_790, %shift_left3A_792 : vector<16xi32>
        %bitcast3A_794 = vector.bitcast %shift_left3A_793 : vector<16xi32> to vector<16xf32>
        %and3A_795 = arith.constant -65536 : i32
        %and3A_796 = vector.broadcast %and3A_795 : i32 to vector<16xi32>
        %and3A_797 = arith.andi %gather3A_790, %and3A_796 : vector<16xi32>
        %bitcast3A_798 = vector.bitcast %and3A_797 : vector<16xi32> to vector<16xf32>
        %broadcast_in_dim3A_799 = arith.constant 12 : i32
        %broadcast_in_dim3A_800 = vector.broadcast %broadcast_in_dim3A_799 : i32 to vector<16xi32>
        %gather3A_801 = tpu.vector_load_idx %arg16[%add3A_656, %broadcast_in_dim3A_800] : memref<128x16xf32, #tpu.memory_space<vmem>>[vector<16xi32>, vector<16xi32>], vector<16xf32>,
        %broadcast_in_dim3A_802 = arith.constant 13 : i32
        %broadcast_in_dim3A_803 = vector.broadcast %broadcast_in_dim3A_802 : i32 to vector<16xi32>
        %gather3A_804 = tpu.vector_load_idx %arg16[%add3A_656, %broadcast_in_dim3A_803] : memref<128x16xf32, #tpu.memory_space<vmem>>[vector<16xi32>, vector<16xi32>], vector<16xf32>,
        %mul3A_805 = arith.mulf %bitcast3A_794, %gather3A_801 : vector<16xf32>
        %add3A_806 = arith.addf %add3A_785, %mul3A_805 : vector<16xf32>
        %mul3A_807 = arith.mulf %bitcast3A_798, %gather3A_804 : vector<16xf32>
        %add3A_808 = arith.addf %add3A_787, %mul3A_807 : vector<16xf32>
        %broadcast_in_dim3A_809 = arith.constant 71 : i32
        %broadcast_in_dim3A_810 = vector.broadcast %broadcast_in_dim3A_809 : i32 to vector<16xi32>
        %gather3A_811 = tpu.vector_load_idx %arg18[%add3A_656, %broadcast_in_dim3A_810] : memref<128x80xi32, #tpu.memory_space<vmem>>[vector<16xi32>, vector<16xi32>], vector<16xi32>,
        %shift_left3A_812 = arith.constant 16 : i32
        %shift_left3A_813 = vector.broadcast %shift_left3A_812 : i32 to vector<16xi32>
        %shift_left3A_814 = arith.shli %gather3A_811, %shift_left3A_813 : vector<16xi32>
        %bitcast3A_815 = vector.bitcast %shift_left3A_814 : vector<16xi32> to vector<16xf32>
        %and3A_816 = arith.constant -65536 : i32
        %and3A_817 = vector.broadcast %and3A_816 : i32 to vector<16xi32>
        %and3A_818 = arith.andi %gather3A_811, %and3A_817 : vector<16xi32>
        %bitcast3A_819 = vector.bitcast %and3A_818 : vector<16xi32> to vector<16xf32>
        %broadcast_in_dim3A_820 = arith.constant 14 : i32
        %broadcast_in_dim3A_821 = vector.broadcast %broadcast_in_dim3A_820 : i32 to vector<16xi32>
        %gather3A_822 = tpu.vector_load_idx %arg16[%add3A_656, %broadcast_in_dim3A_821] : memref<128x16xf32, #tpu.memory_space<vmem>>[vector<16xi32>, vector<16xi32>], vector<16xf32>,
        %broadcast_in_dim3A_823 = arith.constant 15 : i32
        %broadcast_in_dim3A_824 = vector.broadcast %broadcast_in_dim3A_823 : i32 to vector<16xi32>
        %gather3A_825 = tpu.vector_load_idx %arg16[%add3A_656, %broadcast_in_dim3A_824] : memref<128x16xf32, #tpu.memory_space<vmem>>[vector<16xi32>, vector<16xi32>], vector<16xf32>,
        %mul3A_826 = arith.mulf %bitcast3A_815, %gather3A_822 : vector<16xf32>
        %add3A_827 = arith.addf %add3A_806, %mul3A_826 : vector<16xf32>
        %mul3A_828 = arith.mulf %bitcast3A_819, %gather3A_825 : vector<16xf32>
        %add3A_829 = arith.addf %add3A_808, %mul3A_828 : vector<16xf32>
        %add3A_830 = arith.addf %add3A_827, %add3A_829 : vector<16xf32>
        %mul3A_831 = arith.constant 0.0883883461 : f32
        %mul3A_832 = vector.broadcast %mul3A_831 : f32 to vector<16xf32>
        %mul3A_833 = arith.mulf %add3A_830, %mul3A_832 : vector<16xf32>
        %exp3A = math.exp %mul3A_833 : vector<16xf32>
        %mul3A_834 = arith.constant 16 : i32
        %mul3A_835 = arith.muli %scan3A_651, %mul3A_834 : i32
        %add3A_836 = arith.addi %mul3A_401, %mul3A_835 : i32
        %add3A_837 = vector.broadcast %add3A_836 : i32 to vector<16xi32>
        %add3A_838 = arith.addi %add3A_837, %iota3A : vector<16xi32>
        %lt3A_839 = arith.constant 320000 : i32
        %lt3A_840 = vector.broadcast %lt3A_839 : i32 to vector<16xi32>
        %lt3A_841 = arith.cmpi slt, %add3A_838, %lt3A_840 : vector<16xi32>
        %jit3A = arith.constant 0.000000e+00 : f32
        %broadcast_in_dim3A_842 = vector.broadcast %jit3A : f32 to vector<16xf32>
        %select_n3A = arith.select %lt3A_841, %exp3A, %broadcast_in_dim3A_842 : vector<16xi1>, vector<16xf32>
        %mul3A_843 = arith.constant 16 : i32
        %mul3A_844 = arith.muli %scan3A_651, %mul3A_843 : i32
        %swap3A_845 = arith.index_cast %mul3A_844 : i32 to index
        %swap3A_846 = tpu.vector_load %arg24[%swap3A_845] {strides = array<i32>} : memref<128xf32, #tpu.memory_space<vmem>>, vector<16xf32>,
        tpu.vector_store %arg24[%swap3A_845], %select_n3A {strides = array<i32>} : memref<128xf32, #tpu.memory_space<vmem>>, vector<16xf32>,
        %scan3A_847 = arith.constant 0 : i32
        %scan3A_848 = arith.constant 0 : i32
        %scan3A_849 = arith.constant 16 : i32
        %scan3A_850 = arith.addi %scan3A_848, %scan3A_849 : i32
        %scan3A_851 = arith.constant 1 : i32
        %scan3A_852 = scf.for %scan3A_855 = %scan3A_848 to %scan3A_850 step %scan3A_851 iter_args(%scan3A_856 = %scan3A_847) -> (i32)  : i32 {
          %mul3A_857 = arith.constant 16 : i32
          %mul3A_858 = arith.muli %scan3A_651, %mul3A_857 : i32
          %add3A_859 = arith.addi %mul3A_858, %scan3A_855 : i32
          %broadcast_in_dim3A_860 = vector.broadcast %add3A_859 : i32 to vector<16xi32>
          %gather3A_861 = tpu.vector_load_idx %arg24[%broadcast_in_dim3A_860] : memref<128xf32, #tpu.memory_space<vmem>>[vector<16xi32>], vector<16xf32>,
          %get3A_862 = arith.index_cast %add3A_859 : i32 to index
          %get3A_863 = arith.constant 0 : index
          %get3A_864 = tpu.vector_load %arg16[%get3A_862, %get3A_863] {strides = array<i32>} : memref<128x16xf32, #tpu.memory_space<vmem>>, vector<16xf32>,
          %mul3A_865 = arith.mulf %get3A_864, %gather3A_861 : vector<16xf32>
          %swap3A_866 = arith.index_cast %add3A_859 : i32 to index
          %swap3A_867 = arith.constant 0 : index
          %swap3A_868 = tpu.vector_load %arg22[%swap3A_866, %swap3A_867] {strides = array<i32>} : memref<128x32xf32, #tpu.memory_space<vmem>>, vector<16xf32>,
          tpu.vector_store %arg22[%swap3A_866, %swap3A_867], %mul3A_865 {strides = array<i32>} : memref<128x32xf32, #tpu.memory_space<vmem>>, vector<16xf32>,
          %swap3A_869 = arith.index_cast %add3A_859 : i32 to index
          %swap3A_870 = arith.constant 16 : index
          %swap3A_871 = tpu.vector_load %arg22[%swap3A_869, %swap3A_870] {strides = array<i32>} : memref<128x32xf32, #tpu.memory_space<vmem>>, vector<16xf32>,
          tpu.vector_store %arg22[%swap3A_869, %swap3A_870], %gather3A_861 {strides = array<i32>} : memref<128x32xf32, #tpu.memory_space<vmem>>, vector<16xf32>,
          %scan3A_872 = arith.constant 0 : i32
          scf.yield %scan3A_872 : i32
        }
        %scan3A_853 = arith.constant 16 : i32
        %scan3A_854 = arith.constant 0 : i32
        scf.yield %scan3A_854 : i32
      }
      %scan3A_408 = arith.constant 8 : i32
      %get3A = arith.constant 0 : index
      %get3A_409 = tpu.vector_load %arg12[%get3A] {strides = array<i32>} : memref<128xi32, #tpu.memory_space<vmem>>, vector<16xi32>,
      %swap3A = arith.constant 0 : index
      %swap3A_410 = tpu.vector_load %arg14[%swap3A] {strides = array<i32>} : memref<128xi32, #tpu.memory_space<vmem>>, vector<16xi32>,
      tpu.vector_store %arg14[%swap3A], %get3A_409 {strides = array<i32>} : memref<128xi32, #tpu.memory_space<vmem>>, vector<16xi32>,
      %get3A_411 = arith.constant 16 : index
      %get3A_412 = tpu.vector_load %arg12[%get3A_411] {strides = array<i32>} : memref<128xi32, #tpu.memory_space<vmem>>, vector<16xi32>,
      %swap3A_413 = arith.constant 16 : index
      %swap3A_414 = tpu.vector_load %arg14[%swap3A_413] {strides = array<i32>} : memref<128xi32, #tpu.memory_space<vmem>>, vector<16xi32>,
      tpu.vector_store %arg14[%swap3A_413], %get3A_412 {strides = array<i32>} : memref<128xi32, #tpu.memory_space<vmem>>, vector<16xi32>,
      %get3A_415 = arith.constant 32 : index
      %get3A_416 = tpu.vector_load %arg12[%get3A_415] {strides = array<i32>} : memref<128xi32, #tpu.memory_space<vmem>>, vector<16xi32>,
      %swap3A_417 = arith.constant 32 : index
      %swap3A_418 = tpu.vector_load %arg14[%swap3A_417] {strides = array<i32>} : memref<128xi32, #tpu.memory_space<vmem>>, vector<16xi32>,
      tpu.vector_store %arg14[%swap3A_417], %get3A_416 {strides = array<i32>} : memref<128xi32, #tpu.memory_space<vmem>>, vector<16xi32>,
      %get3A_419 = arith.constant 48 : index
      %get3A_420 = tpu.vector_load %arg12[%get3A_419] {strides = array<i32>} : memref<128xi32, #tpu.memory_space<vmem>>, vector<16xi32>,
      %swap3A_421 = arith.constant 48 : index
      %swap3A_422 = tpu.vector_load %arg14[%swap3A_421] {strides = array<i32>} : memref<128xi32, #tpu.memory_space<vmem>>, vector<16xi32>,
      tpu.vector_store %arg14[%swap3A_421], %get3A_420 {strides = array<i32>} : memref<128xi32, #tpu.memory_space<vmem>>, vector<16xi32>,
      %get3A_423 = arith.constant 64 : index
      %get3A_424 = tpu.vector_load %arg12[%get3A_423] {strides = array<i32>} : memref<128xi32, #tpu.memory_space<vmem>>, vector<16xi32>,
      %swap3A_425 = arith.constant 64 : index
      %swap3A_426 = tpu.vector_load %arg14[%swap3A_425] {strides = array<i32>} : memref<128xi32, #tpu.memory_space<vmem>>, vector<16xi32>,
      tpu.vector_store %arg14[%swap3A_425], %get3A_424 {strides = array<i32>} : memref<128xi32, #tpu.memory_space<vmem>>, vector<16xi32>,
      %get3A_427 = arith.constant 80 : index
      %get3A_428 = tpu.vector_load %arg12[%get3A_427] {strides = array<i32>} : memref<128xi32, #tpu.memory_space<vmem>>, vector<16xi32>,
      %swap3A_429 = arith.constant 80 : index
      %swap3A_430 = tpu.vector_load %arg14[%swap3A_429] {strides = array<i32>} : memref<128xi32, #tpu.memory_space<vmem>>, vector<16xi32>,
      tpu.vector_store %arg14[%swap3A_429], %get3A_428 {strides = array<i32>} : memref<128xi32, #tpu.memory_space<vmem>>, vector<16xi32>,
      %get3A_431 = arith.constant 96 : index
      %get3A_432 = tpu.vector_load %arg12[%get3A_431] {strides = array<i32>} : memref<128xi32, #tpu.memory_space<vmem>>, vector<16xi32>,
      %swap3A_433 = arith.constant 96 : index
      %swap3A_434 = tpu.vector_load %arg14[%swap3A_433] {strides = array<i32>} : memref<128xi32, #tpu.memory_space<vmem>>, vector<16xi32>,
      tpu.vector_store %arg14[%swap3A_433], %get3A_432 {strides = array<i32>} : memref<128xi32, #tpu.memory_space<vmem>>, vector<16xi32>,
      %get3A_435 = arith.constant 112 : index
      %get3A_436 = tpu.vector_load %arg12[%get3A_435] {strides = array<i32>} : memref<128xi32, #tpu.memory_space<vmem>>, vector<16xi32>,
      %swap3A_437 = arith.constant 112 : index
      %swap3A_438 = tpu.vector_load %arg14[%swap3A_437] {strides = array<i32>} : memref<128xi32, #tpu.memory_space<vmem>>, vector<16xi32>,
      tpu.vector_store %arg14[%swap3A_437], %get3A_436 {strides = array<i32>} : memref<128xi32, #tpu.memory_space<vmem>>, vector<16xi32>,
      %dma_start3A_439 = arith.constant 0 : i32
      %dma_start3A_440 = tpu.memref_slice %arg7[%add3A, %add3A_303, %dma_start3A_439] : memref<32x80x128xf32, #tpu.memory_space<hbm>> -> memref<1x1x128xf32, #tpu.memory_space<hbm>>
      %dma_start3A_441 = tpu.memref_squeeze %dma_start3A_440 : memref<1x1x128xf32, #tpu.memory_space<hbm>> -> memref<128xf32, #tpu.memory_space<hbm>>
      %dma_start3A_442 = arith.constant 0 : i32
      %dma_start3A_443 = tpu.memref_slice %arg7[%add3A, %add3A_303, %dma_start3A_442] : memref<32x80x128xf32, #tpu.memory_space<hbm>> -> memref<1x1x128xf32, #tpu.memory_space<hbm>>
      %dma_start3A_444 = tpu.memref_squeeze %dma_start3A_443 : memref<1x1x128xf32, #tpu.memory_space<hbm>> -> memref<128xf32, #tpu.memory_space<hbm>>
      tpu.enqueue_dma source(%arg24 : memref<128xf32, #tpu.memory_space<vmem>>) target(%dma_start3A_444 : memref<128xf32, #tpu.memory_space<hbm>>) target_semaphore(%arg32 : memref<!tpu.dma_semaphore, #tpu.memory_space<semaphore_mem>>)
      %dma_start3A_445 = arith.constant 0 : i32
      %dma_start3A_446 = arith.constant 0 : i32
      %dma_start3A_447 = tpu.memref_slice %arg9[%dma_start3A_445, %dma_start3A_446] : memref<10000x32xf32, #tpu.memory_space<vmem_shared>> -> memref<10000x32xf32, #tpu.memory_space<vmem_shared>>
      tpu.enqueue_indirect_dma source(%arg22 : memref<128x32xf32, #tpu.memory_space<vmem>>) target(%dma_start3A_447 : memref<10000x32xf32, #tpu.memory_space<vmem_shared>>) offsets(%arg14 : memref<128xi32, #tpu.memory_space<vmem>>) semaphore(%arg34 : memref<!tpu.dma_semaphore, #tpu.memory_space<semaphore_mem>>) {add = true}
      %add3A_448 = arith.constant 2 : i32
      %add3A_449 = arith.addi %add3A_303, %add3A_448 : i32
      %min3A_450 = arith.constant 79 : i32
      %min3A_451 = arith.minsi %add3A_449, %min3A_450 : i32
      %dma_start3A_452 = arith.constant 0 : i32
      %dma_start3A_453 = tpu.memref_slice %arg5[%add3A, %min3A_451, %dma_start3A_452] : memref<32x80x128xi32, #tpu.memory_space<hbm>> -> memref<1x1x128xi32, #tpu.memory_space<hbm>>
      %dma_start3A_454 = tpu.memref_squeeze %dma_start3A_453 : memref<1x1x128xi32, #tpu.memory_space<hbm>> -> memref<128xi32, #tpu.memory_space<hbm>>
      %dma_start3A_455 = arith.constant 0 : i32
      %dma_start3A_456 = tpu.memref_slice %arg5[%add3A, %min3A_451, %dma_start3A_455] : memref<32x80x128xi32, #tpu.memory_space<hbm>> -> memref<1x1x128xi32, #tpu.memory_space<hbm>>
      %dma_start3A_457 = tpu.memref_squeeze %dma_start3A_456 : memref<1x1x128xi32, #tpu.memory_space<hbm>> -> memref<128xi32, #tpu.memory_space<hbm>>
      tpu.enqueue_dma source(%dma_start3A_457 : memref<128xi32, #tpu.memory_space<hbm>>) target(%arg10 : memref<128xi32, #tpu.memory_space<vmem>>) target_semaphore(%arg30 : memref<!tpu.dma_semaphore, #tpu.memory_space<semaphore_mem>>)
      %dma_start3A_458 = arith.constant 0 : i32
      %dma_start3A_459 = tpu.memref_slice %arg6[%add3A, %min3A_451, %dma_start3A_458] : memref<32x80x128xi32, #tpu.memory_space<hbm>> -> memref<1x1x128xi32, #tpu.memory_space<hbm>>
      %dma_start3A_460 = tpu.memref_squeeze %dma_start3A_459 : memref<1x1x128xi32, #tpu.memory_space<hbm>> -> memref<128xi32, #tpu.memory_space<hbm>>
      %dma_start3A_461 = arith.constant 0 : i32
      %dma_start3A_462 = tpu.memref_slice %arg6[%add3A, %min3A_451, %dma_start3A_461] : memref<32x80x128xi32, #tpu.memory_space<hbm>> -> memref<1x1x128xi32, #tpu.memory_space<hbm>>
      %dma_start3A_463 = tpu.memref_squeeze %dma_start3A_462 : memref<1x1x128xi32, #tpu.memory_space<hbm>> -> memref<128xi32, #tpu.memory_space<hbm>>
      tpu.enqueue_dma source(%dma_start3A_463 : memref<128xi32, #tpu.memory_space<hbm>>) target(%arg12 : memref<128xi32, #tpu.memory_space<vmem>>) target_semaphore(%arg30 : memref<!tpu.dma_semaphore, #tpu.memory_space<semaphore_mem>>)
      %dma_start3A_464 = arith.constant 0 : i32
      %dma_start3A_465 = arith.constant 0 : i32
      %dma_start3A_466 = tpu.memref_slice %arg4[%add3A, %min3A_451, %dma_start3A_464, %dma_start3A_465] : memref<32x80x128x16xf32, #tpu.memory_space<hbm>> -> memref<1x1x128x16xf32, #tpu.memory_space<hbm>>
      %dma_start3A_467 = tpu.memref_squeeze %dma_start3A_466 : memref<1x1x128x16xf32, #tpu.memory_space<hbm>> -> memref<128x16xf32, #tpu.memory_space<hbm>>
      %dma_start3A_468 = arith.constant 0 : i32
      %dma_start3A_469 = arith.constant 0 : i32
      %dma_start3A_470 = tpu.memref_slice %arg4[%add3A, %min3A_451, %dma_start3A_468, %dma_start3A_469] : memref<32x80x128x16xf32, #tpu.memory_space<hbm>> -> memref<1x1x128x16xf32, #tpu.memory_space<hbm>>
      %dma_start3A_471 = tpu.memref_squeeze %dma_start3A_470 : memref<1x1x128x16xf32, #tpu.memory_space<hbm>> -> memref<128x16xf32, #tpu.memory_space<hbm>>
      tpu.enqueue_dma source(%dma_start3A_471 : memref<128x16xf32, #tpu.memory_space<hbm>>) target(%arg16 : memref<128x16xf32, #tpu.memory_space<vmem>>) target_semaphore(%arg30 : memref<!tpu.dma_semaphore, #tpu.memory_space<semaphore_mem>>)
      %mul3A_472 = arith.constant 2 : i32
      %mul3A_473 = arith.muli %mul3A_472, %scan3A_298 : i32
      %add3A_474 = arith.constant 1 : i32
      %add3A_475 = arith.addi %mul3A_473, %add3A_474 : i32
      %add3A_476 = arith.constant 1 : i32
      %add3A_477 = arith.addi %add3A_475, %add3A_476 : i32
      %min3A_478 = arith.constant 79 : i32
      %min3A_479 = arith.minsi %add3A_477, %min3A_478 : i32
      %sub3A_480 = arith.constant 2 : i32
      %sub3A_481 = arith.subi %add3A_475, %sub3A_480 : i32
      %max3A_482 = arith.constant 0 : i32
      %max3A_483 = arith.maxsi %sub3A_481, %max3A_482 : i32
      %dma_wait3A_484 = arith.constant 0 : i32
      %dma_wait3A_485 = tpu.memref_slice %arg5[%add3A, %min3A_479, %dma_wait3A_484] : memref<32x80x128xi32, #tpu.memory_space<hbm>> -> memref<1x1x128xi32, #tpu.memory_space<hbm>>
      %dma_wait3A_486 = tpu.memref_squeeze %dma_wait3A_485 : memref<1x1x128xi32, #tpu.memory_space<hbm>> -> memref<128xi32, #tpu.memory_space<hbm>>
      %dma_wait3A_487 = arith.constant 0 : i32
      %dma_wait3A_488 = tpu.memref_slice %arg5[%add3A, %min3A_479, %dma_wait3A_487] : memref<32x80x128xi32, #tpu.memory_space<hbm>> -> memref<1x1x128xi32, #tpu.memory_space<hbm>>
      %dma_wait3A_489 = tpu.memref_squeeze %dma_wait3A_488 : memref<1x1x128xi32, #tpu.memory_space<hbm>> -> memref<128xi32, #tpu.memory_space<hbm>>
      tpu.wait_dma2 semaphore(%arg30 : memref<!tpu.dma_semaphore, #tpu.memory_space<semaphore_mem>>) src(%dma_wait3A_489 : memref<128xi32, #tpu.memory_space<hbm>>) dst(%arg10 : memref<128xi32, #tpu.memory_space<vmem>>)
      %dma_wait3A_490 = arith.constant 0 : i32
      %dma_wait3A_491 = tpu.memref_slice %arg6[%add3A, %min3A_479, %dma_wait3A_490] : memref<32x80x128xi32, #tpu.memory_space<hbm>> -> memref<1x1x128xi32, #tpu.memory_space<hbm>>
      %dma_wait3A_492 = tpu.memref_squeeze %dma_wait3A_491 : memref<1x1x128xi32, #tpu.memory_space<hbm>> -> memref<128xi32, #tpu.memory_space<hbm>>
      %dma_wait3A_493 = arith.constant 0 : i32
      %dma_wait3A_494 = tpu.memref_slice %arg6[%add3A, %min3A_479, %dma_wait3A_493] : memref<32x80x128xi32, #tpu.memory_space<hbm>> -> memref<1x1x128xi32, #tpu.memory_space<hbm>>
      %dma_wait3A_495 = tpu.memref_squeeze %dma_wait3A_494 : memref<1x1x128xi32, #tpu.memory_space<hbm>> -> memref<128xi32, #tpu.memory_space<hbm>>
      tpu.wait_dma2 semaphore(%arg30 : memref<!tpu.dma_semaphore, #tpu.memory_space<semaphore_mem>>) src(%dma_wait3A_495 : memref<128xi32, #tpu.memory_space<hbm>>) dst(%arg12 : memref<128xi32, #tpu.memory_space<vmem>>)
      %dma_wait3A_496 = arith.constant 0 : i32
      %dma_wait3A_497 = arith.constant 0 : i32
      %dma_wait3A_498 = tpu.memref_slice %arg4[%add3A, %min3A_479, %dma_wait3A_496, %dma_wait3A_497] : memref<32x80x128x16xf32, #tpu.memory_space<hbm>> -> memref<1x1x128x16xf32, #tpu.memory_space<hbm>>
      %dma_wait3A_499 = tpu.memref_squeeze %dma_wait3A_498 : memref<1x1x128x16xf32, #tpu.memory_space<hbm>> -> memref<128x16xf32, #tpu.memory_space<hbm>>
      %dma_wait3A_500 = arith.constant 0 : i32
      %dma_wait3A_501 = arith.constant 0 : i32
      %dma_wait3A_502 = tpu.memref_slice %arg4[%add3A, %min3A_479, %dma_wait3A_500, %dma_wait3A_501] : memref<32x80x128x16xf32, #tpu.memory_space<hbm>> -> memref<1x1x128x16xf32, #tpu.memory_space<hbm>>
      %dma_wait3A_503 = tpu.memref_squeeze %dma_wait3A_502 : memref<1x1x128x16xf32, #tpu.memory_space<hbm>> -> memref<128x16xf32, #tpu.memory_space<hbm>>
      tpu.wait_dma2 semaphore(%arg30 : memref<!tpu.dma_semaphore, #tpu.memory_space<semaphore_mem>>) src(%dma_wait3A_503 : memref<128x16xf32, #tpu.memory_space<hbm>>) dst(%arg16 : memref<128x16xf32, #tpu.memory_space<vmem>>)
      %dma_start3A_504 = arith.constant 0 : i32
      %dma_start3A_505 = arith.constant 0 : i32
      %dma_start3A_506 = tpu.memref_slice %arg18[%dma_start3A_504, %dma_start3A_505] : memref<128x80xi32, #tpu.memory_space<vmem>> -> memref<64x80xi32, #tpu.memory_space<vmem>>
      %dma_start3A_507 = arith.constant 0 : i32
      %dma_start3A_508 = tpu.memref_slice %arg12[%dma_start3A_507] : memref<128xi32, #tpu.memory_space<vmem>> -> memref<64xi32, #tpu.memory_space<vmem>>
      %dma_start3A_509 = arith.constant 0 : i32
      %dma_start3A_510 = arith.constant 0 : i32
      %dma_start3A_511 = tpu.memref_slice %arg2[%dma_start3A_509, %dma_start3A_510] : memref<10000x80xi32, #tpu.memory_space<hbm>> -> memref<10000x80xi32, #tpu.memory_space<hbm>>
      tpu.enqueue_indirect_dma source(%dma_start3A_511 : memref<10000x80xi32, #tpu.memory_space<hbm>>) target(%dma_start3A_506 : memref<64x80xi32, #tpu.memory_space<vmem>>) offsets(%dma_start3A_508 : memref<64xi32, #tpu.memory_space<vmem>>) semaphore(%arg26 : memref<!tpu.dma_semaphore, #tpu.memory_space<semaphore_mem>>)
      %dma_start3A_512 = arith.constant 0 : i32
      %dma_start3A_513 = arith.constant 0 : i32
      %dma_start3A_514 = tpu.memref_slice %arg20[%dma_start3A_512, %dma_start3A_513] : memref<128x64xi32, #tpu.memory_space<vmem>> -> memref<64x64xi32, #tpu.memory_space<vmem>>
      %dma_start3A_515 = arith.constant 0 : i32
      %dma_start3A_516 = tpu.memref_slice %arg10[%dma_start3A_515] : memref<128xi32, #tpu.memory_space<vmem>> -> memref<64xi32, #tpu.memory_space<vmem>>
      %dma_start3A_517 = arith.constant 0 : i32
      %dma_start3A_518 = arith.constant 0 : i32
      %dma_start3A_519 = tpu.memref_slice %arg3[%dma_start3A_517, %dma_start3A_518] : memref<10000x64xi32, #tpu.memory_space<hbm>> -> memref<10000x64xi32, #tpu.memory_space<hbm>>
      tpu.enqueue_indirect_dma source(%dma_start3A_519 : memref<10000x64xi32, #tpu.memory_space<hbm>>) target(%dma_start3A_514 : memref<64x64xi32, #tpu.memory_space<vmem>>) offsets(%dma_start3A_516 : memref<64xi32, #tpu.memory_space<vmem>>) semaphore(%arg26 : memref<!tpu.dma_semaphore, #tpu.memory_space<semaphore_mem>>)
      %dma_start3A_520 = arith.constant 64 : i32
      %dma_start3A_521 = arith.constant 0 : i32
      %dma_start3A_522 = tpu.memref_slice %arg18[%dma_start3A_520, %dma_start3A_521] : memref<128x80xi32, #tpu.memory_space<vmem>> -> memref<64x80xi32, #tpu.memory_space<vmem>>
      %dma_start3A_523 = arith.constant 64 : i32
      %dma_start3A_524 = tpu.memref_slice %arg12[%dma_start3A_523] : memref<128xi32, #tpu.memory_space<vmem>> -> memref<64xi32, #tpu.memory_space<vmem>>
      %dma_start3A_525 = arith.constant 0 : i32
      %dma_start3A_526 = arith.constant 0 : i32
      %dma_start3A_527 = tpu.memref_slice %arg2[%dma_start3A_525, %dma_start3A_526] : memref<10000x80xi32, #tpu.memory_space<hbm>> -> memref<10000x80xi32, #tpu.memory_space<hbm>>
      tpu.enqueue_indirect_dma source(%dma_start3A_527 : memref<10000x80xi32, #tpu.memory_space<hbm>>) target(%dma_start3A_522 : memref<64x80xi32, #tpu.memory_space<vmem>>) offsets(%dma_start3A_524 : memref<64xi32, #tpu.memory_space<vmem>>) semaphore(%arg28 : memref<!tpu.dma_semaphore, #tpu.memory_space<semaphore_mem>>)
      %dma_start3A_528 = arith.constant 64 : i32
      %dma_start3A_529 = arith.constant 0 : i32
      %dma_start3A_530 = tpu.memref_slice %arg20[%dma_start3A_528, %dma_start3A_529] : memref<128x64xi32, #tpu.memory_space<vmem>> -> memref<64x64xi32, #tpu.memory_space<vmem>>
      %dma_start3A_531 = arith.constant 64 : i32
      %dma_start3A_532 = tpu.memref_slice %arg10[%dma_start3A_531] : memref<128xi32, #tpu.memory_space<vmem>> -> memref<64xi32, #tpu.memory_space<vmem>>
      %dma_start3A_533 = arith.constant 0 : i32
      %dma_start3A_534 = arith.constant 0 : i32
      %dma_start3A_535 = tpu.memref_slice %arg3[%dma_start3A_533, %dma_start3A_534] : memref<10000x64xi32, #tpu.memory_space<hbm>> -> memref<10000x64xi32, #tpu.memory_space<hbm>>
      tpu.enqueue_indirect_dma source(%dma_start3A_535 : memref<10000x64xi32, #tpu.memory_space<hbm>>) target(%dma_start3A_530 : memref<64x64xi32, #tpu.memory_space<vmem>>) offsets(%dma_start3A_532 : memref<64xi32, #tpu.memory_space<vmem>>) semaphore(%arg28 : memref<!tpu.dma_semaphore, #tpu.memory_space<semaphore_mem>>)
      %dma_wait3A_536 = arith.constant 0 : i32
      %dma_wait3A_537 = arith.constant 0 : i32
      %dma_wait3A_538 = tpu.memref_slice %arg19[%dma_wait3A_536, %dma_wait3A_537] : memref<128x80xi32, #tpu.memory_space<vmem>> -> memref<64x80xi32, #tpu.memory_space<vmem>>
      %dma_wait3A_539 = arith.constant 0 : i32
      %dma_wait3A_540 = tpu.memref_slice %arg13[%dma_wait3A_539] : memref<128xi32, #tpu.memory_space<vmem>> -> memref<64xi32, #tpu.memory_space<vmem>>
      %dma_wait3A_541 = arith.constant 0 : i32
      %dma_wait3A_542 = arith.constant 0 : i32
      %dma_wait3A_543 = tpu.memref_slice %arg2[%dma_wait3A_541, %dma_wait3A_542] : memref<10000x80xi32, #tpu.memory_space<hbm>> -> memref<10000x80xi32, #tpu.memory_space<hbm>>
      tpu.wait_indirect_dma semaphore(%arg27 : memref<!tpu.dma_semaphore, #tpu.memory_space<semaphore_mem>>) src(%dma_wait3A_543 : memref<10000x80xi32, #tpu.memory_space<hbm>>) dst(%dma_wait3A_538 : memref<64x80xi32, #tpu.memory_space<vmem>>)
      %dma_wait3A_544 = arith.constant 0 : i32
      %dma_wait3A_545 = arith.constant 0 : i32
      %dma_wait3A_546 = tpu.memref_slice %arg21[%dma_wait3A_544, %dma_wait3A_545] : memref<128x64xi32, #tpu.memory_space<vmem>> -> memref<64x64xi32, #tpu.memory_space<vmem>>
      %dma_wait3A_547 = arith.constant 0 : i32
      %dma_wait3A_548 = tpu.memref_slice %arg11[%dma_wait3A_547] : memref<128xi32, #tpu.memory_space<vmem>> -> memref<64xi32, #tpu.memory_space<vmem>>
      %dma_wait3A_549 = arith.constant 0 : i32
      %dma_wait3A_550 = arith.constant 0 : i32
      %dma_wait3A_551 = tpu.memref_slice %arg3[%dma_wait3A_549, %dma_wait3A_550] : memref<10000x64xi32, #tpu.memory_space<hbm>> -> memref<10000x64xi32, #tpu.memory_space<hbm>>
      tpu.wait_indirect_dma semaphore(%arg27 : memref<!tpu.dma_semaphore, #tpu.memory_space<semaphore_mem>>) src(%dma_wait3A_551 : memref<10000x64xi32, #tpu.memory_space<hbm>>) dst(%dma_wait3A_546 : memref<64x64xi32, #tpu.memory_space<vmem>>)
      %dma_wait3A_552 = arith.constant 64 : i32
      %dma_wait3A_553 = arith.constant 0 : i32
      %dma_wait3A_554 = tpu.memref_slice %arg19[%dma_wait3A_552, %dma_wait3A_553] : memref<128x80xi32, #tpu.memory_space<vmem>> -> memref<64x80xi32, #tpu.memory_space<vmem>>
      %dma_wait3A_555 = arith.constant 64 : i32
      %dma_wait3A_556 = tpu.memref_slice %arg13[%dma_wait3A_555] : memref<128xi32, #tpu.memory_space<vmem>> -> memref<64xi32, #tpu.memory_space<vmem>>
      %dma_wait3A_557 = arith.constant 0 : i32
      %dma_wait3A_558 = arith.constant 0 : i32
      %dma_wait3A_559 = tpu.memref_slice %arg2[%dma_wait3A_557, %dma_wait3A_558] : memref<10000x80xi32, #tpu.memory_space<hbm>> -> memref<10000x80xi32, #tpu.memory_space<hbm>>
      tpu.wait_indirect_dma semaphore(%arg29 : memref<!tpu.dma_semaphore, #tpu.memory_space<semaphore_mem>>) src(%dma_wait3A_559 : memref<10000x80xi32, #tpu.memory_space<hbm>>) dst(%dma_wait3A_554 : memref<64x80xi32, #tpu.memory_space<vmem>>)
      %dma_wait3A_560 = arith.constant 64 : i32
      %dma_wait3A_561 = arith.constant 0 : i32
      %dma_wait3A_562 = tpu.memref_slice %arg21[%dma_wait3A_560, %dma_wait3A_561] : memref<128x64xi32, #tpu.memory_space<vmem>> -> memref<64x64xi32, #tpu.memory_space<vmem>>
      %dma_wait3A_563 = arith.constant 64 : i32
      %dma_wait3A_564 = tpu.memref_slice %arg11[%dma_wait3A_563] : memref<128xi32, #tpu.memory_space<vmem>> -> memref<64xi32, #tpu.memory_space<vmem>>
      %dma_wait3A_565 = arith.constant 0 : i32
      %dma_wait3A_566 = arith.constant 0 : i32
      %dma_wait3A_567 = tpu.memref_slice %arg3[%dma_wait3A_565, %dma_wait3A_566] : memref<10000x64xi32, #tpu.memory_space<hbm>> -> memref<10000x64xi32, #tpu.memory_space<hbm>>
      tpu.wait_indirect_dma semaphore(%arg29 : memref<!tpu.dma_semaphore, #tpu.memory_space<semaphore_mem>>) src(%dma_wait3A_567 : memref<10000x64xi32, #tpu.memory_space<hbm>>) dst(%dma_wait3A_562 : memref<64x64xi32, #tpu.memory_space<vmem>>)
      %ge3A_568 = arith.constant 2 : i32
      %ge3A_569 = arith.cmpi sge, %add3A_475, %ge3A_568 : i32
      %convert_element_type3A_570 = arith.extui %ge3A_569 : i1 to i32
      %cond3A_571 = arith.constant 0 : i32
      %cond3A_572 = arith.cmpi ne, %convert_element_type3A_570, %cond3A_571 : i32
      scf.if %cond3A_572 {
        %dma_wait3A_651 = arith.constant 0 : i32
        %dma_wait3A_652 = tpu.memref_slice %arg7[%add3A, %max3A_483, %dma_wait3A_651] : memref<32x80x128xf32, #tpu.memory_space<hbm>> -> memref<1x1x128xf32, #tpu.memory_space<hbm>>
        %dma_wait3A_653 = tpu.memref_squeeze %dma_wait3A_652 : memref<1x1x128xf32, #tpu.memory_space<hbm>> -> memref<128xf32, #tpu.memory_space<hbm>>
        %dma_wait3A_654 = arith.constant 0 : i32
        %dma_wait3A_655 = tpu.memref_slice %arg7[%add3A, %max3A_483, %dma_wait3A_654] : memref<32x80x128xf32, #tpu.memory_space<hbm>> -> memref<1x1x128xf32, #tpu.memory_space<hbm>>
        %dma_wait3A_656 = tpu.memref_squeeze %dma_wait3A_655 : memref<1x1x128xf32, #tpu.memory_space<hbm>> -> memref<128xf32, #tpu.memory_space<hbm>>
        tpu.wait_dma2 semaphore(%arg33 : memref<!tpu.dma_semaphore, #tpu.memory_space<semaphore_mem>>) src(%arg25 : memref<128xf32, #tpu.memory_space<vmem>>) dst(%dma_wait3A_656 : memref<128xf32, #tpu.memory_space<hbm>>)
        %dma_wait3A_657 = arith.constant 0 : i32
        %dma_wait3A_658 = arith.constant 0 : i32
        %dma_wait3A_659 = tpu.memref_slice %arg9[%dma_wait3A_657, %dma_wait3A_658] : memref<10000x32xf32, #tpu.memory_space<vmem_shared>> -> memref<10000x32xf32, #tpu.memory_space<vmem_shared>>
        tpu.wait_indirect_dma semaphore(%arg35 : memref<!tpu.dma_semaphore, #tpu.memory_space<semaphore_mem>>) src(%arg23 : memref<128x32xf32, #tpu.memory_space<vmem>>) dst(%dma_wait3A_659 : memref<10000x32xf32, #tpu.memory_space<vmem_shared>>)
      } else {
      }
      %mul3A_573 = arith.constant 80 : i32
      %mul3A_574 = arith.muli %add3A, %mul3A_573 : i32
      %add3A_575 = arith.addi %mul3A_574, %add3A_475 : i32
      %mul3A_576 = arith.constant 128 : i32
      %mul3A_577 = arith.muli %add3A_575, %mul3A_576 : i32
      %scan3A_578 = arith.constant 0 : i32
      %scan3A_579 = arith.constant 0 : i32
      %scan3A_580 = arith.constant 8 : i32
      %scan3A_581 = arith.addi %scan3A_579, %scan3A_580 : i32
      %scan3A_582 = arith.constant 1 : i32
      %scan3A_583 = scf.for %scan3A_651 = %scan3A_579 to %scan3A_581 step %scan3A_582 iter_args(%scan3A_652 = %scan3A_578) -> (i32)  : i32 {
        %mul3A_653 = arith.constant 16 : i32
        %mul3A_654 = arith.muli %scan3A_651, %mul3A_653 : i32
        %add3A_655 = vector.broadcast %mul3A_654 : i32 to vector<16xi32>
        %add3A_656 = arith.addi %add3A_655, %iota3A : vector<16xi32>
        %broadcast_in_dim3A = arith.constant 0.000000e+00 : f32
        %broadcast_in_dim3A_657 = vector.broadcast %broadcast_in_dim3A : f32 to vector<16xf32>
        %broadcast_in_dim3A_658 = arith.constant 0.000000e+00 : f32
        %broadcast_in_dim3A_659 = vector.broadcast %broadcast_in_dim3A_658 : f32 to vector<16xf32>
        %scan3A_660 = arith.constant 0 : i32
        %scan3A_661 = arith.constant 16 : i32
        %scan3A_662 = arith.addi %scan3A_660, %scan3A_661 : i32
        %scan3A_663 = arith.constant 1 : i32
        %scan3A_664:2 = scf.for %scan3A_855 = %scan3A_660 to %scan3A_662 step %scan3A_663 iter_args(%scan3A_856 = %broadcast_in_dim3A_657, %scan3A_857 = %broadcast_in_dim3A_659) -> (vector<16xf32>, vector<16xf32>)  : i32 {
          %mul3A_858 = arith.constant 4 : i32
          %mul3A_859 = arith.muli %scan3A_855, %mul3A_858 : i32
          %add3A_860 = arith.constant 0 : i32
          %add3A_861 = arith.addi %mul3A_859, %add3A_860 : i32
          %broadcast_in_dim3A_862 = vector.broadcast %add3A_861 : i32 to vector<16xi32>
          %gather3A_863 = tpu.vector_load_idx %arg19[%add3A_656, %broadcast_in_dim3A_862] : memref<128x80xi32, #tpu.memory_space<vmem>>[vector<16xi32>, vector<16xi32>], vector<16xi32>,
          %add3A_864 = arith.constant 0 : i32
          %add3A_865 = arith.addi %mul3A_859, %add3A_864 : i32
          %broadcast_in_dim3A_866 = vector.broadcast %add3A_865 : i32 to vector<16xi32>
          %gather3A_867 = tpu.vector_load_idx %arg21[%add3A_656, %broadcast_in_dim3A_866] : memref<128x64xi32, #tpu.memory_space<vmem>>[vector<16xi32>, vector<16xi32>], vector<16xi32>,
          %shift_left3A_868 = arith.constant 16 : i32
          %shift_left3A_869 = vector.broadcast %shift_left3A_868 : i32 to vector<16xi32>
          %shift_left3A_870 = arith.shli %gather3A_863, %shift_left3A_869 : vector<16xi32>
          %bitcast3A_871 = vector.bitcast %shift_left3A_870 : vector<16xi32> to vector<16xf32>
          %and3A_872 = arith.constant -65536 : i32
          %and3A_873 = vector.broadcast %and3A_872 : i32 to vector<16xi32>
          %and3A_874 = arith.andi %gather3A_863, %and3A_873 : vector<16xi32>
          %bitcast3A_875 = vector.bitcast %and3A_874 : vector<16xi32> to vector<16xf32>
          %shift_left3A_876 = arith.constant 16 : i32
          %shift_left3A_877 = vector.broadcast %shift_left3A_876 : i32 to vector<16xi32>
          %shift_left3A_878 = arith.shli %gather3A_867, %shift_left3A_877 : vector<16xi32>
          %bitcast3A_879 = vector.bitcast %shift_left3A_878 : vector<16xi32> to vector<16xf32>
          %and3A_880 = arith.constant -65536 : i32
          %and3A_881 = vector.broadcast %and3A_880 : i32 to vector<16xi32>
          %and3A_882 = arith.andi %gather3A_867, %and3A_881 : vector<16xi32>
          %bitcast3A_883 = vector.bitcast %and3A_882 : vector<16xi32> to vector<16xf32>
          %mul3A_884 = arith.mulf %bitcast3A_871, %bitcast3A_879 : vector<16xf32>
          %add3A_885 = arith.addf %scan3A_856, %mul3A_884 : vector<16xf32>
          %mul3A_886 = arith.mulf %bitcast3A_875, %bitcast3A_883 : vector<16xf32>
          %add3A_887 = arith.addf %scan3A_857, %mul3A_886 : vector<16xf32>
          %add3A_888 = arith.constant 1 : i32
          %add3A_889 = arith.addi %mul3A_859, %add3A_888 : i32
          %broadcast_in_dim3A_890 = vector.broadcast %add3A_889 : i32 to vector<16xi32>
          %gather3A_891 = tpu.vector_load_idx %arg19[%add3A_656, %broadcast_in_dim3A_890] : memref<128x80xi32, #tpu.memory_space<vmem>>[vector<16xi32>, vector<16xi32>], vector<16xi32>,
          %add3A_892 = arith.constant 1 : i32
          %add3A_893 = arith.addi %mul3A_859, %add3A_892 : i32
          %broadcast_in_dim3A_894 = vector.broadcast %add3A_893 : i32 to vector<16xi32>
          %gather3A_895 = tpu.vector_load_idx %arg21[%add3A_656, %broadcast_in_dim3A_894] : memref<128x64xi32, #tpu.memory_space<vmem>>[vector<16xi32>, vector<16xi32>], vector<16xi32>,
          %shift_left3A_896 = arith.constant 16 : i32
          %shift_left3A_897 = vector.broadcast %shift_left3A_896 : i32 to vector<16xi32>
          %shift_left3A_898 = arith.shli %gather3A_891, %shift_left3A_897 : vector<16xi32>
          %bitcast3A_899 = vector.bitcast %shift_left3A_898 : vector<16xi32> to vector<16xf32>
          %and3A_900 = arith.constant -65536 : i32
          %and3A_901 = vector.broadcast %and3A_900 : i32 to vector<16xi32>
          %and3A_902 = arith.andi %gather3A_891, %and3A_901 : vector<16xi32>
          %bitcast3A_903 = vector.bitcast %and3A_902 : vector<16xi32> to vector<16xf32>
          %shift_left3A_904 = arith.constant 16 : i32
          %shift_left3A_905 = vector.broadcast %shift_left3A_904 : i32 to vector<16xi32>
          %shift_left3A_906 = arith.shli %gather3A_895, %shift_left3A_905 : vector<16xi32>
          %bitcast3A_907 = vector.bitcast %shift_left3A_906 : vector<16xi32> to vector<16xf32>
          %and3A_908 = arith.constant -65536 : i32
          %and3A_909 = vector.broadcast %and3A_908 : i32 to vector<16xi32>
          %and3A_910 = arith.andi %gather3A_895, %and3A_909 : vector<16xi32>
          %bitcast3A_911 = vector.bitcast %and3A_910 : vector<16xi32> to vector<16xf32>
          %mul3A_912 = arith.mulf %bitcast3A_899, %bitcast3A_907 : vector<16xf32>
          %add3A_913 = arith.addf %add3A_885, %mul3A_912 : vector<16xf32>
          %mul3A_914 = arith.mulf %bitcast3A_903, %bitcast3A_911 : vector<16xf32>
          %add3A_915 = arith.addf %add3A_887, %mul3A_914 : vector<16xf32>
          %add3A_916 = arith.constant 2 : i32
          %add3A_917 = arith.addi %mul3A_859, %add3A_916 : i32
          %broadcast_in_dim3A_918 = vector.broadcast %add3A_917 : i32 to vector<16xi32>
          %gather3A_919 = tpu.vector_load_idx %arg19[%add3A_656, %broadcast_in_dim3A_918] : memref<128x80xi32, #tpu.memory_space<vmem>>[vector<16xi32>, vector<16xi32>], vector<16xi32>,
          %add3A_920 = arith.constant 2 : i32
          %add3A_921 = arith.addi %mul3A_859, %add3A_920 : i32
          %broadcast_in_dim3A_922 = vector.broadcast %add3A_921 : i32 to vector<16xi32>
          %gather3A_923 = tpu.vector_load_idx %arg21[%add3A_656, %broadcast_in_dim3A_922] : memref<128x64xi32, #tpu.memory_space<vmem>>[vector<16xi32>, vector<16xi32>], vector<16xi32>,
          %shift_left3A_924 = arith.constant 16 : i32
          %shift_left3A_925 = vector.broadcast %shift_left3A_924 : i32 to vector<16xi32>
          %shift_left3A_926 = arith.shli %gather3A_919, %shift_left3A_925 : vector<16xi32>
          %bitcast3A_927 = vector.bitcast %shift_left3A_926 : vector<16xi32> to vector<16xf32>
          %and3A_928 = arith.constant -65536 : i32
          %and3A_929 = vector.broadcast %and3A_928 : i32 to vector<16xi32>
          %and3A_930 = arith.andi %gather3A_919, %and3A_929 : vector<16xi32>
          %bitcast3A_931 = vector.bitcast %and3A_930 : vector<16xi32> to vector<16xf32>
          %shift_left3A_932 = arith.constant 16 : i32
          %shift_left3A_933 = vector.broadcast %shift_left3A_932 : i32 to vector<16xi32>
          %shift_left3A_934 = arith.shli %gather3A_923, %shift_left3A_933 : vector<16xi32>
          %bitcast3A_935 = vector.bitcast %shift_left3A_934 : vector<16xi32> to vector<16xf32>
          %and3A_936 = arith.constant -65536 : i32
          %and3A_937 = vector.broadcast %and3A_936 : i32 to vector<16xi32>
          %and3A_938 = arith.andi %gather3A_923, %and3A_937 : vector<16xi32>
          %bitcast3A_939 = vector.bitcast %and3A_938 : vector<16xi32> to vector<16xf32>
          %mul3A_940 = arith.mulf %bitcast3A_927, %bitcast3A_935 : vector<16xf32>
          %add3A_941 = arith.addf %add3A_913, %mul3A_940 : vector<16xf32>
          %mul3A_942 = arith.mulf %bitcast3A_931, %bitcast3A_939 : vector<16xf32>
          %add3A_943 = arith.addf %add3A_915, %mul3A_942 : vector<16xf32>
          %add3A_944 = arith.constant 3 : i32
          %add3A_945 = arith.addi %mul3A_859, %add3A_944 : i32
          %broadcast_in_dim3A_946 = vector.broadcast %add3A_945 : i32 to vector<16xi32>
          %gather3A_947 = tpu.vector_load_idx %arg19[%add3A_656, %broadcast_in_dim3A_946] : memref<128x80xi32, #tpu.memory_space<vmem>>[vector<16xi32>, vector<16xi32>], vector<16xi32>,
          %add3A_948 = arith.constant 3 : i32
          %add3A_949 = arith.addi %mul3A_859, %add3A_948 : i32
          %broadcast_in_dim3A_950 = vector.broadcast %add3A_949 : i32 to vector<16xi32>
          %gather3A_951 = tpu.vector_load_idx %arg21[%add3A_656, %broadcast_in_dim3A_950] : memref<128x64xi32, #tpu.memory_space<vmem>>[vector<16xi32>, vector<16xi32>], vector<16xi32>,
          %shift_left3A_952 = arith.constant 16 : i32
          %shift_left3A_953 = vector.broadcast %shift_left3A_952 : i32 to vector<16xi32>
          %shift_left3A_954 = arith.shli %gather3A_947, %shift_left3A_953 : vector<16xi32>
          %bitcast3A_955 = vector.bitcast %shift_left3A_954 : vector<16xi32> to vector<16xf32>
          %and3A_956 = arith.constant -65536 : i32
          %and3A_957 = vector.broadcast %and3A_956 : i32 to vector<16xi32>
          %and3A_958 = arith.andi %gather3A_947, %and3A_957 : vector<16xi32>
          %bitcast3A_959 = vector.bitcast %and3A_958 : vector<16xi32> to vector<16xf32>
          %shift_left3A_960 = arith.constant 16 : i32
          %shift_left3A_961 = vector.broadcast %shift_left3A_960 : i32 to vector<16xi32>
          %shift_left3A_962 = arith.shli %gather3A_951, %shift_left3A_961 : vector<16xi32>
          %bitcast3A_963 = vector.bitcast %shift_left3A_962 : vector<16xi32> to vector<16xf32>
          %and3A_964 = arith.constant -65536 : i32
          %and3A_965 = vector.broadcast %and3A_964 : i32 to vector<16xi32>
          %and3A_966 = arith.andi %gather3A_951, %and3A_965 : vector<16xi32>
          %bitcast3A_967 = vector.bitcast %and3A_966 : vector<16xi32> to vector<16xf32>
          %mul3A_968 = arith.mulf %bitcast3A_955, %bitcast3A_963 : vector<16xf32>
          %add3A_969 = arith.addf %add3A_941, %mul3A_968 : vector<16xf32>
          %mul3A_970 = arith.mulf %bitcast3A_959, %bitcast3A_967 : vector<16xf32>
          %add3A_971 = arith.addf %add3A_943, %mul3A_970 : vector<16xf32>
          scf.yield %add3A_969, %add3A_971 : vector<16xf32>, vector<16xf32>
        }
        %scan3A_665 = arith.constant 16 : i32
        %broadcast_in_dim3A_666 = arith.constant 64 : i32
        %broadcast_in_dim3A_667 = vector.broadcast %broadcast_in_dim3A_666 : i32 to vector<16xi32>
        %gather3A = tpu.vector_load_idx %arg19[%add3A_656, %broadcast_in_dim3A_667] : memref<128x80xi32, #tpu.memory_space<vmem>>[vector<16xi32>, vector<16xi32>], vector<16xi32>,
        %shift_left3A = arith.constant 16 : i32
        %shift_left3A_668 = vector.broadcast %shift_left3A : i32 to vector<16xi32>
        %shift_left3A_669 = arith.shli %gather3A, %shift_left3A_668 : vector<16xi32>
        %bitcast3A = vector.bitcast %shift_left3A_669 : vector<16xi32> to vector<16xf32>
        %and3A = arith.constant -65536 : i32
        %and3A_670 = vector.broadcast %and3A : i32 to vector<16xi32>
        %and3A_671 = arith.andi %gather3A, %and3A_670 : vector<16xi32>
        %bitcast3A_672 = vector.bitcast %and3A_671 : vector<16xi32> to vector<16xf32>
        %broadcast_in_dim3A_673 = arith.constant 0 : i32
        %broadcast_in_dim3A_674 = vector.broadcast %broadcast_in_dim3A_673 : i32 to vector<16xi32>
        %gather3A_675 = tpu.vector_load_idx %arg17[%add3A_656, %broadcast_in_dim3A_674] : memref<128x16xf32, #tpu.memory_space<vmem>>[vector<16xi32>, vector<16xi32>], vector<16xf32>,
        %broadcast_in_dim3A_676 = arith.constant 1 : i32
        %broadcast_in_dim3A_677 = vector.broadcast %broadcast_in_dim3A_676 : i32 to vector<16xi32>
        %gather3A_678 = tpu.vector_load_idx %arg17[%add3A_656, %broadcast_in_dim3A_677] : memref<128x16xf32, #tpu.memory_space<vmem>>[vector<16xi32>, vector<16xi32>], vector<16xf32>,
        %mul3A_679 = arith.mulf %bitcast3A, %gather3A_675 : vector<16xf32>
        %add3A_680 = arith.addf %scan3A_664#0, %mul3A_679 : vector<16xf32>
        %mul3A_681 = arith.mulf %bitcast3A_672, %gather3A_678 : vector<16xf32>
        %add3A_682 = arith.addf %scan3A_664#1, %mul3A_681 : vector<16xf32>
        %broadcast_in_dim3A_683 = arith.constant 65 : i32
        %broadcast_in_dim3A_684 = vector.broadcast %broadcast_in_dim3A_683 : i32 to vector<16xi32>
        %gather3A_685 = tpu.vector_load_idx %arg19[%add3A_656, %broadcast_in_dim3A_684] : memref<128x80xi32, #tpu.memory_space<vmem>>[vector<16xi32>, vector<16xi32>], vector<16xi32>,
        %shift_left3A_686 = arith.constant 16 : i32
        %shift_left3A_687 = vector.broadcast %shift_left3A_686 : i32 to vector<16xi32>
        %shift_left3A_688 = arith.shli %gather3A_685, %shift_left3A_687 : vector<16xi32>
        %bitcast3A_689 = vector.bitcast %shift_left3A_688 : vector<16xi32> to vector<16xf32>
        %and3A_690 = arith.constant -65536 : i32
        %and3A_691 = vector.broadcast %and3A_690 : i32 to vector<16xi32>
        %and3A_692 = arith.andi %gather3A_685, %and3A_691 : vector<16xi32>
        %bitcast3A_693 = vector.bitcast %and3A_692 : vector<16xi32> to vector<16xf32>
        %broadcast_in_dim3A_694 = arith.constant 2 : i32
        %broadcast_in_dim3A_695 = vector.broadcast %broadcast_in_dim3A_694 : i32 to vector<16xi32>
        %gather3A_696 = tpu.vector_load_idx %arg17[%add3A_656, %broadcast_in_dim3A_695] : memref<128x16xf32, #tpu.memory_space<vmem>>[vector<16xi32>, vector<16xi32>], vector<16xf32>,
        %broadcast_in_dim3A_697 = arith.constant 3 : i32
        %broadcast_in_dim3A_698 = vector.broadcast %broadcast_in_dim3A_697 : i32 to vector<16xi32>
        %gather3A_699 = tpu.vector_load_idx %arg17[%add3A_656, %broadcast_in_dim3A_698] : memref<128x16xf32, #tpu.memory_space<vmem>>[vector<16xi32>, vector<16xi32>], vector<16xf32>,
        %mul3A_700 = arith.mulf %bitcast3A_689, %gather3A_696 : vector<16xf32>
        %add3A_701 = arith.addf %add3A_680, %mul3A_700 : vector<16xf32>
        %mul3A_702 = arith.mulf %bitcast3A_693, %gather3A_699 : vector<16xf32>
        %add3A_703 = arith.addf %add3A_682, %mul3A_702 : vector<16xf32>
        %broadcast_in_dim3A_704 = arith.constant 66 : i32
        %broadcast_in_dim3A_705 = vector.broadcast %broadcast_in_dim3A_704 : i32 to vector<16xi32>
        %gather3A_706 = tpu.vector_load_idx %arg19[%add3A_656, %broadcast_in_dim3A_705] : memref<128x80xi32, #tpu.memory_space<vmem>>[vector<16xi32>, vector<16xi32>], vector<16xi32>,
        %shift_left3A_707 = arith.constant 16 : i32
        %shift_left3A_708 = vector.broadcast %shift_left3A_707 : i32 to vector<16xi32>
        %shift_left3A_709 = arith.shli %gather3A_706, %shift_left3A_708 : vector<16xi32>
        %bitcast3A_710 = vector.bitcast %shift_left3A_709 : vector<16xi32> to vector<16xf32>
        %and3A_711 = arith.constant -65536 : i32
        %and3A_712 = vector.broadcast %and3A_711 : i32 to vector<16xi32>
        %and3A_713 = arith.andi %gather3A_706, %and3A_712 : vector<16xi32>
        %bitcast3A_714 = vector.bitcast %and3A_713 : vector<16xi32> to vector<16xf32>
        %broadcast_in_dim3A_715 = arith.constant 4 : i32
        %broadcast_in_dim3A_716 = vector.broadcast %broadcast_in_dim3A_715 : i32 to vector<16xi32>
        %gather3A_717 = tpu.vector_load_idx %arg17[%add3A_656, %broadcast_in_dim3A_716] : memref<128x16xf32, #tpu.memory_space<vmem>>[vector<16xi32>, vector<16xi32>], vector<16xf32>,
        %broadcast_in_dim3A_718 = arith.constant 5 : i32
        %broadcast_in_dim3A_719 = vector.broadcast %broadcast_in_dim3A_718 : i32 to vector<16xi32>
        %gather3A_720 = tpu.vector_load_idx %arg17[%add3A_656, %broadcast_in_dim3A_719] : memref<128x16xf32, #tpu.memory_space<vmem>>[vector<16xi32>, vector<16xi32>], vector<16xf32>,
        %mul3A_721 = arith.mulf %bitcast3A_710, %gather3A_717 : vector<16xf32>
        %add3A_722 = arith.addf %add3A_701, %mul3A_721 : vector<16xf32>
        %mul3A_723 = arith.mulf %bitcast3A_714, %gather3A_720 : vector<16xf32>
        %add3A_724 = arith.addf %add3A_703, %mul3A_723 : vector<16xf32>
        %broadcast_in_dim3A_725 = arith.constant 67 : i32
        %broadcast_in_dim3A_726 = vector.broadcast %broadcast_in_dim3A_725 : i32 to vector<16xi32>
        %gather3A_727 = tpu.vector_load_idx %arg19[%add3A_656, %broadcast_in_dim3A_726] : memref<128x80xi32, #tpu.memory_space<vmem>>[vector<16xi32>, vector<16xi32>], vector<16xi32>,
        %shift_left3A_728 = arith.constant 16 : i32
        %shift_left3A_729 = vector.broadcast %shift_left3A_728 : i32 to vector<16xi32>
        %shift_left3A_730 = arith.shli %gather3A_727, %shift_left3A_729 : vector<16xi32>
        %bitcast3A_731 = vector.bitcast %shift_left3A_730 : vector<16xi32> to vector<16xf32>
        %and3A_732 = arith.constant -65536 : i32
        %and3A_733 = vector.broadcast %and3A_732 : i32 to vector<16xi32>
        %and3A_734 = arith.andi %gather3A_727, %and3A_733 : vector<16xi32>
        %bitcast3A_735 = vector.bitcast %and3A_734 : vector<16xi32> to vector<16xf32>
        %broadcast_in_dim3A_736 = arith.constant 6 : i32
        %broadcast_in_dim3A_737 = vector.broadcast %broadcast_in_dim3A_736 : i32 to vector<16xi32>
        %gather3A_738 = tpu.vector_load_idx %arg17[%add3A_656, %broadcast_in_dim3A_737] : memref<128x16xf32, #tpu.memory_space<vmem>>[vector<16xi32>, vector<16xi32>], vector<16xf32>,
        %broadcast_in_dim3A_739 = arith.constant 7 : i32
        %broadcast_in_dim3A_740 = vector.broadcast %broadcast_in_dim3A_739 : i32 to vector<16xi32>
        %gather3A_741 = tpu.vector_load_idx %arg17[%add3A_656, %broadcast_in_dim3A_740] : memref<128x16xf32, #tpu.memory_space<vmem>>[vector<16xi32>, vector<16xi32>], vector<16xf32>,
        %mul3A_742 = arith.mulf %bitcast3A_731, %gather3A_738 : vector<16xf32>
        %add3A_743 = arith.addf %add3A_722, %mul3A_742 : vector<16xf32>
        %mul3A_744 = arith.mulf %bitcast3A_735, %gather3A_741 : vector<16xf32>
        %add3A_745 = arith.addf %add3A_724, %mul3A_744 : vector<16xf32>
        %broadcast_in_dim3A_746 = arith.constant 68 : i32
        %broadcast_in_dim3A_747 = vector.broadcast %broadcast_in_dim3A_746 : i32 to vector<16xi32>
        %gather3A_748 = tpu.vector_load_idx %arg19[%add3A_656, %broadcast_in_dim3A_747] : memref<128x80xi32, #tpu.memory_space<vmem>>[vector<16xi32>, vector<16xi32>], vector<16xi32>,
        %shift_left3A_749 = arith.constant 16 : i32
        %shift_left3A_750 = vector.broadcast %shift_left3A_749 : i32 to vector<16xi32>
        %shift_left3A_751 = arith.shli %gather3A_748, %shift_left3A_750 : vector<16xi32>
        %bitcast3A_752 = vector.bitcast %shift_left3A_751 : vector<16xi32> to vector<16xf32>
        %and3A_753 = arith.constant -65536 : i32
        %and3A_754 = vector.broadcast %and3A_753 : i32 to vector<16xi32>
        %and3A_755 = arith.andi %gather3A_748, %and3A_754 : vector<16xi32>
        %bitcast3A_756 = vector.bitcast %and3A_755 : vector<16xi32> to vector<16xf32>
        %broadcast_in_dim3A_757 = arith.constant 8 : i32
        %broadcast_in_dim3A_758 = vector.broadcast %broadcast_in_dim3A_757 : i32 to vector<16xi32>
        %gather3A_759 = tpu.vector_load_idx %arg17[%add3A_656, %broadcast_in_dim3A_758] : memref<128x16xf32, #tpu.memory_space<vmem>>[vector<16xi32>, vector<16xi32>], vector<16xf32>,
        %broadcast_in_dim3A_760 = arith.constant 9 : i32
        %broadcast_in_dim3A_761 = vector.broadcast %broadcast_in_dim3A_760 : i32 to vector<16xi32>
        %gather3A_762 = tpu.vector_load_idx %arg17[%add3A_656, %broadcast_in_dim3A_761] : memref<128x16xf32, #tpu.memory_space<vmem>>[vector<16xi32>, vector<16xi32>], vector<16xf32>,
        %mul3A_763 = arith.mulf %bitcast3A_752, %gather3A_759 : vector<16xf32>
        %add3A_764 = arith.addf %add3A_743, %mul3A_763 : vector<16xf32>
        %mul3A_765 = arith.mulf %bitcast3A_756, %gather3A_762 : vector<16xf32>
        %add3A_766 = arith.addf %add3A_745, %mul3A_765 : vector<16xf32>
        %broadcast_in_dim3A_767 = arith.constant 69 : i32
        %broadcast_in_dim3A_768 = vector.broadcast %broadcast_in_dim3A_767 : i32 to vector<16xi32>
        %gather3A_769 = tpu.vector_load_idx %arg19[%add3A_656, %broadcast_in_dim3A_768] : memref<128x80xi32, #tpu.memory_space<vmem>>[vector<16xi32>, vector<16xi32>], vector<16xi32>,
        %shift_left3A_770 = arith.constant 16 : i32
        %shift_left3A_771 = vector.broadcast %shift_left3A_770 : i32 to vector<16xi32>
        %shift_left3A_772 = arith.shli %gather3A_769, %shift_left3A_771 : vector<16xi32>
        %bitcast3A_773 = vector.bitcast %shift_left3A_772 : vector<16xi32> to vector<16xf32>
        %and3A_774 = arith.constant -65536 : i32
        %and3A_775 = vector.broadcast %and3A_774 : i32 to vector<16xi32>
        %and3A_776 = arith.andi %gather3A_769, %and3A_775 : vector<16xi32>
        %bitcast3A_777 = vector.bitcast %and3A_776 : vector<16xi32> to vector<16xf32>
        %broadcast_in_dim3A_778 = arith.constant 10 : i32
        %broadcast_in_dim3A_779 = vector.broadcast %broadcast_in_dim3A_778 : i32 to vector<16xi32>
        %gather3A_780 = tpu.vector_load_idx %arg17[%add3A_656, %broadcast_in_dim3A_779] : memref<128x16xf32, #tpu.memory_space<vmem>>[vector<16xi32>, vector<16xi32>], vector<16xf32>,
        %broadcast_in_dim3A_781 = arith.constant 11 : i32
        %broadcast_in_dim3A_782 = vector.broadcast %broadcast_in_dim3A_781 : i32 to vector<16xi32>
        %gather3A_783 = tpu.vector_load_idx %arg17[%add3A_656, %broadcast_in_dim3A_782] : memref<128x16xf32, #tpu.memory_space<vmem>>[vector<16xi32>, vector<16xi32>], vector<16xf32>,
        %mul3A_784 = arith.mulf %bitcast3A_773, %gather3A_780 : vector<16xf32>
        %add3A_785 = arith.addf %add3A_764, %mul3A_784 : vector<16xf32>
        %mul3A_786 = arith.mulf %bitcast3A_777, %gather3A_783 : vector<16xf32>
        %add3A_787 = arith.addf %add3A_766, %mul3A_786 : vector<16xf32>
        %broadcast_in_dim3A_788 = arith.constant 70 : i32
        %broadcast_in_dim3A_789 = vector.broadcast %broadcast_in_dim3A_788 : i32 to vector<16xi32>
        %gather3A_790 = tpu.vector_load_idx %arg19[%add3A_656, %broadcast_in_dim3A_789] : memref<128x80xi32, #tpu.memory_space<vmem>>[vector<16xi32>, vector<16xi32>], vector<16xi32>,
        %shift_left3A_791 = arith.constant 16 : i32
        %shift_left3A_792 = vector.broadcast %shift_left3A_791 : i32 to vector<16xi32>
        %shift_left3A_793 = arith.shli %gather3A_790, %shift_left3A_792 : vector<16xi32>
        %bitcast3A_794 = vector.bitcast %shift_left3A_793 : vector<16xi32> to vector<16xf32>
        %and3A_795 = arith.constant -65536 : i32
        %and3A_796 = vector.broadcast %and3A_795 : i32 to vector<16xi32>
        %and3A_797 = arith.andi %gather3A_790, %and3A_796 : vector<16xi32>
        %bitcast3A_798 = vector.bitcast %and3A_797 : vector<16xi32> to vector<16xf32>
        %broadcast_in_dim3A_799 = arith.constant 12 : i32
        %broadcast_in_dim3A_800 = vector.broadcast %broadcast_in_dim3A_799 : i32 to vector<16xi32>
        %gather3A_801 = tpu.vector_load_idx %arg17[%add3A_656, %broadcast_in_dim3A_800] : memref<128x16xf32, #tpu.memory_space<vmem>>[vector<16xi32>, vector<16xi32>], vector<16xf32>,
        %broadcast_in_dim3A_802 = arith.constant 13 : i32
        %broadcast_in_dim3A_803 = vector.broadcast %broadcast_in_dim3A_802 : i32 to vector<16xi32>
        %gather3A_804 = tpu.vector_load_idx %arg17[%add3A_656, %broadcast_in_dim3A_803] : memref<128x16xf32, #tpu.memory_space<vmem>>[vector<16xi32>, vector<16xi32>], vector<16xf32>,
        %mul3A_805 = arith.mulf %bitcast3A_794, %gather3A_801 : vector<16xf32>
        %add3A_806 = arith.addf %add3A_785, %mul3A_805 : vector<16xf32>
        %mul3A_807 = arith.mulf %bitcast3A_798, %gather3A_804 : vector<16xf32>
        %add3A_808 = arith.addf %add3A_787, %mul3A_807 : vector<16xf32>
        %broadcast_in_dim3A_809 = arith.constant 71 : i32
        %broadcast_in_dim3A_810 = vector.broadcast %broadcast_in_dim3A_809 : i32 to vector<16xi32>
        %gather3A_811 = tpu.vector_load_idx %arg19[%add3A_656, %broadcast_in_dim3A_810] : memref<128x80xi32, #tpu.memory_space<vmem>>[vector<16xi32>, vector<16xi32>], vector<16xi32>,
        %shift_left3A_812 = arith.constant 16 : i32
        %shift_left3A_813 = vector.broadcast %shift_left3A_812 : i32 to vector<16xi32>
        %shift_left3A_814 = arith.shli %gather3A_811, %shift_left3A_813 : vector<16xi32>
        %bitcast3A_815 = vector.bitcast %shift_left3A_814 : vector<16xi32> to vector<16xf32>
        %and3A_816 = arith.constant -65536 : i32
        %and3A_817 = vector.broadcast %and3A_816 : i32 to vector<16xi32>
        %and3A_818 = arith.andi %gather3A_811, %and3A_817 : vector<16xi32>
        %bitcast3A_819 = vector.bitcast %and3A_818 : vector<16xi32> to vector<16xf32>
        %broadcast_in_dim3A_820 = arith.constant 14 : i32
        %broadcast_in_dim3A_821 = vector.broadcast %broadcast_in_dim3A_820 : i32 to vector<16xi32>
        %gather3A_822 = tpu.vector_load_idx %arg17[%add3A_656, %broadcast_in_dim3A_821] : memref<128x16xf32, #tpu.memory_space<vmem>>[vector<16xi32>, vector<16xi32>], vector<16xf32>,
        %broadcast_in_dim3A_823 = arith.constant 15 : i32
        %broadcast_in_dim3A_824 = vector.broadcast %broadcast_in_dim3A_823 : i32 to vector<16xi32>
        %gather3A_825 = tpu.vector_load_idx %arg17[%add3A_656, %broadcast_in_dim3A_824] : memref<128x16xf32, #tpu.memory_space<vmem>>[vector<16xi32>, vector<16xi32>], vector<16xf32>,
        %mul3A_826 = arith.mulf %bitcast3A_815, %gather3A_822 : vector<16xf32>
        %add3A_827 = arith.addf %add3A_806, %mul3A_826 : vector<16xf32>
        %mul3A_828 = arith.mulf %bitcast3A_819, %gather3A_825 : vector<16xf32>
        %add3A_829 = arith.addf %add3A_808, %mul3A_828 : vector<16xf32>
        %add3A_830 = arith.addf %add3A_827, %add3A_829 : vector<16xf32>
        %mul3A_831 = arith.constant 0.0883883461 : f32
        %mul3A_832 = vector.broadcast %mul3A_831 : f32 to vector<16xf32>
        %mul3A_833 = arith.mulf %add3A_830, %mul3A_832 : vector<16xf32>
        %exp3A = math.exp %mul3A_833 : vector<16xf32>
        %mul3A_834 = arith.constant 16 : i32
        %mul3A_835 = arith.muli %scan3A_651, %mul3A_834 : i32
        %add3A_836 = arith.addi %mul3A_577, %mul3A_835 : i32
        %add3A_837 = vector.broadcast %add3A_836 : i32 to vector<16xi32>
        %add3A_838 = arith.addi %add3A_837, %iota3A : vector<16xi32>
        %lt3A_839 = arith.constant 320000 : i32
        %lt3A_840 = vector.broadcast %lt3A_839 : i32 to vector<16xi32>
        %lt3A_841 = arith.cmpi slt, %add3A_838, %lt3A_840 : vector<16xi32>
        %jit3A = arith.constant 0.000000e+00 : f32
        %broadcast_in_dim3A_842 = vector.broadcast %jit3A : f32 to vector<16xf32>
        %select_n3A = arith.select %lt3A_841, %exp3A, %broadcast_in_dim3A_842 : vector<16xi1>, vector<16xf32>
        %mul3A_843 = arith.constant 16 : i32
        %mul3A_844 = arith.muli %scan3A_651, %mul3A_843 : i32
        %swap3A_845 = arith.index_cast %mul3A_844 : i32 to index
        %swap3A_846 = tpu.vector_load %arg25[%swap3A_845] {strides = array<i32>} : memref<128xf32, #tpu.memory_space<vmem>>, vector<16xf32>,
        tpu.vector_store %arg25[%swap3A_845], %select_n3A {strides = array<i32>} : memref<128xf32, #tpu.memory_space<vmem>>, vector<16xf32>,
        %scan3A_847 = arith.constant 0 : i32
        %scan3A_848 = arith.constant 0 : i32
        %scan3A_849 = arith.constant 16 : i32
        %scan3A_850 = arith.addi %scan3A_848, %scan3A_849 : i32
        %scan3A_851 = arith.constant 1 : i32
        %scan3A_852 = scf.for %scan3A_855 = %scan3A_848 to %scan3A_850 step %scan3A_851 iter_args(%scan3A_856 = %scan3A_847) -> (i32)  : i32 {
          %mul3A_857 = arith.constant 16 : i32
          %mul3A_858 = arith.muli %scan3A_651, %mul3A_857 : i32
          %add3A_859 = arith.addi %mul3A_858, %scan3A_855 : i32
          %broadcast_in_dim3A_860 = vector.broadcast %add3A_859 : i32 to vector<16xi32>
          %gather3A_861 = tpu.vector_load_idx %arg25[%broadcast_in_dim3A_860] : memref<128xf32, #tpu.memory_space<vmem>>[vector<16xi32>], vector<16xf32>,
          %get3A_862 = arith.index_cast %add3A_859 : i32 to index
          %get3A_863 = arith.constant 0 : index
          %get3A_864 = tpu.vector_load %arg17[%get3A_862, %get3A_863] {strides = array<i32>} : memref<128x16xf32, #tpu.memory_space<vmem>>, vector<16xf32>,
          %mul3A_865 = arith.mulf %get3A_864, %gather3A_861 : vector<16xf32>
          %swap3A_866 = arith.index_cast %add3A_859 : i32 to index
          %swap3A_867 = arith.constant 0 : index
          %swap3A_868 = tpu.vector_load %arg23[%swap3A_866, %swap3A_867] {strides = array<i32>} : memref<128x32xf32, #tpu.memory_space<vmem>>, vector<16xf32>,
          tpu.vector_store %arg23[%swap3A_866, %swap3A_867], %mul3A_865 {strides = array<i32>} : memref<128x32xf32, #tpu.memory_space<vmem>>, vector<16xf32>,
          %swap3A_869 = arith.index_cast %add3A_859 : i32 to index
          %swap3A_870 = arith.constant 16 : index
          %swap3A_871 = tpu.vector_load %arg23[%swap3A_869, %swap3A_870] {strides = array<i32>} : memref<128x32xf32, #tpu.memory_space<vmem>>, vector<16xf32>,
          tpu.vector_store %arg23[%swap3A_869, %swap3A_870], %gather3A_861 {strides = array<i32>} : memref<128x32xf32, #tpu.memory_space<vmem>>, vector<16xf32>,
          %scan3A_872 = arith.constant 0 : i32
          scf.yield %scan3A_872 : i32
        }
        %scan3A_853 = arith.constant 16 : i32
        %scan3A_854 = arith.constant 0 : i32
        scf.yield %scan3A_854 : i32
      }
      %scan3A_584 = arith.constant 8 : i32
      %get3A_585 = arith.constant 0 : index
      %get3A_586 = tpu.vector_load %arg13[%get3A_585] {strides = array<i32>} : memref<128xi32, #tpu.memory_space<vmem>>, vector<16xi32>,
      %swap3A_587 = arith.constant 0 : index
      %swap3A_588 = tpu.vector_load %arg15[%swap3A_587] {strides = array<i32>} : memref<128xi32, #tpu.memory_space<vmem>>, vector<16xi32>,
      tpu.vector_store %arg15[%swap3A_587], %get3A_586 {strides = array<i32>} : memref<128xi32, #tpu.memory_space<vmem>>, vector<16xi32>,
      %get3A_589 = arith.constant 16 : index
      %get3A_590 = tpu.vector_load %arg13[%get3A_589] {strides = array<i32>} : memref<128xi32, #tpu.memory_space<vmem>>, vector<16xi32>,
      %swap3A_591 = arith.constant 16 : index
      %swap3A_592 = tpu.vector_load %arg15[%swap3A_591] {strides = array<i32>} : memref<128xi32, #tpu.memory_space<vmem>>, vector<16xi32>,
      tpu.vector_store %arg15[%swap3A_591], %get3A_590 {strides = array<i32>} : memref<128xi32, #tpu.memory_space<vmem>>, vector<16xi32>,
      %get3A_593 = arith.constant 32 : index
      %get3A_594 = tpu.vector_load %arg13[%get3A_593] {strides = array<i32>} : memref<128xi32, #tpu.memory_space<vmem>>, vector<16xi32>,
      %swap3A_595 = arith.constant 32 : index
      %swap3A_596 = tpu.vector_load %arg15[%swap3A_595] {strides = array<i32>} : memref<128xi32, #tpu.memory_space<vmem>>, vector<16xi32>,
      tpu.vector_store %arg15[%swap3A_595], %get3A_594 {strides = array<i32>} : memref<128xi32, #tpu.memory_space<vmem>>, vector<16xi32>,
      %get3A_597 = arith.constant 48 : index
      %get3A_598 = tpu.vector_load %arg13[%get3A_597] {strides = array<i32>} : memref<128xi32, #tpu.memory_space<vmem>>, vector<16xi32>,
      %swap3A_599 = arith.constant 48 : index
      %swap3A_600 = tpu.vector_load %arg15[%swap3A_599] {strides = array<i32>} : memref<128xi32, #tpu.memory_space<vmem>>, vector<16xi32>,
      tpu.vector_store %arg15[%swap3A_599], %get3A_598 {strides = array<i32>} : memref<128xi32, #tpu.memory_space<vmem>>, vector<16xi32>,
      %get3A_601 = arith.constant 64 : index
      %get3A_602 = tpu.vector_load %arg13[%get3A_601] {strides = array<i32>} : memref<128xi32, #tpu.memory_space<vmem>>, vector<16xi32>,
      %swap3A_603 = arith.constant 64 : index
      %swap3A_604 = tpu.vector_load %arg15[%swap3A_603] {strides = array<i32>} : memref<128xi32, #tpu.memory_space<vmem>>, vector<16xi32>,
      tpu.vector_store %arg15[%swap3A_603], %get3A_602 {strides = array<i32>} : memref<128xi32, #tpu.memory_space<vmem>>, vector<16xi32>,
      %get3A_605 = arith.constant 80 : index
      %get3A_606 = tpu.vector_load %arg13[%get3A_605] {strides = array<i32>} : memref<128xi32, #tpu.memory_space<vmem>>, vector<16xi32>,
      %swap3A_607 = arith.constant 80 : index
      %swap3A_608 = tpu.vector_load %arg15[%swap3A_607] {strides = array<i32>} : memref<128xi32, #tpu.memory_space<vmem>>, vector<16xi32>,
      tpu.vector_store %arg15[%swap3A_607], %get3A_606 {strides = array<i32>} : memref<128xi32, #tpu.memory_space<vmem>>, vector<16xi32>,
      %get3A_609 = arith.constant 96 : index
      %get3A_610 = tpu.vector_load %arg13[%get3A_609] {strides = array<i32>} : memref<128xi32, #tpu.memory_space<vmem>>, vector<16xi32>,
      %swap3A_611 = arith.constant 96 : index
      %swap3A_612 = tpu.vector_load %arg15[%swap3A_611] {strides = array<i32>} : memref<128xi32, #tpu.memory_space<vmem>>, vector<16xi32>,
      tpu.vector_store %arg15[%swap3A_611], %get3A_610 {strides = array<i32>} : memref<128xi32, #tpu.memory_space<vmem>>, vector<16xi32>,
      %get3A_613 = arith.constant 112 : index
      %get3A_614 = tpu.vector_load %arg13[%get3A_613] {strides = array<i32>} : memref<128xi32, #tpu.memory_space<vmem>>, vector<16xi32>,
      %swap3A_615 = arith.constant 112 : index
      %swap3A_616 = tpu.vector_load %arg15[%swap3A_615] {strides = array<i32>} : memref<128xi32, #tpu.memory_space<vmem>>, vector<16xi32>,
      tpu.vector_store %arg15[%swap3A_615], %get3A_614 {strides = array<i32>} : memref<128xi32, #tpu.memory_space<vmem>>, vector<16xi32>,
      %dma_start3A_617 = arith.constant 0 : i32
      %dma_start3A_618 = tpu.memref_slice %arg7[%add3A, %add3A_475, %dma_start3A_617] : memref<32x80x128xf32, #tpu.memory_space<hbm>> -> memref<1x1x128xf32, #tpu.memory_space<hbm>>
      %dma_start3A_619 = tpu.memref_squeeze %dma_start3A_618 : memref<1x1x128xf32, #tpu.memory_space<hbm>> -> memref<128xf32, #tpu.memory_space<hbm>>
      %dma_start3A_620 = arith.constant 0 : i32
      %dma_start3A_621 = tpu.memref_slice %arg7[%add3A, %add3A_475, %dma_start3A_620] : memref<32x80x128xf32, #tpu.memory_space<hbm>> -> memref<1x1x128xf32, #tpu.memory_space<hbm>>
      %dma_start3A_622 = tpu.memref_squeeze %dma_start3A_621 : memref<1x1x128xf32, #tpu.memory_space<hbm>> -> memref<128xf32, #tpu.memory_space<hbm>>
      tpu.enqueue_dma source(%arg25 : memref<128xf32, #tpu.memory_space<vmem>>) target(%dma_start3A_622 : memref<128xf32, #tpu.memory_space<hbm>>) target_semaphore(%arg33 : memref<!tpu.dma_semaphore, #tpu.memory_space<semaphore_mem>>)
      %dma_start3A_623 = arith.constant 0 : i32
      %dma_start3A_624 = arith.constant 0 : i32
      %dma_start3A_625 = tpu.memref_slice %arg9[%dma_start3A_623, %dma_start3A_624] : memref<10000x32xf32, #tpu.memory_space<vmem_shared>> -> memref<10000x32xf32, #tpu.memory_space<vmem_shared>>
      tpu.enqueue_indirect_dma source(%arg23 : memref<128x32xf32, #tpu.memory_space<vmem>>) target(%dma_start3A_625 : memref<10000x32xf32, #tpu.memory_space<vmem_shared>>) offsets(%arg15 : memref<128xi32, #tpu.memory_space<vmem>>) semaphore(%arg35 : memref<!tpu.dma_semaphore, #tpu.memory_space<semaphore_mem>>) {add = true}
      %add3A_626 = arith.constant 2 : i32
      %add3A_627 = arith.addi %add3A_475, %add3A_626 : i32
      %min3A_628 = arith.constant 79 : i32
      %min3A_629 = arith.minsi %add3A_627, %min3A_628 : i32
      %dma_start3A_630 = arith.constant 0 : i32
      %dma_start3A_631 = tpu.memref_slice %arg5[%add3A, %min3A_629, %dma_start3A_630] : memref<32x80x128xi32, #tpu.memory_space<hbm>> -> memref<1x1x128xi32, #tpu.memory_space<hbm>>
      %dma_start3A_632 = tpu.memref_squeeze %dma_start3A_631 : memref<1x1x128xi32, #tpu.memory_space<hbm>> -> memref<128xi32, #tpu.memory_space<hbm>>
      %dma_start3A_633 = arith.constant 0 : i32
      %dma_start3A_634 = tpu.memref_slice %arg5[%add3A, %min3A_629, %dma_start3A_633] : memref<32x80x128xi32, #tpu.memory_space<hbm>> -> memref<1x1x128xi32, #tpu.memory_space<hbm>>
      %dma_start3A_635 = tpu.memref_squeeze %dma_start3A_634 : memref<1x1x128xi32, #tpu.memory_space<hbm>> -> memref<128xi32, #tpu.memory_space<hbm>>
      tpu.enqueue_dma source(%dma_start3A_635 : memref<128xi32, #tpu.memory_space<hbm>>) target(%arg11 : memref<128xi32, #tpu.memory_space<vmem>>) target_semaphore(%arg31 : memref<!tpu.dma_semaphore, #tpu.memory_space<semaphore_mem>>)
      %dma_start3A_636 = arith.constant 0 : i32
      %dma_start3A_637 = tpu.memref_slice %arg6[%add3A, %min3A_629, %dma_start3A_636] : memref<32x80x128xi32, #tpu.memory_space<hbm>> -> memref<1x1x128xi32, #tpu.memory_space<hbm>>
      %dma_start3A_638 = tpu.memref_squeeze %dma_start3A_637 : memref<1x1x128xi32, #tpu.memory_space<hbm>> -> memref<128xi32, #tpu.memory_space<hbm>>
      %dma_start3A_639 = arith.constant 0 : i32
      %dma_start3A_640 = tpu.memref_slice %arg6[%add3A, %min3A_629, %dma_start3A_639] : memref<32x80x128xi32, #tpu.memory_space<hbm>> -> memref<1x1x128xi32, #tpu.memory_space<hbm>>
      %dma_start3A_641 = tpu.memref_squeeze %dma_start3A_640 : memref<1x1x128xi32, #tpu.memory_space<hbm>> -> memref<128xi32, #tpu.memory_space<hbm>>
      tpu.enqueue_dma source(%dma_start3A_641 : memref<128xi32, #tpu.memory_space<hbm>>) target(%arg13 : memref<128xi32, #tpu.memory_space<vmem>>) target_semaphore(%arg31 : memref<!tpu.dma_semaphore, #tpu.memory_space<semaphore_mem>>)
      %dma_start3A_642 = arith.constant 0 : i32
      %dma_start3A_643 = arith.constant 0 : i32
      %dma_start3A_644 = tpu.memref_slice %arg4[%add3A, %min3A_629, %dma_start3A_642, %dma_start3A_643] : memref<32x80x128x16xf32, #tpu.memory_space<hbm>> -> memref<1x1x128x16xf32, #tpu.memory_space<hbm>>
      %dma_start3A_645 = tpu.memref_squeeze %dma_start3A_644 : memref<1x1x128x16xf32, #tpu.memory_space<hbm>> -> memref<128x16xf32, #tpu.memory_space<hbm>>
      %dma_start3A_646 = arith.constant 0 : i32
      %dma_start3A_647 = arith.constant 0 : i32
      %dma_start3A_648 = tpu.memref_slice %arg4[%add3A, %min3A_629, %dma_start3A_646, %dma_start3A_647] : memref<32x80x128x16xf32, #tpu.memory_space<hbm>> -> memref<1x1x128x16xf32, #tpu.memory_space<hbm>>
      %dma_start3A_649 = tpu.memref_squeeze %dma_start3A_648 : memref<1x1x128x16xf32, #tpu.memory_space<hbm>> -> memref<128x16xf32, #tpu.memory_space<hbm>>
      tpu.enqueue_dma source(%dma_start3A_649 : memref<128x16xf32, #tpu.memory_space<hbm>>) target(%arg17 : memref<128x16xf32, #tpu.memory_space<vmem>>) target_semaphore(%arg31 : memref<!tpu.dma_semaphore, #tpu.memory_space<semaphore_mem>>)
      %scan3A_650 = arith.constant 0 : i32
      scf.yield %scan3A_650 : i32
    }
    %scan3A_165 = arith.constant 40 : i32
    %dma_wait3A_166 = arith.constant 79 : i32
    %dma_wait3A_167 = arith.constant 0 : i32
    %dma_wait3A_168 = tpu.memref_slice %arg5[%add3A, %dma_wait3A_166, %dma_wait3A_167] : memref<32x80x128xi32, #tpu.memory_space<hbm>> -> memref<1x1x128xi32, #tpu.memory_space<hbm>>
    %dma_wait3A_169 = tpu.memref_squeeze %dma_wait3A_168 : memref<1x1x128xi32, #tpu.memory_space<hbm>> -> memref<128xi32, #tpu.memory_space<hbm>>
    %dma_wait3A_170 = arith.constant 0 : i32
    %dma_wait3A_171 = tpu.memref_slice %arg5[%add3A, %dma_wait3A_166, %dma_wait3A_170] : memref<32x80x128xi32, #tpu.memory_space<hbm>> -> memref<1x1x128xi32, #tpu.memory_space<hbm>>
    %dma_wait3A_172 = tpu.memref_squeeze %dma_wait3A_171 : memref<1x1x128xi32, #tpu.memory_space<hbm>> -> memref<128xi32, #tpu.memory_space<hbm>>
    tpu.wait_dma2 semaphore(%arg31 : memref<!tpu.dma_semaphore, #tpu.memory_space<semaphore_mem>>) src(%dma_wait3A_172 : memref<128xi32, #tpu.memory_space<hbm>>) dst(%arg11 : memref<128xi32, #tpu.memory_space<vmem>>)
    %dma_wait3A_173 = arith.constant 79 : i32
    %dma_wait3A_174 = arith.constant 0 : i32
    %dma_wait3A_175 = tpu.memref_slice %arg6[%add3A, %dma_wait3A_173, %dma_wait3A_174] : memref<32x80x128xi32, #tpu.memory_space<hbm>> -> memref<1x1x128xi32, #tpu.memory_space<hbm>>
    %dma_wait3A_176 = tpu.memref_squeeze %dma_wait3A_175 : memref<1x1x128xi32, #tpu.memory_space<hbm>> -> memref<128xi32, #tpu.memory_space<hbm>>
    %dma_wait3A_177 = arith.constant 0 : i32
    %dma_wait3A_178 = tpu.memref_slice %arg6[%add3A, %dma_wait3A_173, %dma_wait3A_177] : memref<32x80x128xi32, #tpu.memory_space<hbm>> -> memref<1x1x128xi32, #tpu.memory_space<hbm>>
    %dma_wait3A_179 = tpu.memref_squeeze %dma_wait3A_178 : memref<1x1x128xi32, #tpu.memory_space<hbm>> -> memref<128xi32, #tpu.memory_space<hbm>>
    tpu.wait_dma2 semaphore(%arg31 : memref<!tpu.dma_semaphore, #tpu.memory_space<semaphore_mem>>) src(%dma_wait3A_179 : memref<128xi32, #tpu.memory_space<hbm>>) dst(%arg13 : memref<128xi32, #tpu.memory_space<vmem>>)
    %dma_wait3A_180 = arith.constant 79 : i32
    %dma_wait3A_181 = arith.constant 0 : i32
    %dma_wait3A_182 = arith.constant 0 : i32
    %dma_wait3A_183 = tpu.memref_slice %arg4[%add3A, %dma_wait3A_180, %dma_wait3A_181, %dma_wait3A_182] : memref<32x80x128x16xf32, #tpu.memory_space<hbm>> -> memref<1x1x128x16xf32, #tpu.memory_space<hbm>>
    %dma_wait3A_184 = tpu.memref_squeeze %dma_wait3A_183 : memref<1x1x128x16xf32, #tpu.memory_space<hbm>> -> memref<128x16xf32, #tpu.memory_space<hbm>>
    %dma_wait3A_185 = arith.constant 0 : i32
    %dma_wait3A_186 = arith.constant 0 : i32
    %dma_wait3A_187 = tpu.memref_slice %arg4[%add3A, %dma_wait3A_180, %dma_wait3A_185, %dma_wait3A_186] : memref<32x80x128x16xf32, #tpu.memory_space<hbm>> -> memref<1x1x128x16xf32, #tpu.memory_space<hbm>>
    %dma_wait3A_188 = tpu.memref_squeeze %dma_wait3A_187 : memref<1x1x128x16xf32, #tpu.memory_space<hbm>> -> memref<128x16xf32, #tpu.memory_space<hbm>>
    tpu.wait_dma2 semaphore(%arg31 : memref<!tpu.dma_semaphore, #tpu.memory_space<semaphore_mem>>) src(%dma_wait3A_188 : memref<128x16xf32, #tpu.memory_space<hbm>>) dst(%arg17 : memref<128x16xf32, #tpu.memory_space<vmem>>)
    %dma_wait3A_189 = arith.constant 0 : i32
    %dma_wait3A_190 = arith.constant 0 : i32
    %dma_wait3A_191 = tpu.memref_slice %arg18[%dma_wait3A_189, %dma_wait3A_190] : memref<128x80xi32, #tpu.memory_space<vmem>> -> memref<64x80xi32, #tpu.memory_space<vmem>>
    %dma_wait3A_192 = arith.constant 0 : i32
    %dma_wait3A_193 = tpu.memref_slice %arg12[%dma_wait3A_192] : memref<128xi32, #tpu.memory_space<vmem>> -> memref<64xi32, #tpu.memory_space<vmem>>
    %dma_wait3A_194 = arith.constant 0 : i32
    %dma_wait3A_195 = arith.constant 0 : i32
    %dma_wait3A_196 = tpu.memref_slice %arg2[%dma_wait3A_194, %dma_wait3A_195] : memref<10000x80xi32, #tpu.memory_space<hbm>> -> memref<10000x80xi32, #tpu.memory_space<hbm>>
    tpu.wait_indirect_dma semaphore(%arg26 : memref<!tpu.dma_semaphore, #tpu.memory_space<semaphore_mem>>) src(%dma_wait3A_196 : memref<10000x80xi32, #tpu.memory_space<hbm>>) dst(%dma_wait3A_191 : memref<64x80xi32, #tpu.memory_space<vmem>>)
    %dma_wait3A_197 = arith.constant 0 : i32
    %dma_wait3A_198 = arith.constant 0 : i32
    %dma_wait3A_199 = tpu.memref_slice %arg20[%dma_wait3A_197, %dma_wait3A_198] : memref<128x64xi32, #tpu.memory_space<vmem>> -> memref<64x64xi32, #tpu.memory_space<vmem>>
    %dma_wait3A_200 = arith.constant 0 : i32
    %dma_wait3A_201 = tpu.memref_slice %arg10[%dma_wait3A_200] : memref<128xi32, #tpu.memory_space<vmem>> -> memref<64xi32, #tpu.memory_space<vmem>>
    %dma_wait3A_202 = arith.constant 0 : i32
    %dma_wait3A_203 = arith.constant 0 : i32
    %dma_wait3A_204 = tpu.memref_slice %arg3[%dma_wait3A_202, %dma_wait3A_203] : memref<10000x64xi32, #tpu.memory_space<hbm>> -> memref<10000x64xi32, #tpu.memory_space<hbm>>
    tpu.wait_indirect_dma semaphore(%arg26 : memref<!tpu.dma_semaphore, #tpu.memory_space<semaphore_mem>>) src(%dma_wait3A_204 : memref<10000x64xi32, #tpu.memory_space<hbm>>) dst(%dma_wait3A_199 : memref<64x64xi32, #tpu.memory_space<vmem>>)
    %dma_wait3A_205 = arith.constant 64 : i32
    %dma_wait3A_206 = arith.constant 0 : i32
    %dma_wait3A_207 = tpu.memref_slice %arg18[%dma_wait3A_205, %dma_wait3A_206] : memref<128x80xi32, #tpu.memory_space<vmem>> -> memref<64x80xi32, #tpu.memory_space<vmem>>
    %dma_wait3A_208 = arith.constant 64 : i32
    %dma_wait3A_209 = tpu.memref_slice %arg12[%dma_wait3A_208] : memref<128xi32, #tpu.memory_space<vmem>> -> memref<64xi32, #tpu.memory_space<vmem>>
    %dma_wait3A_210 = arith.constant 0 : i32
    %dma_wait3A_211 = arith.constant 0 : i32
    %dma_wait3A_212 = tpu.memref_slice %arg2[%dma_wait3A_210, %dma_wait3A_211] : memref<10000x80xi32, #tpu.memory_space<hbm>> -> memref<10000x80xi32, #tpu.memory_space<hbm>>
    tpu.wait_indirect_dma semaphore(%arg28 : memref<!tpu.dma_semaphore, #tpu.memory_space<semaphore_mem>>) src(%dma_wait3A_212 : memref<10000x80xi32, #tpu.memory_space<hbm>>) dst(%dma_wait3A_207 : memref<64x80xi32, #tpu.memory_space<vmem>>)
    %dma_wait3A_213 = arith.constant 64 : i32
    %dma_wait3A_214 = arith.constant 0 : i32
    %dma_wait3A_215 = tpu.memref_slice %arg20[%dma_wait3A_213, %dma_wait3A_214] : memref<128x64xi32, #tpu.memory_space<vmem>> -> memref<64x64xi32, #tpu.memory_space<vmem>>
    %dma_wait3A_216 = arith.constant 64 : i32
    %dma_wait3A_217 = tpu.memref_slice %arg10[%dma_wait3A_216] : memref<128xi32, #tpu.memory_space<vmem>> -> memref<64xi32, #tpu.memory_space<vmem>>
    %dma_wait3A_218 = arith.constant 0 : i32
    %dma_wait3A_219 = arith.constant 0 : i32
    %dma_wait3A_220 = tpu.memref_slice %arg3[%dma_wait3A_218, %dma_wait3A_219] : memref<10000x64xi32, #tpu.memory_space<hbm>> -> memref<10000x64xi32, #tpu.memory_space<hbm>>
    tpu.wait_indirect_dma semaphore(%arg28 : memref<!tpu.dma_semaphore, #tpu.memory_space<semaphore_mem>>) src(%dma_wait3A_220 : memref<10000x64xi32, #tpu.memory_space<hbm>>) dst(%dma_wait3A_215 : memref<64x64xi32, #tpu.memory_space<vmem>>)
    %dma_wait3A_221 = arith.constant 78 : i32
    %dma_wait3A_222 = arith.constant 0 : i32
    %dma_wait3A_223 = tpu.memref_slice %arg7[%add3A, %dma_wait3A_221, %dma_wait3A_222] : memref<32x80x128xf32, #tpu.memory_space<hbm>> -> memref<1x1x128xf32, #tpu.memory_space<hbm>>
    %dma_wait3A_224 = tpu.memref_squeeze %dma_wait3A_223 : memref<1x1x128xf32, #tpu.memory_space<hbm>> -> memref<128xf32, #tpu.memory_space<hbm>>
    %dma_wait3A_225 = arith.constant 0 : i32
    %dma_wait3A_226 = tpu.memref_slice %arg7[%add3A, %dma_wait3A_221, %dma_wait3A_225] : memref<32x80x128xf32, #tpu.memory_space<hbm>> -> memref<1x1x128xf32, #tpu.memory_space<hbm>>
    %dma_wait3A_227 = tpu.memref_squeeze %dma_wait3A_226 : memref<1x1x128xf32, #tpu.memory_space<hbm>> -> memref<128xf32, #tpu.memory_space<hbm>>
    tpu.wait_dma2 semaphore(%arg32 : memref<!tpu.dma_semaphore, #tpu.memory_space<semaphore_mem>>) src(%arg24 : memref<128xf32, #tpu.memory_space<vmem>>) dst(%dma_wait3A_227 : memref<128xf32, #tpu.memory_space<hbm>>)
    %dma_wait3A_228 = arith.constant 0 : i32
    %dma_wait3A_229 = arith.constant 0 : i32
    %dma_wait3A_230 = tpu.memref_slice %arg9[%dma_wait3A_228, %dma_wait3A_229] : memref<10000x32xf32, #tpu.memory_space<vmem_shared>> -> memref<10000x32xf32, #tpu.memory_space<vmem_shared>>
    tpu.wait_indirect_dma semaphore(%arg34 : memref<!tpu.dma_semaphore, #tpu.memory_space<semaphore_mem>>) src(%arg22 : memref<128x32xf32, #tpu.memory_space<vmem>>) dst(%dma_wait3A_230 : memref<10000x32xf32, #tpu.memory_space<vmem_shared>>)
    %dma_wait3A_231 = arith.constant 79 : i32
    %dma_wait3A_232 = arith.constant 0 : i32
    %dma_wait3A_233 = tpu.memref_slice %arg7[%add3A, %dma_wait3A_231, %dma_wait3A_232] : memref<32x80x128xf32, #tpu.memory_space<hbm>> -> memref<1x1x128xf32, #tpu.memory_space<hbm>>
    %dma_wait3A_234 = tpu.memref_squeeze %dma_wait3A_233 : memref<1x1x128xf32, #tpu.memory_space<hbm>> -> memref<128xf32, #tpu.memory_space<hbm>>
    %dma_wait3A_235 = arith.constant 0 : i32
    %dma_wait3A_236 = tpu.memref_slice %arg7[%add3A, %dma_wait3A_231, %dma_wait3A_235] : memref<32x80x128xf32, #tpu.memory_space<hbm>> -> memref<1x1x128xf32, #tpu.memory_space<hbm>>
    %dma_wait3A_237 = tpu.memref_squeeze %dma_wait3A_236 : memref<1x1x128xf32, #tpu.memory_space<hbm>> -> memref<128xf32, #tpu.memory_space<hbm>>
    tpu.wait_dma2 semaphore(%arg33 : memref<!tpu.dma_semaphore, #tpu.memory_space<semaphore_mem>>) src(%arg25 : memref<128xf32, #tpu.memory_space<vmem>>) dst(%dma_wait3A_237 : memref<128xf32, #tpu.memory_space<hbm>>)
    %dma_wait3A_238 = arith.constant 0 : i32
    %dma_wait3A_239 = arith.constant 0 : i32
    %dma_wait3A_240 = tpu.memref_slice %arg9[%dma_wait3A_238, %dma_wait3A_239] : memref<10000x32xf32, #tpu.memory_space<vmem_shared>> -> memref<10000x32xf32, #tpu.memory_space<vmem_shared>>
    tpu.wait_indirect_dma semaphore(%arg35 : memref<!tpu.dma_semaphore, #tpu.memory_space<semaphore_mem>>) src(%arg23 : memref<128x32xf32, #tpu.memory_space<vmem>>) dst(%dma_wait3A_240 : memref<10000x32xf32, #tpu.memory_space<vmem_shared>>)
    %barrier3A_241 = arith.constant 0 : index
    tpu.barrier barrier_id(%barrier3A_241)
    %add3A_242 = arith.constant 0 : i32
    %add3A_243 = arith.addi %arg1, %add3A_242 : i32
    %lt3A_244 = arith.constant 125 : i32
    %lt3A_245 = arith.cmpi slt, %add3A_243, %lt3A_244 : i32
    %convert_element_type3A_246 = arith.extui %lt3A_245 : i1 to i32
    %cond3A_247 = arith.constant 0 : i32
    %cond3A_248 = arith.cmpi ne, %convert_element_type3A_246, %cond3A_247 : i32
    scf.if %cond3A_248 {
      %mul3A_298 = arith.constant 80 : i32
      %mul3A_299 = arith.muli %add3A_243, %mul3A_298 : i32
      "tpu.region"() ({
        %run_scoped3A = tpu.sem_alloc : memref<!tpu.dma_semaphore, #tpu.memory_space<semaphore_mem>>
        %dma_start3A_300 = arith.constant 0 : i32
        %dma_start3A_301 = tpu.memref_slice %arg8[%arg0, %mul3A_299, %dma_start3A_300] : memref<2x10000x32xf32, #tpu.memory_space<hbm>> -> memref<1x80x32xf32, #tpu.memory_space<hbm>>
        %dma_start3A_302 = tpu.memref_squeeze %dma_start3A_301 : memref<1x80x32xf32, #tpu.memory_space<hbm>> -> memref<80x32xf32, #tpu.memory_space<hbm>>
        %dma_start3A_303 = arith.constant 0 : i32
        %dma_start3A_304 = tpu.memref_slice %arg9[%mul3A_299, %dma_start3A_303] : memref<10000x32xf32, #tpu.memory_space<vmem_shared>> -> memref<80x32xf32, #tpu.memory_space<vmem_shared>>
        tpu.enqueue_dma source(%dma_start3A_304 : memref<80x32xf32, #tpu.memory_space<vmem_shared>>) target(%dma_start3A_302 : memref<80x32xf32, #tpu.memory_space<hbm>>) target_semaphore(%run_scoped3A : memref<!tpu.dma_semaphore, #tpu.memory_space<semaphore_mem>>)
        %dma_wait3A_305 = arith.constant 0 : i32
        %dma_wait3A_306 = tpu.memref_slice %arg8[%arg0, %mul3A_299, %dma_wait3A_305] : memref<2x10000x32xf32, #tpu.memory_space<hbm>> -> memref<1x80x32xf32, #tpu.memory_space<hbm>>
        %dma_wait3A_307 = tpu.memref_squeeze %dma_wait3A_306 : memref<1x80x32xf32, #tpu.memory_space<hbm>> -> memref<80x32xf32, #tpu.memory_space<hbm>>
        %dma_wait3A_308 = arith.constant 0 : i32
        %dma_wait3A_309 = tpu.memref_slice %arg9[%mul3A_299, %dma_wait3A_308] : memref<10000x32xf32, #tpu.memory_space<vmem_shared>> -> memref<80x32xf32, #tpu.memory_space<vmem_shared>>
        tpu.wait_dma2 semaphore(%run_scoped3A : memref<!tpu.dma_semaphore, #tpu.memory_space<semaphore_mem>>) src(%dma_wait3A_309 : memref<80x32xf32, #tpu.memory_space<vmem_shared>>) dst(%dma_wait3A_307 : memref<80x32xf32, #tpu.memory_space<hbm>>)
        tpu.yield
      }) : () -> ()
    } else {
    }
    %add3A_249 = arith.constant 16 : i32
    %add3A_250 = arith.addi %arg1, %add3A_249 : i32
    %lt3A_251 = arith.constant 125 : i32
    %lt3A_252 = arith.cmpi slt, %add3A_250, %lt3A_251 : i32
    %convert_element_type3A_253 = arith.extui %lt3A_252 : i1 to i32
    %cond3A_254 = arith.constant 0 : i32
    %cond3A_255 = arith.cmpi ne, %convert_element_type3A_253, %cond3A_254 : i32
    scf.if %cond3A_255 {
      %mul3A_298 = arith.constant 80 : i32
      %mul3A_299 = arith.muli %add3A_250, %mul3A_298 : i32
      "tpu.region"() ({
        %run_scoped3A = tpu.sem_alloc : memref<!tpu.dma_semaphore, #tpu.memory_space<semaphore_mem>>
        %dma_start3A_300 = arith.constant 0 : i32
        %dma_start3A_301 = tpu.memref_slice %arg8[%arg0, %mul3A_299, %dma_start3A_300] : memref<2x10000x32xf32, #tpu.memory_space<hbm>> -> memref<1x80x32xf32, #tpu.memory_space<hbm>>
        %dma_start3A_302 = tpu.memref_squeeze %dma_start3A_301 : memref<1x80x32xf32, #tpu.memory_space<hbm>> -> memref<80x32xf32, #tpu.memory_space<hbm>>
        %dma_start3A_303 = arith.constant 0 : i32
        %dma_start3A_304 = tpu.memref_slice %arg9[%mul3A_299, %dma_start3A_303] : memref<10000x32xf32, #tpu.memory_space<vmem_shared>> -> memref<80x32xf32, #tpu.memory_space<vmem_shared>>
        tpu.enqueue_dma source(%dma_start3A_304 : memref<80x32xf32, #tpu.memory_space<vmem_shared>>) target(%dma_start3A_302 : memref<80x32xf32, #tpu.memory_space<hbm>>) target_semaphore(%run_scoped3A : memref<!tpu.dma_semaphore, #tpu.memory_space<semaphore_mem>>)
        %dma_wait3A_305 = arith.constant 0 : i32
        %dma_wait3A_306 = tpu.memref_slice %arg8[%arg0, %mul3A_299, %dma_wait3A_305] : memref<2x10000x32xf32, #tpu.memory_space<hbm>> -> memref<1x80x32xf32, #tpu.memory_space<hbm>>
        %dma_wait3A_307 = tpu.memref_squeeze %dma_wait3A_306 : memref<1x80x32xf32, #tpu.memory_space<hbm>> -> memref<80x32xf32, #tpu.memory_space<hbm>>
        %dma_wait3A_308 = arith.constant 0 : i32
        %dma_wait3A_309 = tpu.memref_slice %arg9[%mul3A_299, %dma_wait3A_308] : memref<10000x32xf32, #tpu.memory_space<vmem_shared>> -> memref<80x32xf32, #tpu.memory_space<vmem_shared>>
        tpu.wait_dma2 semaphore(%run_scoped3A : memref<!tpu.dma_semaphore, #tpu.memory_space<semaphore_mem>>) src(%dma_wait3A_309 : memref<80x32xf32, #tpu.memory_space<vmem_shared>>) dst(%dma_wait3A_307 : memref<80x32xf32, #tpu.memory_space<hbm>>)
        tpu.yield
      }) : () -> ()
    } else {
    }
    %add3A_256 = arith.constant 32 : i32
    %add3A_257 = arith.addi %arg1, %add3A_256 : i32
    %lt3A_258 = arith.constant 125 : i32
    %lt3A_259 = arith.cmpi slt, %add3A_257, %lt3A_258 : i32
    %convert_element_type3A_260 = arith.extui %lt3A_259 : i1 to i32
    %cond3A_261 = arith.constant 0 : i32
    %cond3A_262 = arith.cmpi ne, %convert_element_type3A_260, %cond3A_261 : i32
    scf.if %cond3A_262 {
      %mul3A_298 = arith.constant 80 : i32
      %mul3A_299 = arith.muli %add3A_257, %mul3A_298 : i32
      "tpu.region"() ({
        %run_scoped3A = tpu.sem_alloc : memref<!tpu.dma_semaphore, #tpu.memory_space<semaphore_mem>>
        %dma_start3A_300 = arith.constant 0 : i32
        %dma_start3A_301 = tpu.memref_slice %arg8[%arg0, %mul3A_299, %dma_start3A_300] : memref<2x10000x32xf32, #tpu.memory_space<hbm>> -> memref<1x80x32xf32, #tpu.memory_space<hbm>>
        %dma_start3A_302 = tpu.memref_squeeze %dma_start3A_301 : memref<1x80x32xf32, #tpu.memory_space<hbm>> -> memref<80x32xf32, #tpu.memory_space<hbm>>
        %dma_start3A_303 = arith.constant 0 : i32
        %dma_start3A_304 = tpu.memref_slice %arg9[%mul3A_299, %dma_start3A_303] : memref<10000x32xf32, #tpu.memory_space<vmem_shared>> -> memref<80x32xf32, #tpu.memory_space<vmem_shared>>
        tpu.enqueue_dma source(%dma_start3A_304 : memref<80x32xf32, #tpu.memory_space<vmem_shared>>) target(%dma_start3A_302 : memref<80x32xf32, #tpu.memory_space<hbm>>) target_semaphore(%run_scoped3A : memref<!tpu.dma_semaphore, #tpu.memory_space<semaphore_mem>>)
        %dma_wait3A_305 = arith.constant 0 : i32
        %dma_wait3A_306 = tpu.memref_slice %arg8[%arg0, %mul3A_299, %dma_wait3A_305] : memref<2x10000x32xf32, #tpu.memory_space<hbm>> -> memref<1x80x32xf32, #tpu.memory_space<hbm>>
        %dma_wait3A_307 = tpu.memref_squeeze %dma_wait3A_306 : memref<1x80x32xf32, #tpu.memory_space<hbm>> -> memref<80x32xf32, #tpu.memory_space<hbm>>
        %dma_wait3A_308 = arith.constant 0 : i32
        %dma_wait3A_309 = tpu.memref_slice %arg9[%mul3A_299, %dma_wait3A_308] : memref<10000x32xf32, #tpu.memory_space<vmem_shared>> -> memref<80x32xf32, #tpu.memory_space<vmem_shared>>
        tpu.wait_dma2 semaphore(%run_scoped3A : memref<!tpu.dma_semaphore, #tpu.memory_space<semaphore_mem>>) src(%dma_wait3A_309 : memref<80x32xf32, #tpu.memory_space<vmem_shared>>) dst(%dma_wait3A_307 : memref<80x32xf32, #tpu.memory_space<hbm>>)
        tpu.yield
      }) : () -> ()
    } else {
    }
    %add3A_263 = arith.constant 48 : i32
    %add3A_264 = arith.addi %arg1, %add3A_263 : i32
    %lt3A_265 = arith.constant 125 : i32
    %lt3A_266 = arith.cmpi slt, %add3A_264, %lt3A_265 : i32
    %convert_element_type3A_267 = arith.extui %lt3A_266 : i1 to i32
    %cond3A_268 = arith.constant 0 : i32
    %cond3A_269 = arith.cmpi ne, %convert_element_type3A_267, %cond3A_268 : i32
    scf.if %cond3A_269 {
      %mul3A_298 = arith.constant 80 : i32
      %mul3A_299 = arith.muli %add3A_264, %mul3A_298 : i32
      "tpu.region"() ({
        %run_scoped3A = tpu.sem_alloc : memref<!tpu.dma_semaphore, #tpu.memory_space<semaphore_mem>>
        %dma_start3A_300 = arith.constant 0 : i32
        %dma_start3A_301 = tpu.memref_slice %arg8[%arg0, %mul3A_299, %dma_start3A_300] : memref<2x10000x32xf32, #tpu.memory_space<hbm>> -> memref<1x80x32xf32, #tpu.memory_space<hbm>>
        %dma_start3A_302 = tpu.memref_squeeze %dma_start3A_301 : memref<1x80x32xf32, #tpu.memory_space<hbm>> -> memref<80x32xf32, #tpu.memory_space<hbm>>
        %dma_start3A_303 = arith.constant 0 : i32
        %dma_start3A_304 = tpu.memref_slice %arg9[%mul3A_299, %dma_start3A_303] : memref<10000x32xf32, #tpu.memory_space<vmem_shared>> -> memref<80x32xf32, #tpu.memory_space<vmem_shared>>
        tpu.enqueue_dma source(%dma_start3A_304 : memref<80x32xf32, #tpu.memory_space<vmem_shared>>) target(%dma_start3A_302 : memref<80x32xf32, #tpu.memory_space<hbm>>) target_semaphore(%run_scoped3A : memref<!tpu.dma_semaphore, #tpu.memory_space<semaphore_mem>>)
        %dma_wait3A_305 = arith.constant 0 : i32
        %dma_wait3A_306 = tpu.memref_slice %arg8[%arg0, %mul3A_299, %dma_wait3A_305] : memref<2x10000x32xf32, #tpu.memory_space<hbm>> -> memref<1x80x32xf32, #tpu.memory_space<hbm>>
        %dma_wait3A_307 = tpu.memref_squeeze %dma_wait3A_306 : memref<1x80x32xf32, #tpu.memory_space<hbm>> -> memref<80x32xf32, #tpu.memory_space<hbm>>
        %dma_wait3A_308 = arith.constant 0 : i32
        %dma_wait3A_309 = tpu.memref_slice %arg9[%mul3A_299, %dma_wait3A_308] : memref<10000x32xf32, #tpu.memory_space<vmem_shared>> -> memref<80x32xf32, #tpu.memory_space<vmem_shared>>
        tpu.wait_dma2 semaphore(%run_scoped3A : memref<!tpu.dma_semaphore, #tpu.memory_space<semaphore_mem>>) src(%dma_wait3A_309 : memref<80x32xf32, #tpu.memory_space<vmem_shared>>) dst(%dma_wait3A_307 : memref<80x32xf32, #tpu.memory_space<hbm>>)
        tpu.yield
      }) : () -> ()
    } else {
    }
    %add3A_270 = arith.constant 64 : i32
    %add3A_271 = arith.addi %arg1, %add3A_270 : i32
    %lt3A_272 = arith.constant 125 : i32
    %lt3A_273 = arith.cmpi slt, %add3A_271, %lt3A_272 : i32
    %convert_element_type3A_274 = arith.extui %lt3A_273 : i1 to i32
    %cond3A_275 = arith.constant 0 : i32
    %cond3A_276 = arith.cmpi ne, %convert_element_type3A_274, %cond3A_275 : i32
    scf.if %cond3A_276 {
      %mul3A_298 = arith.constant 80 : i32
      %mul3A_299 = arith.muli %add3A_271, %mul3A_298 : i32
      "tpu.region"() ({
        %run_scoped3A = tpu.sem_alloc : memref<!tpu.dma_semaphore, #tpu.memory_space<semaphore_mem>>
        %dma_start3A_300 = arith.constant 0 : i32
        %dma_start3A_301 = tpu.memref_slice %arg8[%arg0, %mul3A_299, %dma_start3A_300] : memref<2x10000x32xf32, #tpu.memory_space<hbm>> -> memref<1x80x32xf32, #tpu.memory_space<hbm>>
        %dma_start3A_302 = tpu.memref_squeeze %dma_start3A_301 : memref<1x80x32xf32, #tpu.memory_space<hbm>> -> memref<80x32xf32, #tpu.memory_space<hbm>>
        %dma_start3A_303 = arith.constant 0 : i32
        %dma_start3A_304 = tpu.memref_slice %arg9[%mul3A_299, %dma_start3A_303] : memref<10000x32xf32, #tpu.memory_space<vmem_shared>> -> memref<80x32xf32, #tpu.memory_space<vmem_shared>>
        tpu.enqueue_dma source(%dma_start3A_304 : memref<80x32xf32, #tpu.memory_space<vmem_shared>>) target(%dma_start3A_302 : memref<80x32xf32, #tpu.memory_space<hbm>>) target_semaphore(%run_scoped3A : memref<!tpu.dma_semaphore, #tpu.memory_space<semaphore_mem>>)
        %dma_wait3A_305 = arith.constant 0 : i32
        %dma_wait3A_306 = tpu.memref_slice %arg8[%arg0, %mul3A_299, %dma_wait3A_305] : memref<2x10000x32xf32, #tpu.memory_space<hbm>> -> memref<1x80x32xf32, #tpu.memory_space<hbm>>
        %dma_wait3A_307 = tpu.memref_squeeze %dma_wait3A_306 : memref<1x80x32xf32, #tpu.memory_space<hbm>> -> memref<80x32xf32, #tpu.memory_space<hbm>>
        %dma_wait3A_308 = arith.constant 0 : i32
        %dma_wait3A_309 = tpu.memref_slice %arg9[%mul3A_299, %dma_wait3A_308] : memref<10000x32xf32, #tpu.memory_space<vmem_shared>> -> memref<80x32xf32, #tpu.memory_space<vmem_shared>>
        tpu.wait_dma2 semaphore(%run_scoped3A : memref<!tpu.dma_semaphore, #tpu.memory_space<semaphore_mem>>) src(%dma_wait3A_309 : memref<80x32xf32, #tpu.memory_space<vmem_shared>>) dst(%dma_wait3A_307 : memref<80x32xf32, #tpu.memory_space<hbm>>)
        tpu.yield
      }) : () -> ()
    } else {
    }
    %add3A_277 = arith.constant 80 : i32
    %add3A_278 = arith.addi %arg1, %add3A_277 : i32
    %lt3A_279 = arith.constant 125 : i32
    %lt3A_280 = arith.cmpi slt, %add3A_278, %lt3A_279 : i32
    %convert_element_type3A_281 = arith.extui %lt3A_280 : i1 to i32
    %cond3A_282 = arith.constant 0 : i32
    %cond3A_283 = arith.cmpi ne, %convert_element_type3A_281, %cond3A_282 : i32
    scf.if %cond3A_283 {
      %mul3A_298 = arith.constant 80 : i32
      %mul3A_299 = arith.muli %add3A_278, %mul3A_298 : i32
      "tpu.region"() ({
        %run_scoped3A = tpu.sem_alloc : memref<!tpu.dma_semaphore, #tpu.memory_space<semaphore_mem>>
        %dma_start3A_300 = arith.constant 0 : i32
        %dma_start3A_301 = tpu.memref_slice %arg8[%arg0, %mul3A_299, %dma_start3A_300] : memref<2x10000x32xf32, #tpu.memory_space<hbm>> -> memref<1x80x32xf32, #tpu.memory_space<hbm>>
        %dma_start3A_302 = tpu.memref_squeeze %dma_start3A_301 : memref<1x80x32xf32, #tpu.memory_space<hbm>> -> memref<80x32xf32, #tpu.memory_space<hbm>>
        %dma_start3A_303 = arith.constant 0 : i32
        %dma_start3A_304 = tpu.memref_slice %arg9[%mul3A_299, %dma_start3A_303] : memref<10000x32xf32, #tpu.memory_space<vmem_shared>> -> memref<80x32xf32, #tpu.memory_space<vmem_shared>>
        tpu.enqueue_dma source(%dma_start3A_304 : memref<80x32xf32, #tpu.memory_space<vmem_shared>>) target(%dma_start3A_302 : memref<80x32xf32, #tpu.memory_space<hbm>>) target_semaphore(%run_scoped3A : memref<!tpu.dma_semaphore, #tpu.memory_space<semaphore_mem>>)
        %dma_wait3A_305 = arith.constant 0 : i32
        %dma_wait3A_306 = tpu.memref_slice %arg8[%arg0, %mul3A_299, %dma_wait3A_305] : memref<2x10000x32xf32, #tpu.memory_space<hbm>> -> memref<1x80x32xf32, #tpu.memory_space<hbm>>
        %dma_wait3A_307 = tpu.memref_squeeze %dma_wait3A_306 : memref<1x80x32xf32, #tpu.memory_space<hbm>> -> memref<80x32xf32, #tpu.memory_space<hbm>>
        %dma_wait3A_308 = arith.constant 0 : i32
        %dma_wait3A_309 = tpu.memref_slice %arg9[%mul3A_299, %dma_wait3A_308] : memref<10000x32xf32, #tpu.memory_space<vmem_shared>> -> memref<80x32xf32, #tpu.memory_space<vmem_shared>>
        tpu.wait_dma2 semaphore(%run_scoped3A : memref<!tpu.dma_semaphore, #tpu.memory_space<semaphore_mem>>) src(%dma_wait3A_309 : memref<80x32xf32, #tpu.memory_space<vmem_shared>>) dst(%dma_wait3A_307 : memref<80x32xf32, #tpu.memory_space<hbm>>)
        tpu.yield
      }) : () -> ()
    } else {
    }
    %add3A_284 = arith.constant 96 : i32
    %add3A_285 = arith.addi %arg1, %add3A_284 : i32
    %lt3A_286 = arith.constant 125 : i32
    %lt3A_287 = arith.cmpi slt, %add3A_285, %lt3A_286 : i32
    %convert_element_type3A_288 = arith.extui %lt3A_287 : i1 to i32
    %cond3A_289 = arith.constant 0 : i32
    %cond3A_290 = arith.cmpi ne, %convert_element_type3A_288, %cond3A_289 : i32
    scf.if %cond3A_290 {
      %mul3A_298 = arith.constant 80 : i32
      %mul3A_299 = arith.muli %add3A_285, %mul3A_298 : i32
      "tpu.region"() ({
        %run_scoped3A = tpu.sem_alloc : memref<!tpu.dma_semaphore, #tpu.memory_space<semaphore_mem>>
        %dma_start3A_300 = arith.constant 0 : i32
        %dma_start3A_301 = tpu.memref_slice %arg8[%arg0, %mul3A_299, %dma_start3A_300] : memref<2x10000x32xf32, #tpu.memory_space<hbm>> -> memref<1x80x32xf32, #tpu.memory_space<hbm>>
        %dma_start3A_302 = tpu.memref_squeeze %dma_start3A_301 : memref<1x80x32xf32, #tpu.memory_space<hbm>> -> memref<80x32xf32, #tpu.memory_space<hbm>>
        %dma_start3A_303 = arith.constant 0 : i32
        %dma_start3A_304 = tpu.memref_slice %arg9[%mul3A_299, %dma_start3A_303] : memref<10000x32xf32, #tpu.memory_space<vmem_shared>> -> memref<80x32xf32, #tpu.memory_space<vmem_shared>>
        tpu.enqueue_dma source(%dma_start3A_304 : memref<80x32xf32, #tpu.memory_space<vmem_shared>>) target(%dma_start3A_302 : memref<80x32xf32, #tpu.memory_space<hbm>>) target_semaphore(%run_scoped3A : memref<!tpu.dma_semaphore, #tpu.memory_space<semaphore_mem>>)
        %dma_wait3A_305 = arith.constant 0 : i32
        %dma_wait3A_306 = tpu.memref_slice %arg8[%arg0, %mul3A_299, %dma_wait3A_305] : memref<2x10000x32xf32, #tpu.memory_space<hbm>> -> memref<1x80x32xf32, #tpu.memory_space<hbm>>
        %dma_wait3A_307 = tpu.memref_squeeze %dma_wait3A_306 : memref<1x80x32xf32, #tpu.memory_space<hbm>> -> memref<80x32xf32, #tpu.memory_space<hbm>>
        %dma_wait3A_308 = arith.constant 0 : i32
        %dma_wait3A_309 = tpu.memref_slice %arg9[%mul3A_299, %dma_wait3A_308] : memref<10000x32xf32, #tpu.memory_space<vmem_shared>> -> memref<80x32xf32, #tpu.memory_space<vmem_shared>>
        tpu.wait_dma2 semaphore(%run_scoped3A : memref<!tpu.dma_semaphore, #tpu.memory_space<semaphore_mem>>) src(%dma_wait3A_309 : memref<80x32xf32, #tpu.memory_space<vmem_shared>>) dst(%dma_wait3A_307 : memref<80x32xf32, #tpu.memory_space<hbm>>)
        tpu.yield
      }) : () -> ()
    } else {
    }
    %add3A_291 = arith.constant 112 : i32
    %add3A_292 = arith.addi %arg1, %add3A_291 : i32
    %lt3A_293 = arith.constant 125 : i32
    %lt3A_294 = arith.cmpi slt, %add3A_292, %lt3A_293 : i32
    %convert_element_type3A_295 = arith.extui %lt3A_294 : i1 to i32
    %cond3A_296 = arith.constant 0 : i32
    %cond3A_297 = arith.cmpi ne, %convert_element_type3A_295, %cond3A_296 : i32
    scf.if %cond3A_297 {
      %mul3A_298 = arith.constant 80 : i32
      %mul3A_299 = arith.muli %add3A_292, %mul3A_298 : i32
      "tpu.region"() ({
        %run_scoped3A = tpu.sem_alloc : memref<!tpu.dma_semaphore, #tpu.memory_space<semaphore_mem>>
        %dma_start3A_300 = arith.constant 0 : i32
        %dma_start3A_301 = tpu.memref_slice %arg8[%arg0, %mul3A_299, %dma_start3A_300] : memref<2x10000x32xf32, #tpu.memory_space<hbm>> -> memref<1x80x32xf32, #tpu.memory_space<hbm>>
        %dma_start3A_302 = tpu.memref_squeeze %dma_start3A_301 : memref<1x80x32xf32, #tpu.memory_space<hbm>> -> memref<80x32xf32, #tpu.memory_space<hbm>>
        %dma_start3A_303 = arith.constant 0 : i32
        %dma_start3A_304 = tpu.memref_slice %arg9[%mul3A_299, %dma_start3A_303] : memref<10000x32xf32, #tpu.memory_space<vmem_shared>> -> memref<80x32xf32, #tpu.memory_space<vmem_shared>>
        tpu.enqueue_dma source(%dma_start3A_304 : memref<80x32xf32, #tpu.memory_space<vmem_shared>>) target(%dma_start3A_302 : memref<80x32xf32, #tpu.memory_space<hbm>>) target_semaphore(%run_scoped3A : memref<!tpu.dma_semaphore, #tpu.memory_space<semaphore_mem>>)
        %dma_wait3A_305 = arith.constant 0 : i32
        %dma_wait3A_306 = tpu.memref_slice %arg8[%arg0, %mul3A_299, %dma_wait3A_305] : memref<2x10000x32xf32, #tpu.memory_space<hbm>> -> memref<1x80x32xf32, #tpu.memory_space<hbm>>
        %dma_wait3A_307 = tpu.memref_squeeze %dma_wait3A_306 : memref<1x80x32xf32, #tpu.memory_space<hbm>> -> memref<80x32xf32, #tpu.memory_space<hbm>>
        %dma_wait3A_308 = arith.constant 0 : i32
        %dma_wait3A_309 = tpu.memref_slice %arg9[%mul3A_299, %dma_wait3A_308] : memref<10000x32xf32, #tpu.memory_space<vmem_shared>> -> memref<80x32xf32, #tpu.memory_space<vmem_shared>>
        tpu.wait_dma2 semaphore(%run_scoped3A : memref<!tpu.dma_semaphore, #tpu.memory_space<semaphore_mem>>) src(%dma_wait3A_309 : memref<80x32xf32, #tpu.memory_space<vmem_shared>>) dst(%dma_wait3A_307 : memref<80x32xf32, #tpu.memory_space<hbm>>)
        tpu.yield
      }) : () -> ()
    } else {
    }
    return
  }
}

module attributes {stable_mosaic.version = 14 : i64} {
  func.func @_proj_body(%arg0: i32, %arg1: memref<1000x128xf32, #tpu.memory_space<vmem>>, %arg2: memref<128x128xf32, #tpu.memory_space<vmem>>, %arg3: memref<128x128xf32, #tpu.memory_space<vmem>>, %arg4: memref<1x128xf32, #tpu.memory_space<vmem>>, %arg5: memref<128x128xf32, #tpu.memory_space<vmem>>, %arg6: memref<1x128xf32, #tpu.memory_space<vmem>>, %arg7: memref<128x128xf32, #tpu.memory_space<vmem>>, %arg8: memref<1x128xf32, #tpu.memory_space<vmem>>, %arg9: memref<128x128xf32, #tpu.memory_space<vmem>>, %arg10: memref<1x128xf32, #tpu.memory_space<vmem>>, %arg11: memref<128x16xf32, #tpu.memory_space<vmem>>, %arg12: memref<1000x160xbf16, #tpu.memory_space<vmem>>, %arg13: memref<1000x128xbf16, #tpu.memory_space<vmem>>, %arg14: memref<1000x128xf32, #tpu.memory_space<vmem>>, %arg15: memref<1000x128xf32, #tpu.memory_space<vmem>>) attributes {dimension_semantics = [#tpu.dimension_semantics<arbitrary>], iteration_bounds = array<i64: 10>, scalar_prefetch = 0 : i64, scratch_operands = 0 : i64, tpu.core_type = #tpu.core_type<tc>, window_params = [{transform_indices = @transform_0, window_bounds = array<i64: 1000, 128>}, {pipeline_mode = #tpu.pipeline_mode<synchronous>, transform_indices = @transform_1, window_bounds = array<i64: 128, 128>}, {pipeline_mode = #tpu.pipeline_mode<synchronous>, transform_indices = @transform_2, window_bounds = array<i64: 128, 128>}, {pipeline_mode = #tpu.pipeline_mode<synchronous>, transform_indices = @transform_3, window_bounds = array<i64: 1, 128>}, {pipeline_mode = #tpu.pipeline_mode<synchronous>, transform_indices = @transform_4, window_bounds = array<i64: 128, 128>}, {pipeline_mode = #tpu.pipeline_mode<synchronous>, transform_indices = @transform_5, window_bounds = array<i64: 1, 128>}, {pipeline_mode = #tpu.pipeline_mode<synchronous>, transform_indices = @transform_6, window_bounds = array<i64: 128, 128>}, {pipeline_mode = #tpu.pipeline_mode<synchronous>, transform_indices = @transform_7, window_bounds = array<i64: 1, 128>}, {pipeline_mode = #tpu.pipeline_mode<synchronous>, transform_indices = @transform_8, window_bounds = array<i64: 128, 128>}, {pipeline_mode = #tpu.pipeline_mode<synchronous>, transform_indices = @transform_9, window_bounds = array<i64: 1, 128>}, {pipeline_mode = #tpu.pipeline_mode<synchronous>, transform_indices = @transform_10, window_bounds = array<i64: 128, 16>}, {transform_indices = @transform_11, window_bounds = array<i64: 1000, 160>}, {transform_indices = @transform_12, window_bounds = array<i64: 1000, 128>}, {transform_indices = @transform_13, window_bounds = array<i64: 1000, 128>}, {transform_indices = @transform_14, window_bounds = array<i64: 1000, 128>}]} {
    %get3A = arith.constant 0 : index
    %get3A_0 = arith.constant 0 : index
    %get3A_1 = vector.load %arg1[%get3A, %get3A_0] : memref<1000x128xf32, #tpu.memory_space<vmem>>, vector<1000x128xf32>
    %get3A_2 = arith.constant 0 : index
    %get3A_3 = arith.constant 0 : index
    %get3A_4 = vector.load %arg2[%get3A_2, %get3A_3] : memref<128x128xf32, #tpu.memory_space<vmem>>, vector<128x128xf32>
    %dot_general3A = arith.constant dense<0.000000e+00> : vector<1000x128xf32>
    %dot_general3A_5 = tpu.matmul %get3A_1, %get3A_4, %dot_general3A {dimension_numbers = #tpu.dot_dimension_numbers<[1], [0], [0], [1], [0, 0, 1, 1], [], []>, transpose_lhs_hint = false} : vector<1000x128xf32>, vector<128x128xf32>, vector<1000x128xf32> -> vector<1000x128xf32>
    %get3A_6 = arith.constant 0 : index
    %get3A_7 = arith.constant 0 : index
    %get3A_8 = vector.load %arg3[%get3A_6, %get3A_7] : memref<128x128xf32, #tpu.memory_space<vmem>>, vector<128x128xf32>
    %dot_general3A_9 = arith.constant dense<0.000000e+00> : vector<1000x128xf32>
    %dot_general3A_10 = tpu.matmul %dot_general3A_5, %get3A_8, %dot_general3A_9 {dimension_numbers = #tpu.dot_dimension_numbers<[1], [0], [0], [1], [0, 0, 1, 1], [], []>, transpose_lhs_hint = false} : vector<1000x128xf32>, vector<128x128xf32>, vector<1000x128xf32> -> vector<1000x128xf32>
    %get3A_11 = arith.constant 0 : index
    %get3A_12 = arith.constant 0 : index
    %get3A_13 = vector.load %arg4[%get3A_11, %get3A_12] : memref<1x128xf32, #tpu.memory_space<vmem>>, vector<1x128xf32>
    %add3A = vector.broadcast %get3A_13 : vector<1x128xf32> to vector<1000x128xf32>
    %add3A_14 = arith.addf %dot_general3A_10, %add3A : vector<1000x128xf32>
    %get3A_15 = arith.constant 0 : index
    %get3A_16 = arith.constant 0 : index
    %get3A_17 = vector.load %arg11[%get3A_15, %get3A_16] : memref<128x16xf32, #tpu.memory_space<vmem>>, vector<128x16xf32>
    %dot_general3A_18 = arith.constant dense<0.000000e+00> : vector<1000x16xf32>
    %dot_general3A_19 = tpu.matmul %add3A_14, %get3A_17, %dot_general3A_18 {dimension_numbers = #tpu.dot_dimension_numbers<[1], [0], [0], [1], [0, 0, 1, 1], [], []>, transpose_lhs_hint = false} : vector<1000x128xf32>, vector<128x16xf32>, vector<1000x16xf32> -> vector<1000x16xf32>
    %get3A_20 = arith.constant 0 : index
    %get3A_21 = arith.constant 0 : index
    %get3A_22 = vector.load %arg5[%get3A_20, %get3A_21] : memref<128x128xf32, #tpu.memory_space<vmem>>, vector<128x128xf32>
    %dot_general3A_23 = arith.constant dense<0.000000e+00> : vector<1000x128xf32>
    %dot_general3A_24 = tpu.matmul %dot_general3A_5, %get3A_22, %dot_general3A_23 {dimension_numbers = #tpu.dot_dimension_numbers<[1], [0], [0], [1], [0, 0, 1, 1], [], []>, transpose_lhs_hint = false} : vector<1000x128xf32>, vector<128x128xf32>, vector<1000x128xf32> -> vector<1000x128xf32>
    %get3A_25 = arith.constant 0 : index
    %get3A_26 = arith.constant 0 : index
    %get3A_27 = vector.load %arg6[%get3A_25, %get3A_26] : memref<1x128xf32, #tpu.memory_space<vmem>>, vector<1x128xf32>
    %add3A_28 = vector.broadcast %get3A_27 : vector<1x128xf32> to vector<1000x128xf32>
    %add3A_29 = arith.addf %dot_general3A_24, %add3A_28 : vector<1000x128xf32>
    %broadcast_in_dim3A = arith.constant 0.000000e+00 : f32
    %broadcast_in_dim3A_30 = vector.broadcast %broadcast_in_dim3A : f32 to vector<1000x16xf32>
    %concatenate3A = tpu.concatenate %add3A_14, %dot_general3A_19, %broadcast_in_dim3A_30 in 1 : vector<1000x128xf32>, vector<1000x16xf32>, vector<1000x16xf32> -> vector<1000x160xf32>
    %convert_element_type3A = arith.truncf %concatenate3A : vector<1000x160xf32> to vector<1000x160xbf16>
    %swap3A = arith.constant 0 : index
    %swap3A_31 = arith.constant 0 : index
    %swap3A_32 = vector.load %arg12[%swap3A, %swap3A_31] : memref<1000x160xbf16, #tpu.memory_space<vmem>>, vector<1000x160xbf16>
    tpu.vector_store %arg12[%swap3A, %swap3A_31], %convert_element_type3A {strides = array<i32>} : memref<1000x160xbf16, #tpu.memory_space<vmem>>, vector<1000x160xbf16>,
    %convert_element_type3A_33 = arith.truncf %add3A_29 : vector<1000x128xf32> to vector<1000x128xbf16>
    %swap3A_34 = arith.constant 0 : index
    %swap3A_35 = arith.constant 0 : index
    %swap3A_36 = vector.load %arg13[%swap3A_34, %swap3A_35] : memref<1000x128xbf16, #tpu.memory_space<vmem>>, vector<1000x128xbf16>
    tpu.vector_store %arg13[%swap3A_34, %swap3A_35], %convert_element_type3A_33 {strides = array<i32>} : memref<1000x128xbf16, #tpu.memory_space<vmem>>, vector<1000x128xbf16>,
    %get3A_37 = arith.constant 0 : index
    %get3A_38 = arith.constant 0 : index
    %get3A_39 = vector.load %arg7[%get3A_37, %get3A_38] : memref<128x128xf32, #tpu.memory_space<vmem>>, vector<128x128xf32>
    %dot_general3A_40 = arith.constant dense<0.000000e+00> : vector<1000x128xf32>
    %dot_general3A_41 = tpu.matmul %dot_general3A_5, %get3A_39, %dot_general3A_40 {dimension_numbers = #tpu.dot_dimension_numbers<[1], [0], [0], [1], [0, 0, 1, 1], [], []>, transpose_lhs_hint = false} : vector<1000x128xf32>, vector<128x128xf32>, vector<1000x128xf32> -> vector<1000x128xf32>
    %get3A_42 = arith.constant 0 : index
    %get3A_43 = arith.constant 0 : index
    %get3A_44 = vector.load %arg8[%get3A_42, %get3A_43] : memref<1x128xf32, #tpu.memory_space<vmem>>, vector<1x128xf32>
    %add3A_45 = vector.broadcast %get3A_44 : vector<1x128xf32> to vector<1000x128xf32>
    %add3A_46 = arith.addf %dot_general3A_41, %add3A_45 : vector<1000x128xf32>
    %swap3A_47 = arith.constant 0 : index
    %swap3A_48 = arith.constant 0 : index
    %swap3A_49 = vector.load %arg14[%swap3A_47, %swap3A_48] : memref<1000x128xf32, #tpu.memory_space<vmem>>, vector<1000x128xf32>
    tpu.vector_store %arg14[%swap3A_47, %swap3A_48], %add3A_46 {strides = array<i32>} : memref<1000x128xf32, #tpu.memory_space<vmem>>, vector<1000x128xf32>,
    %get3A_50 = arith.constant 0 : index
    %get3A_51 = arith.constant 0 : index
    %get3A_52 = vector.load %arg9[%get3A_50, %get3A_51] : memref<128x128xf32, #tpu.memory_space<vmem>>, vector<128x128xf32>
    %dot_general3A_53 = arith.constant dense<0.000000e+00> : vector<1000x128xf32>
    %dot_general3A_54 = tpu.matmul %dot_general3A_5, %get3A_52, %dot_general3A_53 {dimension_numbers = #tpu.dot_dimension_numbers<[1], [0], [0], [1], [0, 0, 1, 1], [], []>, transpose_lhs_hint = false} : vector<1000x128xf32>, vector<128x128xf32>, vector<1000x128xf32> -> vector<1000x128xf32>
    %get3A_55 = arith.constant 0 : index
    %get3A_56 = arith.constant 0 : index
    %get3A_57 = vector.load %arg10[%get3A_55, %get3A_56] : memref<1x128xf32, #tpu.memory_space<vmem>>, vector<1x128xf32>
    %add3A_58 = vector.broadcast %get3A_57 : vector<1x128xf32> to vector<1000x128xf32>
    %add3A_59 = arith.addf %dot_general3A_54, %add3A_58 : vector<1000x128xf32>
    %swap3A_60 = arith.constant 0 : index
    %swap3A_61 = arith.constant 0 : index
    %swap3A_62 = vector.load %arg15[%swap3A_60, %swap3A_61] : memref<1000x128xf32, #tpu.memory_space<vmem>>, vector<1000x128xf32>
    tpu.vector_store %arg15[%swap3A_60, %swap3A_61], %add3A_59 {strides = array<i32>} : memref<1000x128xf32, #tpu.memory_space<vmem>>, vector<1000x128xf32>,
    return
  }
  func.func @transform_0(%arg0: i32) -> (i32, i32) {
    %c0_i32 = arith.constant 0 : i32
    %c0_i32_0 = arith.constant 0 : i32
    return %arg0, %c0_i32 : i32, i32
  }
  func.func @transform_1(%arg0: i32) -> (i32, i32) {
    %c0_i32 = arith.constant 0 : i32
    %c0_i32_0 = arith.constant 0 : i32
    %c0_i32_1 = arith.constant 0 : i32
    return %c0_i32, %c0_i32_0 : i32, i32
  }
  func.func @transform_2(%arg0: i32) -> (i32, i32) {
    %c0_i32 = arith.constant 0 : i32
    %c0_i32_0 = arith.constant 0 : i32
    %c0_i32_1 = arith.constant 0 : i32
    return %c0_i32, %c0_i32_0 : i32, i32
  }
  func.func @transform_3(%arg0: i32) -> (i32, i32) {
    %c0_i32 = arith.constant 0 : i32
    %c0_i32_0 = arith.constant 0 : i32
    %c0_i32_1 = arith.constant 0 : i32
    return %c0_i32, %c0_i32_0 : i32, i32
  }
  func.func @transform_4(%arg0: i32) -> (i32, i32) {
    %c0_i32 = arith.constant 0 : i32
    %c0_i32_0 = arith.constant 0 : i32
    %c0_i32_1 = arith.constant 0 : i32
    return %c0_i32, %c0_i32_0 : i32, i32
  }
  func.func @transform_5(%arg0: i32) -> (i32, i32) {
    %c0_i32 = arith.constant 0 : i32
    %c0_i32_0 = arith.constant 0 : i32
    %c0_i32_1 = arith.constant 0 : i32
    return %c0_i32, %c0_i32_0 : i32, i32
  }
  func.func @transform_6(%arg0: i32) -> (i32, i32) {
    %c0_i32 = arith.constant 0 : i32
    %c0_i32_0 = arith.constant 0 : i32
    %c0_i32_1 = arith.constant 0 : i32
    return %c0_i32, %c0_i32_0 : i32, i32
  }
  func.func @transform_7(%arg0: i32) -> (i32, i32) {
    %c0_i32 = arith.constant 0 : i32
    %c0_i32_0 = arith.constant 0 : i32
    %c0_i32_1 = arith.constant 0 : i32
    return %c0_i32, %c0_i32_0 : i32, i32
  }
  func.func @transform_8(%arg0: i32) -> (i32, i32) {
    %c0_i32 = arith.constant 0 : i32
    %c0_i32_0 = arith.constant 0 : i32
    %c0_i32_1 = arith.constant 0 : i32
    return %c0_i32, %c0_i32_0 : i32, i32
  }
  func.func @transform_9(%arg0: i32) -> (i32, i32) {
    %c0_i32 = arith.constant 0 : i32
    %c0_i32_0 = arith.constant 0 : i32
    %c0_i32_1 = arith.constant 0 : i32
    return %c0_i32, %c0_i32_0 : i32, i32
  }
  func.func @transform_10(%arg0: i32) -> (i32, i32) {
    %c0_i32 = arith.constant 0 : i32
    %c0_i32_0 = arith.constant 0 : i32
    %c0_i32_1 = arith.constant 0 : i32
    return %c0_i32, %c0_i32_0 : i32, i32
  }
  func.func @transform_11(%arg0: i32) -> (i32, i32) {
    %c0_i32 = arith.constant 0 : i32
    %c0_i32_0 = arith.constant 0 : i32
    return %arg0, %c0_i32 : i32, i32
  }
  func.func @transform_12(%arg0: i32) -> (i32, i32) {
    %c0_i32 = arith.constant 0 : i32
    %c0_i32_0 = arith.constant 0 : i32
    return %arg0, %c0_i32 : i32, i32
  }
  func.func @transform_13(%arg0: i32) -> (i32, i32) {
    %c0_i32 = arith.constant 0 : i32
    %c0_i32_0 = arith.constant 0 : i32
    return %arg0, %c0_i32 : i32, i32
  }
  func.func @transform_14(%arg0: i32) -> (i32, i32) {
    %c0_i32 = arith.constant 0 : i32
    %c0_i32_0 = arith.constant 0 : i32
    return %arg0, %c0_i32 : i32, i32
  }
}

module attributes {stable_mosaic.version = 14 : i64} {
  func.func @_comb_body(%arg0: i32, %arg1: memref<2x1000x128xf32, #tpu.memory_space<vmem>>, %arg2: memref<2x1000x32xf32, #tpu.memory_space<vmem>>, %arg3: memref<1000x128xf32, #tpu.memory_space<vmem>>, %arg4: memref<16x128xf32, #tpu.memory_space<vmem>>, %arg5: memref<128x2xf32, #tpu.memory_space<vmem>>, %arg6: memref<128x128xf32, #tpu.memory_space<vmem>>, %arg7: memref<1000x128xf32, #tpu.memory_space<vmem>>) attributes {dimension_semantics = [#tpu.dimension_semantics<arbitrary>], iteration_bounds = array<i64: 10>, scalar_prefetch = 0 : i64, scratch_operands = 0 : i64, tpu.core_type = #tpu.core_type<tc>, window_params = [{transform_indices = @transform_0, window_bounds = array<i64: 2, 1000, 128>}, {transform_indices = @transform_1, window_bounds = array<i64: 2, 1000, 32>}, {transform_indices = @transform_2, window_bounds = array<i64: 1000, 128>}, {pipeline_mode = #tpu.pipeline_mode<synchronous>, transform_indices = @transform_3, window_bounds = array<i64: 16, 128>}, {pipeline_mode = #tpu.pipeline_mode<synchronous>, transform_indices = @transform_4, window_bounds = array<i64: 128, 2>}, {pipeline_mode = #tpu.pipeline_mode<synchronous>, transform_indices = @transform_5, window_bounds = array<i64: 128, 128>}, {transform_indices = @transform_6, window_bounds = array<i64: 1000, 128>}]} {
    %get3A = arith.constant 0 : index
    %get3A_0 = arith.constant 0 : index
    %get3A_1 = arith.constant 0 : index
    %get3A_2 = vector.load %arg1[%get3A, %get3A_0, %get3A_1] : memref<2x1000x128xf32, #tpu.memory_space<vmem>>, vector<1x1000x128xf32>
    %get3A_3 = vector.shape_cast %get3A_2 : vector<1x1000x128xf32> to vector<1000x128xf32>
    %get3A_4 = arith.constant 1 : index
    %get3A_5 = arith.constant 0 : index
    %get3A_6 = arith.constant 0 : index
    %get3A_7 = vector.load %arg1[%get3A_4, %get3A_5, %get3A_6] : memref<2x1000x128xf32, #tpu.memory_space<vmem>>, vector<1x1000x128xf32>
    %get3A_8 = vector.shape_cast %get3A_7 : vector<1x1000x128xf32> to vector<1000x128xf32>
    %add3A = arith.addf %get3A_3, %get3A_8 : vector<1000x128xf32>
    %get3A_9 = arith.constant 0 : index
    %get3A_10 = arith.constant 0 : index
    %get3A_11 = arith.constant 0 : index
    %get3A_12 = vector.load %arg2[%get3A_9, %get3A_10, %get3A_11] : memref<2x1000x32xf32, #tpu.memory_space<vmem>>, vector<1x1000x32xf32>
    %get3A_13 = vector.shape_cast %get3A_12 : vector<1x1000x32xf32> to vector<1000x32xf32>
    %get3A_14 = arith.constant 1 : index
    %get3A_15 = arith.constant 0 : index
    %get3A_16 = arith.constant 0 : index
    %get3A_17 = vector.load %arg2[%get3A_14, %get3A_15, %get3A_16] : memref<2x1000x32xf32, #tpu.memory_space<vmem>>, vector<1x1000x32xf32>
    %get3A_18 = vector.shape_cast %get3A_17 : vector<1x1000x32xf32> to vector<1000x32xf32>
    %add3A_19 = arith.addf %get3A_13, %get3A_18 : vector<1000x32xf32>
    %slice3A = vector.extract_strided_slice %add3A_19 {offsets = [0, 0], sizes = [1000, 16], strides = [1, 1]} : vector<1000x32xf32> to vector<1000x16xf32>
    %slice3A_20 = vector.extract_strided_slice %add3A_19 {offsets = [0, 16], sizes = [1000, 1], strides = [1, 1]} : vector<1000x32xf32> to vector<1000x1xf32>
    %get3A_21 = arith.constant 0 : index
    %get3A_22 = arith.constant 0 : index
    %get3A_23 = vector.load %arg4[%get3A_21, %get3A_22] : memref<16x128xf32, #tpu.memory_space<vmem>>, vector<16x128xf32>
    %dot_general3A = arith.constant dense<0.000000e+00> : vector<1000x128xf32>
    %dot_general3A_24 = tpu.matmul %slice3A, %get3A_23, %dot_general3A {dimension_numbers = #tpu.dot_dimension_numbers<[1], [0], [0], [1], [0, 0, 1, 1], [], []>, transpose_lhs_hint = false} : vector<1000x16xf32>, vector<16x128xf32>, vector<1000x128xf32> -> vector<1000x128xf32>
    %add3A_25 = arith.addf %add3A, %dot_general3A_24 : vector<1000x128xf32>
    %add3A_26 = arith.constant 1.000000e-16 : f32
    %add3A_27 = vector.broadcast %add3A_26 : f32 to vector<1000x1xf32>
    %add3A_28 = arith.addf %slice3A_20, %add3A_27 : vector<1000x1xf32>
    %div3A = vector.broadcast %add3A_28 : vector<1000x1xf32> to vector<1000x128xf32>
    %div3A_29 = arith.divf %add3A_25, %div3A : vector<1000x128xf32>
    %get3A_30 = arith.constant 0 : index
    %get3A_31 = arith.constant 0 : index
    %get3A_32 = vector.load %arg3[%get3A_30, %get3A_31] : memref<1000x128xf32, #tpu.memory_space<vmem>>, vector<1000x128xf32>
    %get3A_33 = arith.constant 0 : index
    %get3A_34 = arith.constant 0 : index
    %get3A_35 = vector.load %arg5[%get3A_33, %get3A_34] : memref<128x2xf32, #tpu.memory_space<vmem>>, vector<128x1xf32>
    %dot_general3A_36 = arith.constant dense<0.000000e+00> : vector<1000x1xf32>
    %dot_general3A_37 = tpu.matmul %div3A_29, %get3A_35, %dot_general3A_36 {dimension_numbers = #tpu.dot_dimension_numbers<[1], [0], [0], [1], [0, 0, 1, 1], [], []>, transpose_lhs_hint = false} : vector<1000x128xf32>, vector<128x1xf32>, vector<1000x1xf32> -> vector<1000x1xf32>
    %get3A_38 = arith.constant 0 : index
    %get3A_39 = arith.constant 1 : index
    %get3A_40 = vector.load %arg5[%get3A_38, %get3A_39] : memref<128x2xf32, #tpu.memory_space<vmem>>, vector<128x1xf32>
    %dot_general3A_41 = arith.constant dense<0.000000e+00> : vector<1000x1xf32>
    %dot_general3A_42 = tpu.matmul %get3A_32, %get3A_40, %dot_general3A_41 {dimension_numbers = #tpu.dot_dimension_numbers<[1], [0], [0], [1], [0, 0, 1, 1], [], []>, transpose_lhs_hint = false} : vector<1000x128xf32>, vector<128x1xf32>, vector<1000x1xf32> -> vector<1000x1xf32>
    %add3A_43 = arith.addf %dot_general3A_37, %dot_general3A_42 : vector<1000x1xf32>
    %neg3A = arith.constant 0.000000e+00 : f32
    %neg3A_44 = vector.broadcast %neg3A : f32 to vector<1000x1xf32>
    %neg3A_45 = arith.subf %neg3A_44, %add3A_43 : vector<1000x1xf32>
    %exp3A = math.exp %neg3A_45 : vector<1000x1xf32>
    %add3A_46 = arith.constant 1.000000e+00 : f32
    %add3A_47 = vector.broadcast %add3A_46 : f32 to vector<1000x1xf32>
    %add3A_48 = arith.addf %add3A_47, %exp3A : vector<1000x1xf32>
    %div3A_49 = arith.constant 1.000000e+00 : f32
    %div3A_50 = vector.broadcast %div3A_49 : f32 to vector<1000x1xf32>
    %div3A_51 = arith.divf %div3A_50, %add3A_48 : vector<1000x1xf32>
    %mul3A = vector.broadcast %div3A_51 : vector<1000x1xf32> to vector<1000x128xf32>
    %mul3A_52 = arith.mulf %mul3A, %get3A_32 : vector<1000x128xf32>
    %sub3A = arith.constant 1.000000e+00 : f32
    %sub3A_53 = vector.broadcast %sub3A : f32 to vector<1000x1xf32>
    %sub3A_54 = arith.subf %sub3A_53, %div3A_51 : vector<1000x1xf32>
    %mul3A_55 = vector.broadcast %sub3A_54 : vector<1000x1xf32> to vector<1000x128xf32>
    %mul3A_56 = arith.mulf %mul3A_55, %div3A_29 : vector<1000x128xf32>
    %add3A_57 = arith.addf %mul3A_52, %mul3A_56 : vector<1000x128xf32>
    %get3A_58 = arith.constant 0 : index
    %get3A_59 = arith.constant 0 : index
    %get3A_60 = vector.load %arg6[%get3A_58, %get3A_59] : memref<128x128xf32, #tpu.memory_space<vmem>>, vector<128x128xf32>
    %dot_general3A_61 = arith.constant dense<0.000000e+00> : vector<1000x128xf32>
    %dot_general3A_62 = tpu.matmul %add3A_57, %get3A_60, %dot_general3A_61 {dimension_numbers = #tpu.dot_dimension_numbers<[1], [0], [0], [1], [0, 0, 1, 1], [], []>, transpose_lhs_hint = false} : vector<1000x128xf32>, vector<128x128xf32>, vector<1000x128xf32> -> vector<1000x128xf32>
    %swap3A = arith.constant 0 : index
    %swap3A_63 = arith.constant 0 : index
    %swap3A_64 = vector.load %arg7[%swap3A, %swap3A_63] : memref<1000x128xf32, #tpu.memory_space<vmem>>, vector<1000x128xf32>
    tpu.vector_store %arg7[%swap3A, %swap3A_63], %dot_general3A_62 {strides = array<i32>} : memref<1000x128xf32, #tpu.memory_space<vmem>>, vector<1000x128xf32>,
    return
  }
  func.func @transform_0(%arg0: i32) -> (i32, i32, i32) {
    %c0_i32 = arith.constant 0 : i32
    %c0_i32_0 = arith.constant 0 : i32
    %c0_i32_1 = arith.constant 0 : i32
    return %c0_i32, %arg0, %c0_i32_0 : i32, i32, i32
  }
  func.func @transform_1(%arg0: i32) -> (i32, i32, i32) {
    %c0_i32 = arith.constant 0 : i32
    %c0_i32_0 = arith.constant 0 : i32
    %c0_i32_1 = arith.constant 0 : i32
    return %c0_i32, %arg0, %c0_i32_0 : i32, i32, i32
  }
  func.func @transform_2(%arg0: i32) -> (i32, i32) {
    %c0_i32 = arith.constant 0 : i32
    %c0_i32_0 = arith.constant 0 : i32
    return %arg0, %c0_i32 : i32, i32
  }
  func.func @transform_3(%arg0: i32) -> (i32, i32) {
    %c0_i32 = arith.constant 0 : i32
    %c0_i32_0 = arith.constant 0 : i32
    %c0_i32_1 = arith.constant 0 : i32
    return %c0_i32, %c0_i32_0 : i32, i32
  }
  func.func @transform_4(%arg0: i32) -> (i32, i32) {
    %c0_i32 = arith.constant 0 : i32
    %c0_i32_0 = arith.constant 0 : i32
    %c0_i32_1 = arith.constant 0 : i32
    return %c0_i32, %c0_i32_0 : i32, i32
  }
  func.func @transform_5(%arg0: i32) -> (i32, i32) {
    %c0_i32 = arith.constant 0 : i32
    %c0_i32_0 = arith.constant 0 : i32
    %c0_i32_1 = arith.constant 0 : i32
    return %c0_i32, %c0_i32_0 : i32, i32
  }
  func.func @transform_6(%arg0: i32) -> (i32, i32) {
    %c0_i32 = arith.constant 0 : i32
    %c0_i32_0 = arith.constant 0 : i32
    return %arg0, %c0_i32 : i32, i32
  }
}

</mosaic_0001>

<sc_bundles>
// kernel: kernel.6.cloned.1.call-start
scs
__scs_entry_jumppad:
0x0: {  	(pc) =	sbr.rel $0x88, $3  }
0x1: {  	(tag) =	ssettag $0x0;
	lr =	simm.s32 $0x1  }
0x2: {  	[smem:$0x3F91] =	sst lr;
	_ =	strace $0xD0000000  }
0x3: {  	_ = 	snop  }
0x4: {  	_ = 	snop  }
0x5: {  	_ = 	snop  }
0x6: {  	_ = 	snop  }
0x7: {  	_ = 	snop  }
__scs_overlays_trampoline_lowered:
0x8: {  	[smem:$0x3FA0] =	sst s0  }
0x9: {  	[smem:$0x3FA1] =	sst s1  }
0xa: {  	[smem:$0x3FA2] =	sst s2  }
0xb: {  	[smem:$0x3FA3] =	sst s3  }
0xc: {  	[smem:$0x3FA4] =	sst s4  }
0xd: {  	[smem:$0x3FA5] =	sst s5  }
0xe: {  	[smem:$0x3FA6] =	sst s6  }
0xf: {  	[smem:$0x3FA7] =	sst s7  }
0x10: {  	[smem:$0x3FA8] =	sst s8  }
0x11: {  	[smem:$0x3FA9] =	sst s9;
	s0 =	simm.s32 @!p0 $0x0  }
0x12: {  	s1 =	sld [smem:$0x3F8F];
	s0 =	simm.s32 @p0 $0x1  }
0x13: {  	[smem:$0x3FAA] =	sst s0;
	s0 =	simm.s32 @!p1 $0x0  }
0x14: {  	s2 =	sld [smem:$0x3F8E];
	s0 =	simm.s32 @p1 $0x1  }
0x15: {  	[smem:$0x3FAB] =	sst s0;
	s0 =	simm.s32 @!p2 $0x0  }
0x16: {  	s3 =	sld [smem:$0x3FDB];
	s0 =	simm.s32 @p2 $0x1  }
0x17: {  	s4 =	simm.s32 $0x1BF5;
	[smem:$0x3FAD] =	sst s0  }
0x18: {  	s0 =	sld [smem:$0x3F90];
	_ =	swait.ge [sflag:s4], $0x0  }
0x19: {  	s7 =	sld [smem:$0x3F91]  }
0x1a: {  	s8 =	sadd.s32 $0xFFFFE003, lr  }
0x1b: {  	s9 =	sadd.s32 $0xFFFFFEF7, lr;
	s5 =	simm.s32 $0xFFFFFFFF;
	p2 =	slt.u32 s8, $0xFFFFF086  }
0x1c: {  	p1 =	slt.u32 s9, $0xF7A;
	s5 =	simm.s32 @!p2 $0x0  }
0x1d: {  	s5 =	simm.s32 @p1 $0x1;
	p0 =	seq.s32 s7, s2  }
0x1e: {  	s7 =	smul.u32 @!p0 $0xF7A, s2;
	p2 =	seq.s32 @!p0 s5, $0x0  }
0x1f: {  	s9 =	smul.u32 $0xF7A, s1;
	s8 =	simm.s32 @!p0 $0x1BF5;
	p2 =	por !p2, p0  }
0x20: {  	[sflag:s8] =	ssyncset.s32 @!p0 $0xFFFFF086;
	s6 =	sadd.s32 @!p0 s3, s7;
	s7 =	simm.s32 @!p0 $0x108  }
0x21: {  	s3 =	sadd.s32 s3, s9;
	s6 =	sadd.s32 @!p0 $0x88, s6;
	s7 =	simm.s32 @p2 $0x1082  }
0x22: {  	[simem:s7], [sflag:s8] =	dma.local @!p0 [hbm:s6], $0xF7A  }
0x23: {  	s9 =	sor.u32 $0xD0000000, s2;
	s6 =	simm.s32 $0x108;
	_ =	swait.ge @!p0 [sflag:s8], $0x0  }
0x24: {  	s3 =	sadd.s32 $0x88, s3;
	s6 =	simm.s32 @!p1 $0x1082;
	[sflag:s4] =	ssyncset.s32 $0xFFFFF086  }
0x25: {  	[simem:s6], [sflag:s4] =	dma.local [hbm:s3], $0xF7A  }
0x26: {  	[smem:$0x3F91] =	sst s1;
	(tag) =	ssettag s2;
	_ =	strace s9  }
0x27: {  	s1 =	sld [smem:$0x3FA1]  }
0x28: {  	s2 =	sld [smem:$0x3FA2]  }
0x29: {  	s4 =	sld [smem:$0x3FA4]  }
0x2a: {  	p0 =	seq.s32 s5, $0x0;
	s5 =	sld [smem:$0x3FA5]  }
0x2b: {  	s6 =	sld [smem:$0x3FA6]  }
0x2c: {  	s7 =	sld [smem:$0x3FA7]  }
0x2d: {  	s3 =	simm.s32 $0x108;
	s8 =	sld [smem:$0x3FA8]  }
0x2e: {  	s3 =	simm.s32 @!p0 $0x1082;
	s9 =	sld [smem:$0x3FA9]  }
0x2f: {  	lr =	sadd.s32 s0, s3;
	s0 =	sld [smem:$0x3FA0]  }
0x30: {  	s3 =	sld [smem:$0x3FA3]  }
0x31: {  	[smem:$0x3FAC] =	sst s10  }
0x32: {  	s10 =	sld [smem:$0x3FAA];
	_ =	sdelay $0x3  }
0x33: {  	p0 =	seq.s32 s10, $0x1;
	s10 =	sld [smem:$0x3FAC];
	_ =	sdelay $0x3  }
0x34: {  	[smem:$0x3FAC] =	sst s10  }
0x35: {  	s10 =	sld [smem:$0x3FAB];
	_ =	sdelay $0x3  }
0x36: {  	p1 =	seq.s32 s10, $0x1;
	s10 =	sld [smem:$0x3FAC];
	_ =	sdelay $0x3  }
0x37: {  	[smem:$0x3FAC] =	sst s10  }
0x38: {  	s10 =	sld [smem:$0x3FAD]  }
0x39: {  	_ = 	snop;
	(pc) =	sbr.ind lr, $3  }
0x3a: {  	_ = 	snop  }
0x3b: {  	_ = 	snop  }
0x3c: {  	p2 =	seq.s32 s10, $0x1;
	s10 =	sld [smem:$0x3FAC]  }
0x3d: {  	_ =	shalt  }
0x3e: {  	_ =	shalt  }
0x3f: {  	_ =	shalt  }
0x40: {  	_ =	shalt  }
0x41: {  	_ =	shalt  }
0x42: {  	_ =	shalt  }
0x43: {  	_ =	shalt  }
0x44: {  	_ =	shalt  }
0x45: {  	_ =	shalt  }
0x46: {  	_ =	shalt  }
0x47: {  	_ =	shalt  }
0x48: {  	_ =	shalt  }
0x49: {  	_ =	shalt  }
0x4a: {  	_ =	shalt  }
0x4b: {  	_ =	shalt  }
0x4c: {  	_ =	shalt  }
0x4d: {  	_ =	shalt  }
0x4e: {  	_ =	shalt  }
0x4f: {  	_ =	shalt  }
0x50: {  	_ =	shalt  }
0x51: {  	_ =	shalt  }
0x52: {  	_ =	shalt  }
0x53: {  	_ =	shalt  }
0x54: {  	_ =	shalt  }
0x55: {  	_ =	shalt  }
0x56: {  	_ =	shalt  }
0x57: {  	_ =	shalt  }
0x58: {  	_ =	shalt  }
0x59: {  	_ =	shalt  }
0x5a: {  	_ =	shalt  }
0x5b: {  	_ =	shalt  }
0x5c: {  	_ =	shalt  }
0x5d: {  	_ =	shalt  }
0x5e: {  	_ =	shalt  }
0x5f: {  	_ =	shalt  }
0x60: {  	_ =	shalt  }
0x61: {  	_ =	shalt  }
0x62: {  	_ =	shalt  }
0x63: {  	_ =	shalt  }
0x64: {  	_ =	shalt  }
0x65: {  	_ =	shalt  }
0x66: {  	_ =	shalt  }
0x67: {  	_ =	shalt  }
0x68: {  	_ =	shalt  }
0x69: {  	_ =	shalt  }
0x6a: {  	_ =	shalt  }
0x6b: {  	_ =	shalt  }
0x6c: {  	_ =	shalt  }
0x6d: {  	_ =	shalt  }
0x6e: {  	_ =	shalt  }
0x6f: {  	_ =	shalt  }
0x70: {  	_ =	shalt  }
0x71: {  	_ =	shalt  }
0x72: {  	_ =	shalt  }
0x73: {  	_ =	shalt  }
0x74: {  	_ =	shalt  }
0x75: {  	_ =	shalt  }
0x76: {  	_ =	shalt  }
0x77: {  	_ =	shalt  }
0x78: {  	_ =	shalt  }
0x79: {  	_ =	shalt  }
0x7a: {  	_ =	shalt  }
0x7b: {  	_ =	shalt  }
0x7c: {  	_ =	shalt  }
0x7d: {  	_ =	shalt  }
0x7e: {  	_ =	shalt  }
0x7f: {  	_ =	shalt  }
0x80: {  	_ =	shalt  }
0x81: {  	_ =	shalt  }
0x82: {  	_ =	shalt  }
0x83: {  	_ =	shalt  }
0x84: {  	_ =	shalt  }
0x85: {  	_ =	shalt  }
0x86: {  	_ =	shalt  }
0x87: {  	_ =	shalt  }
.Lfunc_end0:
.L_simem_size_0:
called_computation_lowered:
.L_overlay_start_0:
0x88: {  	s2 =	sld [smem:$0x3FD9]  }
0x89: {  	s3 =	sld [smem:$0x3FFE];
	_ =	sdelay $0x1  }
0x8a: {  	s1 =	srdreg.scid  }
0x8b: {  	s0 =	sand.u32 $0x1, s1  }
0x8c: {  	s16 =	sshll.u32 s0, $0xA;
	s2 =	sadd.s32 s3, s2  }
0x8d: {  	s2 =	sadd.s32 s2, s16  }
0x8e: {  	[smem:$0x3FB8] =	sst s2  }
0x8f: {  	_ = 	snop  }
0x90: {  	(tm) =	ssettm $0x1  }
0x91: {  	s17 =	sld [smem:$0x3FFB];
	_ =	sdelay $0x3  }
0x92: {  	_ =	strace s17  }
0x93: {  	s2 =	sld [smem:$0x3FFC];
	_ =	sdelay $0x3  }
0x94: {  	_ =	strace s2  }
0x95: {  	s2 =	sld [smem:$0x3FFD];
	_ =	sdelay $0x3  }
0x96: {  	_ =	strace s2  }
0x97: {  	_ =	strace $0x8FFFFFFF  }
0x98: {  	s18 =	sld [smem:$0x3FDB];
	_ =	sdelay $0x1  }
0x99: {  	s19 =	simm.s32 $_scs_section_size  }
0x9a: {  	s4 =	simm.s32 $_size__tile_overlayer_lowered;
	s5 =	simm.s32 $_tile_overlayer_lowered  }
0x9b: {  	s22 =	simm.s32 $0x1BFF;
	s21 =	sshll.u32 s5, $0x1;
	s2 =	sadd.s32 s19, s18  }
0x9c: {  	s6 =	simm.s32 $0x0;
	s20 =	sshll.u32 s4, $0x1;
	s4 =	sadd.s32 s21, s2  }
0x9d: {  	[timem:s6], [sflag:s22] =	dma.local [hbm:s4], s20  }
0x9e: {  	_ =	swait.ge [sflag:s22], s20  }
0x9f: {  	s3 =	ssub.s32 $0x0, s20;
	[sflag:s22] =	ssyncset.done $0x0  }
0xa0: {  	[sflag:s22] =	ssyncadd.s32 s3;
	_ =	sdelay $0x1  }
0xa1: {  	s23 =	simm.s32 $0x1B8B  }
0xa2: {  	_ =	swait.ge [sflag:s23], $0x1  }
0xa3: {  	[sflag:s23] =	ssyncset.done $0x0  }
0xa4: {  	s25 =	simm.s32 $0x1B8E;
	s24 =	sld [smem:$0x3FFE];
	[sflag:s23] =	ssyncadd.s32 $0xFFFFFFFF  }
0xa5: {  	s26 =	simm.s32 $execute0_lowered;
	[smem:$0x3FD2] =	sst s25  }
0xa6: {  	s4 =	sshll.u32 s26, $0x1;
	_ =	strace $0x80000046;
	[dreg:$0x1] =	wrdreg $0xFFFFFFFF  }
0xa7: {  	s28 =	simm.s32 $_size_execute0_lowered;
	s2 =	sadd.s32 s2, s4;
	[dreg:$0x0] =	wrdreg $0x0  }
0xa8: {  	s4 =	sshll.u32 s28, $0x1;
	[dreg:$0x2] =	wrdreg s2  }
0xa9: {  	[dreg:$0x3] =	wrdreg s4  }
0xaa: {  	[dreg:$0x4] =	wrdreg $0xC0  }
0xab: {  	_ =	task [dreg:s6], $0x5FFFF  }
0xac: {  	[dreg:$0x1] =	wrdreg $0xFFFFFFFF  }
0xad: {  	[dreg:$0x0] =	wrdreg $0x60  }
0xae: {  	[dreg:$0x2] =	wrdreg s24  }
0xaf: {  	[dreg:$0x3] =	wrdreg $0x0  }
0xb0: {  	[dreg:$0x4] =	wrdreg $0x9  }
0xb1: {  	_ =	task.clear_ibuf [dreg:s6], $0x5FFFF;
	_ =	strace $0x90000046  }
0xb2: {  	s29 =	simm.s32 $0x9;
	_ =	strace $0x80000048  }
0xb3: {  	_ =	swait.ge [sflag:s29], $0x1  }
0xb4: {  	[sflag:s29] =	ssyncadd.s32 $0xFFFFFFFF  }
0xb5: {  	_ =	strace $0x90000048  }
0xb6: {  	_ =	sfence  }
0xb7: {  	s30 =	sld [smem:$0x0];
	_ =	sdelay $0x2  }
0xb8: {  	s31 =	sshll.u32 s1, $0xD;
	s1 =	sshrl.u32 s1, $0x2  }
0xb9: {  	s3 =	sand.u32 $0x4000, s31;
	s1 =	sadd.s32 s1, s30  }
0xba: {  	s0 =	sor.u32 s3, s0;
	s1 =	sshll.u32 s1, $0x11  }
0xbb: {  	s0 =	sor.u32 s1, s0  }
0xbc: {  	s0 =	sadd.s32 $0x8F2B, s0  }
0xbd: {  	[sflag:s0] =	ssyncadd.remote.s32 $0x1  }
0xbe: {  	_ =	sfence.sel $0xFFFF  }
0xbf: {  	[dreg:$0x0] =	wrdreg $0xFFFFFFFF;
	(pc) =	sbr.abs _section_cstart, $3  }
0xc0: {  	[dreg:$0x1] =	wrdreg $0xFFFFFFFF  }
0xc1: {  	_ =	task.clear_ibuf [dreg:s6], $0x2FFFF;
	_ =	strace $0x9FFFFFFF  }
0xc2: {  	(tm) =	ssettm $0x7FFFFFFF  }
0xc3: {  	_ =	shalt  }
tec
execute0_lowered:
.L_overlay_start_1:
0x0: {  	(tag) =	ssettag $0x1  }
0x1: {  	s1 =	srdreg.scid;
	s2 =	rddreg [dreg:$0x0]  }
0x2: {  	s0 =	simm.s32 $0x0;
	s23 =	stileid.u32;
	s30 =	simm.s32 $0x5  }
0x3: {  	s31 =	simm.s32 $0x40;
	s10 =	sand.u32 $0x1, s1;
	[smem:$0x7FF] =	sst s0  }
0x4: {  	s11 =	sadd.s32 $0x10B600, s2;
	s12 =	sor.u32 $0x10, s23;
	s14 =	sor.u32 $0x20, s23  }
0x5: {  	s15 =	sor.u32 $0x30, s23;
	s16 =	sor.u32 $0x40, s23;
	s17 =	sor.u32 $0x50, s23  }
0x6: {  	s18 =	sor.u32 $0x60, s23;
	s19 =	sor.u32 $0x70, s23;
	s13 =	smul.u32 $0x4E200, s10  }
0x7: {  	s28 =	sadd.s32 $0x101600, s2;
	s1 =	ssub.s32 $0x2, s10;
	s4 =	smul.u32 $0xA00, s12  }
0x8: {  	p0 =	sgt.u32 s23, $0xC;
	s5 =	smul.u32 $0xA00, s14;
	s3 =	sshrl.u32 s1, $0x1  }
0x9: {  	s1 =	ssub.s32 s1, s3;
	s3 =	smul.u32 $0xA00, s23;
	s8 =	sadd.s32 s13, s4  }
0xa: {  	s22 =	sadd.s32 s13, s5;
	s9 =	sshrl.u32 s8, $0x3;
	s8 =	smul.u32 $0xA00, s17  }
0xb: {  	s21 =	sshrl.u32 s22, $0x3;
	s22 =	smul.u32 $0xA00, s19;
	s9 =	sadd.s32 s11, s9  }
0xc: {  	s6 =	sadd.s32 s3, s13;
	s24 =	sadd.s32 s11, s21;
	[dreg:$0x4] =	wrdreg s9  }
0xd: {  	s7 =	sshrl.u32 s6, $0x3;
	s6 =	smul.u32 $0xA00, s15;
	[dreg:$0x5] =	wrdreg s24  }
0xe: {  	s29 =	sadd.s32 s13, s8;
	s9 =	smul.u32 $0xA00, s18;
	s7 =	sadd.s32 s11, s7  }
0xf: {  	s21 =	sshrl.u32 s29, $0x3;
	s29 =	sshll.u32 s10, $0x4;
	s10 =	smul.u32 $0x2800, s14  }
0x10: {  	[dreg:$0x3] =	wrdreg s7;
	s7 =	smul.u32 $0xA00, s16;
	s21 =	sadd.s32 s11, s21  }
0x11: {  	s20 =	sadd.s32 s13, s6;
	s24 =	sadd.s32 s13, s9;
	[dreg:$0x8] =	wrdreg s21  }
0x12: {  	s20 =	sshrl.u32 s20, $0x3;
	s21 =	rddreg [dreg:$0x1];
	s26 =	sadd.s32 s13, s7  }
0x13: {  	s10 =	sshrl.u32 s10, $0x2;
	s25 =	sadd.s32 s11, s20;
	s20 =	sshrl.u32 s26, $0x3  }
0x14: {  	s13 =	sadd.s32 s13, s22;
	[dreg:$0x6] =	wrdreg s25;
	s20 =	sadd.s32 s11, s20  }
0x15: {  	s13 =	sshrl.u32 s13, $0x3;
	[dreg:$0x7] =	wrdreg s20;
	s20 =	sshrl.u32 s24, $0x3  }
0x16: {  	s26 =	sadd.s32 $0xF7600, s2;
	s25 =	smul.u32 $0x2800, s23;
	s20 =	sadd.s32 s11, s20  }
0x17: {  	s24 =	sadd.s32 $0x57600, s2;
	s11 =	sadd.s32 s11, s13;
	[dreg:$0x9] =	wrdreg s20  }
0x18: {  	s25 =	sshrl.u32 s25, $0x2;
	s13 =	sadd.s32 $0x43C00, s2;
	[dreg:$0xa] =	wrdreg s11  }
0x19: {  	s11 =	smul.u32 $0x2800, s12;
	s12 =	sadd.s32 $0x2B400, s2;
	s2 =	sadd.s32 $0x11F000, s2  }
0x1a: {  	s14 =	sadd.s32 s25, s21;
	_ =	strace $0x80000047;
	[dreg:$0xe] =	wrdreg s2  }
0x1b: {  	s1 =	smax.u32 s1, $0x1;
	s10 =	sadd.s32 s10, s21;
	[dreg:$0xf] =	wrdreg s14  }
0x1c: {  	s15 =	smul.u32 $0x2800, s15;
	s3 =	sadd.s32 s3, s21;
	[dreg:$0x11] =	wrdreg s10  }
0x1d: {  	s4 =	sadd.s32 s4, s21;
	s20 =	smul.u32 $0x2800, s18;
	[dreg:$0xb] =	wrdreg s24  }
0x1e: {  	s2 =	sor.u32 s23, s29;
	s29 =	smul.u32 $0x2800, s16;
	[dreg:$0xc] =	wrdreg s26  }
0x1f: {  	s16 =	smul.u32 $0x2800, s17;
	s17 =	sshrl.u32 s15, $0x2;
	[dreg:$0xd] =	wrdreg s28  }
0x20: {  	s14 =	sadd.s32 s6, s21;
	s15 =	sadd.s32 s7, s21;
	[dreg:$0x1e] =	wrdreg s1  }
0x21: {  	s7 =	simm.s32 $0xB;
	s6 =	simm.s32 $0x0;
	s10 =	sadd.s32 s17, s21  }
0x22: {  	s11 =	sshrl.u32 s11, $0x2;
	s23 =	sshrl.u32 s15, $0x3;
	[dreg:$0x12] =	wrdreg s10  }
0x23: {  	s17 =	sshrl.u32 s20, $0x2;
	s11 =	sadd.s32 s11, s21;
	[smem:$0x7F9] =	sst s23  }
0x24: {  	s25 =	sshrl.u32 s29, $0x2;
	s29 =	smul.u32 $0x2800, s19;
	[dreg:$0x10] =	wrdreg s11  }
0x25: {  	s10 =	sadd.s32 s25, s21;
	s11 =	sshrl.u32 s16, $0x2;
	s16 =	smul.u32 $0x28000, s2  }
0x26: {  	s25 =	smul.u32 $0x2800, s2;
	[dreg:$0x13] =	wrdreg s10;
	s10 =	sadd.s32 s11, s21  }
0x27: {  	s2 =	smul.u32 $0x50, s2;
	s18 =	sshrl.u32 s29, $0x2;
	[dreg:$0x15] =	wrdreg s10  }
0x28: {  	s10 =	sadd.s32 s17, s21;
	[dreg:$0x14] =	wrdreg s16;
	s11 =	sshrl.u32 s16, $0x3  }
0x29: {  	s19 =	sshrl.u32 s25, $0x3;
	[dreg:$0x1d] =	wrdreg s2;
	s17 =	sadd.s32 s9, s21  }
0x2a: {  	s9 =	sadd.s32 s22, s21;
	s22 =	sshrl.u32 s14, $0x3;
	[dreg:$0x16] =	wrdreg s10  }
0x2b: {  	s16 =	sadd.s32 s8, s21;
	s10 =	sadd.s32 s18, s21;
	[smem:$0x7F8] =	sst s22  }
0x2c: {  	s8 =	simm.s32 $0x6120;
	s20 =	sadd.s32 s26, s19;
	[dreg:$0x17] =	wrdreg s10  }
0x2d: {  	s11 =	sadd.s32 s24, s11;
	s24 =	sadd.s32 s28, s19;
	[dreg:$0x19] =	wrdreg s20  }
0x2e: {  	s14 =	simm.s32 $0x4FA0;
	s18 =	sshrl.u32 s3, $0x3;
	[dreg:$0x1a] =	wrdreg s24  }
0x2f: {  	s1 =	sshrl.u32 @!p0 s9, $0x3;
	s3 =	simm.s32 $0x3;
	[dreg:$0x1f] =	wrdreg s18  }
0x30: {  	s22 =	simm.s32 $0x111A0;
	s10 =	sor.u32 $0x10, s19;
	[smem:$0x7FC] =	sst s1  }
0x31: {  	s19 =	sshrl.u32 s4, $0x3;
	s24 =	sshrl.u32 s16, $0x3;
	[dreg:$0x18] =	wrdreg s11  }
0x32: {  	s1 =	simm.s32 $0xB120;
	s18 =	simm.s32 $0x6;
	[smem:$0x7F6] =	sst s19  }
0x33: {  	s4 =	simm.s32 $0x11120;
	s29 =	sadd.s32 s26, s10;
	[smem:$0x7FA] =	sst s24  }
0x34: {  	s10 =	sadd.s32 s28, s10;
	s26 =	sshrl.u32 s17, $0x3;
	[dreg:$0x1b] =	wrdreg s29  }
0x35: {  	s28 =	simm.s32 $0x5120;
	s19 =	simm.s32 $0x8920;
	[dreg:$0x1c] =	wrdreg s10  }
0x36: {  	s10 =	sadd.s32 s5, s21;
	[smem:$0x7FB] =	sst s26;
	s29 =	sadd.s32 $0x100, s11  }
0x37: {  	s11 =	simm.s32 $0x5920;
	s20 =	sshrl.u32 s10, $0x3;
	[smem:$0x7FD] =	sst s29  }
0x38: {  	v0 =	vimm.f32 $0.0e+00;
	v1 =	vlaneseq.u32;
	s10 =	simm.s32 $0x4EA0;
	[smem:$0x7F7] =	sst s20;
	s20 =	simm.s32 $0xD120  }
.LBB2_1:
0x39: {  	[smem:$0x7F5] =	sst s6;
	s2 =	simm.s32 $0x80;
	s5 =	simm.s32 $0x0  }
.LBB2_2:
0x3a: {  	p1 =	sne.s32 s2, $0x3F80;
	[tilespmem:s5+$0xF120] =	vst v0;
	s6 =	smov.u32 s2;
	s2 =	sadd.s32 $0x80, s2  }
.Ltmp0:
0x3b: {  	[tilespmem:s5+$0xF130] =	vst v0;
	(pc) =	sbr.rel @p1 .LBB2_2-.Ltmp0, $2  }
0x3c: {  	_ =	sdelay $0x2  }
0x3d: {  	s5 =	sshra.s32 s6, $0x2  }
0x3e: {  	[tilespmem:s5+$0xF120] =	vst v0  }
0x3f: {  	[tilespmem:s5+$0xF130] =	vst v0;
	s2 =	rddreg [dreg:$0xf];
	s29 =	simm.s32 $0xF120  }
0x40: {  	[spmem:s2] =	stream.linear.scatter [tilespmem:s29], [sflag:$0xB], $0xA00, $0x38;
	[tilespmem:$0x11220] =	vst v63  }
0x41: {  	_ =	swait.ge [sflag:s7], $0xA00  }
0x42: {  	[sflag:s7] =	ssyncset.done $0x0  }
0x43: {  	s6 =	rddreg [dreg:$0x10];
	[sflag:s7] =	ssyncadd.s32 $0xFFFFF600  }
0x44: {  	[spmem:s6] =	stream.linear.scatter [tilespmem:s29], [sflag:$0xB], $0xA00, $0x38;
	[tilespmem:$0x11220] =	vst v63  }
0x45: {  	_ =	swait.ge [sflag:s7], $0xA00  }
0x46: {  	[sflag:s7] =	ssyncset.done $0x0  }
0x47: {  	s9 =	rddreg [dreg:$0x11];
	[sflag:s7] =	ssyncadd.s32 $0xFFFFF600  }
0x48: {  	[spmem:s9] =	stream.linear.scatter [tilespmem:s29], [sflag:$0xB], $0xA00, $0x38;
	[tilespmem:$0x11220] =	vst v63  }
0x49: {  	_ =	swait.ge [sflag:s7], $0xA00  }
0x4a: {  	[sflag:s7] =	ssyncset.done $0x0  }
0x4b: {  	s15 =	rddreg [dreg:$0x12];
	[sflag:s7] =	ssyncadd.s32 $0xFFFFF600  }
0x4c: {  	[spmem:s15] =	stream.linear.scatter [tilespmem:s29], [sflag:$0xB], $0xA00, $0x38;
	[tilespmem:$0x11220] =	vst v63  }
0x4d: {  	_ =	swait.ge [sflag:s7], $0xA00  }
0x4e: {  	[sflag:s7] =	ssyncset.done $0x0  }
0x4f: {  	s16 =	rddreg [dreg:$0x13];
	[sflag:s7] =	ssyncadd.s32 $0xFFFFF600  }
0x50: {  	[spmem:s16] =	stream.linear.scatter [tilespmem:s29], [sflag:$0xB], $0xA00, $0x38;
	[tilespmem:$0x11220] =	vst v63  }
0x51: {  	_ =	swait.ge [sflag:s7], $0xA00  }
0x52: {  	[sflag:s7] =	ssyncset.done $0x0  }
0x53: {  	s17 =	rddreg [dreg:$0x15];
	[sflag:s7] =	ssyncadd.s32 $0xFFFFF600  }
0x54: {  	[spmem:s17] =	stream.linear.scatter [tilespmem:s29], [sflag:$0xB], $0xA00, $0x38;
	[tilespmem:$0x11220] =	vst v63  }
0x55: {  	_ =	swait.ge [sflag:s7], $0xA00  }
0x56: {  	[sflag:s7] =	ssyncset.done $0x0  }
0x57: {  	s23 =	rddreg [dreg:$0x16];
	[sflag:s7] =	ssyncadd.s32 $0xFFFFF600  }
0x58: {  	[spmem:s23] =	stream.linear.scatter [tilespmem:s29], [sflag:$0xB], $0xA00, $0x38;
	[tilespmem:$0x11220] =	vst v63  }
0x59: {  	_ =	swait.ge [sflag:s7], $0xA00  }
0x5a: {  	[sflag:s7] =	ssyncset.done $0x0  }
0x5b: {  	s2 =	simm.s32 @!p0 $0xF120;
	s5 =	rddreg [dreg:$0x17];
	[sflag:s7] =	ssyncadd.s32 $0xFFFFF600  }
0x5c: {  	[spmem:s5] =	stream.linear.scatter @!p0 [tilespmem:s2], [sflag:$0xB], $0xA00, $0x38;
	[tilespmem:$0x11220] =	vst v63  }
0x5d: {  	s2 =	simm.s32 @!p0 $0xB  }
0x5e: {  	_ =	swait.ge @!p0 [sflag:s2], $0xA00  }
0x5f: {  	[sflag:s2] =	ssyncset.done @!p0 $0x0  }
0x60: {  	[sflag:s2] =	ssyncadd.s32 @!p0 $0xFFFFF600  }
0x61: {  	[bflag:$0x0] =	sbarrier.arrive $0xFFFF  }
0x62: {  	s26 =	simm.s32 $0x4E20;
	s9 =	simm.s32 $0x0;
	s24 =	rddreg [dreg:$0x19]  }
0x63: {  	[tilespmem:s26], [sflag:$0x5] =	stream.linear.gather [hbm4b:s24+s9], $0x80, $0x38;
	[tilespmem:$0x11220] =	vst v63  }
0x64: {  	s6 =	simm.s32 $0x4F20;
	s29 =	rddreg [dreg:$0x1a]  }
0x65: {  	[tilespmem:s6], [sflag:$0x5] =	stream.linear.gather [hbm4b:s29+s9], $0x80, $0x38;
	[tilespmem:$0x11220] =	vst v63  }
0x66: {  	s7 =	rddreg [dreg:$0x18]  }
0x67: {  	[tilespmem:s28], [sflag:$0x5] =	stream.linear.gather [hbm4b:s7+s9], $0x800, $0x38;
	[tilespmem:$0x11220] =	vst v63  }
0x68: {  	_ =	swait.ge [sflag:s30], $0x80  }
0x69: {  	[sflag:s30] =	ssyncset.done $0x0  }
0x6a: {  	[sflag:s30] =	ssyncadd.s32 $0xFFFFFF80  }
0x6b: {  	_ =	swait.ge [sflag:s30], $0x80  }
0x6c: {  	[sflag:s30] =	ssyncset.done $0x0  }
0x6d: {  	[sflag:s30] =	ssyncadd.s32 $0xFFFFFF80  }
0x6e: {  	_ =	swait.ge [sflag:s30], $0x800  }
0x6f: {  	[sflag:s30] =	ssyncset.done $0x0  }
0x70: {  	[sflag:s30] =	ssyncadd.s32 $0xFFFFF800  }
0x71: {  	[tilespmem:s8], [sflag:$0x1] =	stream.indirect.gather [hbm4b:s12+s31], $0x50, s6, s31, $0xb8;
	[tilespmem:$0x11220] =	vst v63  }
0x72: {  	_ = 	snop  }
0x73: {  	[tilespmem:s1], [sflag:$0x1] =	stream.indirect.gather [hbm4b:s13+s31], $0x40, s26, s31, $0xb8;
	[tilespmem:$0x11220] =	vst v63  }
0x74: {  	s15 =	simm.s32 $0x4F60;
	s16 =	simm.s32 $0x7520  }
0x75: {  	[tilespmem:s16], [sflag:$0x3] =	stream.indirect.gather [hbm4b:s12+s31], $0x50, s15, s31, $0xb8;
	[tilespmem:$0x11220] =	vst v63  }
0x76: {  	s17 =	simm.s32 $0x4E60;
	s23 =	simm.s32 $0xC120;
	s24 =	rddreg [dreg:$0x1b]  }
0x77: {  	[tilespmem:s23], [sflag:$0x3] =	stream.indirect.gather [hbm4b:s13+s31], $0x40, s17, s31, $0xb8;
	[tilespmem:$0x11220] =	vst v63  }
0x78: {  	s29 =	sld [smem:$0x7FD]  }
0x79: {  	[tilespmem:s10], [sflag:$0x6] =	stream.linear.gather [hbm4b:s24+s9], $0x80, $0x38;
	[tilespmem:$0x11220] =	vst v63  }
0x7a: {  	s26 =	rddreg [dreg:$0x1c]  }
0x7b: {  	[tilespmem:s14], [sflag:$0x6] =	stream.linear.gather [hbm4b:s26+s9], $0x80, $0x38;
	[tilespmem:$0x11220] =	vst v63  }
0x7c: {  	_ = 	snop  }
0x7d: {  	[tilespmem:s11], [sflag:$0x6] =	stream.linear.gather [hbm4b:s29+s9], $0x800, $0x38;
	[tilespmem:$0x11220] =	vst v63  }
.LBB2_4:
0x7e: {  	_ =	swait.ge [sflag:s18], $0x80  }
0x7f: {  	[sflag:s18] =	ssyncset.done $0x0  }
0x80: {  	[sflag:s18] =	ssyncadd.s32 $0xFFFFFF80  }
0x81: {  	_ =	swait.ge [sflag:s18], $0x80  }
0x82: {  	[sflag:s18] =	ssyncset.done $0x0  }
0x83: {  	[sflag:s18] =	ssyncadd.s32 $0xFFFFFF80  }
0x84: {  	_ =	swait.ge [sflag:s18], $0x800  }
0x85: {  	[sflag:s18] =	ssyncset.done $0x0  }
0x86: {  	[sflag:s18] =	ssyncadd.s32 $0xFFFFF800  }
0x87: {  	[tilespmem:s19], [sflag:$0x2] =	stream.indirect.gather [hbm4b:s12+s31], $0x50, s14, s31, $0xb8;
	[tilespmem:$0x11220] =	vst v63  }
0x88: {  	_ = 	snop  }
0x89: {  	[tilespmem:s20], [sflag:$0x2] =	stream.indirect.gather [hbm4b:s13+s31], $0x40, s10, s31, $0xb8;
	[tilespmem:$0x11220] =	vst v63  }
0x8a: {  	s2 =	simm.s32 $0x4FE0;
	s5 =	simm.s32 $0x9D20  }
0x8b: {  	[tilespmem:s5], [sflag:$0x4] =	stream.indirect.gather [hbm4b:s12+s31], $0x50, s2, s31, $0xb8;
	[tilespmem:$0x11220] =	vst v63  }
0x8c: {  	s24 =	simm.s32 $0x4EE0;
	s26 =	simm.s32 $0xE120;
	s29 =	simm.s32 $0x1  }
0x8d: {  	[tilespmem:s26], [sflag:$0x4] =	stream.indirect.gather [hbm4b:s13+s31], $0x40, s24, s31, $0xb8;
	[tilespmem:$0x11220] =	vst v63  }
0x8e: {  	_ =	swait.ge [sflag:s29], $0x1400  }
0x8f: {  	[sflag:s29] =	ssyncset.done $0x0  }
0x90: {  	[sflag:s29] =	ssyncadd.s32 $0xFFFFEC00  }
0x91: {  	_ =	swait.ge [sflag:s29], $0x1000  }
0x92: {  	[sflag:s29] =	ssyncset.done $0x0  }
0x93: {  	[sflag:s29] =	ssyncadd.s32 $0xFFFFF000  }
0x94: {  	_ =	swait.ge [sflag:s3], $0x1400  }
0x95: {  	[sflag:s3] =	ssyncset.done $0x0  }
0x96: {  	[sflag:s3] =	ssyncadd.s32 $0xFFFFEC00  }
0x97: {  	_ =	swait.ge [sflag:s3], $0x1000  }
0x98: {  	p1 =	seq.s32 s9, $0x0;
	[sflag:s3] =	ssyncset.done $0x0  }
0x99: {  	s2 =	simm.s32 @!p1 $0x7;
	[sflag:s3] =	ssyncadd.s32 $0xFFFFF000  }
0x9a: {  	_ =	swait.ge @!p1 [sflag:s2], $0x80  }
0x9b: {  	[sflag:s2] =	ssyncset.done @!p1 $0x0  }
0x9c: {  	[sflag:s2] =	ssyncadd.s32 @!p1 $0xFFFFFF80;
	s2 =	simm.s32 @!p1 $0x9  }
0x9d: {  	s7 =	sshllo.u32 s9, $0x1;
	s15 =	simm.s32 $0x0;
	_ =	swait.ge @!p1 [sflag:s2], $0x1000  }
0x9e: {  	s14 =	simm.s32 $0x0;
	s5 =	sshll.u32 s9, $0x1;
	s6 =	rddreg [dreg:$0x1d]  }
0x9f: {  	s24 =	simm.s32 $0xF130;
	[sflag:s2] =	ssyncset.done @!p1 $0x0;
	s6 =	sadd.s32 s6, s5  }
0xa0: {  	s26 =	simm.s32 $0x5120;
	[sflag:s2] =	ssyncadd.s32 @!p1 $0xFFFFF000;
	s10 =	sshll.u32 s6, $0x7  }
.LBB2_5:
0xa1: {  	s16 =	sshll.u32 s15, $0x4;
	s2 =	simm.s32 $0x0;
	s6 =	simm.s32 $0x3;
	v14 =	vimm.f32 $0.0e+00  }
0xa2: {  	s29 =	simm.s32 $0x1;
	s17 =	simm.s32 $0x2;
	v3 =	vor.u32 s16, v1;
	v5 =	vmov s2;
	v6 =	vmov s6  }
0xa3: {  	v8 =	vmov s29;
	v9 =	vmov s17;
	v2 =	vmul.u32 $0x50, v3  }
0xa4: {  	v4 =	vshll.u32 v3, $0x6;
	v7 =	vand.u32 $0x4, v5;
	v5 =	vand.u32 $0x38, v5  }
0xa5: {  	v10 =	vand.u32 $0x38, v6;
	v6 =	vand.u32 $0x7, v6;
	v12 =	vand.u32 $0x5, v8  }
0xa6: {  	s29 =	simm.s32 $0x6;
	v13 =	vand.u32 $0x38, v9;
	v8 =	vand.u32 $0x38, v8;
	v11 =	vadd.s32 v2, v5  }
0xa7: {  	v17 =	vmov s29;
	v5 =	vor.u32 v4, v5;
	v11 =	vor.u32 v7, v11  }
0xa8: {  	v23 =	vand.u32 $0x38, v17;
	v15 =	vadd.s32 v2, v10;
	v5 =	vor.u32 v7, v5  }
0xa9: {  	v7 =	vand.u32 $0x6, v9;
	v9 =	vor.u32 v4, v10;
	v10 =	vor.u32 v6, v15  }
0xaa: {  	v25 =	vadd.s32 v2, v23;
	v15 =	vadd.s32 v2, v13;
	v6 =	vor.u32 v6, v9  }
0xab: {  	s17 =	simm.s32 $0x7;
	v9 =	vor.u32 v4, v13;
	v13 =	vor.u32 v7, v15;
	v15 =	vadd.s32 v2, v8  }
0xac: {  	v8 =	vor.u32 v4, v8;
	v9 =	vor.u32 v7, v9;
	v7 =	vmov s17;
	v16 =	vld.idx.msk [tilespmem:v11+s8+$0x0], $0xffff  }
0xad: {  	v8 =	vor.u32 v12, v8;
	v18 =	vand.u32 $0x38, v7;
	v11 =	vor.u32 v12, v15;
	v15 =	vld.idx.msk [tilespmem:v5+s1+$0x0], $0xffff  }
0xae: {  	s23 =	simm.s32 $0x5;
	s6 =	simm.s32 $0x4;
	v21 =	vand.u32 $0x7, v7;
	v7 =	vand.u32 $0x6, v17;
	v26 =	vadd.s32 v2, v18;
	v19 =	vld.idx.msk [tilespmem:v10+s8+$0x0], $0xffff  }
0xaf: {  	v18 =	vor.u32 v4, v18;
	v5 =	vmov s6;
	v12 =	vmov s23;
	v20 =	vld.idx.msk [tilespmem:v6+s1+$0x0], $0xffff  }
0xb0: {  	v10 =	vand.u32 $0x4, v5;
	v6 =	vand.u32 $0x38, v5;
	v22 =	vld.idx.msk [tilespmem:v13+s8+$0x0], $0xffff;
	v5 =	vand.u32 $0x5, v12  }
0xb1: {  	v17 =	vld.idx.msk [tilespmem:v9+s1+$0x0], $0xffff;
	v13 =	vadd.s32 v2, v6;
	v6 =	vor.u32 v4, v6;
	v9 =	vand.u32 $0x38, v12  }
0xb2: {  	v27 =	vld.idx.msk [tilespmem:v8+s1+$0x0], $0xffff;
	v12 =	vor.u32 v4, v23;
	v8 =	vor.u32 v7, v25;
	v13 =	vor.u32 v10, v13  }
0xb3: {  	v24 =	vld.idx.msk [tilespmem:v11+s8+$0x0], $0xffff;
	v11 =	vor.u32 v10, v6;
	v10 =	vor.u32 v21, v26;
	v6 =	vor.u32 v21, v18  }
0xb4: {  	v18 =	vshll.u32 v16, $0x10;
	v16 =	vand.u32 $0xFFFF0000, v16;
	v21 =	vshll.u32 v15, $0x10  }
0xb5: {  	v15 =	vand.u32 $0xFFFF0000, v15;
	v23 =	vshll.u32 v19, $0x10;
	v60 =	vshll.u32 v20, $0x10  }
0xb6: {  	v28 =	vshll.u32 v22, $0x10;
	v18 =	vmul.f32 v21, v18;
	v15 =	vmul.f32 v15, v16  }
0xb7: {  	v29 =	vshll.u32 v17, $0x10;
	v16 =	vshll.u32 v27, $0x10;
	v62 =	vand.u32 $0xFFFF0000, v27  }
0xb8: {  	v18 =	vadd.f32 v18, v14;
	v61 =	vshll.u32 v24, $0x10;
	v21 =	vand.u32 $0xFFFF0000, v24  }
0xb9: {  	v14 =	vadd.f32 v15, v14;
	v16 =	vmul.f32 v16, v61;
	v21 =	vmul.f32 v62, v21  }
0xba: {  	v22 =	vand.u32 $0xFFFF0000, v22;
	v63 =	vand.u32 $0xFFFF0000, v17;
	v15 =	vmul.f32 v29, v28  }
0xbb: {  	v16 =	vadd.f32 v16, v18;
	v17 =	vadd.f32 v21, v14;
	v18 =	vmul.f32 v63, v22  }
0xbc: {  	s17 =	simm.s32 $0x8;
	v19 =	vand.u32 $0xFFFF0000, v19;
	v20 =	vand.u32 $0xFFFF0000, v20;
	v14 =	vmul.f32 v60, v23  }
.LBB2_6:
0xbd: {  	p2 =	sne.s32 s17, $0x3C;
	v15 =	vadd.f32 v15, v16;
	v16 =	vadd.f32 v18, v17;
	v17 =	vmul.f32 v20, v19  }
0xbe: {  	v12 =	vor.u32 v7, v12;
	v18 =	vld.idx.msk [tilespmem:v13+s8+$0x0], $0xffff;
	v13 =	vadd.s32 v2, v9;
	v9 =	vor.u32 v4, v9  }
0xbf: {  	s2 =	sadd.s32 $0x3, s17;
	v19 =	vld.idx.msk [tilespmem:v11+s1+$0x0], $0xffff;
	v11 =	vor.u32 v5, v13;
	v14 =	vadd.f32 v14, v15;
	v15 =	vadd.f32 v17, v16  }
0xc0: {  	v7 =	vmov s17;
	s6 =	sadd.s32 $0x1, s17;
	s23 =	sadd.s32 $0x2, s17;
	v13 =	vmov s2;
	v16 =	vor.u32 v5, v9;
	v20 =	vld.idx.msk [tilespmem:v10+s8+$0x0], $0xffff  }
0xc1: {  	v9 =	vmov s6;
	v17 =	vmov s23;
	v10 =	vand.u32 $0x4, v7;
	v21 =	vld.idx.msk [tilespmem:v6+s1+$0x0], $0xffff  }
0xc2: {  	v22 =	vand.u32 $0x38, v13;
	v23 =	vand.u32 $0x7, v13;
	v6 =	vand.u32 $0x38, v7;
	v24 =	vld.idx.msk [tilespmem:v8+s8+$0x0], $0xffff  }
0xc3: {  	v5 =	vand.u32 $0x5, v9;
	v7 =	vand.u32 $0x6, v17;
	v8 =	vand.u32 $0x38, v17;
	v17 =	vld.idx.msk [tilespmem:v12+s1+$0x0], $0xffff  }
0xc4: {  	v9 =	vand.u32 $0x38, v9;
	v12 =	vadd.s32 v2, v6;
	v6 =	vor.u32 v4, v6;
	v25 =	vld.idx.msk [tilespmem:v11+s8+$0x0], $0xffff  }
0xc5: {  	v27 =	vadd.s32 v2, v22;
	v22 =	vor.u32 v4, v22;
	v26 =	vadd.s32 v2, v8;
	v16 =	vld.idx.msk [tilespmem:v16+s1+$0x0], $0xffff  }
0xc6: {  	v13 =	vor.u32 v10, v12;
	v11 =	vor.u32 v10, v6;
	v12 =	vor.u32 v4, v8  }
0xc7: {  	v8 =	vor.u32 v7, v26;
	v10 =	vor.u32 v23, v27;
	v6 =	vor.u32 v23, v22  }
0xc8: {  	v22 =	vshll.u32 v18, $0x10;
	v18 =	vand.u32 $0xFFFF0000, v18;
	v23 =	vshll.u32 v19, $0x10  }
0xc9: {  	v19 =	vand.u32 $0xFFFF0000, v19;
	v26 =	vshll.u32 v20, $0x10;
	v27 =	vshll.u32 v21, $0x10  }
0xca: {  	v29 =	vshll.u32 v24, $0x10;
	v30 =	vshll.u32 v17, $0x10;
	v28 =	vshll.u32 v25, $0x10  }
0xcb: {  	v22 =	vmul.f32 v23, v22;
	v18 =	vmul.f32 v19, v18;
	v19 =	vshll.u32 v16, $0x10  }
.Ltmp1:
0xcc: {  	v23 =	vand.u32 $0xFFFF0000, v25;
	v16 =	vand.u32 $0xFFFF0000, v16;
	v19 =	vmul.f32 v19, v28;
	(pc) =	sbr.rel @p2 .LBB2_6-.Ltmp1, $4  }
0xcd: {  	v14 =	vadd.f32 v22, v14;
	v18 =	vadd.f32 v18, v15;
	v22 =	vmul.f32 v16, v23  }
0xce: {  	v15 =	vmul.f32 v30, v29;
	v23 =	vand.u32 $0xFFFF0000, v24;
	v24 =	vand.u32 $0xFFFF0000, v17  }
0xcf: {  	v16 =	vadd.f32 v19, v14;
	v17 =	vadd.f32 v22, v18;
	v18 =	vmul.f32 v24, v23  }
0xd0: {  	s17 =	sadd.s32 $0x4, s17;
	v19 =	vand.u32 $0xFFFF0000, v20;
	v20 =	vand.u32 $0xFFFF0000, v21;
	v14 =	vmul.f32 v27, v26  }
0xd1: {  	_ =	sdelay $0x2  }
0xd2: {  	v21 =	vadd.s32 v2, v9;
	v4 =	vor.u32 v4, v9  }
0xd3: {  	v13 =	vld.idx.msk [tilespmem:v13+s8+$0x0], $0xffff;
	v7 =	vor.u32 v7, v12;
	v51 =	vadd.f32 v15, v16;
	v52 =	vadd.f32 v18, v17  }
0xd4: {  	v50 =	vld.idx.msk [tilespmem:v11+s1+$0x0], $0xffff;
	v53 =	vmul.f32 v20, v19;
	v58 =	vadd.s32 $0x40, v2;
	v3 =	vshll.u32 v3, $0x4  }
0xd5: {  	v8 =	vld.idx.msk [tilespmem:v8+s8+$0x0], $0xffff;
	v24 =	vadd.s32 $0x41, v2;
	v28 =	vadd.s32 $0x42, v2;
	v34 =	vadd.s32 $0x43, v2  }
0xd6: {  	v6 =	vld.idx.msk [tilespmem:v6+s1+$0x0], $0xffff;
	v38 =	vadd.s32 $0x44, v2;
	v43 =	vadd.s32 $0x45, v2;
	v21 =	vor.u32 v5, v21  }
0xd7: {  	v49 =	vadd.s32 $0x46, v2;
	v2 =	vadd.s32 $0x47, v2;
	v4 =	vor.u32 v5, v4;
	v5 =	vld.idx.msk [tilespmem:v10+s8+$0x0], $0xffff  }
0xd8: {  	v62 =	vor.u32 $0x1, v3;
	v22 =	vor.u32 $0x2, v3;
	v26 =	vor.u32 $0x3, v3;
	v7 =	vld.idx.msk [tilespmem:v7+s1+$0x0], $0xffff  }
0xd9: {  	v30 =	vor.u32 $0x4, v3;
	v32 =	vor.u32 $0x5, v3;
	v36 =	vor.u32 $0x6, v3;
	v25 =	vld.idx.msk [tilespmem:v58+s8+$0x0], $0xffff  }
0xda: {  	v37 =	vor.u32 $0x7, v3;
	v40 =	vor.u32 $0x8, v3;
	v42 =	vor.u32 $0x9, v3;
	v27 =	vld.idx.msk [tilespmem:v3+s28+$0x0], $0xffff  }
0xdb: {  	v45 =	vor.u32 $0xA, v3;
	v47 =	vor.u32 $0xB, v3;
	v10 =	vadd.f32 v14, v51;
	v54 =	vld.idx.msk [tilespmem:v21+s8+$0x0], $0xffff  }
0xdc: {  	v11 =	vadd.f32 v53, v52;
	v51 =	vor.u32 $0xC, v3;
	v53 =	vor.u32 $0xD, v3;
	v4 =	vld.idx.msk [tilespmem:v4+s1+$0x0], $0xffff  }
0xdd: {  	v55 =	vshll.u32 v13, $0x10;
	v13 =	vand.u32 $0xFFFF0000, v13;
	v56 =	vshll.u32 v50, $0x10;
	v31 =	vld.idx.msk [tilespmem:v24+s8+$0x0], $0xffff  }
0xde: {  	v9 =	vand.u32 $0xFFFF0000, v50;
	v60 =	vshll.u32 v8, $0x10;
	v29 =	vshll.u32 v6, $0x10;
	v41 =	vld.idx.msk [tilespmem:v34+s8+$0x0], $0xffff  }
0xdf: {  	v8 =	vand.u32 $0xFFFF0000, v8;
	v6 =	vand.u32 $0xFFFF0000, v6;
	v52 =	vld.idx.msk [tilespmem:v43+s8+$0x0], $0xffff;
	v12 =	vmul.f32 v56, v55  }
0xe0: {  	v2 =	vld.idx.msk [tilespmem:v2+s8+$0x0], $0xffff;
	v57 =	vshll.u32 v5, $0x10;
	v9 =	vmul.f32 v9, v13;
	v5 =	vand.u32 $0xFFFF0000, v5  }
0xe1: {  	v14 =	vld.idx.msk [tilespmem:v62+s28+$0x0], $0xffff;
	v10 =	vadd.f32 v12, v10;
	v59 =	vshll.u32 v54, $0x10;
	v63 =	vshll.u32 v4, $0x10  }
0xe2: {  	v33 =	vld.idx.msk [tilespmem:v22+s28+$0x0], $0xffff;
	v15 =	vand.u32 $0xFFFF0000, v54;
	v4 =	vand.u32 $0xFFFF0000, v4;
	v13 =	vmul.f32 v63, v59  }
0xe3: {  	v35 =	vld.idx.msk [tilespmem:v26+s28+$0x0], $0xffff;
	v9 =	vadd.f32 v9, v11;
	v61 =	vshll.u32 v7, $0x10;
	v4 =	vmul.f32 v4, v15  }
0xe4: {  	v39 =	vld.idx.msk [tilespmem:v32+s28+$0x0], $0xffff;
	v7 =	vand.u32 $0xFFFF0000, v7;
	v19 =	vmul.f32 v61, v60;
	v10 =	vadd.f32 v13, v10  }
0xe5: {  	v44 =	vld.idx.msk [tilespmem:v37+s28+$0x0], $0xffff;
	v16 =	vmul.f32 v29, v57;
	v7 =	vmul.f32 v7, v8;
	v4 =	vadd.f32 v4, v9  }
0xe6: {  	v5 =	vmul.f32 v6, v5;
	v57 =	vor.u32 $0xE, v3;
	v15 =	vld.idx.msk [tilespmem:v28+s8+$0x0], $0xffff;
	v10 =	vadd.f32 v19, v10  }
0xe7: {  	v3 =	vor.u32 $0xF, v3;
	v6 =	vshll.u32 v25, $0x10;
	v4 =	vadd.f32 v7, v4;
	v7 =	vld.idx.msk [tilespmem:v30+s28+$0x0], $0xffff  }
0xe8: {  	v48 =	vld.idx.msk [tilespmem:v40+s28+$0x0], $0xffff;
	v12 =	vand.u32 $0xFFFF0000, v25;
	v6 =	vmul.f32 v6, v27;
	v10 =	vadd.f32 v16, v10  }
0xe9: {  	v46 =	vshll.u32 v31, $0x10;
	v12 =	vmul.f32 v12, v14;
	v4 =	vadd.f32 v5, v4;
	v5 =	vld.idx.msk [tilespmem:v36+s28+$0x0], $0xffff  }
0xea: {  	v13 =	vand.u32 $0xFFFF0000, v31;
	v9 =	vmul.f32 v46, v33;
	v19 =	vld.idx.msk [tilespmem:v38+s8+$0x0], $0xffff;
	v6 =	vadd.f32 v6, v10  }
0xeb: {  	v50 =	vld.idx.msk [tilespmem:v42+s28+$0x0], $0xffff;
	v8 =	vmul.f32 v13, v35;
	v54 =	vshll.u32 v15, $0x10;
	v4 =	vadd.f32 v12, v4  }
0xec: {  	v55 =	vld.idx.msk [tilespmem:v45+s28+$0x0], $0xffff;
	v15 =	vand.u32 $0xFFFF0000, v15;
	v7 =	vmul.f32 v54, v7;
	v6 =	vadd.f32 v9, v6  }
0xed: {  	v56 =	vld.idx.msk [tilespmem:v47+s28+$0x0], $0xffff;
	v58 =	vshll.u32 v41, $0x10;
	v15 =	vmul.f32 v15, v39;
	v4 =	vadd.f32 v8, v4  }
0xee: {  	v21 =	vld.idx.msk [tilespmem:v49+s8+$0x0], $0xffff;
	v5 =	vmul.f32 v58, v5;
	v6 =	vadd.f32 v7, v6;
	v7 =	vand.u32 $0xFFFF0000, v41  }
0xef: {  	v59 =	vld.idx.msk [tilespmem:v51+s28+$0x0], $0xffff;
	v60 =	vshll.u32 v19, $0x10;
	v4 =	vadd.f32 v15, v4;
	v7 =	vmul.f32 v7, v44  }
0xf0: {  	v61 =	vld.idx.msk [tilespmem:v53+s28+$0x0], $0xffff;
	v10 =	vmul.f32 v60, v48;
	v5 =	vadd.f32 v5, v6;
	v6 =	vand.u32 $0xFFFF0000, v19  }
0xf1: {  	v62 =	vld.idx.msk [tilespmem:v57+s28+$0x0], $0xffff;
	v4 =	vadd.f32 v7, v4;
	v6 =	vmul.f32 v6, v50;
	v7 =	vshll.u32 v52, $0x10  }
0xf2: {  	v3 =	vld.idx.msk [tilespmem:v3+s28+$0x0], $0xffff;
	v9 =	vand.u32 $0xFFFF0000, v52;
	v5 =	vadd.f32 v10, v5;
	v7 =	vmul.f32 v7, v55  }
0xf3: {  	v63 =	vshll.u32 v21, $0x10;
	v4 =	vadd.f32 v6, v4;
	v6 =	vmul.f32 v9, v56  }
0xf4: {  	v8 =	vmul.f32 v63, v59;
	v5 =	vadd.f32 v7, v5;
	v7 =	vand.u32 $0xFFFF0000, v21  }
0xf5: {  	v4 =	vadd.f32 v6, v4;
	v6 =	vmul.f32 v7, v61  }
0xf6: {  	v7 =	vshll.u32 v2, $0x10;
	v2 =	vand.u32 $0xFFFF0000, v2;
	v5 =	vadd.f32 v8, v5  }
0xf7: {  	v2 =	vmul.f32 v2, v3;
	v4 =	vadd.f32 v6, v4;
	v6 =	vmul.f32 v7, v62;
	_ =	sdelay $0x1  }
0xf8: {  	v3 =	vadd.f32 v6, v5;
	v2 =	vadd.f32 v2, v4;
	_ =	sdelay $0x1  }
0xf9: {  	v2 =	vadd.f32 v2, v3;
	_ =	sdelay $0x1  }
0xfa: {  	v2 =	vmul.f32 $8.838834610e-02, v2;
	_ =	sdelay $0x1  }
0xfb: {  	v2 =	vmul.f32 $1.442695020e+00, v2;
	_ =	sdelay $0x1  }
0xfc: {  	(erf) = vpow2.f32 v2;
	_ =	sdelay $0x6  }
0xfd: {  	v2 =	vmov s26  }
0xfe: {  	s2 =	sadd.s32 s10, s16;
	v3 =	vmov s14  }
0xff: {  	p2 =	slt.u32 s2, $0x4E200;
	v4 =	vpop (erf)  }
0x100: {  	v4 =	vpsel !p2, $0x0, v4  }
0x101: {  	s29 =	simm.s32 $0x0;
	[tilespmem:s16+$0x11120] =	vst v4  }
0x102: {  	v4 =	vld.idx.msk [tilespmem:v2+s29+$0x0 ss:$0x1], $0xffff  }
0x103: {  	v5 =	vld.idx.msk [tilespmem:v3+s4+$0x0], $0xffff;
	_ =	sdelay $0x2  }
0x104: {  	s23 =	sadd.s32 $0x1, s14  }
0x105: {  	s17 =	simm.s32 $0x40;
	s2 =	simm.s32 $0x80;
	s16 =	smov.u32 s24;
	v3 =	vmov s23  }
.LBB2_8:
0x106: {  	p2 =	sne.s32 s2, $0x3C0;
	v4 =	vmul.f32 v4, v5;
	[tilespmem:s16+$0x0] =	vst v5;
	_ =	sdelay $0x1  }
0x107: {  	s6 =	sshra.s32 s17, $0x2;
	s17 =	smov.u32 s2;
	[tilespmem:s16+$0xFFFFFFF0] =	vst v4  }
0x108: {  	v4 =	vld.idx.msk [tilespmem:v2+s6+$0x0 ss:$0x1], $0xffff  }
0x109: {  	v5 =	vld.idx.msk [tilespmem:v3+s4+$0x0], $0xffff  }
.Ltmp2:
0x10a: {  	(pc) =	sbr.rel @p2 .LBB2_8-.Ltmp2, $3  }
0x10b: {  	_ =	sdelay $0x1  }
0x10c: {  	s23 =	sadd.s32 $0x1, s23  }
0x10d: {  	s2 =	sadd.s32 $0x40, s2;
	s16 =	sadd.s32 $0x20, s16;
	v3 =	vmov s23  }
0x10e: {  	_ = 	snop  }
0x10f: {  	v4 =	vmul.f32 v4, v5  }
0x110: {  	[tilespmem:s16+$0x0] =	vst v5  }
0x111: {  	s2 =	sshra.s32 s17, $0x2;
	[tilespmem:s16+$0xFFFFFFF0] =	vst v4  }
0x112: {  	v2 =	vld.idx.msk [tilespmem:v2+s2+$0x0 ss:$0x1], $0xffff  }
0x113: {  	v3 =	vld.idx.msk [tilespmem:v3+s4+$0x0], $0xffff  }
0x114: {  	s15 =	sadd.s32 $0x1, s15  }
0x115: {  	p2 =	sne.s32 s15, $0x8  }
.Ltmp3:
0x116: {  	_ = 	snop;
	(pc) =	sbr.rel @p2 .LBB2_5-.Ltmp3, $4  }
0x117: {  	_ = 	snop  }
0x118: {  	s29 =	sadd.s32 $0x20, s16;
	v2 =	vmul.f32 v2, v3  }
0x119: {  	[tilespmem:s29+$0x0] =	vst v3  }
0x11a: {  	s24 =	sadd.s32 $0x200, s24;
	s14 =	sadd.s32 $0x10, s14;
	s26 =	sadd.s32 $0x100, s26;
	[tilespmem:s29+$0xFFFFFFF0] =	vst v2  }
0x11b: {  	v2 =	vld [tilespmem:$0x4F20]  }
0x11c: {  	v3 =	vld [tilespmem:$0x4F30]  }
0x11d: {  	v4 =	vld [tilespmem:$0x4F40]  }
0x11e: {  	v5 =	vld [tilespmem:$0x4F50]  }
0x11f: {  	v6 =	vld [tilespmem:$0x4F60]  }
0x120: {  	v63 =	vld [tilespmem:$0x4F90];
	[tilespmem:$0x5020] =	vst v2  }
0x121: {  	v2 =	vld [tilespmem:$0x4F70];
	[tilespmem:$0x5030] =	vst v3  }
0x122: {  	v3 =	vld [tilespmem:$0x4F80];
	[tilespmem:$0x5040] =	vst v4  }
0x123: {  	[tilespmem:$0x5050] =	vst v5  }
0x124: {  	s2 =	sshll.u32 s9, $0x8;
	[tilespmem:$0x5060] =	vst v6  }
0x125: {  	s2 =	sadd.s32 s25, s2;
	[tilespmem:$0x5090] =	vst v63  }
0x126: {  	s6 =	rddreg [dreg:$0xe];
	s2 =	sshrl.u32 s2, $0x3;
	[tilespmem:$0x5070] =	vst v2  }
0x127: {  	s29 =	smov.u32 s21;
	s15 =	smin.u32 s5, $0x4D;
	s2 =	sadd.s32 s6, s2;
	[tilespmem:$0x5080] =	vst v3  }
0x128: {  	[hbm4b:s2+s0] =	stream.linear.scatter [tilespmem:s4], [sflag:$0x7], $0x80, $0x38;
	[tilespmem:$0x11220] =	vst v63  }
0x129: {  	s14 =	simm.s32 $0x80;
	s10 =	simm.s32 $0x5020;
	s2 =	sadd.s32 $0x2, s15  }
0x12a: {  	s17 =	rddreg [dreg:$0xc];
	s6 =	simm.s32 $0xF120;
	s16 =	sshll.u32 s2, $0x7  }
0x12b: {  	[spmem:s21] =	stream.indirect.scatter.add.f32 [tilespmem:s6], [sflag:$0x9], $0x20, s10, s14, $0xb8;
	[tilespmem:$0x11220] =	vst v63  }
0x12c: {  	s23 =	simm.s32 $0x4F20;
	s24 =	rddreg [dreg:$0x14];
	s6 =	sadd.s32 s25, s16  }
0x12d: {  	s2 =	sshll.u32 s2, $0xB;
	s14 =	simm.s32 $0x4E20;
	s6 =	sshrl.u32 s6, $0x3  }
0x12e: {  	s21 =	rddreg [dreg:$0xd];
	s2 =	sadd.s32 s24, s2;
	s10 =	sadd.s32 s17, s6  }
0x12f: {  	[tilespmem:s14], [sflag:$0x5] =	stream.linear.gather [hbm4b:s10+s0], $0x80, $0x38;
	[tilespmem:$0x11220] =	vst v63  }
0x130: {  	s26 =	rddreg [dreg:$0xb];
	s2 =	sshrl.u32 s2, $0x3;
	s6 =	sadd.s32 s21, s6  }
0x131: {  	[tilespmem:s23], [sflag:$0x5] =	stream.linear.gather [hbm4b:s6+s0], $0x80, $0x38;
	[tilespmem:$0x11220] =	vst v63  }
0x132: {  	s2 =	sadd.s32 s26, s2  }
0x133: {  	[tilespmem:s28], [sflag:$0x5] =	stream.linear.gather [hbm4b:s2+s0], $0x800, $0x38;
	[tilespmem:$0x11220] =	vst v63  }
0x134: {  	_ =	swait.ge [sflag:s30], $0x80  }
0x135: {  	[sflag:s30] =	ssyncset.done $0x0  }
0x136: {  	[sflag:s30] =	ssyncadd.s32 $0xFFFFFF80  }
0x137: {  	_ =	swait.ge [sflag:s30], $0x80  }
0x138: {  	[sflag:s30] =	ssyncset.done $0x0  }
0x139: {  	[sflag:s30] =	ssyncadd.s32 $0xFFFFFF80  }
0x13a: {  	_ =	swait.ge [sflag:s30], $0x800  }
0x13b: {  	[sflag:s30] =	ssyncset.done $0x0  }
0x13c: {  	[sflag:s30] =	ssyncadd.s32 $0xFFFFF800  }
0x13d: {  	[tilespmem:s8], [sflag:$0x1] =	stream.indirect.gather [hbm4b:s12+s31], $0x50, s23, s31, $0xb8;
	[tilespmem:$0x11220] =	vst v63  }
0x13e: {  	_ = 	snop  }
0x13f: {  	[tilespmem:s1], [sflag:$0x1] =	stream.indirect.gather [hbm4b:s13+s31], $0x40, s14, s31, $0xb8;
	[tilespmem:$0x11220] =	vst v63  }
0x140: {  	s15 =	simm.s32 $0x4F60;
	s16 =	simm.s32 $0x7520  }
0x141: {  	[tilespmem:s16], [sflag:$0x3] =	stream.indirect.gather [hbm4b:s12+s31], $0x50, s15, s31, $0xb8;
	[tilespmem:$0x11220] =	vst v63  }
0x142: {  	s17 =	simm.s32 $0x4E60;
	s21 =	simm.s32 $0xC120;
	s23 =	simm.s32 $0x2  }
0x143: {  	[tilespmem:s21], [sflag:$0x3] =	stream.indirect.gather [hbm4b:s13+s31], $0x40, s17, s31, $0xb8;
	[tilespmem:$0x11220] =	vst v63  }
0x144: {  	_ =	swait.ge [sflag:s23], $0x1400  }
0x145: {  	[sflag:s23] =	ssyncset.done $0x0  }
0x146: {  	[sflag:s23] =	ssyncadd.s32 $0xFFFFEC00  }
0x147: {  	_ =	swait.ge [sflag:s23], $0x1000  }
0x148: {  	[sflag:s23] =	ssyncset.done $0x0  }
0x149: {  	s24 =	simm.s32 $0x4;
	[sflag:s23] =	ssyncadd.s32 $0xFFFFF000  }
0x14a: {  	_ =	swait.ge [sflag:s24], $0x1400  }
0x14b: {  	[sflag:s24] =	ssyncset.done $0x0  }
0x14c: {  	[sflag:s24] =	ssyncadd.s32 $0xFFFFEC00  }
0x14d: {  	_ =	swait.ge [sflag:s24], $0x1000  }
0x14e: {  	[sflag:s24] =	ssyncset.done $0x0  }
0x14f: {  	s2 =	simm.s32 @!p1 $0x8;
	[sflag:s24] =	ssyncadd.s32 $0xFFFFF000  }
0x150: {  	_ =	swait.ge @!p1 [sflag:s2], $0x80  }
0x151: {  	[sflag:s2] =	ssyncset.done @!p1 $0x0  }
0x152: {  	[sflag:s2] =	ssyncadd.s32 @!p1 $0xFFFFFF80;
	s2 =	simm.s32 @!p1 $0xA  }
0x153: {  	s14 =	simm.s32 $0x5920;
	_ =	swait.ge @!p1 [sflag:s2], $0x1000  }
0x154: {  	s15 =	simm.s32 $0x0;
	[sflag:s2] =	ssyncset.done @!p1 $0x0;
	s26 =	rddreg [dreg:$0x1d]  }
0x155: {  	s16 =	simm.s32 $0x0;
	[sflag:s2] =	ssyncadd.s32 @!p1 $0xFFFFF000;
	s2 =	sadd.s32 s26, s7  }
0x156: {  	s24 =	simm.s32 $0x10130;
	s26 =	simm.s32 $0x0;
	s10 =	sshll.u32 s2, $0x7  }
.LBB2_11:
0x157: {  	s17 =	sshll.u32 s16, $0x4;
	s2 =	simm.s32 $0x3;
	v5 =	vmov s26  }
0x158: {  	v14 =	vimm.f32 $0.0e+00;
	s6 =	simm.s32 $0x1;
	s23 =	simm.s32 $0x2;
	v3 =	vor.u32 s17, v1;
	v6 =	vmov s2  }
0x159: {  	v7 =	vand.u32 $0x4, v5;
	v8 =	vmov s6;
	v9 =	vmov s23  }
0x15a: {  	v5 =	vand.u32 $0x38, v5;
	v2 =	vmul.u32 $0x50, v3;
	v4 =	vshll.u32 v3, $0x6  }
0x15b: {  	v10 =	vand.u32 $0x38, v6;
	v6 =	vand.u32 $0x7, v6;
	v12 =	vand.u32 $0x5, v8  }
0x15c: {  	v13 =	vand.u32 $0x38, v9;
	v8 =	vand.u32 $0x38, v8;
	v11 =	vadd.s32 v2, v5  }
0x15d: {  	v5 =	vor.u32 v4, v5;
	v15 =	vadd.s32 v2, v10;
	v11 =	vor.u32 v7, v11  }
0x15e: {  	v5 =	vor.u32 v7, v5;
	v7 =	vand.u32 $0x6, v9;
	v9 =	vor.u32 v4, v10  }
0x15f: {  	v10 =	vor.u32 v6, v15;
	v15 =	vadd.s32 v2, v13;
	v6 =	vor.u32 v6, v9  }
0x160: {  	s6 =	simm.s32 $0x7;
	v9 =	vor.u32 v4, v13;
	v13 =	vor.u32 v7, v15;
	v15 =	vadd.s32 v2, v8  }
0x161: {  	v8 =	vor.u32 v4, v8;
	v9 =	vor.u32 v7, v9;
	v7 =	vmov s6  }
0x162: {  	s21 =	simm.s32 $0x4;
	v8 =	vor.u32 v12, v8;
	v18 =	vand.u32 $0x38, v7;
	v21 =	vand.u32 $0x7, v7;
	v16 =	vld.idx.msk [tilespmem:v11+s19+$0x0], $0xffff  }
0x163: {  	s23 =	simm.s32 $0x5;
	v26 =	vadd.s32 v2, v18;
	v11 =	vor.u32 v12, v15;
	v15 =	vld.idx.msk [tilespmem:v5+s20+$0x0], $0xffff;
	v5 =	vmov s21  }
0x164: {  	v18 =	vor.u32 v4, v18;
	s21 =	simm.s32 $0x6;
	v19 =	vld.idx.msk [tilespmem:v10+s19+$0x0], $0xffff;
	v12 =	vmov s23;
	v10 =	vand.u32 $0x4, v5  }
0x165: {  	v17 =	vmov s21;
	v20 =	vld.idx.msk [tilespmem:v6+s20+$0x0], $0xffff;
	v6 =	vand.u32 $0x38, v5;
	v5 =	vand.u32 $0x5, v12  }
0x166: {  	v22 =	vld.idx.msk [tilespmem:v13+s19+$0x0], $0xffff;
	v23 =	vand.u32 $0x38, v17;
	v7 =	vand.u32 $0x6, v17;
	v13 =	vadd.s32 v2, v6  }
0x167: {  	v17 =	vld.idx.msk [tilespmem:v9+s20+$0x0], $0xffff;
	v6 =	vor.u32 v4, v6;
	v9 =	vand.u32 $0x38, v12;
	v25 =	vadd.s32 v2, v23  }
0x168: {  	v27 =	vld.idx.msk [tilespmem:v8+s20+$0x0], $0xffff;
	v13 =	vor.u32 v10, v13;
	v12 =	vor.u32 v4, v23;
	v8 =	vor.u32 v7, v25  }
0x169: {  	v24 =	vld.idx.msk [tilespmem:v11+s19+$0x0], $0xffff;
	v11 =	vor.u32 v10, v6;
	v10 =	vor.u32 v21, v26;
	v6 =	vor.u32 v21, v18  }
0x16a: {  	v18 =	vshll.u32 v16, $0x10;
	v16 =	vand.u32 $0xFFFF0000, v16;
	v21 =	vshll.u32 v15, $0x10  }
0x16b: {  	v15 =	vand.u32 $0xFFFF0000, v15;
	v23 =	vshll.u32 v19, $0x10;
	v60 =	vshll.u32 v20, $0x10  }
0x16c: {  	v28 =	vshll.u32 v22, $0x10;
	v18 =	vmul.f32 v21, v18;
	v15 =	vmul.f32 v15, v16  }
0x16d: {  	v29 =	vshll.u32 v17, $0x10;
	v16 =	vshll.u32 v27, $0x10;
	v62 =	vand.u32 $0xFFFF0000, v27  }
0x16e: {  	v18 =	vadd.f32 v18, v14;
	v61 =	vshll.u32 v24, $0x10;
	v21 =	vand.u32 $0xFFFF0000, v24  }
0x16f: {  	v14 =	vadd.f32 v15, v14;
	v16 =	vmul.f32 v16, v61;
	v21 =	vmul.f32 v62, v21  }
0x170: {  	v22 =	vand.u32 $0xFFFF0000, v22;
	v63 =	vand.u32 $0xFFFF0000, v17;
	v15 =	vmul.f32 v29, v28  }
0x171: {  	v16 =	vadd.f32 v16, v18;
	v17 =	vadd.f32 v21, v14;
	v18 =	vmul.f32 v63, v22  }
0x172: {  	s23 =	simm.s32 $0x8;
	v19 =	vand.u32 $0xFFFF0000, v19;
	v20 =	vand.u32 $0xFFFF0000, v20;
	v14 =	vmul.f32 v60, v23  }
.LBB2_12:
0x173: {  	p1 =	sne.s32 s23, $0x3C;
	v15 =	vadd.f32 v15, v16;
	v16 =	vadd.f32 v18, v17;
	v17 =	vmul.f32 v20, v19  }
0x174: {  	v12 =	vor.u32 v7, v12;
	v18 =	vld.idx.msk [tilespmem:v13+s19+$0x0], $0xffff;
	v13 =	vadd.s32 v2, v9;
	v9 =	vor.u32 v4, v9  }
0x175: {  	s2 =	sadd.s32 $0x3, s23;
	v19 =	vld.idx.msk [tilespmem:v11+s20+$0x0], $0xffff;
	v11 =	vor.u32 v5, v13;
	v14 =	vadd.f32 v14, v15;
	v15 =	vadd.f32 v17, v16  }
0x176: {  	v7 =	vmov s23;
	s6 =	sadd.s32 $0x1, s23;
	s21 =	sadd.s32 $0x2, s23;
	v13 =	vmov s2;
	v16 =	vor.u32 v5, v9;
	v20 =	vld.idx.msk [tilespmem:v10+s19+$0x0], $0xffff  }
0x177: {  	v9 =	vmov s6;
	v17 =	vmov s21;
	v10 =	vand.u32 $0x4, v7;
	v21 =	vld.idx.msk [tilespmem:v6+s20+$0x0], $0xffff  }
0x178: {  	v22 =	vand.u32 $0x38, v13;
	v23 =	vand.u32 $0x7, v13;
	v6 =	vand.u32 $0x38, v7;
	v24 =	vld.idx.msk [tilespmem:v8+s19+$0x0], $0xffff  }
0x179: {  	v5 =	vand.u32 $0x5, v9;
	v7 =	vand.u32 $0x6, v17;
	v8 =	vand.u32 $0x38, v17;
	v17 =	vld.idx.msk [tilespmem:v12+s20+$0x0], $0xffff  }
0x17a: {  	v9 =	vand.u32 $0x38, v9;
	v12 =	vadd.s32 v2, v6;
	v6 =	vor.u32 v4, v6;
	v25 =	vld.idx.msk [tilespmem:v11+s19+$0x0], $0xffff  }
0x17b: {  	v27 =	vadd.s32 v2, v22;
	v22 =	vor.u32 v4, v22;
	v26 =	vadd.s32 v2, v8;
	v16 =	vld.idx.msk [tilespmem:v16+s20+$0x0], $0xffff  }
0x17c: {  	v13 =	vor.u32 v10, v12;
	v11 =	vor.u32 v10, v6;
	v12 =	vor.u32 v4, v8  }
0x17d: {  	v8 =	vor.u32 v7, v26;
	v10 =	vor.u32 v23, v27;
	v6 =	vor.u32 v23, v22  }
0x17e: {  	v22 =	vshll.u32 v18, $0x10;
	v18 =	vand.u32 $0xFFFF0000, v18;
	v23 =	vshll.u32 v19, $0x10  }
0x17f: {  	v19 =	vand.u32 $0xFFFF0000, v19;
	v26 =	vshll.u32 v20, $0x10;
	v27 =	vshll.u32 v21, $0x10  }
0x180: {  	v29 =	vshll.u32 v24, $0x10;
	v30 =	vshll.u32 v17, $0x10;
	v28 =	vshll.u32 v25, $0x10  }
0x181: {  	v22 =	vmul.f32 v23, v22;
	v18 =	vmul.f32 v19, v18;
	v19 =	vshll.u32 v16, $0x10  }
.Ltmp4:
0x182: {  	v23 =	vand.u32 $0xFFFF0000, v25;
	v16 =	vand.u32 $0xFFFF0000, v16;
	v19 =	vmul.f32 v19, v28;
	(pc) =	sbr.rel @p1 .LBB2_12-.Ltmp4, $4  }
0x183: {  	v14 =	vadd.f32 v22, v14;
	v18 =	vadd.f32 v18, v15;
	v22 =	vmul.f32 v16, v23  }
0x184: {  	v15 =	vmul.f32 v30, v29;
	v23 =	vand.u32 $0xFFFF0000, v24;
	v24 =	vand.u32 $0xFFFF0000, v17  }
0x185: {  	v16 =	vadd.f32 v19, v14;
	v17 =	vadd.f32 v22, v18;
	v18 =	vmul.f32 v24, v23  }
0x186: {  	s23 =	sadd.s32 $0x4, s23;
	v19 =	vand.u32 $0xFFFF0000, v20;
	v20 =	vand.u32 $0xFFFF0000, v21;
	v14 =	vmul.f32 v27, v26  }
0x187: {  	_ =	sdelay $0x2  }
0x188: {  	v21 =	vadd.s32 v2, v9;
	v4 =	vor.u32 v4, v9  }
0x189: {  	v13 =	vld.idx.msk [tilespmem:v13+s19+$0x0], $0xffff;
	v7 =	vor.u32 v7, v12;
	v51 =	vadd.f32 v15, v16;
	v52 =	vadd.f32 v18, v17  }
0x18a: {  	v50 =	vld.idx.msk [tilespmem:v11+s20+$0x0], $0xffff;
	v53 =	vmul.f32 v20, v19;
	v58 =	vadd.s32 $0x40, v2;
	v3 =	vshll.u32 v3, $0x4  }
0x18b: {  	v8 =	vld.idx.msk [tilespmem:v8+s19+$0x0], $0xffff;
	v24 =	vadd.s32 $0x41, v2;
	v28 =	vadd.s32 $0x42, v2;
	v34 =	vadd.s32 $0x43, v2  }
0x18c: {  	v6 =	vld.idx.msk [tilespmem:v6+s20+$0x0], $0xffff;
	v38 =	vadd.s32 $0x44, v2;
	v43 =	vadd.s32 $0x45, v2;
	v21 =	vor.u32 v5, v21  }
0x18d: {  	v49 =	vadd.s32 $0x46, v2;
	v2 =	vadd.s32 $0x47, v2;
	v4 =	vor.u32 v5, v4;
	v5 =	vld.idx.msk [tilespmem:v10+s19+$0x0], $0xffff  }
0x18e: {  	v62 =	vor.u32 $0x1, v3;
	v22 =	vor.u32 $0x2, v3;
	v26 =	vor.u32 $0x3, v3;
	v7 =	vld.idx.msk [tilespmem:v7+s20+$0x0], $0xffff  }
0x18f: {  	v30 =	vor.u32 $0x4, v3;
	v32 =	vor.u32 $0x5, v3;
	v36 =	vor.u32 $0x6, v3;
	v25 =	vld.idx.msk [tilespmem:v58+s19+$0x0], $0xffff  }
0x190: {  	v37 =	vor.u32 $0x7, v3;
	v40 =	vor.u32 $0x8, v3;
	v42 =	vor.u32 $0x9, v3;
	v27 =	vld.idx.msk [tilespmem:v3+s11+$0x0], $0xffff  }
0x191: {  	v45 =	vor.u32 $0xA, v3;
	v47 =	vor.u32 $0xB, v3;
	v10 =	vadd.f32 v14, v51;
	v54 =	vld.idx.msk [tilespmem:v21+s19+$0x0], $0xffff  }
0x192: {  	v11 =	vadd.f32 v53, v52;
	v51 =	vor.u32 $0xC, v3;
	v53 =	vor.u32 $0xD, v3;
	v4 =	vld.idx.msk [tilespmem:v4+s20+$0x0], $0xffff  }
0x193: {  	v55 =	vshll.u32 v13, $0x10;
	v13 =	vand.u32 $0xFFFF0000, v13;
	v56 =	vshll.u32 v50, $0x10;
	v31 =	vld.idx.msk [tilespmem:v24+s19+$0x0], $0xffff  }
0x194: {  	v9 =	vand.u32 $0xFFFF0000, v50;
	v60 =	vshll.u32 v8, $0x10;
	v29 =	vshll.u32 v6, $0x10;
	v41 =	vld.idx.msk [tilespmem:v34+s19+$0x0], $0xffff  }
0x195: {  	v8 =	vand.u32 $0xFFFF0000, v8;
	v6 =	vand.u32 $0xFFFF0000, v6;
	v52 =	vld.idx.msk [tilespmem:v43+s19+$0x0], $0xffff;
	v12 =	vmul.f32 v56, v55  }
0x196: {  	v2 =	vld.idx.msk [tilespmem:v2+s19+$0x0], $0xffff;
	v57 =	vshll.u32 v5, $0x10;
	v9 =	vmul.f32 v9, v13;
	v5 =	vand.u32 $0xFFFF0000, v5  }
0x197: {  	v14 =	vld.idx.msk [tilespmem:v62+s11+$0x0], $0xffff;
	v10 =	vadd.f32 v12, v10;
	v59 =	vshll.u32 v54, $0x10;
	v63 =	vshll.u32 v4, $0x10  }
0x198: {  	v33 =	vld.idx.msk [tilespmem:v22+s11+$0x0], $0xffff;
	v15 =	vand.u32 $0xFFFF0000, v54;
	v4 =	vand.u32 $0xFFFF0000, v4;
	v13 =	vmul.f32 v63, v59  }
0x199: {  	v35 =	vld.idx.msk [tilespmem:v26+s11+$0x0], $0xffff;
	v9 =	vadd.f32 v9, v11;
	v61 =	vshll.u32 v7, $0x10;
	v4 =	vmul.f32 v4, v15  }
0x19a: {  	v39 =	vld.idx.msk [tilespmem:v32+s11+$0x0], $0xffff;
	v7 =	vand.u32 $0xFFFF0000, v7;
	v19 =	vmul.f32 v61, v60;
	v10 =	vadd.f32 v13, v10  }
0x19b: {  	v44 =	vld.idx.msk [tilespmem:v37+s11+$0x0], $0xffff;
	v16 =	vmul.f32 v29, v57;
	v7 =	vmul.f32 v7, v8;
	v4 =	vadd.f32 v4, v9  }
0x19c: {  	v5 =	vmul.f32 v6, v5;
	v57 =	vor.u32 $0xE, v3;
	v15 =	vld.idx.msk [tilespmem:v28+s19+$0x0], $0xffff;
	v10 =	vadd.f32 v19, v10  }
0x19d: {  	v3 =	vor.u32 $0xF, v3;
	v6 =	vshll.u32 v25, $0x10;
	v4 =	vadd.f32 v7, v4;
	v7 =	vld.idx.msk [tilespmem:v30+s11+$0x0], $0xffff  }
0x19e: {  	v48 =	vld.idx.msk [tilespmem:v40+s11+$0x0], $0xffff;
	v12 =	vand.u32 $0xFFFF0000, v25;
	v6 =	vmul.f32 v6, v27;
	v10 =	vadd.f32 v16, v10  }
0x19f: {  	v46 =	vshll.u32 v31, $0x10;
	v12 =	vmul.f32 v12, v14;
	v4 =	vadd.f32 v5, v4;
	v5 =	vld.idx.msk [tilespmem:v36+s11+$0x0], $0xffff  }
0x1a0: {  	v13 =	vand.u32 $0xFFFF0000, v31;
	v9 =	vmul.f32 v46, v33;
	v19 =	vld.idx.msk [tilespmem:v38+s19+$0x0], $0xffff;
	v6 =	vadd.f32 v6, v10  }
0x1a1: {  	v50 =	vld.idx.msk [tilespmem:v42+s11+$0x0], $0xffff;
	v8 =	vmul.f32 v13, v35;
	v54 =	vshll.u32 v15, $0x10;
	v4 =	vadd.f32 v12, v4  }
0x1a2: {  	v55 =	vld.idx.msk [tilespmem:v45+s11+$0x0], $0xffff;
	v15 =	vand.u32 $0xFFFF0000, v15;
	v7 =	vmul.f32 v54, v7;
	v6 =	vadd.f32 v9, v6  }
0x1a3: {  	v56 =	vld.idx.msk [tilespmem:v47+s11+$0x0], $0xffff;
	v58 =	vshll.u32 v41, $0x10;
	v15 =	vmul.f32 v15, v39;
	v4 =	vadd.f32 v8, v4  }
0x1a4: {  	v21 =	vld.idx.msk [tilespmem:v49+s19+$0x0], $0xffff;
	v5 =	vmul.f32 v58, v5;
	v6 =	vadd.f32 v7, v6;
	v7 =	vand.u32 $0xFFFF0000, v41  }
0x1a5: {  	v59 =	vld.idx.msk [tilespmem:v51+s11+$0x0], $0xffff;
	v60 =	vshll.u32 v19, $0x10;
	v4 =	vadd.f32 v15, v4;
	v7 =	vmul.f32 v7, v44  }
0x1a6: {  	v61 =	vld.idx.msk [tilespmem:v53+s11+$0x0], $0xffff;
	v10 =	vmul.f32 v60, v48;
	v5 =	vadd.f32 v5, v6;
	v6 =	vand.u32 $0xFFFF0000, v19  }
0x1a7: {  	v62 =	vld.idx.msk [tilespmem:v57+s11+$0x0], $0xffff;
	v4 =	vadd.f32 v7, v4;
	v6 =	vmul.f32 v6, v50;
	v7 =	vshll.u32 v52, $0x10  }
0x1a8: {  	v3 =	vld.idx.msk [tilespmem:v3+s11+$0x0], $0xffff;
	v9 =	vand.u32 $0xFFFF0000, v52;
	v5 =	vadd.f32 v10, v5;
	v7 =	vmul.f32 v7, v55  }
0x1a9: {  	v63 =	vshll.u32 v21, $0x10;
	v4 =	vadd.f32 v6, v4;
	v6 =	vmul.f32 v9, v56  }
0x1aa: {  	v8 =	vmul.f32 v63, v59;
	v5 =	vadd.f32 v7, v5;
	v7 =	vand.u32 $0xFFFF0000, v21  }
0x1ab: {  	v4 =	vadd.f32 v6, v4;
	v6 =	vmul.f32 v7, v61  }
0x1ac: {  	v7 =	vshll.u32 v2, $0x10;
	v2 =	vand.u32 $0xFFFF0000, v2;
	v5 =	vadd.f32 v8, v5  }
0x1ad: {  	v2 =	vmul.f32 v2, v3;
	v4 =	vadd.f32 v6, v4;
	v6 =	vmul.f32 v7, v62;
	_ =	sdelay $0x1  }
0x1ae: {  	v3 =	vadd.f32 v6, v5;
	v2 =	vadd.f32 v2, v4;
	_ =	sdelay $0x1  }
0x1af: {  	v2 =	vadd.f32 v2, v3;
	_ =	sdelay $0x1  }
0x1b0: {  	v2 =	vmul.f32 $8.838834610e-02, v2;
	_ =	sdelay $0x1  }
0x1b1: {  	v2 =	vmul.f32 $1.442695020e+00, v2;
	_ =	sdelay $0x1  }
0x1b2: {  	(erf) = vpow2.f32 v2;
	_ =	sdelay $0x6  }
0x1b3: {  	v2 =	vmov s14  }
0x1b4: {  	s2 =	sadd.s32 s10, s17;
	v3 =	vmov s15  }
0x1b5: {  	p1 =	slt.u32 s2, $0x4E200;
	v4 =	vpop (erf)  }
0x1b6: {  	v4 =	vpsel !p1, $0x0, v4  }
0x1b7: {  	s23 =	simm.s32 $0x0;
	[tilespmem:s17+$0x111A0] =	vst v4  }
0x1b8: {  	v4 =	vld.idx.msk [tilespmem:v2+s23+$0x0 ss:$0x1], $0xffff  }
0x1b9: {  	v5 =	vld.idx.msk [tilespmem:v3+s22+$0x0], $0xffff;
	_ =	sdelay $0x2  }
0x1ba: {  	s2 =	sadd.s32 $0x1, s15  }
0x1bb: {  	s6 =	simm.s32 $0x80;
	s17 =	smov.u32 s24;
	s23 =	simm.s32 $0x40;
	v3 =	vmov s2  }
.LBB2_14:
0x1bc: {  	p1 =	sne.s32 s6, $0x3C0;
	v4 =	vmul.f32 v4, v5;
	[tilespmem:s17+$0x0] =	vst v5;
	_ =	sdelay $0x1  }
0x1bd: {  	s21 =	sshra.s32 s23, $0x2;
	s23 =	smov.u32 s6;
	[tilespmem:s17+$0xFFFFFFF0] =	vst v4  }
0x1be: {  	v4 =	vld.idx.msk [tilespmem:v2+s21+$0x0 ss:$0x1], $0xffff  }
0x1bf: {  	v5 =	vld.idx.msk [tilespmem:v3+s22+$0x0], $0xffff  }
.Ltmp5:
0x1c0: {  	(pc) =	sbr.rel @p1 .LBB2_14-.Ltmp5, $3  }
0x1c1: {  	_ =	sdelay $0x1  }
0x1c2: {  	s2 =	sadd.s32 $0x1, s2  }
0x1c3: {  	s6 =	sadd.s32 $0x40, s6;
	s17 =	sadd.s32 $0x20, s17;
	v3 =	vmov s2  }
0x1c4: {  	_ = 	snop  }
0x1c5: {  	v4 =	vmul.f32 v4, v5  }
0x1c6: {  	[tilespmem:s17+$0x0] =	vst v5  }
0x1c7: {  	s2 =	sshra.s32 s23, $0x2;
	[tilespmem:s17+$0xFFFFFFF0] =	vst v4  }
0x1c8: {  	v2 =	vld.idx.msk [tilespmem:v2+s2+$0x0 ss:$0x1], $0xffff  }
0x1c9: {  	v3 =	vld.idx.msk [tilespmem:v3+s22+$0x0], $0xffff  }
0x1ca: {  	s16 =	sadd.s32 $0x1, s16  }
0x1cb: {  	p1 =	sne.s32 s16, $0x8  }
.Ltmp6:
0x1cc: {  	_ = 	snop;
	(pc) =	sbr.rel @p1 .LBB2_11-.Ltmp6, $4  }
0x1cd: {  	_ = 	snop  }
0x1ce: {  	s23 =	sadd.s32 $0x20, s17;
	v2 =	vmul.f32 v2, v3  }
0x1cf: {  	[tilespmem:s23+$0x0] =	vst v3  }
0x1d0: {  	s24 =	sadd.s32 $0x200, s24;
	s15 =	sadd.s32 $0x10, s15;
	s14 =	sadd.s32 $0x100, s14;
	[tilespmem:s23+$0xFFFFFFF0] =	vst v2  }
0x1d1: {  	v2 =	vld [tilespmem:$0x4FA0]  }
0x1d2: {  	v3 =	vld [tilespmem:$0x4FB0]  }
0x1d3: {  	v4 =	vld [tilespmem:$0x4FC0]  }
0x1d4: {  	v5 =	vld [tilespmem:$0x4FD0]  }
0x1d5: {  	v6 =	vld [tilespmem:$0x4FE0]  }
0x1d6: {  	v63 =	vld [tilespmem:$0x5010];
	[tilespmem:$0x50A0] =	vst v2  }
0x1d7: {  	v2 =	vld [tilespmem:$0x4FF0];
	[tilespmem:$0x50B0] =	vst v3  }
0x1d8: {  	v3 =	vld [tilespmem:$0x5000];
	[tilespmem:$0x50C0] =	vst v4  }
0x1d9: {  	[tilespmem:$0x50D0] =	vst v5  }
0x1da: {  	s2 =	sshll.u32 s7, $0x7;
	[tilespmem:$0x50E0] =	vst v6  }
0x1db: {  	s2 =	sadd.s32 s25, s2;
	[tilespmem:$0x5110] =	vst v63  }
0x1dc: {  	s6 =	rddreg [dreg:$0xe];
	s2 =	sshrl.u32 s2, $0x3;
	[tilespmem:$0x50F0] =	vst v2  }
0x1dd: {  	s21 =	smov.u32 s29;
	s16 =	smin.u32 s5, $0x4C;
	s2 =	sadd.s32 s6, s2;
	[tilespmem:$0x5100] =	vst v3  }
0x1de: {  	[hbm4b:s2+s0] =	stream.linear.scatter [tilespmem:s22], [sflag:$0x8], $0x80, $0x38;
	[tilespmem:$0x11220] =	vst v63  }
0x1df: {  	s10 =	simm.s32 $0x80;
	s14 =	simm.s32 $0x50A0;
	s2 =	sadd.s32 $0x3, s16  }
0x1e0: {  	s15 =	simm.s32 $0x10120;
	s23 =	rddreg [dreg:$0xc];
	s17 =	sshll.u32 s2, $0x7  }
0x1e1: {  	[spmem:s29] =	stream.indirect.scatter.add.f32 [tilespmem:s15], [sflag:$0xA], $0x20, s14, s10, $0xb8;
	[tilespmem:$0x11220] =	vst v63  }
0x1e2: {  	s24 =	rddreg [dreg:$0xd];
	s9 =	sadd.s32 $0x1, s9;
	s5 =	sadd.s32 s25, s17  }
0x1e3: {  	s26 =	rddreg [dreg:$0x14];
	p1 =	sne.s32 s9, $0x28;
	s5 =	sshrl.u32 s5, $0x3  }
0x1e4: {  	s2 =	sshll.u32 s2, $0xB;
	s10 =	simm.s32 $0x4EA0;
	s6 =	sadd.s32 s23, s5  }
0x1e5: {  	[tilespmem:s10], [sflag:$0x6] =	stream.linear.gather [hbm4b:s6+s0], $0x80, $0x38;
	[tilespmem:$0x11220] =	vst v63  }
.Ltmp7:
0x1e6: {  	s14 =	simm.s32 $0x4FA0;
	s2 =	sadd.s32 s26, s2;
	(pc) =	sbr.rel @p1 .LBB2_4-.Ltmp7, $4  }
0x1e7: {  	s29 =	rddreg [dreg:$0xb];
	s2 =	sshrl.u32 s2, $0x3;
	s5 =	sadd.s32 s24, s5  }
0x1e8: {  	[tilespmem:s14], [sflag:$0x6] =	stream.linear.gather [hbm4b:s5+s0], $0x80, $0x38;
	[tilespmem:$0x11220] =	vst v63  }
0x1e9: {  	s2 =	sadd.s32 s29, s2  }
0x1ea: {  	[tilespmem:s11], [sflag:$0x6] =	stream.linear.gather [hbm4b:s2+s0], $0x800, $0x38;
	[tilespmem:$0x11220] =	vst v63  }
0x1eb: {  	_ =	swait.ge [sflag:s18], $0x80  }
0x1ec: {  	[sflag:s18] =	ssyncset.done $0x0  }
0x1ed: {  	[sflag:s18] =	ssyncadd.s32 $0xFFFFFF80  }
0x1ee: {  	_ =	swait.ge [sflag:s18], $0x80  }
0x1ef: {  	[sflag:s18] =	ssyncset.done $0x0  }
0x1f0: {  	[sflag:s18] =	ssyncadd.s32 $0xFFFFFF80  }
0x1f1: {  	_ =	swait.ge [sflag:s18], $0x800  }
0x1f2: {  	[sflag:s18] =	ssyncset.done $0x0  }
0x1f3: {  	s2 =	simm.s32 $0x1;
	[sflag:s18] =	ssyncadd.s32 $0xFFFFF800  }
0x1f4: {  	_ =	swait.ge [sflag:s2], $0x1400  }
0x1f5: {  	[sflag:s2] =	ssyncset.done $0x0  }
0x1f6: {  	[sflag:s2] =	ssyncadd.s32 $0xFFFFEC00  }
0x1f7: {  	_ =	swait.ge [sflag:s2], $0x1000  }
0x1f8: {  	[sflag:s2] =	ssyncset.done $0x0  }
0x1f9: {  	[sflag:s2] =	ssyncadd.s32 $0xFFFFF000  }
0x1fa: {  	_ =	swait.ge [sflag:s3], $0x1400  }
0x1fb: {  	[sflag:s3] =	ssyncset.done $0x0  }
0x1fc: {  	[sflag:s3] =	ssyncadd.s32 $0xFFFFEC00  }
0x1fd: {  	_ =	swait.ge [sflag:s3], $0x1000  }
0x1fe: {  	[sflag:s3] =	ssyncset.done $0x0  }
0x1ff: {  	s5 =	simm.s32 $0x7;
	[sflag:s3] =	ssyncadd.s32 $0xFFFFF000  }
0x200: {  	_ =	swait.ge [sflag:s5], $0x80  }
0x201: {  	[sflag:s5] =	ssyncset.done $0x0  }
0x202: {  	s6 =	simm.s32 $0x9;
	[sflag:s5] =	ssyncadd.s32 $0xFFFFFF80  }
0x203: {  	_ =	swait.ge [sflag:s6], $0x1000  }
0x204: {  	[sflag:s6] =	ssyncset.done $0x0  }
0x205: {  	s7 =	simm.s32 $0x8;
	[sflag:s6] =	ssyncadd.s32 $0xFFFFF000  }
0x206: {  	_ =	swait.ge [sflag:s7], $0x80  }
0x207: {  	[sflag:s7] =	ssyncset.done $0x0  }
0x208: {  	s9 =	simm.s32 $0xA;
	[sflag:s7] =	ssyncadd.s32 $0xFFFFFF80  }
0x209: {  	_ =	swait.ge [sflag:s9], $0x1000  }
0x20a: {  	[sflag:s9] =	ssyncset.done $0x0  }
0x20b: {  	[sflag:s9] =	ssyncadd.s32 $0xFFFFF000  }
0x20c: {  	s15 =	stileid.u32;
	[bflag:$0x0] =	sbarrier.arrive $0xFFFF  }
0x20d: {  	s2 =	sshll.u32 s15, $0x6;
	s5 =	rddreg [dreg:$0x3]  }
0x20e: {  	s2 =	sor.u32 $0x1C0B, s2;
	s7 =	simm.s32 $0xB;
	s6 =	rddreg [dreg:$0x1f]  }
0x20f: {  	[hbm:s5], [sflag:s2] =	dma.local [spmem:s6], $0x140  }
0x210: {  	_ =	swait.ge [sflag:s7], $0x140  }
0x211: {  	s17 =	sld [smem:$0x7F6]  }
0x212: {  	[sflag:s7] =	ssyncset.done $0x0  }
0x213: {  	s16 =	rddreg [dreg:$0x4];
	[sflag:s7] =	ssyncadd.s32 $0xFFFFFEC0  }
0x214: {  	[hbm:s16], [sflag:s2] =	dma.local [spmem:s17], $0x140  }
0x215: {  	_ =	swait.ge [sflag:s7], $0x140  }
0x216: {  	s24 =	sld [smem:$0x7F7]  }
0x217: {  	[sflag:s7] =	ssyncset.done $0x0  }
0x218: {  	s23 =	rddreg [dreg:$0x5];
	[sflag:s7] =	ssyncadd.s32 $0xFFFFFEC0  }
0x219: {  	[hbm:s23], [sflag:s2] =	dma.local [spmem:s24], $0x140  }
0x21a: {  	_ =	swait.ge [sflag:s7], $0x140  }
0x21b: {  	s29 =	sld [smem:$0x7F8]  }
0x21c: {  	[sflag:s7] =	ssyncset.done $0x0  }
0x21d: {  	s26 =	rddreg [dreg:$0x6];
	[sflag:s7] =	ssyncadd.s32 $0xFFFFFEC0  }
0x21e: {  	[hbm:s26], [sflag:s2] =	dma.local [spmem:s29], $0x140  }
0x21f: {  	_ =	swait.ge [sflag:s7], $0x140  }
0x220: {  	s15 =	sld [smem:$0x7F9]  }
0x221: {  	[sflag:s7] =	ssyncset.done $0x0  }
0x222: {  	s9 =	rddreg [dreg:$0x7];
	[sflag:s7] =	ssyncadd.s32 $0xFFFFFEC0  }
0x223: {  	[hbm:s9], [sflag:s2] =	dma.local [spmem:s15], $0x140  }
0x224: {  	_ =	swait.ge [sflag:s7], $0x140  }
0x225: {  	s17 =	sld [smem:$0x7FA]  }
0x226: {  	[sflag:s7] =	ssyncset.done $0x0  }
0x227: {  	s16 =	rddreg [dreg:$0x8];
	[sflag:s7] =	ssyncadd.s32 $0xFFFFFEC0  }
0x228: {  	[hbm:s16], [sflag:s2] =	dma.local [spmem:s17], $0x140  }
0x229: {  	_ =	swait.ge [sflag:s7], $0x140  }
0x22a: {  	s24 =	sld [smem:$0x7FB]  }
0x22b: {  	[sflag:s7] =	ssyncset.done $0x0  }
0x22c: {  	s23 =	rddreg [dreg:$0x9];
	[sflag:s7] =	ssyncadd.s32 $0xFFFFFEC0  }
0x22d: {  	[hbm:s23], [sflag:s2] =	dma.local [spmem:s24], $0x140  }
0x22e: {  	_ =	swait.ge [sflag:s7], $0x140  }
0x22f: {  	s6 =	sld [smem:$0x7FC]  }
0x230: {  	[sflag:s7] =	ssyncset.done $0x0  }
0x231: {  	s5 =	rddreg [dreg:$0xa];
	[sflag:s7] =	ssyncadd.s32 $0xFFFFFEC0  }
0x232: {  	[hbm:s5], [sflag:s2] =	dma.local @!p0 [spmem:s6], $0x140  }
0x233: {  	s2 =	simm.s32 @!p0 $0xB  }
0x234: {  	_ =	swait.ge @!p0 [sflag:s2], $0x140  }
0x235: {  	s26 =	sld [smem:$0x7F5];
	_ =	sdelay $0x2  }
0x236: {  	s29 =	rddreg [dreg:$0x1e];
	s6 =	sadd.s32 $0x1, s26  }
0x237: {  	p1 =	sne.s32 s6, s29  }
.Ltmp8:
0x238: {  	_ = 	snop;
	(pc) =	sbr.rel @p1 .LBB2_1-.Ltmp8, $3  }
0x239: {  	_ =	sdelay $0x1  }
0x23a: {  	[sflag:s2] =	ssyncset.done @!p0 $0x0  }
0x23b: {  	[sflag:s2] =	ssyncadd.s32 @!p0 $0xFFFFFEC0  }
0x23c: {  	_ =	sfence.sel $0x180000  }
0x23d: {  	[bflag:$0x0] =	sbarrier.arrive $0xFFFF  }
0x23e: {  	_ =	strace $0x90000047  }
0x23f: {  	s0 =	stileid.u32;
	[bflag:$0x2] =	sbarrier.arrive $0xFFFF  }
0x240: {  	p0 =	sne.s32 s0, $0x0;
	s0 =	rddreg [dreg:$0x2]  }
0x241: {  	s0 =	sadd.s32 @!p0 $0x100000, s0  }
0x242: {  	[sflag:s0] =	ssyncadd.tile.s32 @!p0 $0x1;
	_ =	shalt  }
.Lfunc_end2:
_tile_overlayer_lowered:
.L_overlay_start_2:
0x243: {  	(tag) =	ssettag $0x2  }
0x244: {  	s0 =	rddreg [dreg:$0x0];
	s2 =	stileid.u32  }
0x245: {  	s1 =	rddreg [dreg:$0x1];
	p0 =	sne.s32 s2, $0x0  }
0x246: {  	s3 =	rddreg [dreg:$0x2];
	[bflag:$0x3] =	sbarrier.arrive $0xFFFF;
	s2 =	simm.s32 @!p0 $0x1C0B  }
0x247: {  	[timem:s3], [sflag:s2] =	dma.local @!p0 [hbm:s0], s1  }
0x248: {  	s0 =	simm.s32 @!p0 $0xB  }
0x249: {  	_ =	swait.ge @!p0 [sflag:s0], s1  }
0x24a: {  	s1 =	ssub.s32 @!p0 $0x0, s1;
	[sflag:s0] =	ssyncset.done @!p0 $0x0  }
0x24b: {  	[sflag:s0] =	ssyncadd.s32 @!p0 s1  }
0x24c: {  	[bflag:$0x3] =	sbarrier.arrive $0xFFFF  }
0x24d: {  	_ =	shalt  }

// kernel: kernel.9.cloned.1.call-start
scs
__scs_entry_jumppad:
0x0: {  	(pc) =	sbr.rel $0x88, $3  }
0x1: {  	(tag) =	ssettag $0x0;
	lr =	simm.s32 $0x1  }
0x2: {  	[smem:$0x3F91] =	sst lr;
	_ =	strace $0xD0000000  }
0x3: {  	_ = 	snop  }
0x4: {  	_ = 	snop  }
0x5: {  	_ = 	snop  }
0x6: {  	_ = 	snop  }
0x7: {  	_ = 	snop  }
__scs_overlays_trampoline_lowered:
0x8: {  	[smem:$0x3FA0] =	sst s0  }
0x9: {  	[smem:$0x3FA1] =	sst s1  }
0xa: {  	[smem:$0x3FA2] =	sst s2  }
0xb: {  	[smem:$0x3FA3] =	sst s3  }
0xc: {  	[smem:$0x3FA4] =	sst s4  }
0xd: {  	[smem:$0x3FA5] =	sst s5  }
0xe: {  	[smem:$0x3FA6] =	sst s6  }
0xf: {  	[smem:$0x3FA7] =	sst s7  }
0x10: {  	[smem:$0x3FA8] =	sst s8  }
0x11: {  	[smem:$0x3FA9] =	sst s9;
	s0 =	simm.s32 @!p0 $0x0  }
0x12: {  	s1 =	sld [smem:$0x3F8F];
	s0 =	simm.s32 @p0 $0x1  }
0x13: {  	[smem:$0x3FAA] =	sst s0;
	s0 =	simm.s32 @!p1 $0x0  }
0x14: {  	s2 =	sld [smem:$0x3F8E];
	s0 =	simm.s32 @p1 $0x1  }
0x15: {  	[smem:$0x3FAB] =	sst s0;
	s0 =	simm.s32 @!p2 $0x0  }
0x16: {  	s3 =	sld [smem:$0x3FDB];
	s0 =	simm.s32 @p2 $0x1  }
0x17: {  	s4 =	simm.s32 $0x1BF5;
	[smem:$0x3FAD] =	sst s0  }
0x18: {  	s0 =	sld [smem:$0x3F90];
	_ =	swait.ge [sflag:s4], $0x0  }
0x19: {  	s7 =	sld [smem:$0x3F91]  }
0x1a: {  	s8 =	sadd.s32 $0xFFFFE003, lr  }
0x1b: {  	s9 =	sadd.s32 $0xFFFFFEF7, lr;
	s5 =	simm.s32 $0xFFFFFFFF;
	p2 =	slt.u32 s8, $0xFFFFF086  }
0x1c: {  	p1 =	slt.u32 s9, $0xF7A;
	s5 =	simm.s32 @!p2 $0x0  }
0x1d: {  	s5 =	simm.s32 @p1 $0x1;
	p0 =	seq.s32 s7, s2  }
0x1e: {  	s7 =	smul.u32 @!p0 $0xF7A, s2;
	p2 =	seq.s32 @!p0 s5, $0x0  }
0x1f: {  	s9 =	smul.u32 $0xF7A, s1;
	s8 =	simm.s32 @!p0 $0x1BF5;
	p2 =	por !p2, p0  }
0x20: {  	[sflag:s8] =	ssyncset.s32 @!p0 $0xFFFFF086;
	s6 =	sadd.s32 @!p0 s3, s7;
	s7 =	simm.s32 @!p0 $0x108  }
0x21: {  	s3 =	sadd.s32 s3, s9;
	s6 =	sadd.s32 @!p0 $0x88, s6;
	s7 =	simm.s32 @p2 $0x1082  }
0x22: {  	[simem:s7], [sflag:s8] =	dma.local @!p0 [hbm:s6], $0xF7A  }
0x23: {  	s9 =	sor.u32 $0xD0000000, s2;
	s6 =	simm.s32 $0x108;
	_ =	swait.ge @!p0 [sflag:s8], $0x0  }
0x24: {  	s3 =	sadd.s32 $0x88, s3;
	s6 =	simm.s32 @!p1 $0x1082;
	[sflag:s4] =	ssyncset.s32 $0xFFFFF086  }
0x25: {  	[simem:s6], [sflag:s4] =	dma.local [hbm:s3], $0xF7A  }
0x26: {  	[smem:$0x3F91] =	sst s1;
	(tag) =	ssettag s2;
	_ =	strace s9  }
0x27: {  	s1 =	sld [smem:$0x3FA1]  }
0x28: {  	s2 =	sld [smem:$0x3FA2]  }
0x29: {  	s4 =	sld [smem:$0x3FA4]  }
0x2a: {  	p0 =	seq.s32 s5, $0x0;
	s5 =	sld [smem:$0x3FA5]  }
0x2b: {  	s6 =	sld [smem:$0x3FA6]  }
0x2c: {  	s7 =	sld [smem:$0x3FA7]  }
0x2d: {  	s3 =	simm.s32 $0x108;
	s8 =	sld [smem:$0x3FA8]  }
0x2e: {  	s3 =	simm.s32 @!p0 $0x1082;
	s9 =	sld [smem:$0x3FA9]  }
0x2f: {  	lr =	sadd.s32 s0, s3;
	s0 =	sld [smem:$0x3FA0]  }
0x30: {  	s3 =	sld [smem:$0x3FA3]  }
0x31: {  	[smem:$0x3FAC] =	sst s10  }
0x32: {  	s10 =	sld [smem:$0x3FAA];
	_ =	sdelay $0x3  }
0x33: {  	p0 =	seq.s32 s10, $0x1;
	s10 =	sld [smem:$0x3FAC];
	_ =	sdelay $0x3  }
0x34: {  	[smem:$0x3FAC] =	sst s10  }
0x35: {  	s10 =	sld [smem:$0x3FAB];
	_ =	sdelay $0x3  }
0x36: {  	p1 =	seq.s32 s10, $0x1;
	s10 =	sld [smem:$0x3FAC];
	_ =	sdelay $0x3  }
0x37: {  	[smem:$0x3FAC] =	sst s10  }
0x38: {  	s10 =	sld [smem:$0x3FAD]  }
0x39: {  	_ = 	snop;
	(pc) =	sbr.ind lr, $3  }
0x3a: {  	_ = 	snop  }
0x3b: {  	_ = 	snop  }
0x3c: {  	p2 =	seq.s32 s10, $0x1;
	s10 =	sld [smem:$0x3FAC]  }
0x3d: {  	_ =	shalt  }
0x3e: {  	_ =	shalt  }
0x3f: {  	_ =	shalt  }
0x40: {  	_ =	shalt  }
0x41: {  	_ =	shalt  }
0x42: {  	_ =	shalt  }
0x43: {  	_ =	shalt  }
0x44: {  	_ =	shalt  }
0x45: {  	_ =	shalt  }
0x46: {  	_ =	shalt  }
0x47: {  	_ =	shalt  }
0x48: {  	_ =	shalt  }
0x49: {  	_ =	shalt  }
0x4a: {  	_ =	shalt  }
0x4b: {  	_ =	shalt  }
0x4c: {  	_ =	shalt  }
0x4d: {  	_ =	shalt  }
0x4e: {  	_ =	shalt  }
0x4f: {  	_ =	shalt  }
0x50: {  	_ =	shalt  }
0x51: {  	_ =	shalt  }
0x52: {  	_ =	shalt  }
0x53: {  	_ =	shalt  }
0x54: {  	_ =	shalt  }
0x55: {  	_ =	shalt  }
0x56: {  	_ =	shalt  }
0x57: {  	_ =	shalt  }
0x58: {  	_ =	shalt  }
0x59: {  	_ =	shalt  }
0x5a: {  	_ =	shalt  }
0x5b: {  	_ =	shalt  }
0x5c: {  	_ =	shalt  }
0x5d: {  	_ =	shalt  }
0x5e: {  	_ =	shalt  }
0x5f: {  	_ =	shalt  }
0x60: {  	_ =	shalt  }
0x61: {  	_ =	shalt  }
0x62: {  	_ =	shalt  }
0x63: {  	_ =	shalt  }
0x64: {  	_ =	shalt  }
0x65: {  	_ =	shalt  }
0x66: {  	_ =	shalt  }
0x67: {  	_ =	shalt  }
0x68: {  	_ =	shalt  }
0x69: {  	_ =	shalt  }
0x6a: {  	_ =	shalt  }
0x6b: {  	_ =	shalt  }
0x6c: {  	_ =	shalt  }
0x6d: {  	_ =	shalt  }
0x6e: {  	_ =	shalt  }
0x6f: {  	_ =	shalt  }
0x70: {  	_ =	shalt  }
0x71: {  	_ =	shalt  }
0x72: {  	_ =	shalt  }
0x73: {  	_ =	shalt  }
0x74: {  	_ =	shalt  }
0x75: {  	_ =	shalt  }
0x76: {  	_ =	shalt  }
0x77: {  	_ =	shalt  }
0x78: {  	_ =	shalt  }
0x79: {  	_ =	shalt  }
0x7a: {  	_ =	shalt  }
0x7b: {  	_ =	shalt  }
0x7c: {  	_ =	shalt  }
0x7d: {  	_ =	shalt  }
0x7e: {  	_ =	shalt  }
0x7f: {  	_ =	shalt  }
0x80: {  	_ =	shalt  }
0x81: {  	_ =	shalt  }
0x82: {  	_ =	shalt  }
0x83: {  	_ =	shalt  }
0x84: {  	_ =	shalt  }
0x85: {  	_ =	shalt  }
0x86: {  	_ =	shalt  }
0x87: {  	_ =	shalt  }
.Lfunc_end0:
.L_simem_size_0:
called_computation.1_lowered:
.L_overlay_start_0:
0x88: {  	s2 =	sld [smem:$0x3FD9]  }
0x89: {  	s3 =	sld [smem:$0x3FFE];
	_ =	sdelay $0x1  }
0x8a: {  	s1 =	srdreg.scid  }
0x8b: {  	s0 =	sand.u32 $0x1, s1  }
0x8c: {  	s17 =	sshll.u32 s0, $0xA;
	s2 =	sadd.s32 s3, s2  }
0x8d: {  	s2 =	sadd.s32 s2, s17  }
0x8e: {  	[smem:$0x3FB8] =	sst s2  }
0x8f: {  	_ = 	snop  }
0x90: {  	s2 =	sld [smem:$0x3FD0];
	(tm) =	ssettm $0x1  }
0x91: {  	s18 =	sld [smem:$0x3FFB];
	_ =	sdelay $0x3  }
0x92: {  	_ =	strace s18  }
0x93: {  	s3 =	sld [smem:$0x3FFC];
	_ =	sdelay $0x3  }
0x94: {  	_ =	strace s3  }
0x95: {  	s3 =	sld [smem:$0x3FFD];
	_ =	sdelay $0x3  }
0x96: {  	_ =	strace s3  }
0x97: {  	_ =	strace $0x8FFFFFFF  }
0x98: {  	s19 =	sld [smem:$0x3FDB];
	_ =	sdelay $0x1  }
0x99: {  	s4 =	simm.s32 $_scs_section_size  }
0x9a: {  	s5 =	simm.s32 $_size__tile_overlayer_lowered;
	s6 =	simm.s32 $_tile_overlayer_lowered  }
0x9b: {  	s22 =	simm.s32 $0x1BFF;
	s21 =	sshll.u32 s6, $0x1;
	s3 =	sadd.s32 s4, s19  }
0x9c: {  	s7 =	simm.s32 $0x0;
	s20 =	sshll.u32 s5, $0x1;
	s5 =	sadd.s32 s21, s3  }
0x9d: {  	[timem:s7], [sflag:s22] =	dma.local [hbm:s5], s20  }
0x9e: {  	_ =	swait.ge [sflag:s22], s20  }
0x9f: {  	s4 =	ssub.s32 $0x0, s20;
	[sflag:s22] =	ssyncset.done $0x0  }
0xa0: {  	[sflag:s22] =	ssyncadd.s32 s4;
	_ =	sdelay $0x1  }
0xa1: {  	s23 =	simm.s32 $0x1B8B  }
0xa2: {  	_ =	swait.ge [sflag:s23], $0x1  }
0xa3: {  	[sflag:s23] =	ssyncset.done $0x0  }
0xa4: {  	s25 =	simm.s32 $0x1B8E;
	s24 =	sld [smem:$0x3FFE];
	[sflag:s23] =	ssyncadd.s32 $0xFFFFFFFF  }
0xa5: {  	s26 =	simm.s32 $execute0_lowered;
	[smem:$0x3FD2] =	sst s25  }
0xa6: {  	s5 =	sshll.u32 s26, $0x1;
	_ =	strace $0x80000049;
	[dreg:$0x1] =	wrdreg $0xFFFFFFFF  }
0xa7: {  	s28 =	simm.s32 $_size_execute0_lowered;
	s3 =	sadd.s32 s3, s5;
	[dreg:$0x0] =	wrdreg $0x0  }
0xa8: {  	s5 =	sshll.u32 s28, $0x1;
	[dreg:$0x2] =	wrdreg s3  }
0xa9: {  	[dreg:$0x3] =	wrdreg s5  }
0xaa: {  	[dreg:$0x4] =	wrdreg $0xC0  }
0xab: {  	_ =	task [dreg:s7], $0x5FFFF  }
0xac: {  	[dreg:$0x1] =	wrdreg $0xFFFFFFFF  }
0xad: {  	[dreg:$0x0] =	wrdreg $0x60  }
0xae: {  	[dreg:$0x2] =	wrdreg s2  }
0xaf: {  	[dreg:$0x3] =	wrdreg s24  }
0xb0: {  	[dreg:$0x4] =	wrdreg $0x0  }
0xb1: {  	[dreg:$0x5] =	wrdreg $0x9  }
0xb2: {  	_ =	task.clear_ibuf [dreg:s7], $0x6FFFF;
	_ =	strace $0x90000049  }
0xb3: {  	s29 =	simm.s32 $0x9;
	_ =	strace $0x8000004B  }
0xb4: {  	_ =	swait.ge [sflag:s29], $0x1  }
0xb5: {  	[sflag:s29] =	ssyncadd.s32 $0xFFFFFFFF  }
0xb6: {  	_ =	strace $0x9000004B  }
0xb7: {  	_ =	sfence  }
0xb8: {  	s30 =	sld [smem:$0x0];
	_ =	sdelay $0x2  }
0xb9: {  	s31 =	sshll.u32 s1, $0xD;
	s1 =	sshrl.u32 s1, $0x2  }
0xba: {  	s3 =	sand.u32 $0x4000, s31;
	s1 =	sadd.s32 s1, s30  }
0xbb: {  	s0 =	sor.u32 s3, s0;
	s1 =	sshll.u32 s1, $0x11  }
0xbc: {  	s0 =	sor.u32 s1, s0  }
0xbd: {  	s0 =	sadd.s32 $0x8F2B, s0  }
0xbe: {  	[sflag:s0] =	ssyncadd.remote.s32 $0x1  }
0xbf: {  	_ =	sfence.sel $0xFFFF  }
0xc0: {  	[dreg:$0x0] =	wrdreg $0xFFFFFFFF;
	(pc) =	sbr.abs _section_cstart, $3  }
0xc1: {  	[dreg:$0x1] =	wrdreg $0xFFFFFFFF  }
0xc2: {  	_ =	task.clear_ibuf [dreg:s7], $0x2FFFF;
	_ =	strace $0x9FFFFFFF  }
0xc3: {  	(tm) =	ssettm $0x7FFFFFFF  }
tec
execute0_lowered:
.L_overlay_start_1:
0x0: {  	(tag) =	ssettag $0x1  }
0x1: {  	s0 =	srdreg.scid  }
0x2: {  	s25 =	stileid.u32;
	s9 =	rddreg [dreg:$0x1]  }
0x3: {  	s1 =	simm.s32 $0x0;
	s28 =	simm.s32 $0x17C80;
	s3 =	sor.u32 $0x10, s25  }
0x4: {  	s29 =	simm.s32 $0x1;
	s11 =	sand.u32 $0x1, s0;
	s12 =	smul.u32 $0xA000, s3  }
0x5: {  	[smem:$0x7FF] =	sst s1;
	s13 =	sadd.s32 $0x2B400, s9;
	s10 =	smul.u32 $0x138800, s11  }
0x6: {  	s14 =	sor.u32 $0x20, s25;
	s16 =	sor.u32 $0x30, s25;
	s3 =	smul.u32 $0x2800, s3  }
0x7: {  	s17 =	sor.u32 $0x40, s25;
	s19 =	sor.u32 $0x60, s25;
	s4 =	smul.u32 $0x2800, s14  }
0x8: {  	s20 =	sor.u32 $0x70, s25;
	s0 =	ssub.s32 $0x2, s11;
	s21 =	smul.u32 $0x2800, s19  }
0x9: {  	s18 =	sor.u32 $0x50, s25;
	s22 =	smul.u32 $0x2800, s20;
	s2 =	sshrl.u32 s0, $0x1  }
0xa: {  	p0 =	sgt.u32 s25, $0xC;
	s0 =	ssub.s32 s0, s2;
	s2 =	smul.u32 $0x2800, s25  }
0xb: {  	s6 =	sadd.s32 s10, s3;
	s24 =	sadd.s32 s10, s4;
	s23 =	sadd.s32 s10, s21  }
0xc: {  	s12 =	sshrl.u32 s12, $0x2;
	s6 =	sshrl.u32 s6, $0x3;
	s15 =	sshrl.u32 s24, $0x3  }
0xd: {  	s5 =	sadd.s32 s2, s10;
	s6 =	sadd.s32 s13, s6;
	s15 =	sadd.s32 s13, s15  }
0xe: {  	s7 =	sshrl.u32 s5, $0x3;
	s5 =	smul.u32 $0x2800, s16;
	[dreg:$0x5] =	wrdreg s6  }
0xf: {  	s0 =	smax.u32 s0, $0x1;
	s6 =	smul.u32 $0x2800, s17;
	[dreg:$0x6] =	wrdreg s15  }
0x10: {  	s17 =	smul.u32 $0xA000, s17;
	s7 =	sadd.s32 s13, s7;
	s8 =	sadd.s32 s10, s5  }
0x11: {  	[dreg:$0x4] =	wrdreg s7;
	s7 =	smul.u32 $0x2800, s18;
	s8 =	sshrl.u32 s8, $0x3  }
0x12: {  	s26 =	sadd.s32 s10, s6;
	s18 =	smul.u32 $0xA000, s18;
	s8 =	sadd.s32 s13, s8  }
0x13: {  	s30 =	sadd.s32 s10, s7;
	[dreg:$0x7] =	wrdreg s8;
	s8 =	sshrl.u32 s26, $0x3  }
0x14: {  	s15 =	sshrl.u32 s30, $0x3;
	s26 =	sshll.u32 s11, $0x4;
	s8 =	sadd.s32 s13, s8  }
0x15: {  	s11 =	smul.u32 $0xA000, s16;
	[dreg:$0x8] =	wrdreg s8;
	s8 =	sadd.s32 s13, s15  }
0x16: {  	s15 =	sshrl.u32 s23, $0x3;
	s23 =	sadd.s32 s10, s22;
	s10 =	rddreg [dreg:$0x2]  }
0x17: {  	s17 =	sshrl.u32 s17, $0x2;
	s11 =	sshrl.u32 s11, $0x2;
	[dreg:$0x9] =	wrdreg s8  }
0x18: {  	s8 =	rddreg [dreg:$0x0];
	s15 =	sadd.s32 s13, s15;
	s24 =	sshrl.u32 s23, $0x3  }
0x19: {  	s23 =	smul.u32 $0xA000, s14;
	s14 =	sadd.s32 $0xF7600, s9;
	s12 =	sadd.s32 s12, s10  }
0x1a: {  	s11 =	sadd.s32 s11, s10;
	s17 =	sadd.s32 s17, s10;
	s2 =	sadd.s32 s2, s10  }
0x1b: {  	s3 =	sadd.s32 s3, s10;
	s4 =	sadd.s32 s4, s10;
	s5 =	sadd.s32 s5, s10  }
0x1c: {  	s6 =	sadd.s32 s6, s10;
	[dreg:$0xa] =	wrdreg s15;
	s13 =	sadd.s32 s13, s24  }
0x1d: {  	s7 =	sadd.s32 s7, s10;
	s24 =	smul.u32 $0xA000, s25;
	[dreg:$0xb] =	wrdreg s13  }
0x1e: {  	s15 =	sadd.s32 $0x101600, s9;
	_ =	strace $0x8000004A;
	[dreg:$0xd] =	wrdreg s12  }
0x1f: {  	s13 =	sadd.s32 $0x11F000, s9;
	s9 =	sor.u32 s25, s26;
	[dreg:$0xf] =	wrdreg s11  }
0x20: {  	s26 =	smul.u32 $0xA000, s19;
	s25 =	sshrl.u32 s6, $0x3;
	[dreg:$0x10] =	wrdreg s17  }
0x21: {  	s6 =	simm.s32 $0x0;
	s30 =	sshrl.u32 s24, $0x2;
	[dreg:$0x1a] =	wrdreg s0  }
0x22: {  	s24 =	sshrl.u32 s23, $0x2;
	s9 =	smul.u32 $0x2800, s9;
	[dreg:$0x1f] =	wrdreg s25  }
0x23: {  	s25 =	simm.s32 $0x13C00;
	s16 =	sadd.s32 s30, s10;
	s12 =	sadd.s32 s24, s10  }
0x24: {  	s30 =	smul.u32 $0xA000, s20;
	s20 =	sshrl.u32 s26, $0x2;
	[dreg:$0xc] =	wrdreg s16  }
0x25: {  	[dreg:$0xe] =	wrdreg s12;
	s16 =	sshrl.u32 s18, $0x2;
	s11 =	sadd.s32 s20, s10  }
0x26: {  	s20 =	sadd.s32 s21, s10;
	s21 =	sshrl.u32 s2, $0x3;
	[dreg:$0x12] =	wrdreg s11  }
0x27: {  	s23 =	sshrl.u32 s9, $0x3;
	s19 =	sadd.s32 s16, s10;
	[dreg:$0x1b] =	wrdreg s21  }
0x28: {  	s31 =	sor.u32 $0x100, s9;
	s26 =	sadd.s32 s14, s23;
	[dreg:$0x11] =	wrdreg s19  }
0x29: {  	s12 =	sshrl.u32 s30, $0x2;
	s30 =	sadd.s32 s15, s23;
	[dreg:$0x14] =	wrdreg s26  }
0x2a: {  	s9 =	sor.u32 $0x180, s9;
	s24 =	sadd.s32 s12, s10;
	[dreg:$0x15] =	wrdreg s30  }
0x2b: {  	s17 =	sor.u32 $0x10, s23;
	s12 =	sadd.s32 s13, s23;
	[dreg:$0x13] =	wrdreg s24  }
0x2c: {  	s2 =	simm.s32 $0x2;
	s18 =	sadd.s32 s14, s17;
	[dreg:$0x16] =	wrdreg s12  }
0x2d: {  	s16 =	simm.s32 $0x13C80;
	s19 =	sadd.s32 s15, s17;
	[dreg:$0x17] =	wrdreg s18  }
0x2e: {  	s21 =	simm.s32 $0x3;
	s11 =	sadd.s32 s13, s17;
	[dreg:$0x18] =	wrdreg s19  }
0x2f: {  	s23 =	sshrl.u32 s4, $0x3;
	s26 =	sshrl.u32 s7, $0x3;
	[dreg:$0x19] =	wrdreg s11  }
0x30: {  	s30 =	sshrl.u32 s20, $0x3;
	s17 =	simm.s32 $0x7;
	[dreg:$0x1d] =	wrdreg s23  }
0x31: {  	s20 =	simm.s32 $0x13B80;
	s12 =	sadd.s32 s22, s10;
	[smem:$0x7FB] =	sst s26  }
0x32: {  	s22 =	sshrl.u32 s3, $0x3;
	s24 =	sshrl.u32 s5, $0x3;
	[smem:$0x7FC] =	sst s30  }
0x33: {  	s18 =	simm.s32 $0x13880;
	s19 =	simm.s32 $0x13980;
	s23 =	simm.s32 $0x13900  }
0x34: {  	s26 =	simm.s32 $0x4;
	s3 =	simm.s32 $0x13B00;
	[dreg:$0x1c] =	wrdreg s22  }
0x35: {  	[dreg:$0x1e] =	wrdreg s24;
	s0 =	sshrl.u32 @!p0 s12, $0x3;
	s22 =	simm.s32 $0x80  }
0x36: {  	v0 =	vimm.f32 $0.0e+00;
	s24 =	simm.s32 $0x13A00;
	[smem:$0x7FD] =	sst s0;
	s0 =	simm.s32 $0x5  }
.LBB2_1:
0x37: {  	[smem:$0x7FA] =	sst s6;
	s4 =	simm.s32 $0x0;
	s5 =	simm.s32 $0x200  }
.LBB2_2:
0x38: {  	p1 =	sne.s32 s5, $0xFE00;
	[tilespmem:s4+$0x13CF0] =	vst v0  }
0x39: {  	[tilespmem:s4+$0x13C80] =	vst v0  }
0x3a: {  	[tilespmem:s4+$0x13C90] =	vst v0  }
.Ltmp0:
0x3b: {  	[tilespmem:s4+$0x13CA0] =	vst v0;
	(pc) =	sbr.rel @p1 .LBB2_2-.Ltmp0, $4  }
0x3c: {  	[tilespmem:s4+$0x13CB0] =	vst v0  }
0x3d: {  	[tilespmem:s4+$0x13CC0] =	vst v0  }
0x3e: {  	[tilespmem:s4+$0x13CD0] =	vst v0  }
0x3f: {  	[tilespmem:s4+$0x13CE0] =	vst v0;
	s4 =	sshra.s32 s5, $0x2;
	s5 =	sadd.s32 $0x200, s5  }
0x40: {  	[tilespmem:s4+$0x13CF0] =	vst v0  }
0x41: {  	[tilespmem:s4+$0x13C80] =	vst v0  }
0x42: {  	[tilespmem:s4+$0x13C90] =	vst v0  }
0x43: {  	[tilespmem:s4+$0x13CA0] =	vst v0  }
0x44: {  	[tilespmem:s4+$0x13CB0] =	vst v0  }
0x45: {  	[tilespmem:s4+$0x13CC0] =	vst v0  }
0x46: {  	[tilespmem:s4+$0x13CD0] =	vst v0  }
0x47: {  	[tilespmem:s4+$0x13CE0] =	vst v0;
	s12 =	rddreg [dreg:$0xc]  }
0x48: {  	[spmem:s12] =	stream.linear.scatter [tilespmem:s16], [sflag:$0x7], $0x2800, $0x38;
	[tilespmem:$0x1BC80] =	vst v63  }
0x49: {  	_ =	swait.ge [sflag:s17], $0x2800  }
0x4a: {  	[sflag:s17] =	ssyncset.done $0x0  }
0x4b: {  	s30 =	rddreg [dreg:$0xd];
	[sflag:s17] =	ssyncadd.s32 $0xFFFFD800  }
0x4c: {  	[spmem:s30] =	stream.linear.scatter [tilespmem:s16], [sflag:$0x7], $0x2800, $0x38;
	[tilespmem:$0x1BC80] =	vst v63  }
0x4d: {  	_ =	swait.ge [sflag:s17], $0x2800  }
0x4e: {  	[sflag:s17] =	ssyncset.done $0x0  }
0x4f: {  	s5 =	rddreg [dreg:$0xe];
	[sflag:s17] =	ssyncadd.s32 $0xFFFFD800  }
0x50: {  	[spmem:s5] =	stream.linear.scatter [tilespmem:s16], [sflag:$0x7], $0x2800, $0x38;
	[tilespmem:$0x1BC80] =	vst v63  }
0x51: {  	_ =	swait.ge [sflag:s17], $0x2800  }
0x52: {  	[sflag:s17] =	ssyncset.done $0x0  }
0x53: {  	s6 =	rddreg [dreg:$0xf];
	[sflag:s17] =	ssyncadd.s32 $0xFFFFD800  }
0x54: {  	[spmem:s6] =	stream.linear.scatter [tilespmem:s16], [sflag:$0x7], $0x2800, $0x38;
	[tilespmem:$0x1BC80] =	vst v63  }
0x55: {  	_ =	swait.ge [sflag:s17], $0x2800  }
0x56: {  	[sflag:s17] =	ssyncset.done $0x0  }
0x57: {  	s7 =	rddreg [dreg:$0x10];
	[sflag:s17] =	ssyncadd.s32 $0xFFFFD800  }
0x58: {  	[spmem:s7] =	stream.linear.scatter [tilespmem:s16], [sflag:$0x7], $0x2800, $0x38;
	[tilespmem:$0x1BC80] =	vst v63  }
0x59: {  	_ =	swait.ge [sflag:s17], $0x2800  }
0x5a: {  	[sflag:s17] =	ssyncset.done $0x0  }
0x5b: {  	s11 =	rddreg [dreg:$0x11];
	[sflag:s17] =	ssyncadd.s32 $0xFFFFD800  }
0x5c: {  	[spmem:s11] =	stream.linear.scatter [tilespmem:s16], [sflag:$0x7], $0x2800, $0x38;
	[tilespmem:$0x1BC80] =	vst v63  }
0x5d: {  	_ =	swait.ge [sflag:s17], $0x2800  }
0x5e: {  	[sflag:s17] =	ssyncset.done $0x0  }
0x5f: {  	s12 =	rddreg [dreg:$0x12];
	[sflag:s17] =	ssyncadd.s32 $0xFFFFD800  }
0x60: {  	[spmem:s12] =	stream.linear.scatter [tilespmem:s16], [sflag:$0x7], $0x2800, $0x38;
	[tilespmem:$0x1BC80] =	vst v63  }
0x61: {  	_ =	swait.ge [sflag:s17], $0x2800  }
0x62: {  	[sflag:s17] =	ssyncset.done $0x0  }
0x63: {  	s4 =	simm.s32 @!p0 $0x13C80;
	s5 =	rddreg [dreg:$0x13];
	[sflag:s17] =	ssyncadd.s32 $0xFFFFD800  }
0x64: {  	[spmem:s5] =	stream.linear.scatter @!p0 [tilespmem:s4], [sflag:$0x7], $0x2800, $0x38;
	[tilespmem:$0x1BC80] =	vst v63  }
0x65: {  	s4 =	simm.s32 @!p0 $0x7  }
0x66: {  	_ =	swait.ge @!p0 [sflag:s4], $0x2800  }
0x67: {  	[sflag:s4] =	ssyncset.done @!p0 $0x0  }
0x68: {  	[sflag:s4] =	ssyncadd.s32 @!p0 $0xFFFFD800  }
0x69: {  	[bflag:$0x0] =	sbarrier.arrive $0xFFFF  }
0x6a: {  	s6 =	simm.s32 $0x0;
	s30 =	rddreg [dreg:$0x14]  }
0x6b: {  	[tilespmem:s18], [sflag:$0x3] =	stream.linear.gather [hbm4b:s30+s6], $0x80, $0x38;
	[tilespmem:$0x1BC80] =	vst v63  }
0x6c: {  	s5 =	rddreg [dreg:$0x15]  }
0x6d: {  	[tilespmem:s19], [sflag:$0x3] =	stream.linear.gather [hbm4b:s5+s6], $0x80, $0x38;
	[tilespmem:$0x1BC80] =	vst v63  }
0x6e: {  	s7 =	rddreg [dreg:$0x16]  }
0x6f: {  	[tilespmem:s20], [sflag:$0x3] =	stream.linear.gather [hbm4b:s7+s6], $0x80, $0x38;
	[tilespmem:$0x1BC80] =	vst v63  }
0x70: {  	_ =	swait.ge [sflag:s21], $0x80  }
0x71: {  	[sflag:s21] =	ssyncset.done $0x0  }
0x72: {  	[sflag:s21] =	ssyncadd.s32 $0xFFFFFF80  }
0x73: {  	_ =	swait.ge [sflag:s21], $0x80  }
0x74: {  	[sflag:s21] =	ssyncset.done $0x0  }
0x75: {  	[sflag:s21] =	ssyncadd.s32 $0xFFFFFF80  }
0x76: {  	_ =	swait.ge [sflag:s21], $0x80  }
0x77: {  	[sflag:s21] =	ssyncset.done $0x0  }
0x78: {  	[sflag:s21] =	ssyncadd.s32 $0xFFFFFF80  }
0x79: {  	[tilespmem:s16], [sflag:$0x1] =	stream.indirect.gather [hbm4b:s8+s22], $0x80, s18, s22, $0xb8;
	[tilespmem:$0x1BC80] =	vst v63  }
0x7a: {  	s11 =	rddreg [dreg:$0x17]  }
0x7b: {  	[tilespmem:s23], [sflag:$0x4] =	stream.linear.gather [hbm4b:s11+s6], $0x80, $0x38;
	[tilespmem:$0x1BC80] =	vst v63  }
0x7c: {  	s12 =	rddreg [dreg:$0x18]  }
0x7d: {  	[tilespmem:s24], [sflag:$0x4] =	stream.linear.gather [hbm4b:s12+s6], $0x80, $0x38;
	[tilespmem:$0x1BC80] =	vst v63  }
0x7e: {  	s7 =	simm.s32 $0x0;
	s30 =	rddreg [dreg:$0x19]  }
0x7f: {  	[tilespmem:s25], [sflag:$0x4] =	stream.linear.gather [hbm4b:s30+s6], $0x80, $0x38;
	[tilespmem:$0x1BC80] =	vst v63  }
.LBB2_4:
0x80: {  	_ =	swait.ge [sflag:s26], $0x80  }
0x81: {  	[sflag:s26] =	ssyncset.done $0x0  }
0x82: {  	[sflag:s26] =	ssyncadd.s32 $0xFFFFFF80  }
0x83: {  	_ =	swait.ge [sflag:s26], $0x80  }
0x84: {  	[sflag:s26] =	ssyncset.done $0x0  }
0x85: {  	[sflag:s26] =	ssyncadd.s32 $0xFFFFFF80  }
0x86: {  	_ =	swait.ge [sflag:s26], $0x80  }
0x87: {  	p1 =	seq.s32 s7, $0x0;
	[sflag:s26] =	ssyncset.done $0x0  }
0x88: {  	s4 =	simm.s32 @!p1 $0x6;
	[sflag:s26] =	ssyncadd.s32 $0xFFFFFF80  }
0x89: {  	v1 =	vmov s6;
	_ =	swait.ge @!p1 [sflag:s4], $0x4000  }
0x8a: {  	v1 =	vand.u32 $0xFFFFFFFE, v1;
	[sflag:s4] =	ssyncset.done @!p1 $0x0  }
0x8b: {  	v2 =	vbroadcast v1, $0x0;
	[sflag:s4] =	ssyncadd.s32 @!p1 $0xFFFFC000  }
0x8c: {  	[tilespmem:s28], [sflag:$0x2] =	stream.indirect.gather [hbm4b:s8+s22], $0x80, s23, s22, $0xb8;
	[tilespmem:$0x1BC80] =	vst v63  }
0x8d: {  	_ =	swait.ge [sflag:s29], $0x4000  }
0x8e: {  	[sflag:s29] =	ssyncset.done $0x0  }
0x8f: {  	s12 =	simm.s32 $0x13D00;
	[sflag:s29] =	ssyncadd.s32 $0xFFFFC000  }
0x90: {  	v5 =	vld [tilespmem:s12+$0xFFFFFFF0]  }
0x91: {  	v6 =	vld.idx.msk [tilespmem:v2+s20+$0x0], $0xffff  }
0x92: {  	v7 =	vld [tilespmem:s12+$0xFFFFFF80]  }
0x93: {  	v8 =	vld [tilespmem:s12+$0xFFFFFFA0]  }
0x94: {  	v4 =	vld [tilespmem:s12+$0xFFFFFFB0]  }
0x95: {  	v3 =	vld [tilespmem:s12+$0xFFFFFFD0]  }
0x96: {  	v10 =	vld [tilespmem:s12+$0xFFFFFF90];
	v5 =	vmul.f32 v5, v6  }
0x97: {  	v9 =	vld [tilespmem:s12+$0xFFFFFFE0];
	v7 =	vmul.f32 v7, v6  }
0x98: {  	v11 =	vld [tilespmem:s12+$0xFFFFFFC0];
	v8 =	vmul.f32 v8, v6;
	[tilespmem:s12+$0xFFFFFFF0] =	vst v5  }
0x99: {  	v4 =	vmul.f32 v4, v6;
	[tilespmem:s12+$0xFFFFFF80] =	vst v7  }
0x9a: {  	s30 =	simm.s32 $0x1;
	v3 =	vmul.f32 v3, v6;
	[tilespmem:s12+$0xFFFFFFA0] =	vst v8  }
0x9b: {  	v5 =	vmul.f32 v10, v6;
	[tilespmem:s12+$0xFFFFFFB0] =	vst v4;
	v7 =	vmov s30  }
0x9c: {  	v1 =	vld [tilespmem:s12+$0x0];
	v4 =	vmul.f32 v9, v6;
	[tilespmem:s12+$0xFFFFFFD0] =	vst v3  }
0x9d: {  	v2 =	vld [tilespmem:s12+$0x10];
	v3 =	vmul.f32 v11, v6;
	[tilespmem:s12+$0xFFFFFF90] =	vst v5  }
0x9e: {  	[tilespmem:s12+$0xFFFFFFE0] =	vst v4;
	v5 =	vld [tilespmem:s12+$0x30]  }
0x9f: {  	[tilespmem:s12+$0xFFFFFFC0] =	vst v3;
	v4 =	vld [tilespmem:s12+$0x70]  }
0xa0: {  	s11 =	sshll.u32 s7, $0x1;
	s5 =	simm.s32 $0x13D00;
	s4 =	simm.s32 $0x2;
	v3 =	vld.idx.msk [tilespmem:v7+s20+$0x0], $0xffff  }
.LBB2_5:
0xa1: {  	p1 =	sne.s32 s4, $0x7E  }
0xa2: {  	v6 =	vld [tilespmem:s12+$0x20];
	s5 =	sadd.s32 $0x100, s5;
	s30 =	smov.u32 s4;
	s4 =	sadd.s32 $0x2, s4  }
0xa3: {  	v7 =	vld [tilespmem:s12+$0x40]  }
0xa4: {  	v8 =	vld [tilespmem:s12+$0x50]  }
0xa5: {  	v9 =	vld [tilespmem:s12+$0x60];
	_ =	sdelay $0x1  }
0xa6: {  	v1 =	vmul.f32 v1, v3;
	v2 =	vmul.f32 v2, v3  }
0xa7: {  	v5 =	vmul.f32 v5, v3;
	v6 =	vmul.f32 v6, v3  }
0xa8: {  	v10 =	vmov s30;
	v7 =	vmul.f32 v7, v3;
	[tilespmem:s12+$0x0] =	vst v1;
	v8 =	vmul.f32 v8, v3  }
0xa9: {  	v10 =	vand.u32 $0xFFFFFFFE, v10;
	v1 =	vld [tilespmem:s5+$0x0];
	[tilespmem:s12+$0x30] =	vst v5;
	v5 =	vmul.f32 v9, v3;
	v3 =	vmul.f32 v4, v3  }
0xaa: {  	v4 =	vbroadcast v10, $0x0;
	[tilespmem:s12+$0x10] =	vst v2  }
0xab: {  	[tilespmem:s12+$0x70] =	vst v3  }
0xac: {  	v3 =	vld [tilespmem:s5+$0xFFFFFFD0];
	[tilespmem:s12+$0x20] =	vst v6  }
0xad: {  	v6 =	vld [tilespmem:s5+$0xFFFFFFB0];
	[tilespmem:s12+$0x60] =	vst v5  }
0xae: {  	v5 =	vld [tilespmem:s5+$0xFFFFFFE0];
	[tilespmem:s12+$0x40] =	vst v7  }
0xaf: {  	v7 =	vld [tilespmem:s5+$0xFFFFFFF0];
	[tilespmem:s12+$0x50] =	vst v8;
	s12 =	smov.u32 s5  }
0xb0: {  	v4 =	vld.idx.msk [tilespmem:v4+s20+$0x0], $0xffff  }
0xb1: {  	v8 =	vld [tilespmem:s5+$0xFFFFFF80]  }
0xb2: {  	v9 =	vld [tilespmem:s5+$0xFFFFFFA0]  }
0xb3: {  	v10 =	vld [tilespmem:s5+$0xFFFFFF90]  }
0xb4: {  	v11 =	vld [tilespmem:s5+$0xFFFFFFC0]  }
0xb5: {  	v2 =	vld [tilespmem:s5+$0x10]  }
0xb6: {  	v7 =	vmul.f32 v7, v4;
	v8 =	vmul.f32 v8, v4  }
0xb7: {  	v5 =	vmul.f32 v5, v4;
	v9 =	vmul.f32 v9, v4  }
0xb8: {  	v6 =	vmul.f32 v6, v4;
	v10 =	vmul.f32 v10, v4;
	[tilespmem:s5+$0xFFFFFFF0] =	vst v7  }
0xb9: {  	v3 =	vmul.f32 v3, v4;
	[tilespmem:s5+$0xFFFFFF80] =	vst v8;
	v7 =	vmul.f32 v11, v4  }
0xba: {  	s30 =	sadd.s32 $0x1, s30;
	[tilespmem:s5+$0xFFFFFFA0] =	vst v9  }
0xbb: {  	[tilespmem:s5+$0xFFFFFFB0] =	vst v6;
	v6 =	vmov s30  }
.Ltmp1:
0xbc: {  	[tilespmem:s5+$0xFFFFFFD0] =	vst v3;
	(pc) =	sbr.rel @p1 .LBB2_5-.Ltmp1, $4  }
0xbd: {  	[tilespmem:s5+$0xFFFFFF90] =	vst v10  }
0xbe: {  	[tilespmem:s5+$0xFFFFFFE0] =	vst v5;
	v5 =	vld [tilespmem:s5+$0x30]  }
0xbf: {  	[tilespmem:s5+$0xFFFFFFC0] =	vst v7;
	v4 =	vld [tilespmem:s5+$0x70]  }
0xc0: {  	v3 =	vld.idx.msk [tilespmem:v6+s20+$0x0], $0xffff  }
0xc1: {  	_ =	sdelay $0x2  }
0xc2: {  	v6 =	vld [tilespmem:s12+$0x20]  }
0xc3: {  	v7 =	vld [tilespmem:s12+$0x60];
	v1 =	vmul.f32 v1, v3  }
0xc4: {  	v8 =	vld [tilespmem:s12+$0x40];
	v5 =	vmul.f32 v5, v3  }
0xc5: {  	v9 =	vld [tilespmem:s12+$0x50];
	v2 =	vmul.f32 v2, v3;
	[tilespmem:s12+$0x0] =	vst v1  }
0xc6: {  	[tilespmem:s12+$0x30] =	vst v5;
	v1 =	vmul.f32 v4, v3  }
0xc7: {  	v4 =	vmul.f32 v6, v3;
	[tilespmem:s12+$0x10] =	vst v2  }
0xc8: {  	v2 =	vmul.f32 v7, v3;
	[tilespmem:s12+$0x70] =	vst v1  }
0xc9: {  	v1 =	vmul.f32 v8, v3;
	[tilespmem:s12+$0x20] =	vst v4  }
0xca: {  	v3 =	vmul.f32 v9, v3;
	[tilespmem:s12+$0x60] =	vst v2  }
0xcb: {  	[tilespmem:s12+$0x40] =	vst v1  }
0xcc: {  	[tilespmem:s12+$0x50] =	vst v3  }
0xcd: {  	v1 =	vld [tilespmem:$0x13980]  }
0xce: {  	v2 =	vld [tilespmem:$0x13990]  }
0xcf: {  	v3 =	vld [tilespmem:$0x139A0]  }
0xd0: {  	v4 =	vld [tilespmem:$0x139B0]  }
0xd1: {  	v5 =	vld [tilespmem:$0x139C0]  }
0xd2: {  	[tilespmem:$0x13A80] =	vst v1;
	v1 =	vld [tilespmem:$0x139D0]  }
0xd3: {  	[tilespmem:$0x13A90] =	vst v2;
	v2 =	vld [tilespmem:$0x139E0]  }
0xd4: {  	[tilespmem:$0x13AA0] =	vst v3;
	v3 =	vld [tilespmem:$0x139F0]  }
0xd5: {  	[tilespmem:$0x13AB0] =	vst v4  }
0xd6: {  	[tilespmem:$0x13AC0] =	vst v5  }
0xd7: {  	[tilespmem:$0x13AD0] =	vst v1  }
0xd8: {  	[tilespmem:$0x13AE0] =	vst v2  }
0xd9: {  	s4 =	simm.s32 $0x13A80;
	s12 =	smin.u32 s11, $0x4D;
	[tilespmem:$0x13AF0] =	vst v3  }
0xda: {  	[spmem:s10] =	stream.indirect.scatter.add.f32 [tilespmem:s16], [sflag:$0x5], $0x80, s4, s22, $0xb8;
	[tilespmem:$0x1BC80] =	vst v63  }
0xdb: {  	s4 =	sshll.u32 s12, $0x7  }
0xdc: {  	s4 =	sadd.s32 s4, s31  }
0xdd: {  	s4 =	sshrl.u32 s4, $0x3  }
0xde: {  	s12 =	simm.s32 $0x0;
	s5 =	sadd.s32 s14, s4  }
0xdf: {  	[tilespmem:s18], [sflag:$0x3] =	stream.linear.gather [hbm4b:s5+s12], $0x80, $0x38;
	[tilespmem:$0x1BC80] =	vst v63  }
0xe0: {  	s30 =	sadd.s32 s15, s4  }
0xe1: {  	[tilespmem:s19], [sflag:$0x3] =	stream.linear.gather [hbm4b:s30+s12], $0x80, $0x38;
	[tilespmem:$0x1BC80] =	vst v63  }
0xe2: {  	s4 =	sadd.s32 s13, s4  }
0xe3: {  	[tilespmem:s20], [sflag:$0x3] =	stream.linear.gather [hbm4b:s4+s12], $0x80, $0x38;
	[tilespmem:$0x1BC80] =	vst v63  }
0xe4: {  	_ =	swait.ge [sflag:s21], $0x80  }
0xe5: {  	[sflag:s21] =	ssyncset.done $0x0  }
0xe6: {  	[sflag:s21] =	ssyncadd.s32 $0xFFFFFF80  }
0xe7: {  	_ =	swait.ge [sflag:s21], $0x80  }
0xe8: {  	[sflag:s21] =	ssyncset.done $0x0  }
0xe9: {  	[sflag:s21] =	ssyncadd.s32 $0xFFFFFF80  }
0xea: {  	_ =	swait.ge [sflag:s21], $0x80  }
0xeb: {  	[sflag:s21] =	ssyncset.done $0x0  }
0xec: {  	[sflag:s21] =	ssyncadd.s32 $0xFFFFFF80  }
0xed: {  	v1 =	vmov s12;
	_ =	swait.ge [sflag:s0], $0x4000  }
0xee: {  	v1 =	vand.u32 $0xFFFFFFFE, v1;
	[sflag:s0] =	ssyncset.done $0x0  }
0xef: {  	v2 =	vbroadcast v1, $0x0;
	[sflag:s0] =	ssyncadd.s32 $0xFFFFC000  }
0xf0: {  	[tilespmem:s16], [sflag:$0x1] =	stream.indirect.gather [hbm4b:s8+s22], $0x80, s18, s22, $0xb8;
	[tilespmem:$0x1BC80] =	vst v63  }
0xf1: {  	_ =	swait.ge [sflag:s2], $0x4000  }
0xf2: {  	[sflag:s2] =	ssyncset.done $0x0  }
0xf3: {  	s12 =	simm.s32 $0x17D00;
	[sflag:s2] =	ssyncadd.s32 $0xFFFFC000  }
0xf4: {  	v5 =	vld [tilespmem:s12+$0xFFFFFFF0]  }
0xf5: {  	v6 =	vld.idx.msk [tilespmem:v2+s25+$0x0], $0xffff  }
0xf6: {  	v7 =	vld [tilespmem:s12+$0xFFFFFF80]  }
0xf7: {  	v62 =	vld [tilespmem:s12+$0xFFFFFFA0]  }
0xf8: {  	v4 =	vld [tilespmem:s12+$0xFFFFFFB0]  }
0xf9: {  	v3 =	vld [tilespmem:s12+$0xFFFFFFD0]  }
0xfa: {  	v10 =	vld [tilespmem:s12+$0xFFFFFF90];
	v5 =	vmul.f32 v5, v6  }
0xfb: {  	v63 =	vld [tilespmem:s12+$0xFFFFFFE0];
	v7 =	vmul.f32 v7, v6  }
0xfc: {  	v11 =	vld [tilespmem:s12+$0xFFFFFFC0];
	v8 =	vmul.f32 v62, v6;
	[tilespmem:s12+$0xFFFFFFF0] =	vst v5  }
0xfd: {  	v4 =	vmul.f32 v4, v6;
	[tilespmem:s12+$0xFFFFFF80] =	vst v7  }
0xfe: {  	s30 =	simm.s32 $0x1;
	v3 =	vmul.f32 v3, v6;
	[tilespmem:s12+$0xFFFFFFA0] =	vst v8  }
0xff: {  	v5 =	vmul.f32 v10, v6;
	[tilespmem:s12+$0xFFFFFFB0] =	vst v4;
	v7 =	vmov s30  }
0x100: {  	v1 =	vld [tilespmem:s12+$0x0];
	v4 =	vmul.f32 v63, v6;
	[tilespmem:s12+$0xFFFFFFD0] =	vst v3  }
0x101: {  	v2 =	vld [tilespmem:s12+$0x10];
	v3 =	vmul.f32 v11, v6;
	[tilespmem:s12+$0xFFFFFF90] =	vst v5  }
0x102: {  	[tilespmem:s12+$0xFFFFFFE0] =	vst v4;
	v5 =	vld [tilespmem:s12+$0x30]  }
0x103: {  	[tilespmem:s12+$0xFFFFFFC0] =	vst v3;
	v4 =	vld [tilespmem:s12+$0x70]  }
0x104: {  	s5 =	simm.s32 $0x17D00;
	s4 =	simm.s32 $0x2;
	v3 =	vld.idx.msk [tilespmem:v7+s25+$0x0], $0xffff  }
.LBB2_7:
0x105: {  	p1 =	sne.s32 s4, $0x7E  }
0x106: {  	v6 =	vld [tilespmem:s12+$0x20];
	s5 =	sadd.s32 $0x100, s5;
	s30 =	smov.u32 s4;
	s4 =	sadd.s32 $0x2, s4  }
0x107: {  	v7 =	vld [tilespmem:s12+$0x40]  }
0x108: {  	v8 =	vld [tilespmem:s12+$0x50]  }
0x109: {  	v9 =	vld [tilespmem:s12+$0x60];
	_ =	sdelay $0x1  }
0x10a: {  	v1 =	vmul.f32 v1, v3;
	v2 =	vmul.f32 v2, v3  }
0x10b: {  	v5 =	vmul.f32 v5, v3;
	v6 =	vmul.f32 v6, v3  }
0x10c: {  	v10 =	vmov s30;
	v7 =	vmul.f32 v7, v3;
	[tilespmem:s12+$0x0] =	vst v1;
	v8 =	vmul.f32 v8, v3  }
0x10d: {  	v10 =	vand.u32 $0xFFFFFFFE, v10;
	v1 =	vld [tilespmem:s5+$0x0];
	[tilespmem:s12+$0x30] =	vst v5;
	v5 =	vmul.f32 v9, v3;
	v3 =	vmul.f32 v4, v3  }
0x10e: {  	v4 =	vbroadcast v10, $0x0;
	[tilespmem:s12+$0x10] =	vst v2  }
0x10f: {  	[tilespmem:s12+$0x70] =	vst v3  }
0x110: {  	v3 =	vld [tilespmem:s5+$0xFFFFFFD0];
	[tilespmem:s12+$0x20] =	vst v6  }
0x111: {  	v6 =	vld [tilespmem:s5+$0xFFFFFFB0];
	[tilespmem:s12+$0x60] =	vst v5  }
0x112: {  	v5 =	vld [tilespmem:s5+$0xFFFFFFE0];
	[tilespmem:s12+$0x40] =	vst v7  }
0x113: {  	v7 =	vld [tilespmem:s5+$0xFFFFFFF0];
	[tilespmem:s12+$0x50] =	vst v8;
	s12 =	smov.u32 s5  }
0x114: {  	v4 =	vld.idx.msk [tilespmem:v4+s25+$0x0], $0xffff  }
0x115: {  	v8 =	vld [tilespmem:s5+$0xFFFFFF80]  }
0x116: {  	v9 =	vld [tilespmem:s5+$0xFFFFFFA0]  }
0x117: {  	v10 =	vld [tilespmem:s5+$0xFFFFFF90]  }
0x118: {  	v11 =	vld [tilespmem:s5+$0xFFFFFFC0]  }
0x119: {  	v2 =	vld [tilespmem:s5+$0x10]  }
0x11a: {  	v7 =	vmul.f32 v7, v4;
	v8 =	vmul.f32 v8, v4  }
0x11b: {  	v5 =	vmul.f32 v5, v4;
	v9 =	vmul.f32 v9, v4  }
0x11c: {  	v6 =	vmul.f32 v6, v4;
	v10 =	vmul.f32 v10, v4;
	[tilespmem:s5+$0xFFFFFFF0] =	vst v7  }
0x11d: {  	v3 =	vmul.f32 v3, v4;
	[tilespmem:s5+$0xFFFFFF80] =	vst v8;
	v7 =	vmul.f32 v11, v4  }
0x11e: {  	s30 =	sadd.s32 $0x1, s30;
	[tilespmem:s5+$0xFFFFFFA0] =	vst v9  }
0x11f: {  	[tilespmem:s5+$0xFFFFFFB0] =	vst v6;
	v6 =	vmov s30  }
.Ltmp2:
0x120: {  	[tilespmem:s5+$0xFFFFFFD0] =	vst v3;
	(pc) =	sbr.rel @p1 .LBB2_7-.Ltmp2, $4  }
0x121: {  	[tilespmem:s5+$0xFFFFFF90] =	vst v10  }
0x122: {  	[tilespmem:s5+$0xFFFFFFE0] =	vst v5;
	v5 =	vld [tilespmem:s5+$0x30]  }
0x123: {  	[tilespmem:s5+$0xFFFFFFC0] =	vst v7;
	v4 =	vld [tilespmem:s5+$0x70]  }
0x124: {  	v3 =	vld.idx.msk [tilespmem:v6+s25+$0x0], $0xffff  }
0x125: {  	_ =	sdelay $0x1  }
0x126: {  	v6 =	vld [tilespmem:s12+$0x20];
	_ =	sdelay $0x1  }
0x127: {  	v7 =	vld [tilespmem:s12+$0x60];
	v1 =	vmul.f32 v1, v3  }
0x128: {  	v8 =	vld [tilespmem:s12+$0x40];
	v5 =	vmul.f32 v5, v3  }
0x129: {  	v9 =	vld [tilespmem:s12+$0x50];
	v2 =	vmul.f32 v2, v3;
	[tilespmem:s12+$0x0] =	vst v1  }
0x12a: {  	v63 =	vmul.f32 v6, v3;
	[tilespmem:s12+$0x30] =	vst v5  }
0x12b: {  	v1 =	vmul.f32 v4, v3;
	[tilespmem:s12+$0x10] =	vst v2  }
0x12c: {  	v2 =	vmul.f32 v7, v3;
	[tilespmem:s12+$0x20] =	vst v63  }
0x12d: {  	[tilespmem:s12+$0x70] =	vst v1;
	v1 =	vmul.f32 v8, v3  }
0x12e: {  	v3 =	vmul.f32 v9, v3;
	[tilespmem:s12+$0x60] =	vst v2  }
0x12f: {  	[tilespmem:s12+$0x40] =	vst v1  }
0x130: {  	[tilespmem:s12+$0x50] =	vst v3  }
0x131: {  	v1 =	vld [tilespmem:$0x13A00]  }
0x132: {  	v2 =	vld [tilespmem:$0x13A10]  }
0x133: {  	v3 =	vld [tilespmem:$0x13A20]  }
0x134: {  	v4 =	vld [tilespmem:$0x13A30]  }
0x135: {  	v5 =	vld [tilespmem:$0x13A40]  }
0x136: {  	[tilespmem:$0x13B00] =	vst v1;
	v1 =	vld [tilespmem:$0x13A50]  }
0x137: {  	[tilespmem:$0x13B10] =	vst v2;
	v2 =	vld [tilespmem:$0x13A60]  }
0x138: {  	[tilespmem:$0x13B20] =	vst v3;
	v3 =	vld [tilespmem:$0x13A70]  }
0x139: {  	[tilespmem:$0x13B30] =	vst v4  }
0x13a: {  	s4 =	smin.u32 s11, $0x4C;
	[tilespmem:$0x13B40] =	vst v5  }
0x13b: {  	s4 =	sshll.u32 s4, $0x7;
	[tilespmem:$0x13B50] =	vst v1  }
0x13c: {  	s4 =	sadd.s32 s4, s9;
	[tilespmem:$0x13B60] =	vst v2  }
0x13d: {  	s7 =	sadd.s32 $0x1, s7;
	s4 =	sshrl.u32 s4, $0x3;
	[tilespmem:$0x13B70] =	vst v3  }
0x13e: {  	[spmem:s10] =	stream.indirect.scatter.add.f32 [tilespmem:s28], [sflag:$0x6], $0x80, s3, s22, $0xb8;
	[tilespmem:$0x1BC80] =	vst v63  }
0x13f: {  	p1 =	sne.s32 s7, $0x28;
	s5 =	sadd.s32 s14, s4  }
0x140: {  	[tilespmem:s23], [sflag:$0x4] =	stream.linear.gather [hbm4b:s5+s1], $0x80, $0x38;
	[tilespmem:$0x1BC80] =	vst v63  }
.Ltmp3:
0x141: {  	_ = 	snop;
	(pc) =	sbr.rel @p1 .LBB2_4-.Ltmp3, $4  }
0x142: {  	s30 =	sadd.s32 s15, s4  }
0x143: {  	[tilespmem:s24], [sflag:$0x4] =	stream.linear.gather [hbm4b:s30+s1], $0x80, $0x38;
	[tilespmem:$0x1BC80] =	vst v63  }
0x144: {  	s4 =	sadd.s32 s13, s4  }
0x145: {  	[tilespmem:s25], [sflag:$0x4] =	stream.linear.gather [hbm4b:s4+s1], $0x80, $0x38;
	[tilespmem:$0x1BC80] =	vst v63  }
0x146: {  	_ =	swait.ge [sflag:s26], $0x80  }
0x147: {  	[sflag:s26] =	ssyncset.done $0x0  }
0x148: {  	[sflag:s26] =	ssyncadd.s32 $0xFFFFFF80  }
0x149: {  	_ =	swait.ge [sflag:s26], $0x80  }
0x14a: {  	[sflag:s26] =	ssyncset.done $0x0  }
0x14b: {  	[sflag:s26] =	ssyncadd.s32 $0xFFFFFF80  }
0x14c: {  	_ =	swait.ge [sflag:s26], $0x80  }
0x14d: {  	[sflag:s26] =	ssyncset.done $0x0  }
0x14e: {  	[sflag:s26] =	ssyncadd.s32 $0xFFFFFF80  }
0x14f: {  	_ =	swait.ge [sflag:s29], $0x4000  }
0x150: {  	[sflag:s29] =	ssyncset.done $0x0  }
0x151: {  	s4 =	simm.s32 $0x6;
	[sflag:s29] =	ssyncadd.s32 $0xFFFFC000  }
0x152: {  	_ =	swait.ge [sflag:s4], $0x4000  }
0x153: {  	[sflag:s4] =	ssyncset.done $0x0  }
0x154: {  	[sflag:s4] =	ssyncadd.s32 $0xFFFFC000  }
0x155: {  	s11 =	stileid.u32;
	[bflag:$0x0] =	sbarrier.arrive $0xFFFF  }
0x156: {  	s4 =	sshll.u32 s11, $0x6;
	s5 =	rddreg [dreg:$0x4]  }
0x157: {  	s4 =	sor.u32 $0x1C07, s4;
	s6 =	rddreg [dreg:$0x1b]  }
0x158: {  	[hbm:s5], [sflag:s4] =	dma.local [spmem:s6], $0x500  }
0x159: {  	_ =	swait.ge [sflag:s17], $0x500  }
0x15a: {  	[sflag:s17] =	ssyncset.done $0x0;
	s12 =	rddreg [dreg:$0x5]  }
0x15b: {  	s30 =	rddreg [dreg:$0x1c];
	[sflag:s17] =	ssyncadd.s32 $0xFFFFFB00  }
0x15c: {  	[hbm:s12], [sflag:s4] =	dma.local [spmem:s30], $0x500  }
0x15d: {  	_ =	swait.ge [sflag:s17], $0x500  }
0x15e: {  	[sflag:s17] =	ssyncset.done $0x0;
	s7 =	rddreg [dreg:$0x6]  }
0x15f: {  	s11 =	rddreg [dreg:$0x1d];
	[sflag:s17] =	ssyncadd.s32 $0xFFFFFB00  }
0x160: {  	[hbm:s7], [sflag:s4] =	dma.local [spmem:s11], $0x500  }
0x161: {  	_ =	swait.ge [sflag:s17], $0x500  }
0x162: {  	[sflag:s17] =	ssyncset.done $0x0;
	s12 =	rddreg [dreg:$0x7]  }
0x163: {  	s30 =	rddreg [dreg:$0x1e];
	[sflag:s17] =	ssyncadd.s32 $0xFFFFFB00  }
0x164: {  	[hbm:s12], [sflag:s4] =	dma.local [spmem:s30], $0x500  }
0x165: {  	_ =	swait.ge [sflag:s17], $0x500  }
0x166: {  	[sflag:s17] =	ssyncset.done $0x0;
	s7 =	rddreg [dreg:$0x8]  }
0x167: {  	s11 =	rddreg [dreg:$0x1f];
	[sflag:s17] =	ssyncadd.s32 $0xFFFFFB00  }
0x168: {  	[hbm:s7], [sflag:s4] =	dma.local [spmem:s11], $0x500  }
0x169: {  	_ =	swait.ge [sflag:s17], $0x500  }
0x16a: {  	s30 =	sld [smem:$0x7FB]  }
0x16b: {  	[sflag:s17] =	ssyncset.done $0x0  }
0x16c: {  	s12 =	rddreg [dreg:$0x9];
	[sflag:s17] =	ssyncadd.s32 $0xFFFFFB00  }
0x16d: {  	[hbm:s12], [sflag:s4] =	dma.local [spmem:s30], $0x500  }
0x16e: {  	_ =	swait.ge [sflag:s17], $0x500  }
0x16f: {  	s11 =	sld [smem:$0x7FC]  }
0x170: {  	[sflag:s17] =	ssyncset.done $0x0  }
0x171: {  	s7 =	rddreg [dreg:$0xa];
	[sflag:s17] =	ssyncadd.s32 $0xFFFFFB00  }
0x172: {  	[hbm:s7], [sflag:s4] =	dma.local [spmem:s11], $0x500  }
0x173: {  	_ =	swait.ge [sflag:s17], $0x500  }
0x174: {  	s6 =	sld [smem:$0x7FD]  }
0x175: {  	[sflag:s17] =	ssyncset.done $0x0  }
0x176: {  	s5 =	rddreg [dreg:$0xb];
	[sflag:s17] =	ssyncadd.s32 $0xFFFFFB00  }
0x177: {  	[hbm:s5], [sflag:s4] =	dma.local @!p0 [spmem:s6], $0x500  }
0x178: {  	s4 =	simm.s32 @!p0 $0x7  }
0x179: {  	_ =	swait.ge @!p0 [sflag:s4], $0x500  }
0x17a: {  	s12 =	sld [smem:$0x7FA];
	_ =	sdelay $0x2  }
0x17b: {  	s30 =	rddreg [dreg:$0x1a];
	s6 =	sadd.s32 $0x1, s12  }
0x17c: {  	p1 =	sne.s32 s6, s30  }
.Ltmp4:
0x17d: {  	_ = 	snop;
	(pc) =	sbr.rel @p1 .LBB2_1-.Ltmp4, $3  }
0x17e: {  	_ =	sdelay $0x1  }
0x17f: {  	[sflag:s4] =	ssyncset.done @!p0 $0x0  }
0x180: {  	[sflag:s4] =	ssyncadd.s32 @!p0 $0xFFFFFB00  }
0x181: {  	_ =	sfence.sel $0x180000  }
0x182: {  	[bflag:$0x0] =	sbarrier.arrive $0xFFFF  }
0x183: {  	_ =	strace $0x9000004A  }
0x184: {  	s0 =	stileid.u32;
	[bflag:$0x2] =	sbarrier.arrive $0xFFFF  }
0x185: {  	p0 =	sne.s32 s0, $0x0;
	s0 =	rddreg [dreg:$0x3]  }
0x186: {  	s0 =	sadd.s32 @!p0 $0x100000, s0  }
0x187: {  	[sflag:s0] =	ssyncadd.tile.s32 @!p0 $0x1;
	_ =	shalt  }
.Lfunc_end2:
_tile_overlayer_lowered:
.L_overlay_start_2:
0x188: {  	(tag) =	ssettag $0x2  }
0x189: {  	s0 =	rddreg [dreg:$0x0];
	s2 =	stileid.u32  }
0x18a: {  	s1 =	rddreg [dreg:$0x1];
	p0 =	sne.s32 s2, $0x0  }
0x18b: {  	s3 =	rddreg [dreg:$0x2];
	[bflag:$0x3] =	sbarrier.arrive $0xFFFF;
	s2 =	simm.s32 @!p0 $0x1C07  }
0x18c: {  	[timem:s3], [sflag:s2] =	dma.local @!p0 [hbm:s0], s1  }
0x18d: {  	s0 =	simm.s32 @!p0 $0x7  }
0x18e: {  	_ =	swait.ge @!p0 [sflag:s0], s1  }
0x18f: {  	s1 =	ssub.s32 @!p0 $0x0, s1;
	[sflag:s0] =	ssyncset.done @!p0 $0x0  }
0x190: {  	[sflag:s0] =	ssyncadd.s32 @!p0 s1  }
0x191: {  	[bflag:$0x3] =	sbarrier.arrive $0xFFFF  }
0x192: {  	_ =	shalt  }

</sc_bundles>
